<compile_context>
chip_gen: v7x
topology: tpu7x:2x2x1
jax: 0.10.2.dev20260603
libtpu: 0.0.44.dev20260713+nightly
codegen_flags: <defaults>
</compile_context>

<pallas_src>
import functools

import jax
import jax.numpy as jnp
from jax import lax
from jax.experimental import pallas as pl
from jax.experimental.pallas import tpu as pltpu
from jax.experimental.pallas import tpu_sc as plsc

B = 4
N = 16384
S = 1024
K = 32
C = 64
ROWS = 128
COLS = 128
CR = 8
CC = 128
PAD3 = 64
TW = PAD3 + C



def _fps_body(x_ref, y_ref, z_ref, idx_out, cx_out, cy_out, cz_out,
              dist_ref, fscr, cscr):
    t = pl.program_id(0)

    @pl.when(t == 0)
    def _init():
        dist_ref[...] = jnp.full((B, ROWS, COLS), 1e10, jnp.float32)
        fscr[...] = jnp.zeros((1, B), jnp.int32)
        for b in range(B):
            cscr[0:1, b:b + 1] = x_ref[b, 0:1, 0:1]
            cscr[1:2, b:b + 1] = y_ref[b, 0:1, 0:1]
            cscr[2:3, b:b + 1] = z_ref[b, 0:1, 0:1]

    idx_out[...] = fscr[...].reshape(1, 1, B)
    cx_out[...] = cscr[0:1, :].reshape(1, 1, B)
    cy_out[...] = cscr[1:2, :].reshape(1, 1, B)
    cz_out[...] = cscr[2:3, :].reshape(1, 1, B)

    iota2 = (lax.broadcasted_iota(jnp.int32, (ROWS, COLS), 0) * COLS
             + lax.broadcasted_iota(jnp.int32, (ROWS, COLS), 1))
    for b in range(B):
        xb = x_ref[b]
        yb = y_ref[b]
        zb = z_ref[b]
        dx = xb - cscr[0:1, b:b + 1]
        dy = yb - cscr[1:2, b:b + 1]
        dz = zb - cscr[2:3, b:b + 1]
        d = (dx * dx + dy * dy) + dz * dz
        nd = jnp.minimum(dist_ref[b], d)
        dist_ref[b] = nd
        m = jnp.max(nd, axis=(0, 1), keepdims=True)
        cand = jnp.where(nd == m, iota2, jnp.int32(1 << 30))
        fidx = jnp.min(cand, axis=(0, 1), keepdims=True)
        ex = iota2 == fidx
        fscr[0:1, b:b + 1] = fidx
        zero = jnp.float32(0)
        cscr[0:1, b:b + 1] = jnp.sum(jnp.where(ex, xb, zero), axis=(0, 1),
                                     keepdims=True)
        cscr[1:2, b:b + 1] = jnp.sum(jnp.where(ex, yb, zero), axis=(0, 1),
                                     keepdims=True)
        cscr[2:3, b:b + 1] = jnp.sum(jnp.where(ex, zb, zero), axis=(0, 1),
                                     keepdims=True)


def _fps(xs, ys, zs):
    spec_in = pl.BlockSpec((B, ROWS, COLS), lambda t: (0, 0, 0))
    spec_out = pl.BlockSpec((1, 1, B), lambda t: (t, 0, 0))
    return pl.pallas_call(
        _fps_body,
        grid=(S,),
        in_specs=[spec_in] * 3,
        out_specs=[spec_out] * 4,
        out_shape=[
            jax.ShapeDtypeStruct((S, 1, B), jnp.int32),
            jax.ShapeDtypeStruct((S, 1, B), jnp.float32),
            jax.ShapeDtypeStruct((S, 1, B), jnp.float32),
            jax.ShapeDtypeStruct((S, 1, B), jnp.float32),
        ],
        scratch_shapes=[
            pltpu.VMEM((B, ROWS, COLS), jnp.float32),
            pltpu.VMEM((1, B), jnp.int32),
            pltpu.VMEM((3, B), jnp.float32),
        ],
    )(xs, ys, zs)



_NCHUNK = N // 128

def _knn_body(p_ref, pc_ref, ct_ref, cx_ref, cy_ref, cz_ref, nidx_ref,
              v_ref, i_ref, d_ref):
    b = pl.program_id(0)
    c = pl.program_id(1)

    @pl.when(c == 0)
    def _init():
        for j in range(K):
            v_ref[j] = jnp.full((CR, CC), 3e38, jnp.float32)
            i_ref[j] = jnp.zeros((CR, CC), jnp.int32)

    cxv = cx_ref[0]
    cyv = cy_ref[0]
    czv = cz_ref[0]
    c2 = (cxv * cxv + cyv * cyv) + czv * czv
    pb = p_ref[0].astype(jnp.bfloat16)
    ctb = ct_ref[0].astype(jnp.bfloat16)
    pc = pc_ref[0, 0]
    px = pc[:, 0:1]
    py = pc[:, 1:2]
    pz = pc[:, 2:3]
    p2 = (px * px + py * py) + pz * pz
    for g in range(CR):
        dg = jnp.dot(pb, ctb[:, g * CC:(g + 1) * CC],
                     preferred_element_type=jnp.float32)
        dm = jnp.float32(-2.0) * dg + c2[g:g + 1, :]
        d_ref[:, g:g + 1, :] = (dm + p2).reshape(128, 1, CC)

    base = c * 128

    def group(g8, carry):
        cands = []
        for p in range(8):
            dp = d_ref[g8 * 8 + p]
            ci = jnp.full((CR, CC), base + g8 * 8 + p, jnp.int32)
            cands.append([dp, ci])
        for j in range(K):
            vj = v_ref[j]
            ij = i_ref[j]
            for p in range(8):
                cd, ci = cands[p]
                lt = cd < vj
                nvj = jnp.where(lt, cd, vj)
                nij = jnp.where(lt, ci, ij)
                cands[p][0] = jnp.where(lt, vj, cd)
                cands[p][1] = jnp.where(lt, ij, ci)
                vj = nvj
                ij = nij
            v_ref[j] = vj
            i_ref[j] = ij
        return carry

    lax.fori_loop(0, 16, group, 0)

    @pl.when(c == _NCHUNK - 1)
    def _emit():
        offs = b * N
        for j in range(K):
            nidx_ref[0, j] = i_ref[j] + offs


def _knn(ppad, pxyz, ctpad, cxs, cys, czs):
    return pl.pallas_call(
        _knn_body,
        grid=(B, _NCHUNK),
        in_specs=[
            pl.BlockSpec((1, 128, 128), lambda b, c: (b, c, 0)),
            pl.BlockSpec((1, 1, 128, 3), lambda b, c: (b, c, 0, 0)),
            pl.BlockSpec((1, 128, S), lambda b, c: (b, 0, 0)),
            pl.BlockSpec((1, CR, CC), lambda b, c: (b, 0, 0)),
            pl.BlockSpec((1, CR, CC), lambda b, c: (b, 0, 0)),
            pl.BlockSpec((1, CR, CC), lambda b, c: (b, 0, 0)),
        ],
        out_specs=pl.BlockSpec((1, K, CR, CC), lambda b, c: (b, 0, 0, 0)),
        out_shape=jax.ShapeDtypeStruct((B, K, CR, CC), jnp.int32),
        scratch_shapes=[
            pltpu.VMEM((K, CR, CC), jnp.float32),
            pltpu.VMEM((K, CR, CC), jnp.int32),
            pltpu.VMEM((128, CR, CC), jnp.float32),
        ],
    )(ppad, pxyz, ctpad, cxs, cys, czs)



_NIDX = B * S * (K + 1)
_NW = 32
_PER_W = _NIDX // _NW
_CH = 528
_NCH = _PER_W // _CH


def _sc_gather(table, idx):
    mesh = plsc.VectorSubcoreMesh(core_axis_name="c", subcore_axis_name="s")

    @functools.partial(
        pl.kernel,
        out_type=jax.ShapeDtypeStruct((_NIDX, TW), jnp.float32),
        mesh=mesh,
        scratch_types=[
            pltpu.VMEM((_CH,), jnp.int32),
            pltpu.VMEM((_CH, TW), jnp.float32),
            pltpu.SemaphoreType.DMA,
        ],
    )
    def gather_kernel(table_hbm, idx_hbm, out_hbm, idx_v, rows_v, sem):
        wid = lax.axis_index("s") * 2 + lax.axis_index("c")
        base = wid * _PER_W

        def body(j, carry):
            off = base + j * _CH
            pltpu.sync_copy(idx_hbm.at[pl.ds(off, _CH)], idx_v)
            pltpu.async_copy(table_hbm.at[idx_v], rows_v, sem).wait()
            pltpu.sync_copy(rows_v, out_hbm.at[pl.ds(off, _CH)])
            return carry

        lax.fori_loop(0, _NCH, body, 0)

    return gather_kernel(table, idx)



def kernel(xyz, point_feature):
    xyz = xyz.astype(jnp.float32)
    point_feature = point_feature.astype(jnp.float32)

    xs = xyz[..., 0].reshape(B, ROWS, COLS)
    ys = xyz[..., 1].reshape(B, ROWS, COLS)
    zs = xyz[..., 2].reshape(B, ROWS, COLS)

    fps_idx, cxo, cyo, czo = _fps(xs, ys, zs)
    cxt = cxo.reshape(S, B).T
    cyt = cyo.reshape(S, B).T
    czt = czo.reshape(S, B).T
    center_xyz = jnp.stack([cxt, cyt, czt], axis=-1)

    ppad = jnp.pad(xyz, ((0, 0), (0, 0), (0, 125)))
    ctpad = jnp.pad(jnp.stack([cxt, cyt, czt], axis=1),
                    ((0, 0), (0, 125), (0, 0)))
    nidx = _knn(
        ppad,
        xyz.reshape(B, N // 128, 128, 3),
        ctpad,
        cxt.reshape(B, CR, CC),
        cyt.reshape(B, CR, CC),
        czt.reshape(B, CR, CC),
    )

    neighbor_flat = nidx.transpose(0, 2, 3, 1).reshape(-1)
    fps_flat = (fps_idx.reshape(S, B).T
                + jnp.arange(B, dtype=jnp.int32)[:, None] * N).reshape(-1)
    all_idx = jnp.concatenate([fps_flat, neighbor_flat]).astype(jnp.int32)

    table = jnp.concatenate(
        [jnp.pad(xyz, ((0, 0), (0, 0), (0, PAD3 - 3))), point_feature],
        axis=-1).reshape(B * N, TW)

    rows = _sc_gather(table, all_idx)

    center_feature = rows[:B * S, PAD3:].reshape(B, S, C)
    nb = rows[B * S:]
    neighbor_xyz = nb[:, :3].reshape(B, S, K, 3)
    neighbor_feature = nb[:, PAD3:].reshape(B, S, K, C)
    return (center_xyz, center_feature, neighbor_xyz, neighbor_feature)

# --- scband reference (transcript-rebuilt; emitter-appended) ---
"""Pipeline reference for scband-fpsk-nn-50500225466730 (READ-ONLY COPY).

The authoritative reference and input builder live on the scoring server;
editing this copy changes nothing except your own understanding.
"""

import jax, jax.numpy as jnp
import numpy as np

NUM_CENTERS = 1024
NUM_NEIGHBORS = 32


def farthest_point_sample(xyz, npoint):
    # xyz: [B, N, 3]; returns (distances, idx[B, npoint]) to match `_, fps_idx = ...`
    xyz = jax.lax.stop_gradient(xyz)  # indices carry no gradient
    B, N, _ = xyz.shape
    distances0 = jnp.full((B, N), 1e10, dtype=xyz.dtype)
    farthest0 = jnp.zeros((B,), dtype=jnp.int32)

    def step(carry, _):
        distances, farthest = carry
        centroid = jnp.take_along_axis(xyz, farthest[:, None, None], axis=1)  # [B,1,3]
        d = jnp.sum((xyz - centroid) ** 2, axis=-1)  # [B,N]
        distances = jnp.minimum(distances, d)
        new_far = jnp.argmax(distances, axis=-1).astype(jnp.int32)
        return (distances, new_far), farthest

    (distances, _), idxs = jax.lax.scan(step, (distances0, farthest0), None, length=npoint)
    idxs = jnp.transpose(idxs, (1, 0))  # [B, npoint]
    return distances, idxs


def index_points(points, idx):
    # points: [B, N, C]; idx: [B, ...] -> [B, ..., C]
    B = points.shape[0]
    batch_idx = jnp.arange(B).reshape((B,) + (1,) * (idx.ndim - 1))
    return points[batch_idx, idx]


def square_distance(src, dst):
    # src: [B, S, 3], dst: [B, N, 3] -> [B, S, N]
    dist = -2.0 * jnp.einsum('bsc,bnc->bsn', src, dst)
    dist = dist + jnp.sum(src ** 2, axis=-1)[:, :, None]
    dist = dist + jnp.sum(dst ** 2, axis=-1)[:, None, :]
    return dist


def knn_point(nsample, xyz, new_xyz):
    sqrdists = jax.lax.stop_gradient(square_distance(new_xyz, xyz))  # [B,S,N]
    _, idx = jax.lax.top_k(-sqrdists, nsample)  # nearest = largest negative dist
    return idx


def setup_inputs(seed: int = 0) -> dict:
    key = jax.random.key(seed)
    k1, k2 = jax.random.split(key, 2)
    xyz = jax.random.normal(k1, (4, 16384, 3), dtype=jnp.float32)
    point_feature = jax.random.normal(k2, (4, 16384, 64), dtype=jnp.float32)
    return {"xyz": xyz, "point_feature": point_feature}


def reference(xyz, point_feature):
    _, fps_idx = farthest_point_sample(xyz, NUM_CENTERS)
    center_xyz = index_points(xyz, fps_idx)
    center_feature = index_points(point_feature, fps_idx)
    neighbor_idx = knn_point(NUM_NEIGHBORS, xyz, center_xyz)
    neighbor_xyz = index_points(xyz, neighbor_idx)
    neighbor_feature = index_points(point_feature, neighbor_idx)
    return (center_xyz, center_feature, neighbor_xyz, neighbor_feature)

if __name__ == "__main__":
    import jax
    _d = setup_inputs()
    print(jax.jit(kernel)(*tuple(_d.values())))

</pallas_src>

<mosaic_0001>
#map = affine_map<(d0, d1) -> (0, 0)>
#map1 = affine_map<(d0, d1) -> (0)>
module attributes {stable_mosaic.version = 14 : i64} {
  func.func @gather_kernel(%arg0: i32, %arg1: i32, %arg2: memref<65536x128xf32, #tpu.memory_space<hbm>>, %arg3: memref<135168xi32, #tpu.memory_space<hbm>>, %arg4: memref<135168x128xf32, #tpu.memory_space<hbm>>, %arg5: memref<528xi32, #tpu.memory_space<vmem>>, %arg6: memref<528x128xf32, #tpu.memory_space<vmem>>, %arg7: memref<!tpu.dma_semaphore, #tpu.memory_space<semaphore_mem>>) attributes {dimension_semantics = [#tpu.dimension_semantics<core_parallel>, #tpu.dimension_semantics<subcore_parallel>], iteration_bounds = array<i64: 2, 16>, scalar_prefetch = 0 : i64, scratch_operands = 3 : i64, tpu.core_type = #tpu.core_type<sc_vector_subcore>, window_params = [{transform_indices = #map}, {transform_indices = #map1}, {transform_indices = #map}]} {
    %mul3A = arith.constant 2 : i32
    %mul3A_0 = arith.muli %arg1, %mul3A : i32
    %add3A = arith.addi %mul3A_0, %arg0 : i32
    %mul3A_1 = arith.constant 4224 : i32
    %mul3A_2 = arith.muli %add3A, %mul3A_1 : i32
    %scan3A = arith.constant 0 : i32
    %scan3A_3 = arith.constant 0 : i32
    %scan3A_4 = arith.constant 8 : i32
    %scan3A_5 = arith.addi %scan3A_3, %scan3A_4 : i32
    %scan3A_6 = arith.constant 1 : i32
    scf.for %scan3A_8 = %scan3A_3 to %scan3A_5 step %scan3A_6  : i32 {
      %mul3A_9 = arith.constant 528 : i32
      %mul3A_10 = arith.muli %scan3A_8, %mul3A_9 : i32
      %add3A_11 = arith.addi %mul3A_2, %mul3A_10 : i32
      "tpu.region"() ({
        %run_scoped3A = tpu.sem_alloc : memref<!tpu.dma_semaphore, #tpu.memory_space<semaphore_mem>>
        %dma_start3A_16 = tpu.memref_slice %arg3[%add3A_11] : memref<135168xi32, #tpu.memory_space<hbm>> -> memref<528xi32, #tpu.memory_space<hbm>>
        %dma_start3A_17 = tpu.memref_slice %arg3[%add3A_11] : memref<135168xi32, #tpu.memory_space<hbm>> -> memref<528xi32, #tpu.memory_space<hbm>>
        tpu.enqueue_dma source(%dma_start3A_17 : memref<528xi32, #tpu.memory_space<hbm>>) target(%arg5 : memref<528xi32, #tpu.memory_space<vmem>>) target_semaphore(%run_scoped3A : memref<!tpu.dma_semaphore, #tpu.memory_space<semaphore_mem>>)
        %dma_wait3A_18 = tpu.memref_slice %arg3[%add3A_11] : memref<135168xi32, #tpu.memory_space<hbm>> -> memref<528xi32, #tpu.memory_space<hbm>>
        %dma_wait3A_19 = tpu.memref_slice %arg3[%add3A_11] : memref<135168xi32, #tpu.memory_space<hbm>> -> memref<528xi32, #tpu.memory_space<hbm>>
        tpu.wait_dma2 semaphore(%run_scoped3A : memref<!tpu.dma_semaphore, #tpu.memory_space<semaphore_mem>>) src(%dma_wait3A_19 : memref<528xi32, #tpu.memory_space<hbm>>) dst(%arg5 : memref<528xi32, #tpu.memory_space<vmem>>)
        tpu.yield
      }) : () -> ()
      %dma_start3A = arith.constant 0 : i32
      %dma_start3A_12 = arith.constant 0 : i32
      %dma_start3A_13 = tpu.memref_slice %arg2[%dma_start3A, %dma_start3A_12] : memref<65536x128xf32, #tpu.memory_space<hbm>> -> memref<65536x128xf32, #tpu.memory_space<hbm>>
      tpu.enqueue_indirect_dma source(%dma_start3A_13 : memref<65536x128xf32, #tpu.memory_space<hbm>>) target(%arg6 : memref<528x128xf32, #tpu.memory_space<vmem>>) offsets(%arg5 : memref<528xi32, #tpu.memory_space<vmem>>) semaphore(%arg7 : memref<!tpu.dma_semaphore, #tpu.memory_space<semaphore_mem>>)
      %dma_wait3A = arith.constant 0 : i32
      %dma_wait3A_14 = arith.constant 0 : i32
      %dma_wait3A_15 = tpu.memref_slice %arg2[%dma_wait3A, %dma_wait3A_14] : memref<65536x128xf32, #tpu.memory_space<hbm>> -> memref<65536x128xf32, #tpu.memory_space<hbm>>
      tpu.wait_indirect_dma semaphore(%arg7 : memref<!tpu.dma_semaphore, #tpu.memory_space<semaphore_mem>>) src(%dma_wait3A_15 : memref<65536x128xf32, #tpu.memory_space<hbm>>) dst(%arg6 : memref<528x128xf32, #tpu.memory_space<vmem>>)
      "tpu.region"() ({
        %run_scoped3A = tpu.sem_alloc : memref<!tpu.dma_semaphore, #tpu.memory_space<semaphore_mem>>
        %dma_start3A_16 = arith.constant 0 : i32
        %dma_start3A_17 = tpu.memref_slice %arg4[%add3A_11, %dma_start3A_16] : memref<135168x128xf32, #tpu.memory_space<hbm>> -> memref<528x128xf32, #tpu.memory_space<hbm>>
        %dma_start3A_18 = arith.constant 0 : i32
        %dma_start3A_19 = tpu.memref_slice %arg4[%add3A_11, %dma_start3A_18] : memref<135168x128xf32, #tpu.memory_space<hbm>> -> memref<528x128xf32, #tpu.memory_space<hbm>>
        tpu.enqueue_dma source(%arg6 : memref<528x128xf32, #tpu.memory_space<vmem>>) target(%dma_start3A_19 : memref<528x128xf32, #tpu.memory_space<hbm>>) target_semaphore(%run_scoped3A : memref<!tpu.dma_semaphore, #tpu.memory_space<semaphore_mem>>)
        %dma_wait3A_20 = arith.constant 0 : i32
        %dma_wait3A_21 = tpu.memref_slice %arg4[%add3A_11, %dma_wait3A_20] : memref<135168x128xf32, #tpu.memory_space<hbm>> -> memref<528x128xf32, #tpu.memory_space<hbm>>
        %dma_wait3A_22 = arith.constant 0 : i32
        %dma_wait3A_23 = tpu.memref_slice %arg4[%add3A_11, %dma_wait3A_22] : memref<135168x128xf32, #tpu.memory_space<hbm>> -> memref<528x128xf32, #tpu.memory_space<hbm>>
        tpu.wait_dma2 semaphore(%run_scoped3A : memref<!tpu.dma_semaphore, #tpu.memory_space<semaphore_mem>>) src(%arg6 : memref<528x128xf32, #tpu.memory_space<vmem>>) dst(%dma_wait3A_23 : memref<528x128xf32, #tpu.memory_space<hbm>>)
        tpu.yield
      }) : () -> ()
    }
    %scan3A_7 = arith.constant 8 : i32
    return
  }
}

module attributes {stable_mosaic.version = 14 : i64} {
  func.func @_fps_body(%arg0: i32, %arg1: memref<4x128x128xf32, #tpu.memory_space<vmem>>, %arg2: memref<4x128x128xf32, #tpu.memory_space<vmem>>, %arg3: memref<4x128x128xf32, #tpu.memory_space<vmem>>, %arg4: memref<1x1x4xi32, #tpu.memory_space<vmem>>, %arg5: memref<1x1x4xf32, #tpu.memory_space<vmem>>, %arg6: memref<1x1x4xf32, #tpu.memory_space<vmem>>, %arg7: memref<1x1x4xf32, #tpu.memory_space<vmem>>, %arg8: memref<4x128x128xf32, #tpu.memory_space<vmem>>, %arg9: memref<1x4xi32, #tpu.memory_space<vmem>>, %arg10: memref<3x4xf32, #tpu.memory_space<vmem>>) attributes {dimension_semantics = [#tpu.dimension_semantics<arbitrary>], iteration_bounds = array<i64: 1024>, scalar_prefetch = 0 : i64, scratch_operands = 3 : i64, tpu.core_type = #tpu.core_type<tc>, window_params = [{pipeline_mode = #tpu.pipeline_mode<synchronous>, transform_indices = @transform_0, window_bounds = array<i64: 4, 128, 128>}, {pipeline_mode = #tpu.pipeline_mode<synchronous>, transform_indices = @transform_1, window_bounds = array<i64: 4, 128, 128>}, {pipeline_mode = #tpu.pipeline_mode<synchronous>, transform_indices = @transform_2, window_bounds = array<i64: 4, 128, 128>}, {transform_indices = @transform_3, window_bounds = array<i64: 1, 1, 4>}, {transform_indices = @transform_4, window_bounds = array<i64: 1, 1, 4>}, {transform_indices = @transform_5, window_bounds = array<i64: 1, 1, 4>}, {transform_indices = @transform_6, window_bounds = array<i64: 1, 1, 4>}]} {
    %eq3A = arith.constant 0 : i32
    %eq3A_0 = arith.cmpi eq, %arg0, %eq3A : i32
    %convert_element_type3A = arith.extui %eq3A_0 : i1 to i32
    %cond3A = arith.constant 0 : i32
    %cond3A_1 = arith.cmpi ne, %convert_element_type3A, %cond3A : i32
    scf.if %cond3A_1 {
      %broadcast_in_dim3A_446 = arith.constant 1.000000e+10 : f32
      %broadcast_in_dim3A_447 = vector.broadcast %broadcast_in_dim3A_446 : f32 to vector<4x128x128xf32>
      %swap3A_448 = arith.constant 0 : index
      %swap3A_449 = arith.constant 0 : index
      %swap3A_450 = arith.constant 0 : index
      %swap3A_451 = vector.load %arg8[%swap3A_448, %swap3A_449, %swap3A_450] : memref<4x128x128xf32, #tpu.memory_space<vmem>>, vector<4x128x128xf32>
      tpu.vector_store %arg8[%swap3A_448, %swap3A_449, %swap3A_450], %broadcast_in_dim3A_447 {strides = array<i32>} : memref<4x128x128xf32, #tpu.memory_space<vmem>>, vector<4x128x128xf32>,
      %broadcast_in_dim3A_452 = arith.constant 0 : i32
      %broadcast_in_dim3A_453 = vector.broadcast %broadcast_in_dim3A_452 : i32 to vector<1x4xi32>
      %swap3A_454 = arith.constant 0 : index
      %swap3A_455 = arith.constant 0 : index
      %swap3A_456 = vector.load %arg9[%swap3A_454, %swap3A_455] : memref<1x4xi32, #tpu.memory_space<vmem>>, vector<1x4xi32>
      tpu.vector_store %arg9[%swap3A_454, %swap3A_455], %broadcast_in_dim3A_453 {strides = array<i32>} : memref<1x4xi32, #tpu.memory_space<vmem>>, vector<1x4xi32>,
      %get3A_457 = arith.constant 0 : index
      %get3A_458 = arith.constant 0 : index
      %get3A_459 = arith.constant 0 : index
      %get3A_460 = vector.load %arg1[%get3A_457, %get3A_458, %get3A_459] : memref<4x128x128xf32, #tpu.memory_space<vmem>>, vector<1x1x1xf32>
      %get3A_461 = vector.shape_cast %get3A_460 : vector<1x1x1xf32> to vector<1x1xf32>
      %swap3A_462 = arith.constant 0 : index
      %swap3A_463 = arith.constant 0 : index
      %swap3A_464 = vector.load %arg10[%swap3A_462, %swap3A_463] : memref<3x4xf32, #tpu.memory_space<vmem>>, vector<1x1xf32>
      tpu.vector_store %arg10[%swap3A_462, %swap3A_463], %get3A_461 {strides = array<i32>} : memref<3x4xf32, #tpu.memory_space<vmem>>, vector<1x1xf32>,
      %get3A_465 = arith.constant 0 : index
      %get3A_466 = arith.constant 0 : index
      %get3A_467 = arith.constant 0 : index
      %get3A_468 = vector.load %arg2[%get3A_465, %get3A_466, %get3A_467] : memref<4x128x128xf32, #tpu.memory_space<vmem>>, vector<1x1x1xf32>
      %get3A_469 = vector.shape_cast %get3A_468 : vector<1x1x1xf32> to vector<1x1xf32>
      %swap3A_470 = arith.constant 1 : index
      %swap3A_471 = arith.constant 0 : index
      %swap3A_472 = vector.load %arg10[%swap3A_470, %swap3A_471] : memref<3x4xf32, #tpu.memory_space<vmem>>, vector<1x1xf32>
      tpu.vector_store %arg10[%swap3A_470, %swap3A_471], %get3A_469 {strides = array<i32>} : memref<3x4xf32, #tpu.memory_space<vmem>>, vector<1x1xf32>,
      %get3A_473 = arith.constant 0 : index
      %get3A_474 = arith.constant 0 : index
      %get3A_475 = arith.constant 0 : index
      %get3A_476 = vector.load %arg3[%get3A_473, %get3A_474, %get3A_475] : memref<4x128x128xf32, #tpu.memory_space<vmem>>, vector<1x1x1xf32>
      %get3A_477 = vector.shape_cast %get3A_476 : vector<1x1x1xf32> to vector<1x1xf32>
      %swap3A_478 = arith.constant 2 : index
      %swap3A_479 = arith.constant 0 : index
      %swap3A_480 = vector.load %arg10[%swap3A_478, %swap3A_479] : memref<3x4xf32, #tpu.memory_space<vmem>>, vector<1x1xf32>
      tpu.vector_store %arg10[%swap3A_478, %swap3A_479], %get3A_477 {strides = array<i32>} : memref<3x4xf32, #tpu.memory_space<vmem>>, vector<1x1xf32>,
      %get3A_481 = arith.constant 1 : index
      %get3A_482 = arith.constant 0 : index
      %get3A_483 = arith.constant 0 : index
      %get3A_484 = vector.load %arg1[%get3A_481, %get3A_482, %get3A_483] : memref<4x128x128xf32, #tpu.memory_space<vmem>>, vector<1x1x1xf32>
      %get3A_485 = vector.shape_cast %get3A_484 : vector<1x1x1xf32> to vector<1x1xf32>
      %swap3A_486 = arith.constant 0 : index
      %swap3A_487 = arith.constant 1 : index
      %swap3A_488 = vector.load %arg10[%swap3A_486, %swap3A_487] : memref<3x4xf32, #tpu.memory_space<vmem>>, vector<1x1xf32>
      tpu.vector_store %arg10[%swap3A_486, %swap3A_487], %get3A_485 {strides = array<i32>} : memref<3x4xf32, #tpu.memory_space<vmem>>, vector<1x1xf32>,
      %get3A_489 = arith.constant 1 : index
      %get3A_490 = arith.constant 0 : index
      %get3A_491 = arith.constant 0 : index
      %get3A_492 = vector.load %arg2[%get3A_489, %get3A_490, %get3A_491] : memref<4x128x128xf32, #tpu.memory_space<vmem>>, vector<1x1x1xf32>
      %get3A_493 = vector.shape_cast %get3A_492 : vector<1x1x1xf32> to vector<1x1xf32>
      %swap3A_494 = arith.constant 1 : index
      %swap3A_495 = arith.constant 1 : index
      %swap3A_496 = vector.load %arg10[%swap3A_494, %swap3A_495] : memref<3x4xf32, #tpu.memory_space<vmem>>, vector<1x1xf32>
      tpu.vector_store %arg10[%swap3A_494, %swap3A_495], %get3A_493 {strides = array<i32>} : memref<3x4xf32, #tpu.memory_space<vmem>>, vector<1x1xf32>,
      %get3A_497 = arith.constant 1 : index
      %get3A_498 = arith.constant 0 : index
      %get3A_499 = arith.constant 0 : index
      %get3A_500 = vector.load %arg3[%get3A_497, %get3A_498, %get3A_499] : memref<4x128x128xf32, #tpu.memory_space<vmem>>, vector<1x1x1xf32>
      %get3A_501 = vector.shape_cast %get3A_500 : vector<1x1x1xf32> to vector<1x1xf32>
      %swap3A_502 = arith.constant 2 : index
      %swap3A_503 = arith.constant 1 : index
      %swap3A_504 = vector.load %arg10[%swap3A_502, %swap3A_503] : memref<3x4xf32, #tpu.memory_space<vmem>>, vector<1x1xf32>
      tpu.vector_store %arg10[%swap3A_502, %swap3A_503], %get3A_501 {strides = array<i32>} : memref<3x4xf32, #tpu.memory_space<vmem>>, vector<1x1xf32>,
      %get3A_505 = arith.constant 2 : index
      %get3A_506 = arith.constant 0 : index
      %get3A_507 = arith.constant 0 : index
      %get3A_508 = vector.load %arg1[%get3A_505, %get3A_506, %get3A_507] : memref<4x128x128xf32, #tpu.memory_space<vmem>>, vector<1x1x1xf32>
      %get3A_509 = vector.shape_cast %get3A_508 : vector<1x1x1xf32> to vector<1x1xf32>
      %swap3A_510 = arith.constant 0 : index
      %swap3A_511 = arith.constant 2 : index
      %swap3A_512 = vector.load %arg10[%swap3A_510, %swap3A_511] : memref<3x4xf32, #tpu.memory_space<vmem>>, vector<1x1xf32>
      tpu.vector_store %arg10[%swap3A_510, %swap3A_511], %get3A_509 {strides = array<i32>} : memref<3x4xf32, #tpu.memory_space<vmem>>, vector<1x1xf32>,
      %get3A_513 = arith.constant 2 : index
      %get3A_514 = arith.constant 0 : index
      %get3A_515 = arith.constant 0 : index
      %get3A_516 = vector.load %arg2[%get3A_513, %get3A_514, %get3A_515] : memref<4x128x128xf32, #tpu.memory_space<vmem>>, vector<1x1x1xf32>
      %get3A_517 = vector.shape_cast %get3A_516 : vector<1x1x1xf32> to vector<1x1xf32>
      %swap3A_518 = arith.constant 1 : index
      %swap3A_519 = arith.constant 2 : index
      %swap3A_520 = vector.load %arg10[%swap3A_518, %swap3A_519] : memref<3x4xf32, #tpu.memory_space<vmem>>, vector<1x1xf32>
      tpu.vector_store %arg10[%swap3A_518, %swap3A_519], %get3A_517 {strides = array<i32>} : memref<3x4xf32, #tpu.memory_space<vmem>>, vector<1x1xf32>,
      %get3A_521 = arith.constant 2 : index
      %get3A_522 = arith.constant 0 : index
      %get3A_523 = arith.constant 0 : index
      %get3A_524 = vector.load %arg3[%get3A_521, %get3A_522, %get3A_523] : memref<4x128x128xf32, #tpu.memory_space<vmem>>, vector<1x1x1xf32>
      %get3A_525 = vector.shape_cast %get3A_524 : vector<1x1x1xf32> to vector<1x1xf32>
      %swap3A_526 = arith.constant 2 : index
      %swap3A_527 = arith.constant 2 : index
      %swap3A_528 = vector.load %arg10[%swap3A_526, %swap3A_527] : memref<3x4xf32, #tpu.memory_space<vmem>>, vector<1x1xf32>
      tpu.vector_store %arg10[%swap3A_526, %swap3A_527], %get3A_525 {strides = array<i32>} : memref<3x4xf32, #tpu.memory_space<vmem>>, vector<1x1xf32>,
      %get3A_529 = arith.constant 3 : index
      %get3A_530 = arith.constant 0 : index
      %get3A_531 = arith.constant 0 : index
      %get3A_532 = vector.load %arg1[%get3A_529, %get3A_530, %get3A_531] : memref<4x128x128xf32, #tpu.memory_space<vmem>>, vector<1x1x1xf32>
      %get3A_533 = vector.shape_cast %get3A_532 : vector<1x1x1xf32> to vector<1x1xf32>
      %swap3A_534 = arith.constant 0 : index
      %swap3A_535 = arith.constant 3 : index
      %swap3A_536 = vector.load %arg10[%swap3A_534, %swap3A_535] : memref<3x4xf32, #tpu.memory_space<vmem>>, vector<1x1xf32>
      tpu.vector_store %arg10[%swap3A_534, %swap3A_535], %get3A_533 {strides = array<i32>} : memref<3x4xf32, #tpu.memory_space<vmem>>, vector<1x1xf32>,
      %get3A_537 = arith.constant 3 : index
      %get3A_538 = arith.constant 0 : index
      %get3A_539 = arith.constant 0 : index
      %get3A_540 = vector.load %arg2[%get3A_537, %get3A_538, %get3A_539] : memref<4x128x128xf32, #tpu.memory_space<vmem>>, vector<1x1x1xf32>
      %get3A_541 = vector.shape_cast %get3A_540 : vector<1x1x1xf32> to vector<1x1xf32>
      %swap3A_542 = arith.constant 1 : index
      %swap3A_543 = arith.constant 3 : index
      %swap3A_544 = vector.load %arg10[%swap3A_542, %swap3A_543] : memref<3x4xf32, #tpu.memory_space<vmem>>, vector<1x1xf32>
      tpu.vector_store %arg10[%swap3A_542, %swap3A_543], %get3A_541 {strides = array<i32>} : memref<3x4xf32, #tpu.memory_space<vmem>>, vector<1x1xf32>,
      %get3A_545 = arith.constant 3 : index
      %get3A_546 = arith.constant 0 : index
      %get3A_547 = arith.constant 0 : index
      %get3A_548 = vector.load %arg3[%get3A_545, %get3A_546, %get3A_547] : memref<4x128x128xf32, #tpu.memory_space<vmem>>, vector<1x1x1xf32>
      %get3A_549 = vector.shape_cast %get3A_548 : vector<1x1x1xf32> to vector<1x1xf32>
      %swap3A_550 = arith.constant 2 : index
      %swap3A_551 = arith.constant 3 : index
      %swap3A_552 = vector.load %arg10[%swap3A_550, %swap3A_551] : memref<3x4xf32, #tpu.memory_space<vmem>>, vector<1x1xf32>
      tpu.vector_store %arg10[%swap3A_550, %swap3A_551], %get3A_549 {strides = array<i32>} : memref<3x4xf32, #tpu.memory_space<vmem>>, vector<1x1xf32>,
    } else {
    }
    %get3A = arith.constant 0 : index
    %get3A_2 = arith.constant 0 : index
    %get3A_3 = vector.load %arg9[%get3A, %get3A_2] : memref<1x4xi32, #tpu.memory_space<vmem>>, vector<1x4xi32>
    %reshape3A = vector.shape_cast %get3A_3 : vector<1x4xi32> to vector<1x1x4xi32>
    %swap3A = arith.constant 0 : index
    %swap3A_4 = arith.constant 0 : index
    %swap3A_5 = arith.constant 0 : index
    %swap3A_6 = vector.load %arg4[%swap3A, %swap3A_4, %swap3A_5] : memref<1x1x4xi32, #tpu.memory_space<vmem>>, vector<1x1x4xi32>
    tpu.vector_store %arg4[%swap3A, %swap3A_4, %swap3A_5], %reshape3A {strides = array<i32>} : memref<1x1x4xi32, #tpu.memory_space<vmem>>, vector<1x1x4xi32>,
    %get3A_7 = arith.constant 0 : index
    %get3A_8 = arith.constant 0 : index
    %get3A_9 = vector.load %arg10[%get3A_7, %get3A_8] : memref<3x4xf32, #tpu.memory_space<vmem>>, vector<1x4xf32>
    %reshape3A_10 = vector.shape_cast %get3A_9 : vector<1x4xf32> to vector<1x1x4xf32>
    %swap3A_11 = arith.constant 0 : index
    %swap3A_12 = arith.constant 0 : index
    %swap3A_13 = arith.constant 0 : index
    %swap3A_14 = vector.load %arg5[%swap3A_11, %swap3A_12, %swap3A_13] : memref<1x1x4xf32, #tpu.memory_space<vmem>>, vector<1x1x4xf32>
    tpu.vector_store %arg5[%swap3A_11, %swap3A_12, %swap3A_13], %reshape3A_10 {strides = array<i32>} : memref<1x1x4xf32, #tpu.memory_space<vmem>>, vector<1x1x4xf32>,
    %get3A_15 = arith.constant 1 : index
    %get3A_16 = arith.constant 0 : index
    %get3A_17 = vector.load %arg10[%get3A_15, %get3A_16] : memref<3x4xf32, #tpu.memory_space<vmem>>, vector<1x4xf32>
    %reshape3A_18 = vector.shape_cast %get3A_17 : vector<1x4xf32> to vector<1x1x4xf32>
    %swap3A_19 = arith.constant 0 : index
    %swap3A_20 = arith.constant 0 : index
    %swap3A_21 = arith.constant 0 : index
    %swap3A_22 = vector.load %arg6[%swap3A_19, %swap3A_20, %swap3A_21] : memref<1x1x4xf32, #tpu.memory_space<vmem>>, vector<1x1x4xf32>
    tpu.vector_store %arg6[%swap3A_19, %swap3A_20, %swap3A_21], %reshape3A_18 {strides = array<i32>} : memref<1x1x4xf32, #tpu.memory_space<vmem>>, vector<1x1x4xf32>,
    %get3A_23 = arith.constant 2 : index
    %get3A_24 = arith.constant 0 : index
    %get3A_25 = vector.load %arg10[%get3A_23, %get3A_24] : memref<3x4xf32, #tpu.memory_space<vmem>>, vector<1x4xf32>
    %reshape3A_26 = vector.shape_cast %get3A_25 : vector<1x4xf32> to vector<1x1x4xf32>
    %swap3A_27 = arith.constant 0 : index
    %swap3A_28 = arith.constant 0 : index
    %swap3A_29 = arith.constant 0 : index
    %swap3A_30 = vector.load %arg7[%swap3A_27, %swap3A_28, %swap3A_29] : memref<1x1x4xf32, #tpu.memory_space<vmem>>, vector<1x1x4xf32>
    tpu.vector_store %arg7[%swap3A_27, %swap3A_28, %swap3A_29], %reshape3A_26 {strides = array<i32>} : memref<1x1x4xf32, #tpu.memory_space<vmem>>, vector<1x1x4xf32>,
    %iota3A = tpu.iota {dimensions = array<i32: 0>} : vector<128x128xi32>
    %mul3A = arith.constant 128 : i32
    %mul3A_31 = vector.broadcast %mul3A : i32 to vector<128x128xi32>
    %mul3A_32 = arith.muli %iota3A, %mul3A_31 : vector<128x128xi32>
    %iota3A_33 = tpu.iota {dimensions = array<i32: 1>} : vector<128x128xi32>
    %add3A = arith.addi %mul3A_32, %iota3A_33 : vector<128x128xi32>
    %get3A_34 = arith.constant 0 : index
    %get3A_35 = arith.constant 0 : index
    %get3A_36 = arith.constant 0 : index
    %get3A_37 = vector.load %arg1[%get3A_34, %get3A_35, %get3A_36] : memref<4x128x128xf32, #tpu.memory_space<vmem>>, vector<1x128x128xf32>
    %get3A_38 = vector.shape_cast %get3A_37 : vector<1x128x128xf32> to vector<128x128xf32>
    %get3A_39 = arith.constant 0 : index
    %get3A_40 = arith.constant 0 : index
    %get3A_41 = arith.constant 0 : index
    %get3A_42 = vector.load %arg2[%get3A_39, %get3A_40, %get3A_41] : memref<4x128x128xf32, #tpu.memory_space<vmem>>, vector<1x128x128xf32>
    %get3A_43 = vector.shape_cast %get3A_42 : vector<1x128x128xf32> to vector<128x128xf32>
    %get3A_44 = arith.constant 0 : index
    %get3A_45 = arith.constant 0 : index
    %get3A_46 = arith.constant 0 : index
    %get3A_47 = vector.load %arg3[%get3A_44, %get3A_45, %get3A_46] : memref<4x128x128xf32, #tpu.memory_space<vmem>>, vector<1x128x128xf32>
    %get3A_48 = vector.shape_cast %get3A_47 : vector<1x128x128xf32> to vector<128x128xf32>
    %get3A_49 = arith.constant 0 : index
    %get3A_50 = arith.constant 0 : index
    %get3A_51 = vector.load %arg10[%get3A_49, %get3A_50] : memref<3x4xf32, #tpu.memory_space<vmem>>, vector<1x1xf32>
    %sub3A = vector.broadcast %get3A_51 : vector<1x1xf32> to vector<128x128xf32>
    %sub3A_52 = arith.subf %get3A_38, %sub3A : vector<128x128xf32>
    %get3A_53 = arith.constant 1 : index
    %get3A_54 = arith.constant 0 : index
    %get3A_55 = vector.load %arg10[%get3A_53, %get3A_54] : memref<3x4xf32, #tpu.memory_space<vmem>>, vector<1x1xf32>
    %sub3A_56 = vector.broadcast %get3A_55 : vector<1x1xf32> to vector<128x128xf32>
    %sub3A_57 = arith.subf %get3A_43, %sub3A_56 : vector<128x128xf32>
    %get3A_58 = arith.constant 2 : index
    %get3A_59 = arith.constant 0 : index
    %get3A_60 = vector.load %arg10[%get3A_58, %get3A_59] : memref<3x4xf32, #tpu.memory_space<vmem>>, vector<1x1xf32>
    %sub3A_61 = vector.broadcast %get3A_60 : vector<1x1xf32> to vector<128x128xf32>
    %sub3A_62 = arith.subf %get3A_48, %sub3A_61 : vector<128x128xf32>
    %mul3A_63 = arith.mulf %sub3A_52, %sub3A_52 : vector<128x128xf32>
    %mul3A_64 = arith.mulf %sub3A_57, %sub3A_57 : vector<128x128xf32>
    %add3A_65 = arith.addf %mul3A_63, %mul3A_64 : vector<128x128xf32>
    %mul3A_66 = arith.mulf %sub3A_62, %sub3A_62 : vector<128x128xf32>
    %add3A_67 = arith.addf %add3A_65, %mul3A_66 : vector<128x128xf32>
    %get3A_68 = arith.constant 0 : index
    %get3A_69 = arith.constant 0 : index
    %get3A_70 = arith.constant 0 : index
    %get3A_71 = vector.load %arg8[%get3A_68, %get3A_69, %get3A_70] : memref<4x128x128xf32, #tpu.memory_space<vmem>>, vector<1x128x128xf32>
    %get3A_72 = vector.shape_cast %get3A_71 : vector<1x128x128xf32> to vector<128x128xf32>
    %min3A = arith.minimumf %get3A_72, %add3A_67 : vector<128x128xf32>
    %swap3A_73 = arith.constant 0 : index
    %swap3A_74 = arith.constant 0 : index
    %swap3A_75 = arith.constant 0 : index
    %swap3A_76 = vector.load %arg8[%swap3A_73, %swap3A_74, %swap3A_75] : memref<4x128x128xf32, #tpu.memory_space<vmem>>, vector<1x128x128xf32>
    %swap3A_77 = vector.shape_cast %swap3A_76 : vector<1x128x128xf32> to vector<128x128xf32>
    %swap3A_78 = vector.shape_cast %min3A : vector<128x128xf32> to vector<1x128x128xf32>
    tpu.vector_store %arg8[%swap3A_73, %swap3A_74, %swap3A_75], %swap3A_78 {strides = array<i32>} : memref<4x128x128xf32, #tpu.memory_space<vmem>>, vector<1x128x128xf32>,
    %reduce_max3A = vector.shape_cast %min3A : vector<128x128xf32> to vector<1x128x128xf32>
    %reduce_max3A_79 = arith.constant dense<0xFF800000> : vector<1xf32>
    %reduce_max3A_80 = vector.multi_reduction <maximumf>, %reduce_max3A, %reduce_max3A_79 [1, 2] : vector<1x128x128xf32> to vector<1xf32>
    %reduce_max3A_81 = vector.shape_cast %reduce_max3A_80 : vector<1xf32> to vector<1x1x1xf32>
    %reduce_max3A_82 = vector.extract %reduce_max3A_81[0, 0, 0] : f32 from vector<1x1x1xf32>
    %broadcast_in_dim3A = vector.broadcast %reduce_max3A_82 : f32 to vector<1x1xf32>
    %eq3A_83 = vector.broadcast %broadcast_in_dim3A : vector<1x1xf32> to vector<128x128xf32>
    %eq3A_84 = arith.cmpf oeq, %min3A, %eq3A_83 : vector<128x128xf32>
    %jit3A = arith.constant 1073741824 : i32
    %broadcast_in_dim3A_85 = vector.broadcast %jit3A : i32 to vector<128x128xi32>
    %select_n3A = arith.select %eq3A_84, %add3A, %broadcast_in_dim3A_85 : vector<128x128xi1>, vector<128x128xi32>
    %reduce_min3A = vector.shape_cast %select_n3A : vector<128x128xi32> to vector<1x128x128xi32>
    %reduce_min3A_86 = arith.constant dense<2147483647> : vector<1xi32>
    %reduce_min3A_87 = vector.multi_reduction <minsi>, %reduce_min3A, %reduce_min3A_86 [1, 2] : vector<1x128x128xi32> to vector<1xi32>
    %reduce_min3A_88 = vector.shape_cast %reduce_min3A_87 : vector<1xi32> to vector<1x1x1xi32>
    %reduce_min3A_89 = vector.extract %reduce_min3A_88[0, 0, 0] : i32 from vector<1x1x1xi32>
    %broadcast_in_dim3A_90 = vector.broadcast %reduce_min3A_89 : i32 to vector<1x1xi32>
    %eq3A_91 = vector.broadcast %broadcast_in_dim3A_90 : vector<1x1xi32> to vector<128x128xi32>
    %eq3A_92 = arith.cmpi eq, %add3A, %eq3A_91 : vector<128x128xi32>
    %swap3A_93 = arith.constant 0 : index
    %swap3A_94 = arith.constant 0 : index
    %swap3A_95 = vector.load %arg9[%swap3A_93, %swap3A_94] : memref<1x4xi32, #tpu.memory_space<vmem>>, vector<1x1xi32>
    tpu.vector_store %arg9[%swap3A_93, %swap3A_94], %broadcast_in_dim3A_90 {strides = array<i32>} : memref<1x4xi32, #tpu.memory_space<vmem>>, vector<1x1xi32>,
    %jit3A_96 = arith.constant 0.000000e+00 : f32
    %broadcast_in_dim3A_97 = vector.broadcast %jit3A_96 : f32 to vector<128x128xf32>
    %select_n3A_98 = arith.select %eq3A_92, %get3A_38, %broadcast_in_dim3A_97 : vector<128x128xi1>, vector<128x128xf32>
    %reduce_sum3A = vector.shape_cast %select_n3A_98 : vector<128x128xf32> to vector<1x128x128xf32>
    %reduce_sum3A_99 = arith.constant dense<0.000000e+00> : vector<1xf32>
    %reduce_sum3A_100 = vector.multi_reduction <add>, %reduce_sum3A, %reduce_sum3A_99 [1, 2] : vector<1x128x128xf32> to vector<1xf32>
    %reduce_sum3A_101 = vector.shape_cast %reduce_sum3A_100 : vector<1xf32> to vector<1x1x1xf32>
    %reduce_sum3A_102 = vector.extract %reduce_sum3A_101[0, 0, 0] : f32 from vector<1x1x1xf32>
    %broadcast_in_dim3A_103 = vector.broadcast %reduce_sum3A_102 : f32 to vector<1x1xf32>
    %swap3A_104 = arith.constant 0 : index
    %swap3A_105 = arith.constant 0 : index
    %swap3A_106 = vector.load %arg10[%swap3A_104, %swap3A_105] : memref<3x4xf32, #tpu.memory_space<vmem>>, vector<1x1xf32>
    tpu.vector_store %arg10[%swap3A_104, %swap3A_105], %broadcast_in_dim3A_103 {strides = array<i32>} : memref<3x4xf32, #tpu.memory_space<vmem>>, vector<1x1xf32>,
    %jit3A_107 = arith.constant 0.000000e+00 : f32
    %broadcast_in_dim3A_108 = vector.broadcast %jit3A_107 : f32 to vector<128x128xf32>
    %select_n3A_109 = arith.select %eq3A_92, %get3A_43, %broadcast_in_dim3A_108 : vector<128x128xi1>, vector<128x128xf32>
    %reduce_sum3A_110 = vector.shape_cast %select_n3A_109 : vector<128x128xf32> to vector<1x128x128xf32>
    %reduce_sum3A_111 = arith.constant dense<0.000000e+00> : vector<1xf32>
    %reduce_sum3A_112 = vector.multi_reduction <add>, %reduce_sum3A_110, %reduce_sum3A_111 [1, 2] : vector<1x128x128xf32> to vector<1xf32>
    %reduce_sum3A_113 = vector.shape_cast %reduce_sum3A_112 : vector<1xf32> to vector<1x1x1xf32>
    %reduce_sum3A_114 = vector.extract %reduce_sum3A_113[0, 0, 0] : f32 from vector<1x1x1xf32>
    %broadcast_in_dim3A_115 = vector.broadcast %reduce_sum3A_114 : f32 to vector<1x1xf32>
    %swap3A_116 = arith.constant 1 : index
    %swap3A_117 = arith.constant 0 : index
    %swap3A_118 = vector.load %arg10[%swap3A_116, %swap3A_117] : memref<3x4xf32, #tpu.memory_space<vmem>>, vector<1x1xf32>
    tpu.vector_store %arg10[%swap3A_116, %swap3A_117], %broadcast_in_dim3A_115 {strides = array<i32>} : memref<3x4xf32, #tpu.memory_space<vmem>>, vector<1x1xf32>,
    %jit3A_119 = arith.constant 0.000000e+00 : f32
    %broadcast_in_dim3A_120 = vector.broadcast %jit3A_119 : f32 to vector<128x128xf32>
    %select_n3A_121 = arith.select %eq3A_92, %get3A_48, %broadcast_in_dim3A_120 : vector<128x128xi1>, vector<128x128xf32>
    %reduce_sum3A_122 = vector.shape_cast %select_n3A_121 : vector<128x128xf32> to vector<1x128x128xf32>
    %reduce_sum3A_123 = arith.constant dense<0.000000e+00> : vector<1xf32>
    %reduce_sum3A_124 = vector.multi_reduction <add>, %reduce_sum3A_122, %reduce_sum3A_123 [1, 2] : vector<1x128x128xf32> to vector<1xf32>
    %reduce_sum3A_125 = vector.shape_cast %reduce_sum3A_124 : vector<1xf32> to vector<1x1x1xf32>
    %reduce_sum3A_126 = vector.extract %reduce_sum3A_125[0, 0, 0] : f32 from vector<1x1x1xf32>
    %broadcast_in_dim3A_127 = vector.broadcast %reduce_sum3A_126 : f32 to vector<1x1xf32>
    %swap3A_128 = arith.constant 2 : index
    %swap3A_129 = arith.constant 0 : index
    %swap3A_130 = vector.load %arg10[%swap3A_128, %swap3A_129] : memref<3x4xf32, #tpu.memory_space<vmem>>, vector<1x1xf32>
    tpu.vector_store %arg10[%swap3A_128, %swap3A_129], %broadcast_in_dim3A_127 {strides = array<i32>} : memref<3x4xf32, #tpu.memory_space<vmem>>, vector<1x1xf32>,
    %get3A_131 = arith.constant 1 : index
    %get3A_132 = arith.constant 0 : index
    %get3A_133 = arith.constant 0 : index
    %get3A_134 = vector.load %arg1[%get3A_131, %get3A_132, %get3A_133] : memref<4x128x128xf32, #tpu.memory_space<vmem>>, vector<1x128x128xf32>
    %get3A_135 = vector.shape_cast %get3A_134 : vector<1x128x128xf32> to vector<128x128xf32>
    %get3A_136 = arith.constant 1 : index
    %get3A_137 = arith.constant 0 : index
    %get3A_138 = arith.constant 0 : index
    %get3A_139 = vector.load %arg2[%get3A_136, %get3A_137, %get3A_138] : memref<4x128x128xf32, #tpu.memory_space<vmem>>, vector<1x128x128xf32>
    %get3A_140 = vector.shape_cast %get3A_139 : vector<1x128x128xf32> to vector<128x128xf32>
    %get3A_141 = arith.constant 1 : index
    %get3A_142 = arith.constant 0 : index
    %get3A_143 = arith.constant 0 : index
    %get3A_144 = vector.load %arg3[%get3A_141, %get3A_142, %get3A_143] : memref<4x128x128xf32, #tpu.memory_space<vmem>>, vector<1x128x128xf32>
    %get3A_145 = vector.shape_cast %get3A_144 : vector<1x128x128xf32> to vector<128x128xf32>
    %get3A_146 = arith.constant 0 : index
    %get3A_147 = arith.constant 1 : index
    %get3A_148 = vector.load %arg10[%get3A_146, %get3A_147] : memref<3x4xf32, #tpu.memory_space<vmem>>, vector<1x1xf32>
    %sub3A_149 = vector.broadcast %get3A_148 : vector<1x1xf32> to vector<128x128xf32>
    %sub3A_150 = arith.subf %get3A_135, %sub3A_149 : vector<128x128xf32>
    %get3A_151 = arith.constant 1 : index
    %get3A_152 = arith.constant 1 : index
    %get3A_153 = vector.load %arg10[%get3A_151, %get3A_152] : memref<3x4xf32, #tpu.memory_space<vmem>>, vector<1x1xf32>
    %sub3A_154 = vector.broadcast %get3A_153 : vector<1x1xf32> to vector<128x128xf32>
    %sub3A_155 = arith.subf %get3A_140, %sub3A_154 : vector<128x128xf32>
    %get3A_156 = arith.constant 2 : index
    %get3A_157 = arith.constant 1 : index
    %get3A_158 = vector.load %arg10[%get3A_156, %get3A_157] : memref<3x4xf32, #tpu.memory_space<vmem>>, vector<1x1xf32>
    %sub3A_159 = vector.broadcast %get3A_158 : vector<1x1xf32> to vector<128x128xf32>
    %sub3A_160 = arith.subf %get3A_145, %sub3A_159 : vector<128x128xf32>
    %mul3A_161 = arith.mulf %sub3A_150, %sub3A_150 : vector<128x128xf32>
    %mul3A_162 = arith.mulf %sub3A_155, %sub3A_155 : vector<128x128xf32>
    %add3A_163 = arith.addf %mul3A_161, %mul3A_162 : vector<128x128xf32>
    %mul3A_164 = arith.mulf %sub3A_160, %sub3A_160 : vector<128x128xf32>
    %add3A_165 = arith.addf %add3A_163, %mul3A_164 : vector<128x128xf32>
    %get3A_166 = arith.constant 1 : index
    %get3A_167 = arith.constant 0 : index
    %get3A_168 = arith.constant 0 : index
    %get3A_169 = vector.load %arg8[%get3A_166, %get3A_167, %get3A_168] : memref<4x128x128xf32, #tpu.memory_space<vmem>>, vector<1x128x128xf32>
    %get3A_170 = vector.shape_cast %get3A_169 : vector<1x128x128xf32> to vector<128x128xf32>
    %min3A_171 = arith.minimumf %get3A_170, %add3A_165 : vector<128x128xf32>
    %swap3A_172 = arith.constant 1 : index
    %swap3A_173 = arith.constant 0 : index
    %swap3A_174 = arith.constant 0 : index
    %swap3A_175 = vector.load %arg8[%swap3A_172, %swap3A_173, %swap3A_174] : memref<4x128x128xf32, #tpu.memory_space<vmem>>, vector<1x128x128xf32>
    %swap3A_176 = vector.shape_cast %swap3A_175 : vector<1x128x128xf32> to vector<128x128xf32>
    %swap3A_177 = vector.shape_cast %min3A_171 : vector<128x128xf32> to vector<1x128x128xf32>
    tpu.vector_store %arg8[%swap3A_172, %swap3A_173, %swap3A_174], %swap3A_177 {strides = array<i32>} : memref<4x128x128xf32, #tpu.memory_space<vmem>>, vector<1x128x128xf32>,
    %reduce_max3A_178 = vector.shape_cast %min3A_171 : vector<128x128xf32> to vector<1x128x128xf32>
    %reduce_max3A_179 = arith.constant dense<0xFF800000> : vector<1xf32>
    %reduce_max3A_180 = vector.multi_reduction <maximumf>, %reduce_max3A_178, %reduce_max3A_179 [1, 2] : vector<1x128x128xf32> to vector<1xf32>
    %reduce_max3A_181 = vector.shape_cast %reduce_max3A_180 : vector<1xf32> to vector<1x1x1xf32>
    %reduce_max3A_182 = vector.extract %reduce_max3A_181[0, 0, 0] : f32 from vector<1x1x1xf32>
    %broadcast_in_dim3A_183 = vector.broadcast %reduce_max3A_182 : f32 to vector<1x1xf32>
    %eq3A_184 = vector.broadcast %broadcast_in_dim3A_183 : vector<1x1xf32> to vector<128x128xf32>
    %eq3A_185 = arith.cmpf oeq, %min3A_171, %eq3A_184 : vector<128x128xf32>
    %jit3A_186 = arith.constant 1073741824 : i32
    %broadcast_in_dim3A_187 = vector.broadcast %jit3A_186 : i32 to vector<128x128xi32>
    %select_n3A_188 = arith.select %eq3A_185, %add3A, %broadcast_in_dim3A_187 : vector<128x128xi1>, vector<128x128xi32>
    %reduce_min3A_189 = vector.shape_cast %select_n3A_188 : vector<128x128xi32> to vector<1x128x128xi32>
    %reduce_min3A_190 = arith.constant dense<2147483647> : vector<1xi32>
    %reduce_min3A_191 = vector.multi_reduction <minsi>, %reduce_min3A_189, %reduce_min3A_190 [1, 2] : vector<1x128x128xi32> to vector<1xi32>
    %reduce_min3A_192 = vector.shape_cast %reduce_min3A_191 : vector<1xi32> to vector<1x1x1xi32>
    %reduce_min3A_193 = vector.extract %reduce_min3A_192[0, 0, 0] : i32 from vector<1x1x1xi32>
    %broadcast_in_dim3A_194 = vector.broadcast %reduce_min3A_193 : i32 to vector<1x1xi32>
    %eq3A_195 = vector.broadcast %broadcast_in_dim3A_194 : vector<1x1xi32> to vector<128x128xi32>
    %eq3A_196 = arith.cmpi eq, %add3A, %eq3A_195 : vector<128x128xi32>
    %swap3A_197 = arith.constant 0 : index
    %swap3A_198 = arith.constant 1 : index
    %swap3A_199 = vector.load %arg9[%swap3A_197, %swap3A_198] : memref<1x4xi32, #tpu.memory_space<vmem>>, vector<1x1xi32>
    tpu.vector_store %arg9[%swap3A_197, %swap3A_198], %broadcast_in_dim3A_194 {strides = array<i32>} : memref<1x4xi32, #tpu.memory_space<vmem>>, vector<1x1xi32>,
    %jit3A_200 = arith.constant 0.000000e+00 : f32
    %broadcast_in_dim3A_201 = vector.broadcast %jit3A_200 : f32 to vector<128x128xf32>
    %select_n3A_202 = arith.select %eq3A_196, %get3A_135, %broadcast_in_dim3A_201 : vector<128x128xi1>, vector<128x128xf32>
    %reduce_sum3A_203 = vector.shape_cast %select_n3A_202 : vector<128x128xf32> to vector<1x128x128xf32>
    %reduce_sum3A_204 = arith.constant dense<0.000000e+00> : vector<1xf32>
    %reduce_sum3A_205 = vector.multi_reduction <add>, %reduce_sum3A_203, %reduce_sum3A_204 [1, 2] : vector<1x128x128xf32> to vector<1xf32>
    %reduce_sum3A_206 = vector.shape_cast %reduce_sum3A_205 : vector<1xf32> to vector<1x1x1xf32>
    %reduce_sum3A_207 = vector.extract %reduce_sum3A_206[0, 0, 0] : f32 from vector<1x1x1xf32>
    %broadcast_in_dim3A_208 = vector.broadcast %reduce_sum3A_207 : f32 to vector<1x1xf32>
    %swap3A_209 = arith.constant 0 : index
    %swap3A_210 = arith.constant 1 : index
    %swap3A_211 = vector.load %arg10[%swap3A_209, %swap3A_210] : memref<3x4xf32, #tpu.memory_space<vmem>>, vector<1x1xf32>
    tpu.vector_store %arg10[%swap3A_209, %swap3A_210], %broadcast_in_dim3A_208 {strides = array<i32>} : memref<3x4xf32, #tpu.memory_space<vmem>>, vector<1x1xf32>,
    %jit3A_212 = arith.constant 0.000000e+00 : f32
    %broadcast_in_dim3A_213 = vector.broadcast %jit3A_212 : f32 to vector<128x128xf32>
    %select_n3A_214 = arith.select %eq3A_196, %get3A_140, %broadcast_in_dim3A_213 : vector<128x128xi1>, vector<128x128xf32>
    %reduce_sum3A_215 = vector.shape_cast %select_n3A_214 : vector<128x128xf32> to vector<1x128x128xf32>
    %reduce_sum3A_216 = arith.constant dense<0.000000e+00> : vector<1xf32>
    %reduce_sum3A_217 = vector.multi_reduction <add>, %reduce_sum3A_215, %reduce_sum3A_216 [1, 2] : vector<1x128x128xf32> to vector<1xf32>
    %reduce_sum3A_218 = vector.shape_cast %reduce_sum3A_217 : vector<1xf32> to vector<1x1x1xf32>
    %reduce_sum3A_219 = vector.extract %reduce_sum3A_218[0, 0, 0] : f32 from vector<1x1x1xf32>
    %broadcast_in_dim3A_220 = vector.broadcast %reduce_sum3A_219 : f32 to vector<1x1xf32>
    %swap3A_221 = arith.constant 1 : index
    %swap3A_222 = arith.constant 1 : index
    %swap3A_223 = vector.load %arg10[%swap3A_221, %swap3A_222] : memref<3x4xf32, #tpu.memory_space<vmem>>, vector<1x1xf32>
    tpu.vector_store %arg10[%swap3A_221, %swap3A_222], %broadcast_in_dim3A_220 {strides = array<i32>} : memref<3x4xf32, #tpu.memory_space<vmem>>, vector<1x1xf32>,
    %jit3A_224 = arith.constant 0.000000e+00 : f32
    %broadcast_in_dim3A_225 = vector.broadcast %jit3A_224 : f32 to vector<128x128xf32>
    %select_n3A_226 = arith.select %eq3A_196, %get3A_145, %broadcast_in_dim3A_225 : vector<128x128xi1>, vector<128x128xf32>
    %reduce_sum3A_227 = vector.shape_cast %select_n3A_226 : vector<128x128xf32> to vector<1x128x128xf32>
    %reduce_sum3A_228 = arith.constant dense<0.000000e+00> : vector<1xf32>
    %reduce_sum3A_229 = vector.multi_reduction <add>, %reduce_sum3A_227, %reduce_sum3A_228 [1, 2] : vector<1x128x128xf32> to vector<1xf32>
    %reduce_sum3A_230 = vector.shape_cast %reduce_sum3A_229 : vector<1xf32> to vector<1x1x1xf32>
    %reduce_sum3A_231 = vector.extract %reduce_sum3A_230[0, 0, 0] : f32 from vector<1x1x1xf32>
    %broadcast_in_dim3A_232 = vector.broadcast %reduce_sum3A_231 : f32 to vector<1x1xf32>
    %swap3A_233 = arith.constant 2 : index
    %swap3A_234 = arith.constant 1 : index
    %swap3A_235 = vector.load %arg10[%swap3A_233, %swap3A_234] : memref<3x4xf32, #tpu.memory_space<vmem>>, vector<1x1xf32>
    tpu.vector_store %arg10[%swap3A_233, %swap3A_234], %broadcast_in_dim3A_232 {strides = array<i32>} : memref<3x4xf32, #tpu.memory_space<vmem>>, vector<1x1xf32>,
    %get3A_236 = arith.constant 2 : index
    %get3A_237 = arith.constant 0 : index
    %get3A_238 = arith.constant 0 : index
    %get3A_239 = vector.load %arg1[%get3A_236, %get3A_237, %get3A_238] : memref<4x128x128xf32, #tpu.memory_space<vmem>>, vector<1x128x128xf32>
    %get3A_240 = vector.shape_cast %get3A_239 : vector<1x128x128xf32> to vector<128x128xf32>
    %get3A_241 = arith.constant 2 : index
    %get3A_242 = arith.constant 0 : index
    %get3A_243 = arith.constant 0 : index
    %get3A_244 = vector.load %arg2[%get3A_241, %get3A_242, %get3A_243] : memref<4x128x128xf32, #tpu.memory_space<vmem>>, vector<1x128x128xf32>
    %get3A_245 = vector.shape_cast %get3A_244 : vector<1x128x128xf32> to vector<128x128xf32>
    %get3A_246 = arith.constant 2 : index
    %get3A_247 = arith.constant 0 : index
    %get3A_248 = arith.constant 0 : index
    %get3A_249 = vector.load %arg3[%get3A_246, %get3A_247, %get3A_248] : memref<4x128x128xf32, #tpu.memory_space<vmem>>, vector<1x128x128xf32>
    %get3A_250 = vector.shape_cast %get3A_249 : vector<1x128x128xf32> to vector<128x128xf32>
    %get3A_251 = arith.constant 0 : index
    %get3A_252 = arith.constant 2 : index
    %get3A_253 = vector.load %arg10[%get3A_251, %get3A_252] : memref<3x4xf32, #tpu.memory_space<vmem>>, vector<1x1xf32>
    %sub3A_254 = vector.broadcast %get3A_253 : vector<1x1xf32> to vector<128x128xf32>
    %sub3A_255 = arith.subf %get3A_240, %sub3A_254 : vector<128x128xf32>
    %get3A_256 = arith.constant 1 : index
    %get3A_257 = arith.constant 2 : index
    %get3A_258 = vector.load %arg10[%get3A_256, %get3A_257] : memref<3x4xf32, #tpu.memory_space<vmem>>, vector<1x1xf32>
    %sub3A_259 = vector.broadcast %get3A_258 : vector<1x1xf32> to vector<128x128xf32>
    %sub3A_260 = arith.subf %get3A_245, %sub3A_259 : vector<128x128xf32>
    %get3A_261 = arith.constant 2 : index
    %get3A_262 = arith.constant 2 : index
    %get3A_263 = vector.load %arg10[%get3A_261, %get3A_262] : memref<3x4xf32, #tpu.memory_space<vmem>>, vector<1x1xf32>
    %sub3A_264 = vector.broadcast %get3A_263 : vector<1x1xf32> to vector<128x128xf32>
    %sub3A_265 = arith.subf %get3A_250, %sub3A_264 : vector<128x128xf32>
    %mul3A_266 = arith.mulf %sub3A_255, %sub3A_255 : vector<128x128xf32>
    %mul3A_267 = arith.mulf %sub3A_260, %sub3A_260 : vector<128x128xf32>
    %add3A_268 = arith.addf %mul3A_266, %mul3A_267 : vector<128x128xf32>
    %mul3A_269 = arith.mulf %sub3A_265, %sub3A_265 : vector<128x128xf32>
    %add3A_270 = arith.addf %add3A_268, %mul3A_269 : vector<128x128xf32>
    %get3A_271 = arith.constant 2 : index
    %get3A_272 = arith.constant 0 : index
    %get3A_273 = arith.constant 0 : index
    %get3A_274 = vector.load %arg8[%get3A_271, %get3A_272, %get3A_273] : memref<4x128x128xf32, #tpu.memory_space<vmem>>, vector<1x128x128xf32>
    %get3A_275 = vector.shape_cast %get3A_274 : vector<1x128x128xf32> to vector<128x128xf32>
    %min3A_276 = arith.minimumf %get3A_275, %add3A_270 : vector<128x128xf32>
    %swap3A_277 = arith.constant 2 : index
    %swap3A_278 = arith.constant 0 : index
    %swap3A_279 = arith.constant 0 : index
    %swap3A_280 = vector.load %arg8[%swap3A_277, %swap3A_278, %swap3A_279] : memref<4x128x128xf32, #tpu.memory_space<vmem>>, vector<1x128x128xf32>
    %swap3A_281 = vector.shape_cast %swap3A_280 : vector<1x128x128xf32> to vector<128x128xf32>
    %swap3A_282 = vector.shape_cast %min3A_276 : vector<128x128xf32> to vector<1x128x128xf32>
    tpu.vector_store %arg8[%swap3A_277, %swap3A_278, %swap3A_279], %swap3A_282 {strides = array<i32>} : memref<4x128x128xf32, #tpu.memory_space<vmem>>, vector<1x128x128xf32>,
    %reduce_max3A_283 = vector.shape_cast %min3A_276 : vector<128x128xf32> to vector<1x128x128xf32>
    %reduce_max3A_284 = arith.constant dense<0xFF800000> : vector<1xf32>
    %reduce_max3A_285 = vector.multi_reduction <maximumf>, %reduce_max3A_283, %reduce_max3A_284 [1, 2] : vector<1x128x128xf32> to vector<1xf32>
    %reduce_max3A_286 = vector.shape_cast %reduce_max3A_285 : vector<1xf32> to vector<1x1x1xf32>
    %reduce_max3A_287 = vector.extract %reduce_max3A_286[0, 0, 0] : f32 from vector<1x1x1xf32>
    %broadcast_in_dim3A_288 = vector.broadcast %reduce_max3A_287 : f32 to vector<1x1xf32>
    %eq3A_289 = vector.broadcast %broadcast_in_dim3A_288 : vector<1x1xf32> to vector<128x128xf32>
    %eq3A_290 = arith.cmpf oeq, %min3A_276, %eq3A_289 : vector<128x128xf32>
    %jit3A_291 = arith.constant 1073741824 : i32
    %broadcast_in_dim3A_292 = vector.broadcast %jit3A_291 : i32 to vector<128x128xi32>
    %select_n3A_293 = arith.select %eq3A_290, %add3A, %broadcast_in_dim3A_292 : vector<128x128xi1>, vector<128x128xi32>
    %reduce_min3A_294 = vector.shape_cast %select_n3A_293 : vector<128x128xi32> to vector<1x128x128xi32>
    %reduce_min3A_295 = arith.constant dense<2147483647> : vector<1xi32>
    %reduce_min3A_296 = vector.multi_reduction <minsi>, %reduce_min3A_294, %reduce_min3A_295 [1, 2] : vector<1x128x128xi32> to vector<1xi32>
    %reduce_min3A_297 = vector.shape_cast %reduce_min3A_296 : vector<1xi32> to vector<1x1x1xi32>
    %reduce_min3A_298 = vector.extract %reduce_min3A_297[0, 0, 0] : i32 from vector<1x1x1xi32>
    %broadcast_in_dim3A_299 = vector.broadcast %reduce_min3A_298 : i32 to vector<1x1xi32>
    %eq3A_300 = vector.broadcast %broadcast_in_dim3A_299 : vector<1x1xi32> to vector<128x128xi32>
    %eq3A_301 = arith.cmpi eq, %add3A, %eq3A_300 : vector<128x128xi32>
    %swap3A_302 = arith.constant 0 : index
    %swap3A_303 = arith.constant 2 : index
    %swap3A_304 = vector.load %arg9[%swap3A_302, %swap3A_303] : memref<1x4xi32, #tpu.memory_space<vmem>>, vector<1x1xi32>
    tpu.vector_store %arg9[%swap3A_302, %swap3A_303], %broadcast_in_dim3A_299 {strides = array<i32>} : memref<1x4xi32, #tpu.memory_space<vmem>>, vector<1x1xi32>,
    %jit3A_305 = arith.constant 0.000000e+00 : f32
    %broadcast_in_dim3A_306 = vector.broadcast %jit3A_305 : f32 to vector<128x128xf32>
    %select_n3A_307 = arith.select %eq3A_301, %get3A_240, %broadcast_in_dim3A_306 : vector<128x128xi1>, vector<128x128xf32>
    %reduce_sum3A_308 = vector.shape_cast %select_n3A_307 : vector<128x128xf32> to vector<1x128x128xf32>
    %reduce_sum3A_309 = arith.constant dense<0.000000e+00> : vector<1xf32>
    %reduce_sum3A_310 = vector.multi_reduction <add>, %reduce_sum3A_308, %reduce_sum3A_309 [1, 2] : vector<1x128x128xf32> to vector<1xf32>
    %reduce_sum3A_311 = vector.shape_cast %reduce_sum3A_310 : vector<1xf32> to vector<1x1x1xf32>
    %reduce_sum3A_312 = vector.extract %reduce_sum3A_311[0, 0, 0] : f32 from vector<1x1x1xf32>
    %broadcast_in_dim3A_313 = vector.broadcast %reduce_sum3A_312 : f32 to vector<1x1xf32>
    %swap3A_314 = arith.constant 0 : index
    %swap3A_315 = arith.constant 2 : index
    %swap3A_316 = vector.load %arg10[%swap3A_314, %swap3A_315] : memref<3x4xf32, #tpu.memory_space<vmem>>, vector<1x1xf32>
    tpu.vector_store %arg10[%swap3A_314, %swap3A_315], %broadcast_in_dim3A_313 {strides = array<i32>} : memref<3x4xf32, #tpu.memory_space<vmem>>, vector<1x1xf32>,
    %jit3A_317 = arith.constant 0.000000e+00 : f32
    %broadcast_in_dim3A_318 = vector.broadcast %jit3A_317 : f32 to vector<128x128xf32>
    %select_n3A_319 = arith.select %eq3A_301, %get3A_245, %broadcast_in_dim3A_318 : vector<128x128xi1>, vector<128x128xf32>
    %reduce_sum3A_320 = vector.shape_cast %select_n3A_319 : vector<128x128xf32> to vector<1x128x128xf32>
    %reduce_sum3A_321 = arith.constant dense<0.000000e+00> : vector<1xf32>
    %reduce_sum3A_322 = vector.multi_reduction <add>, %reduce_sum3A_320, %reduce_sum3A_321 [1, 2] : vector<1x128x128xf32> to vector<1xf32>
    %reduce_sum3A_323 = vector.shape_cast %reduce_sum3A_322 : vector<1xf32> to vector<1x1x1xf32>
    %reduce_sum3A_324 = vector.extract %reduce_sum3A_323[0, 0, 0] : f32 from vector<1x1x1xf32>
    %broadcast_in_dim3A_325 = vector.broadcast %reduce_sum3A_324 : f32 to vector<1x1xf32>
    %swap3A_326 = arith.constant 1 : index
    %swap3A_327 = arith.constant 2 : index
    %swap3A_328 = vector.load %arg10[%swap3A_326, %swap3A_327] : memref<3x4xf32, #tpu.memory_space<vmem>>, vector<1x1xf32>
    tpu.vector_store %arg10[%swap3A_326, %swap3A_327], %broadcast_in_dim3A_325 {strides = array<i32>} : memref<3x4xf32, #tpu.memory_space<vmem>>, vector<1x1xf32>,
    %jit3A_329 = arith.constant 0.000000e+00 : f32
    %broadcast_in_dim3A_330 = vector.broadcast %jit3A_329 : f32 to vector<128x128xf32>
    %select_n3A_331 = arith.select %eq3A_301, %get3A_250, %broadcast_in_dim3A_330 : vector<128x128xi1>, vector<128x128xf32>
    %reduce_sum3A_332 = vector.shape_cast %select_n3A_331 : vector<128x128xf32> to vector<1x128x128xf32>
    %reduce_sum3A_333 = arith.constant dense<0.000000e+00> : vector<1xf32>
    %reduce_sum3A_334 = vector.multi_reduction <add>, %reduce_sum3A_332, %reduce_sum3A_333 [1, 2] : vector<1x128x128xf32> to vector<1xf32>
    %reduce_sum3A_335 = vector.shape_cast %reduce_sum3A_334 : vector<1xf32> to vector<1x1x1xf32>
    %reduce_sum3A_336 = vector.extract %reduce_sum3A_335[0, 0, 0] : f32 from vector<1x1x1xf32>
    %broadcast_in_dim3A_337 = vector.broadcast %reduce_sum3A_336 : f32 to vector<1x1xf32>
    %swap3A_338 = arith.constant 2 : index
    %swap3A_339 = arith.constant 2 : index
    %swap3A_340 = vector.load %arg10[%swap3A_338, %swap3A_339] : memref<3x4xf32, #tpu.memory_space<vmem>>, vector<1x1xf32>
    tpu.vector_store %arg10[%swap3A_338, %swap3A_339], %broadcast_in_dim3A_337 {strides = array<i32>} : memref<3x4xf32, #tpu.memory_space<vmem>>, vector<1x1xf32>,
    %get3A_341 = arith.constant 3 : index
    %get3A_342 = arith.constant 0 : index
    %get3A_343 = arith.constant 0 : index
    %get3A_344 = vector.load %arg1[%get3A_341, %get3A_342, %get3A_343] : memref<4x128x128xf32, #tpu.memory_space<vmem>>, vector<1x128x128xf32>
    %get3A_345 = vector.shape_cast %get3A_344 : vector<1x128x128xf32> to vector<128x128xf32>
    %get3A_346 = arith.constant 3 : index
    %get3A_347 = arith.constant 0 : index
    %get3A_348 = arith.constant 0 : index
    %get3A_349 = vector.load %arg2[%get3A_346, %get3A_347, %get3A_348] : memref<4x128x128xf32, #tpu.memory_space<vmem>>, vector<1x128x128xf32>
    %get3A_350 = vector.shape_cast %get3A_349 : vector<1x128x128xf32> to vector<128x128xf32>
    %get3A_351 = arith.constant 3 : index
    %get3A_352 = arith.constant 0 : index
    %get3A_353 = arith.constant 0 : index
    %get3A_354 = vector.load %arg3[%get3A_351, %get3A_352, %get3A_353] : memref<4x128x128xf32, #tpu.memory_space<vmem>>, vector<1x128x128xf32>
    %get3A_355 = vector.shape_cast %get3A_354 : vector<1x128x128xf32> to vector<128x128xf32>
    %get3A_356 = arith.constant 0 : index
    %get3A_357 = arith.constant 3 : index
    %get3A_358 = vector.load %arg10[%get3A_356, %get3A_357] : memref<3x4xf32, #tpu.memory_space<vmem>>, vector<1x1xf32>
    %sub3A_359 = vector.broadcast %get3A_358 : vector<1x1xf32> to vector<128x128xf32>
    %sub3A_360 = arith.subf %get3A_345, %sub3A_359 : vector<128x128xf32>
    %get3A_361 = arith.constant 1 : index
    %get3A_362 = arith.constant 3 : index
    %get3A_363 = vector.load %arg10[%get3A_361, %get3A_362] : memref<3x4xf32, #tpu.memory_space<vmem>>, vector<1x1xf32>
    %sub3A_364 = vector.broadcast %get3A_363 : vector<1x1xf32> to vector<128x128xf32>
    %sub3A_365 = arith.subf %get3A_350, %sub3A_364 : vector<128x128xf32>
    %get3A_366 = arith.constant 2 : index
    %get3A_367 = arith.constant 3 : index
    %get3A_368 = vector.load %arg10[%get3A_366, %get3A_367] : memref<3x4xf32, #tpu.memory_space<vmem>>, vector<1x1xf32>
    %sub3A_369 = vector.broadcast %get3A_368 : vector<1x1xf32> to vector<128x128xf32>
    %sub3A_370 = arith.subf %get3A_355, %sub3A_369 : vector<128x128xf32>
    %mul3A_371 = arith.mulf %sub3A_360, %sub3A_360 : vector<128x128xf32>
    %mul3A_372 = arith.mulf %sub3A_365, %sub3A_365 : vector<128x128xf32>
    %add3A_373 = arith.addf %mul3A_371, %mul3A_372 : vector<128x128xf32>
    %mul3A_374 = arith.mulf %sub3A_370, %sub3A_370 : vector<128x128xf32>
    %add3A_375 = arith.addf %add3A_373, %mul3A_374 : vector<128x128xf32>
    %get3A_376 = arith.constant 3 : index
    %get3A_377 = arith.constant 0 : index
    %get3A_378 = arith.constant 0 : index
    %get3A_379 = vector.load %arg8[%get3A_376, %get3A_377, %get3A_378] : memref<4x128x128xf32, #tpu.memory_space<vmem>>, vector<1x128x128xf32>
    %get3A_380 = vector.shape_cast %get3A_379 : vector<1x128x128xf32> to vector<128x128xf32>
    %min3A_381 = arith.minimumf %get3A_380, %add3A_375 : vector<128x128xf32>
    %swap3A_382 = arith.constant 3 : index
    %swap3A_383 = arith.constant 0 : index
    %swap3A_384 = arith.constant 0 : index
    %swap3A_385 = vector.load %arg8[%swap3A_382, %swap3A_383, %swap3A_384] : memref<4x128x128xf32, #tpu.memory_space<vmem>>, vector<1x128x128xf32>
    %swap3A_386 = vector.shape_cast %swap3A_385 : vector<1x128x128xf32> to vector<128x128xf32>
    %swap3A_387 = vector.shape_cast %min3A_381 : vector<128x128xf32> to vector<1x128x128xf32>
    tpu.vector_store %arg8[%swap3A_382, %swap3A_383, %swap3A_384], %swap3A_387 {strides = array<i32>} : memref<4x128x128xf32, #tpu.memory_space<vmem>>, vector<1x128x128xf32>,
    %reduce_max3A_388 = vector.shape_cast %min3A_381 : vector<128x128xf32> to vector<1x128x128xf32>
    %reduce_max3A_389 = arith.constant dense<0xFF800000> : vector<1xf32>
    %reduce_max3A_390 = vector.multi_reduction <maximumf>, %reduce_max3A_388, %reduce_max3A_389 [1, 2] : vector<1x128x128xf32> to vector<1xf32>
    %reduce_max3A_391 = vector.shape_cast %reduce_max3A_390 : vector<1xf32> to vector<1x1x1xf32>
    %reduce_max3A_392 = vector.extract %reduce_max3A_391[0, 0, 0] : f32 from vector<1x1x1xf32>
    %broadcast_in_dim3A_393 = vector.broadcast %reduce_max3A_392 : f32 to vector<1x1xf32>
    %eq3A_394 = vector.broadcast %broadcast_in_dim3A_393 : vector<1x1xf32> to vector<128x128xf32>
    %eq3A_395 = arith.cmpf oeq, %min3A_381, %eq3A_394 : vector<128x128xf32>
    %jit3A_396 = arith.constant 1073741824 : i32
    %broadcast_in_dim3A_397 = vector.broadcast %jit3A_396 : i32 to vector<128x128xi32>
    %select_n3A_398 = arith.select %eq3A_395, %add3A, %broadcast_in_dim3A_397 : vector<128x128xi1>, vector<128x128xi32>
    %reduce_min3A_399 = vector.shape_cast %select_n3A_398 : vector<128x128xi32> to vector<1x128x128xi32>
    %reduce_min3A_400 = arith.constant dense<2147483647> : vector<1xi32>
    %reduce_min3A_401 = vector.multi_reduction <minsi>, %reduce_min3A_399, %reduce_min3A_400 [1, 2] : vector<1x128x128xi32> to vector<1xi32>
    %reduce_min3A_402 = vector.shape_cast %reduce_min3A_401 : vector<1xi32> to vector<1x1x1xi32>
    %reduce_min3A_403 = vector.extract %reduce_min3A_402[0, 0, 0] : i32 from vector<1x1x1xi32>
    %broadcast_in_dim3A_404 = vector.broadcast %reduce_min3A_403 : i32 to vector<1x1xi32>
    %eq3A_405 = vector.broadcast %broadcast_in_dim3A_404 : vector<1x1xi32> to vector<128x128xi32>
    %eq3A_406 = arith.cmpi eq, %add3A, %eq3A_405 : vector<128x128xi32>
    %swap3A_407 = arith.constant 0 : index
    %swap3A_408 = arith.constant 3 : index
    %swap3A_409 = vector.load %arg9[%swap3A_407, %swap3A_408] : memref<1x4xi32, #tpu.memory_space<vmem>>, vector<1x1xi32>
    tpu.vector_store %arg9[%swap3A_407, %swap3A_408], %broadcast_in_dim3A_404 {strides = array<i32>} : memref<1x4xi32, #tpu.memory_space<vmem>>, vector<1x1xi32>,
    %jit3A_410 = arith.constant 0.000000e+00 : f32
    %broadcast_in_dim3A_411 = vector.broadcast %jit3A_410 : f32 to vector<128x128xf32>
    %select_n3A_412 = arith.select %eq3A_406, %get3A_345, %broadcast_in_dim3A_411 : vector<128x128xi1>, vector<128x128xf32>
    %reduce_sum3A_413 = vector.shape_cast %select_n3A_412 : vector<128x128xf32> to vector<1x128x128xf32>
    %reduce_sum3A_414 = arith.constant dense<0.000000e+00> : vector<1xf32>
    %reduce_sum3A_415 = vector.multi_reduction <add>, %reduce_sum3A_413, %reduce_sum3A_414 [1, 2] : vector<1x128x128xf32> to vector<1xf32>
    %reduce_sum3A_416 = vector.shape_cast %reduce_sum3A_415 : vector<1xf32> to vector<1x1x1xf32>
    %reduce_sum3A_417 = vector.extract %reduce_sum3A_416[0, 0, 0] : f32 from vector<1x1x1xf32>
    %broadcast_in_dim3A_418 = vector.broadcast %reduce_sum3A_417 : f32 to vector<1x1xf32>
    %swap3A_419 = arith.constant 0 : index
    %swap3A_420 = arith.constant 3 : index
    %swap3A_421 = vector.load %arg10[%swap3A_419, %swap3A_420] : memref<3x4xf32, #tpu.memory_space<vmem>>, vector<1x1xf32>
    tpu.vector_store %arg10[%swap3A_419, %swap3A_420], %broadcast_in_dim3A_418 {strides = array<i32>} : memref<3x4xf32, #tpu.memory_space<vmem>>, vector<1x1xf32>,
    %jit3A_422 = arith.constant 0.000000e+00 : f32
    %broadcast_in_dim3A_423 = vector.broadcast %jit3A_422 : f32 to vector<128x128xf32>
    %select_n3A_424 = arith.select %eq3A_406, %get3A_350, %broadcast_in_dim3A_423 : vector<128x128xi1>, vector<128x128xf32>
    %reduce_sum3A_425 = vector.shape_cast %select_n3A_424 : vector<128x128xf32> to vector<1x128x128xf32>
    %reduce_sum3A_426 = arith.constant dense<0.000000e+00> : vector<1xf32>
    %reduce_sum3A_427 = vector.multi_reduction <add>, %reduce_sum3A_425, %reduce_sum3A_426 [1, 2] : vector<1x128x128xf32> to vector<1xf32>
    %reduce_sum3A_428 = vector.shape_cast %reduce_sum3A_427 : vector<1xf32> to vector<1x1x1xf32>
    %reduce_sum3A_429 = vector.extract %reduce_sum3A_428[0, 0, 0] : f32 from vector<1x1x1xf32>
    %broadcast_in_dim3A_430 = vector.broadcast %reduce_sum3A_429 : f32 to vector<1x1xf32>
    %swap3A_431 = arith.constant 1 : index
    %swap3A_432 = arith.constant 3 : index
    %swap3A_433 = vector.load %arg10[%swap3A_431, %swap3A_432] : memref<3x4xf32, #tpu.memory_space<vmem>>, vector<1x1xf32>
    tpu.vector_store %arg10[%swap3A_431, %swap3A_432], %broadcast_in_dim3A_430 {strides = array<i32>} : memref<3x4xf32, #tpu.memory_space<vmem>>, vector<1x1xf32>,
    %jit3A_434 = arith.constant 0.000000e+00 : f32
    %broadcast_in_dim3A_435 = vector.broadcast %jit3A_434 : f32 to vector<128x128xf32>
    %select_n3A_436 = arith.select %eq3A_406, %get3A_355, %broadcast_in_dim3A_435 : vector<128x128xi1>, vector<128x128xf32>
    %reduce_sum3A_437 = vector.shape_cast %select_n3A_436 : vector<128x128xf32> to vector<1x128x128xf32>
    %reduce_sum3A_438 = arith.constant dense<0.000000e+00> : vector<1xf32>
    %reduce_sum3A_439 = vector.multi_reduction <add>, %reduce_sum3A_437, %reduce_sum3A_438 [1, 2] : vector<1x128x128xf32> to vector<1xf32>
    %reduce_sum3A_440 = vector.shape_cast %reduce_sum3A_439 : vector<1xf32> to vector<1x1x1xf32>
    %reduce_sum3A_441 = vector.extract %reduce_sum3A_440[0, 0, 0] : f32 from vector<1x1x1xf32>
    %broadcast_in_dim3A_442 = vector.broadcast %reduce_sum3A_441 : f32 to vector<1x1xf32>
    %swap3A_443 = arith.constant 2 : index
    %swap3A_444 = arith.constant 3 : index
    %swap3A_445 = vector.load %arg10[%swap3A_443, %swap3A_444] : memref<3x4xf32, #tpu.memory_space<vmem>>, vector<1x1xf32>
    tpu.vector_store %arg10[%swap3A_443, %swap3A_444], %broadcast_in_dim3A_442 {strides = array<i32>} : memref<3x4xf32, #tpu.memory_space<vmem>>, vector<1x1xf32>,
    return
  }
  func.func @transform_0(%arg0: i32) -> (i32, i32, i32) {
    %c0_i32 = arith.constant 0 : i32
    %c0_i32_0 = arith.constant 0 : i32
    %c0_i32_1 = arith.constant 0 : i32
    %c0_i32_2 = arith.constant 0 : i32
    return %c0_i32, %c0_i32_0, %c0_i32_1 : i32, i32, i32
  }
  func.func @transform_1(%arg0: i32) -> (i32, i32, i32) {
    %c0_i32 = arith.constant 0 : i32
    %c0_i32_0 = arith.constant 0 : i32
    %c0_i32_1 = arith.constant 0 : i32
    %c0_i32_2 = arith.constant 0 : i32
    return %c0_i32, %c0_i32_0, %c0_i32_1 : i32, i32, i32
  }
  func.func @transform_2(%arg0: i32) -> (i32, i32, i32) {
    %c0_i32 = arith.constant 0 : i32
    %c0_i32_0 = arith.constant 0 : i32
    %c0_i32_1 = arith.constant 0 : i32
    %c0_i32_2 = arith.constant 0 : i32
    return %c0_i32, %c0_i32_0, %c0_i32_1 : i32, i32, i32
  }
  func.func @transform_3(%arg0: i32) -> (i32, i32, i32) {
    %c0_i32 = arith.constant 0 : i32
    %c0_i32_0 = arith.constant 0 : i32
    %c0_i32_1 = arith.constant 0 : i32
    return %arg0, %c0_i32, %c0_i32_0 : i32, i32, i32
  }
  func.func @transform_4(%arg0: i32) -> (i32, i32, i32) {
    %c0_i32 = arith.constant 0 : i32
    %c0_i32_0 = arith.constant 0 : i32
    %c0_i32_1 = arith.constant 0 : i32
    return %arg0, %c0_i32, %c0_i32_0 : i32, i32, i32
  }
  func.func @transform_5(%arg0: i32) -> (i32, i32, i32) {
    %c0_i32 = arith.constant 0 : i32
    %c0_i32_0 = arith.constant 0 : i32
    %c0_i32_1 = arith.constant 0 : i32
    return %arg0, %c0_i32, %c0_i32_0 : i32, i32, i32
  }
  func.func @transform_6(%arg0: i32) -> (i32, i32, i32) {
    %c0_i32 = arith.constant 0 : i32
    %c0_i32_0 = arith.constant 0 : i32
    %c0_i32_1 = arith.constant 0 : i32
    return %arg0, %c0_i32, %c0_i32_0 : i32, i32, i32
  }
}

module attributes {stable_mosaic.version = 14 : i64} {
  func.func @_knn_body(%arg0: i32, %arg1: i32, %arg2: memref<1x128x128xf32, #tpu.memory_space<vmem>>, %arg3: memref<1x1x128x3xf32, #tpu.memory_space<vmem>>, %arg4: memref<1x128x1024xf32, #tpu.memory_space<vmem>>, %arg5: memref<1x8x128xf32, #tpu.memory_space<vmem>>, %arg6: memref<1x8x128xf32, #tpu.memory_space<vmem>>, %arg7: memref<1x8x128xf32, #tpu.memory_space<vmem>>, %arg8: memref<1x32x8x128xi32, #tpu.memory_space<vmem>>, %arg9: memref<32x8x128xf32, #tpu.memory_space<vmem>>, %arg10: memref<32x8x128xi32, #tpu.memory_space<vmem>>, %arg11: memref<128x8x128xf32, #tpu.memory_space<vmem>>) attributes {dimension_semantics = [#tpu.dimension_semantics<arbitrary>, #tpu.dimension_semantics<arbitrary>], iteration_bounds = array<i64: 4, 128>, scalar_prefetch = 0 : i64, scratch_operands = 3 : i64, tpu.core_type = #tpu.core_type<tc>, window_params = [{transform_indices = @transform_0, window_bounds = array<i64: 1, 128, 128>}, {transform_indices = @transform_1, window_bounds = array<i64: 1, 1, 128, 3>}, {transform_indices = @transform_2, window_bounds = array<i64: 1, 128, 1024>}, {transform_indices = @transform_3, window_bounds = array<i64: 1, 8, 128>}, {transform_indices = @transform_4, window_bounds = array<i64: 1, 8, 128>}, {transform_indices = @transform_5, window_bounds = array<i64: 1, 8, 128>}, {transform_indices = @transform_6, window_bounds = array<i64: 1, 32, 8, 128>}]} {
    %eq3A = arith.constant 0 : i32
    %eq3A_0 = arith.cmpi eq, %arg1, %eq3A : i32
    %convert_element_type3A = arith.extui %eq3A_0 : i1 to i32
    %cond3A = arith.constant 0 : i32
    %cond3A_1 = arith.cmpi ne, %convert_element_type3A, %cond3A : i32
    scf.if %cond3A_1 {
      %broadcast_in_dim3A = arith.constant 3.000000e+38 : f32
      %broadcast_in_dim3A_180 = vector.broadcast %broadcast_in_dim3A : f32 to vector<8x128xf32>
      %swap3A_181 = arith.constant 0 : index
      %swap3A_182 = arith.constant 0 : index
      %swap3A_183 = arith.constant 0 : index
      %swap3A_184 = vector.load %arg9[%swap3A_181, %swap3A_182, %swap3A_183] : memref<32x8x128xf32, #tpu.memory_space<vmem>>, vector<1x8x128xf32>
      %swap3A_185 = vector.shape_cast %swap3A_184 : vector<1x8x128xf32> to vector<8x128xf32>
      %swap3A_186 = vector.shape_cast %broadcast_in_dim3A_180 : vector<8x128xf32> to vector<1x8x128xf32>
      tpu.vector_store %arg9[%swap3A_181, %swap3A_182, %swap3A_183], %swap3A_186 {strides = array<i32>} : memref<32x8x128xf32, #tpu.memory_space<vmem>>, vector<1x8x128xf32>,
      %broadcast_in_dim3A_187 = arith.constant 0 : i32
      %broadcast_in_dim3A_188 = vector.broadcast %broadcast_in_dim3A_187 : i32 to vector<8x128xi32>
      %swap3A_189 = arith.constant 0 : index
      %swap3A_190 = arith.constant 0 : index
      %swap3A_191 = arith.constant 0 : index
      %swap3A_192 = vector.load %arg10[%swap3A_189, %swap3A_190, %swap3A_191] : memref<32x8x128xi32, #tpu.memory_space<vmem>>, vector<1x8x128xi32>
      %swap3A_193 = vector.shape_cast %swap3A_192 : vector<1x8x128xi32> to vector<8x128xi32>
      %swap3A_194 = vector.shape_cast %broadcast_in_dim3A_188 : vector<8x128xi32> to vector<1x8x128xi32>
      tpu.vector_store %arg10[%swap3A_189, %swap3A_190, %swap3A_191], %swap3A_194 {strides = array<i32>} : memref<32x8x128xi32, #tpu.memory_space<vmem>>, vector<1x8x128xi32>,
      %broadcast_in_dim3A_195 = arith.constant 3.000000e+38 : f32
      %broadcast_in_dim3A_196 = vector.broadcast %broadcast_in_dim3A_195 : f32 to vector<8x128xf32>
      %swap3A_197 = arith.constant 1 : index
      %swap3A_198 = arith.constant 0 : index
      %swap3A_199 = arith.constant 0 : index
      %swap3A_200 = vector.load %arg9[%swap3A_197, %swap3A_198, %swap3A_199] : memref<32x8x128xf32, #tpu.memory_space<vmem>>, vector<1x8x128xf32>
      %swap3A_201 = vector.shape_cast %swap3A_200 : vector<1x8x128xf32> to vector<8x128xf32>
      %swap3A_202 = vector.shape_cast %broadcast_in_dim3A_196 : vector<8x128xf32> to vector<1x8x128xf32>
      tpu.vector_store %arg9[%swap3A_197, %swap3A_198, %swap3A_199], %swap3A_202 {strides = array<i32>} : memref<32x8x128xf32, #tpu.memory_space<vmem>>, vector<1x8x128xf32>,
      %broadcast_in_dim3A_203 = arith.constant 0 : i32
      %broadcast_in_dim3A_204 = vector.broadcast %broadcast_in_dim3A_203 : i32 to vector<8x128xi32>
      %swap3A_205 = arith.constant 1 : index
      %swap3A_206 = arith.constant 0 : index
      %swap3A_207 = arith.constant 0 : index
      %swap3A_208 = vector.load %arg10[%swap3A_205, %swap3A_206, %swap3A_207] : memref<32x8x128xi32, #tpu.memory_space<vmem>>, vector<1x8x128xi32>
      %swap3A_209 = vector.shape_cast %swap3A_208 : vector<1x8x128xi32> to vector<8x128xi32>
      %swap3A_210 = vector.shape_cast %broadcast_in_dim3A_204 : vector<8x128xi32> to vector<1x8x128xi32>
      tpu.vector_store %arg10[%swap3A_205, %swap3A_206, %swap3A_207], %swap3A_210 {strides = array<i32>} : memref<32x8x128xi32, #tpu.memory_space<vmem>>, vector<1x8x128xi32>,
      %broadcast_in_dim3A_211 = arith.constant 3.000000e+38 : f32
      %broadcast_in_dim3A_212 = vector.broadcast %broadcast_in_dim3A_211 : f32 to vector<8x128xf32>
      %swap3A_213 = arith.constant 2 : index
      %swap3A_214 = arith.constant 0 : index
      %swap3A_215 = arith.constant 0 : index
      %swap3A_216 = vector.load %arg9[%swap3A_213, %swap3A_214, %swap3A_215] : memref<32x8x128xf32, #tpu.memory_space<vmem>>, vector<1x8x128xf32>
      %swap3A_217 = vector.shape_cast %swap3A_216 : vector<1x8x128xf32> to vector<8x128xf32>
      %swap3A_218 = vector.shape_cast %broadcast_in_dim3A_212 : vector<8x128xf32> to vector<1x8x128xf32>
      tpu.vector_store %arg9[%swap3A_213, %swap3A_214, %swap3A_215], %swap3A_218 {strides = array<i32>} : memref<32x8x128xf32, #tpu.memory_space<vmem>>, vector<1x8x128xf32>,
      %broadcast_in_dim3A_219 = arith.constant 0 : i32
      %broadcast_in_dim3A_220 = vector.broadcast %broadcast_in_dim3A_219 : i32 to vector<8x128xi32>
      %swap3A_221 = arith.constant 2 : index
      %swap3A_222 = arith.constant 0 : index
      %swap3A_223 = arith.constant 0 : index
      %swap3A_224 = vector.load %arg10[%swap3A_221, %swap3A_222, %swap3A_223] : memref<32x8x128xi32, #tpu.memory_space<vmem>>, vector<1x8x128xi32>
      %swap3A_225 = vector.shape_cast %swap3A_224 : vector<1x8x128xi32> to vector<8x128xi32>
      %swap3A_226 = vector.shape_cast %broadcast_in_dim3A_220 : vector<8x128xi32> to vector<1x8x128xi32>
      tpu.vector_store %arg10[%swap3A_221, %swap3A_222, %swap3A_223], %swap3A_226 {strides = array<i32>} : memref<32x8x128xi32, #tpu.memory_space<vmem>>, vector<1x8x128xi32>,
      %broadcast_in_dim3A_227 = arith.constant 3.000000e+38 : f32
      %broadcast_in_dim3A_228 = vector.broadcast %broadcast_in_dim3A_227 : f32 to vector<8x128xf32>
      %swap3A_229 = arith.constant 3 : index
      %swap3A_230 = arith.constant 0 : index
      %swap3A_231 = arith.constant 0 : index
      %swap3A_232 = vector.load %arg9[%swap3A_229, %swap3A_230, %swap3A_231] : memref<32x8x128xf32, #tpu.memory_space<vmem>>, vector<1x8x128xf32>
      %swap3A_233 = vector.shape_cast %swap3A_232 : vector<1x8x128xf32> to vector<8x128xf32>
      %swap3A_234 = vector.shape_cast %broadcast_in_dim3A_228 : vector<8x128xf32> to vector<1x8x128xf32>
      tpu.vector_store %arg9[%swap3A_229, %swap3A_230, %swap3A_231], %swap3A_234 {strides = array<i32>} : memref<32x8x128xf32, #tpu.memory_space<vmem>>, vector<1x8x128xf32>,
      %broadcast_in_dim3A_235 = arith.constant 0 : i32
      %broadcast_in_dim3A_236 = vector.broadcast %broadcast_in_dim3A_235 : i32 to vector<8x128xi32>
      %swap3A_237 = arith.constant 3 : index
      %swap3A_238 = arith.constant 0 : index
      %swap3A_239 = arith.constant 0 : index
      %swap3A_240 = vector.load %arg10[%swap3A_237, %swap3A_238, %swap3A_239] : memref<32x8x128xi32, #tpu.memory_space<vmem>>, vector<1x8x128xi32>
      %swap3A_241 = vector.shape_cast %swap3A_240 : vector<1x8x128xi32> to vector<8x128xi32>
      %swap3A_242 = vector.shape_cast %broadcast_in_dim3A_236 : vector<8x128xi32> to vector<1x8x128xi32>
      tpu.vector_store %arg10[%swap3A_237, %swap3A_238, %swap3A_239], %swap3A_242 {strides = array<i32>} : memref<32x8x128xi32, #tpu.memory_space<vmem>>, vector<1x8x128xi32>,
      %broadcast_in_dim3A_243 = arith.constant 3.000000e+38 : f32
      %broadcast_in_dim3A_244 = vector.broadcast %broadcast_in_dim3A_243 : f32 to vector<8x128xf32>
      %swap3A_245 = arith.constant 4 : index
      %swap3A_246 = arith.constant 0 : index
      %swap3A_247 = arith.constant 0 : index
      %swap3A_248 = vector.load %arg9[%swap3A_245, %swap3A_246, %swap3A_247] : memref<32x8x128xf32, #tpu.memory_space<vmem>>, vector<1x8x128xf32>
      %swap3A_249 = vector.shape_cast %swap3A_248 : vector<1x8x128xf32> to vector<8x128xf32>
      %swap3A_250 = vector.shape_cast %broadcast_in_dim3A_244 : vector<8x128xf32> to vector<1x8x128xf32>
      tpu.vector_store %arg9[%swap3A_245, %swap3A_246, %swap3A_247], %swap3A_250 {strides = array<i32>} : memref<32x8x128xf32, #tpu.memory_space<vmem>>, vector<1x8x128xf32>,
      %broadcast_in_dim3A_251 = arith.constant 0 : i32
      %broadcast_in_dim3A_252 = vector.broadcast %broadcast_in_dim3A_251 : i32 to vector<8x128xi32>
      %swap3A_253 = arith.constant 4 : index
      %swap3A_254 = arith.constant 0 : index
      %swap3A_255 = arith.constant 0 : index
      %swap3A_256 = vector.load %arg10[%swap3A_253, %swap3A_254, %swap3A_255] : memref<32x8x128xi32, #tpu.memory_space<vmem>>, vector<1x8x128xi32>
      %swap3A_257 = vector.shape_cast %swap3A_256 : vector<1x8x128xi32> to vector<8x128xi32>
      %swap3A_258 = vector.shape_cast %broadcast_in_dim3A_252 : vector<8x128xi32> to vector<1x8x128xi32>
      tpu.vector_store %arg10[%swap3A_253, %swap3A_254, %swap3A_255], %swap3A_258 {strides = array<i32>} : memref<32x8x128xi32, #tpu.memory_space<vmem>>, vector<1x8x128xi32>,
      %broadcast_in_dim3A_259 = arith.constant 3.000000e+38 : f32
      %broadcast_in_dim3A_260 = vector.broadcast %broadcast_in_dim3A_259 : f32 to vector<8x128xf32>
      %swap3A_261 = arith.constant 5 : index
      %swap3A_262 = arith.constant 0 : index
      %swap3A_263 = arith.constant 0 : index
      %swap3A_264 = vector.load %arg9[%swap3A_261, %swap3A_262, %swap3A_263] : memref<32x8x128xf32, #tpu.memory_space<vmem>>, vector<1x8x128xf32>
      %swap3A_265 = vector.shape_cast %swap3A_264 : vector<1x8x128xf32> to vector<8x128xf32>
      %swap3A_266 = vector.shape_cast %broadcast_in_dim3A_260 : vector<8x128xf32> to vector<1x8x128xf32>
      tpu.vector_store %arg9[%swap3A_261, %swap3A_262, %swap3A_263], %swap3A_266 {strides = array<i32>} : memref<32x8x128xf32, #tpu.memory_space<vmem>>, vector<1x8x128xf32>,
      %broadcast_in_dim3A_267 = arith.constant 0 : i32
      %broadcast_in_dim3A_268 = vector.broadcast %broadcast_in_dim3A_267 : i32 to vector<8x128xi32>
      %swap3A_269 = arith.constant 5 : index
      %swap3A_270 = arith.constant 0 : index
      %swap3A_271 = arith.constant 0 : index
      %swap3A_272 = vector.load %arg10[%swap3A_269, %swap3A_270, %swap3A_271] : memref<32x8x128xi32, #tpu.memory_space<vmem>>, vector<1x8x128xi32>
      %swap3A_273 = vector.shape_cast %swap3A_272 : vector<1x8x128xi32> to vector<8x128xi32>
      %swap3A_274 = vector.shape_cast %broadcast_in_dim3A_268 : vector<8x128xi32> to vector<1x8x128xi32>
      tpu.vector_store %arg10[%swap3A_269, %swap3A_270, %swap3A_271], %swap3A_274 {strides = array<i32>} : memref<32x8x128xi32, #tpu.memory_space<vmem>>, vector<1x8x128xi32>,
      %broadcast_in_dim3A_275 = arith.constant 3.000000e+38 : f32
      %broadcast_in_dim3A_276 = vector.broadcast %broadcast_in_dim3A_275 : f32 to vector<8x128xf32>
      %swap3A_277 = arith.constant 6 : index
      %swap3A_278 = arith.constant 0 : index
      %swap3A_279 = arith.constant 0 : index
      %swap3A_280 = vector.load %arg9[%swap3A_277, %swap3A_278, %swap3A_279] : memref<32x8x128xf32, #tpu.memory_space<vmem>>, vector<1x8x128xf32>
      %swap3A_281 = vector.shape_cast %swap3A_280 : vector<1x8x128xf32> to vector<8x128xf32>
      %swap3A_282 = vector.shape_cast %broadcast_in_dim3A_276 : vector<8x128xf32> to vector<1x8x128xf32>
      tpu.vector_store %arg9[%swap3A_277, %swap3A_278, %swap3A_279], %swap3A_282 {strides = array<i32>} : memref<32x8x128xf32, #tpu.memory_space<vmem>>, vector<1x8x128xf32>,
      %broadcast_in_dim3A_283 = arith.constant 0 : i32
      %broadcast_in_dim3A_284 = vector.broadcast %broadcast_in_dim3A_283 : i32 to vector<8x128xi32>
      %swap3A_285 = arith.constant 6 : index
      %swap3A_286 = arith.constant 0 : index
      %swap3A_287 = arith.constant 0 : index
      %swap3A_288 = vector.load %arg10[%swap3A_285, %swap3A_286, %swap3A_287] : memref<32x8x128xi32, #tpu.memory_space<vmem>>, vector<1x8x128xi32>
      %swap3A_289 = vector.shape_cast %swap3A_288 : vector<1x8x128xi32> to vector<8x128xi32>
      %swap3A_290 = vector.shape_cast %broadcast_in_dim3A_284 : vector<8x128xi32> to vector<1x8x128xi32>
      tpu.vector_store %arg10[%swap3A_285, %swap3A_286, %swap3A_287], %swap3A_290 {strides = array<i32>} : memref<32x8x128xi32, #tpu.memory_space<vmem>>, vector<1x8x128xi32>,
      %broadcast_in_dim3A_291 = arith.constant 3.000000e+38 : f32
      %broadcast_in_dim3A_292 = vector.broadcast %broadcast_in_dim3A_291 : f32 to vector<8x128xf32>
      %swap3A_293 = arith.constant 7 : index
      %swap3A_294 = arith.constant 0 : index
      %swap3A_295 = arith.constant 0 : index
      %swap3A_296 = vector.load %arg9[%swap3A_293, %swap3A_294, %swap3A_295] : memref<32x8x128xf32, #tpu.memory_space<vmem>>, vector<1x8x128xf32>
      %swap3A_297 = vector.shape_cast %swap3A_296 : vector<1x8x128xf32> to vector<8x128xf32>
      %swap3A_298 = vector.shape_cast %broadcast_in_dim3A_292 : vector<8x128xf32> to vector<1x8x128xf32>
      tpu.vector_store %arg9[%swap3A_293, %swap3A_294, %swap3A_295], %swap3A_298 {strides = array<i32>} : memref<32x8x128xf32, #tpu.memory_space<vmem>>, vector<1x8x128xf32>,
      %broadcast_in_dim3A_299 = arith.constant 0 : i32
      %broadcast_in_dim3A_300 = vector.broadcast %broadcast_in_dim3A_299 : i32 to vector<8x128xi32>
      %swap3A_301 = arith.constant 7 : index
      %swap3A_302 = arith.constant 0 : index
      %swap3A_303 = arith.constant 0 : index
      %swap3A_304 = vector.load %arg10[%swap3A_301, %swap3A_302, %swap3A_303] : memref<32x8x128xi32, #tpu.memory_space<vmem>>, vector<1x8x128xi32>
      %swap3A_305 = vector.shape_cast %swap3A_304 : vector<1x8x128xi32> to vector<8x128xi32>
      %swap3A_306 = vector.shape_cast %broadcast_in_dim3A_300 : vector<8x128xi32> to vector<1x8x128xi32>
      tpu.vector_store %arg10[%swap3A_301, %swap3A_302, %swap3A_303], %swap3A_306 {strides = array<i32>} : memref<32x8x128xi32, #tpu.memory_space<vmem>>, vector<1x8x128xi32>,
      %broadcast_in_dim3A_307 = arith.constant 3.000000e+38 : f32
      %broadcast_in_dim3A_308 = vector.broadcast %broadcast_in_dim3A_307 : f32 to vector<8x128xf32>
      %swap3A_309 = arith.constant 8 : index
      %swap3A_310 = arith.constant 0 : index
      %swap3A_311 = arith.constant 0 : index
      %swap3A_312 = vector.load %arg9[%swap3A_309, %swap3A_310, %swap3A_311] : memref<32x8x128xf32, #tpu.memory_space<vmem>>, vector<1x8x128xf32>
      %swap3A_313 = vector.shape_cast %swap3A_312 : vector<1x8x128xf32> to vector<8x128xf32>
      %swap3A_314 = vector.shape_cast %broadcast_in_dim3A_308 : vector<8x128xf32> to vector<1x8x128xf32>
      tpu.vector_store %arg9[%swap3A_309, %swap3A_310, %swap3A_311], %swap3A_314 {strides = array<i32>} : memref<32x8x128xf32, #tpu.memory_space<vmem>>, vector<1x8x128xf32>,
      %broadcast_in_dim3A_315 = arith.constant 0 : i32
      %broadcast_in_dim3A_316 = vector.broadcast %broadcast_in_dim3A_315 : i32 to vector<8x128xi32>
      %swap3A_317 = arith.constant 8 : index
      %swap3A_318 = arith.constant 0 : index
      %swap3A_319 = arith.constant 0 : index
      %swap3A_320 = vector.load %arg10[%swap3A_317, %swap3A_318, %swap3A_319] : memref<32x8x128xi32, #tpu.memory_space<vmem>>, vector<1x8x128xi32>
      %swap3A_321 = vector.shape_cast %swap3A_320 : vector<1x8x128xi32> to vector<8x128xi32>
      %swap3A_322 = vector.shape_cast %broadcast_in_dim3A_316 : vector<8x128xi32> to vector<1x8x128xi32>
      tpu.vector_store %arg10[%swap3A_317, %swap3A_318, %swap3A_319], %swap3A_322 {strides = array<i32>} : memref<32x8x128xi32, #tpu.memory_space<vmem>>, vector<1x8x128xi32>,
      %broadcast_in_dim3A_323 = arith.constant 3.000000e+38 : f32
      %broadcast_in_dim3A_324 = vector.broadcast %broadcast_in_dim3A_323 : f32 to vector<8x128xf32>
      %swap3A_325 = arith.constant 9 : index
      %swap3A_326 = arith.constant 0 : index
      %swap3A_327 = arith.constant 0 : index
      %swap3A_328 = vector.load %arg9[%swap3A_325, %swap3A_326, %swap3A_327] : memref<32x8x128xf32, #tpu.memory_space<vmem>>, vector<1x8x128xf32>
      %swap3A_329 = vector.shape_cast %swap3A_328 : vector<1x8x128xf32> to vector<8x128xf32>
      %swap3A_330 = vector.shape_cast %broadcast_in_dim3A_324 : vector<8x128xf32> to vector<1x8x128xf32>
      tpu.vector_store %arg9[%swap3A_325, %swap3A_326, %swap3A_327], %swap3A_330 {strides = array<i32>} : memref<32x8x128xf32, #tpu.memory_space<vmem>>, vector<1x8x128xf32>,
      %broadcast_in_dim3A_331 = arith.constant 0 : i32
      %broadcast_in_dim3A_332 = vector.broadcast %broadcast_in_dim3A_331 : i32 to vector<8x128xi32>
      %swap3A_333 = arith.constant 9 : index
      %swap3A_334 = arith.constant 0 : index
      %swap3A_335 = arith.constant 0 : index
      %swap3A_336 = vector.load %arg10[%swap3A_333, %swap3A_334, %swap3A_335] : memref<32x8x128xi32, #tpu.memory_space<vmem>>, vector<1x8x128xi32>
      %swap3A_337 = vector.shape_cast %swap3A_336 : vector<1x8x128xi32> to vector<8x128xi32>
      %swap3A_338 = vector.shape_cast %broadcast_in_dim3A_332 : vector<8x128xi32> to vector<1x8x128xi32>
      tpu.vector_store %arg10[%swap3A_333, %swap3A_334, %swap3A_335], %swap3A_338 {strides = array<i32>} : memref<32x8x128xi32, #tpu.memory_space<vmem>>, vector<1x8x128xi32>,
      %broadcast_in_dim3A_339 = arith.constant 3.000000e+38 : f32
      %broadcast_in_dim3A_340 = vector.broadcast %broadcast_in_dim3A_339 : f32 to vector<8x128xf32>
      %swap3A_341 = arith.constant 10 : index
      %swap3A_342 = arith.constant 0 : index
      %swap3A_343 = arith.constant 0 : index
      %swap3A_344 = vector.load %arg9[%swap3A_341, %swap3A_342, %swap3A_343] : memref<32x8x128xf32, #tpu.memory_space<vmem>>, vector<1x8x128xf32>
      %swap3A_345 = vector.shape_cast %swap3A_344 : vector<1x8x128xf32> to vector<8x128xf32>
      %swap3A_346 = vector.shape_cast %broadcast_in_dim3A_340 : vector<8x128xf32> to vector<1x8x128xf32>
      tpu.vector_store %arg9[%swap3A_341, %swap3A_342, %swap3A_343], %swap3A_346 {strides = array<i32>} : memref<32x8x128xf32, #tpu.memory_space<vmem>>, vector<1x8x128xf32>,
      %broadcast_in_dim3A_347 = arith.constant 0 : i32
      %broadcast_in_dim3A_348 = vector.broadcast %broadcast_in_dim3A_347 : i32 to vector<8x128xi32>
      %swap3A_349 = arith.constant 10 : index
      %swap3A_350 = arith.constant 0 : index
      %swap3A_351 = arith.constant 0 : index
      %swap3A_352 = vector.load %arg10[%swap3A_349, %swap3A_350, %swap3A_351] : memref<32x8x128xi32, #tpu.memory_space<vmem>>, vector<1x8x128xi32>
      %swap3A_353 = vector.shape_cast %swap3A_352 : vector<1x8x128xi32> to vector<8x128xi32>
      %swap3A_354 = vector.shape_cast %broadcast_in_dim3A_348 : vector<8x128xi32> to vector<1x8x128xi32>
      tpu.vector_store %arg10[%swap3A_349, %swap3A_350, %swap3A_351], %swap3A_354 {strides = array<i32>} : memref<32x8x128xi32, #tpu.memory_space<vmem>>, vector<1x8x128xi32>,
      %broadcast_in_dim3A_355 = arith.constant 3.000000e+38 : f32
      %broadcast_in_dim3A_356 = vector.broadcast %broadcast_in_dim3A_355 : f32 to vector<8x128xf32>
      %swap3A_357 = arith.constant 11 : index
      %swap3A_358 = arith.constant 0 : index
      %swap3A_359 = arith.constant 0 : index
      %swap3A_360 = vector.load %arg9[%swap3A_357, %swap3A_358, %swap3A_359] : memref<32x8x128xf32, #tpu.memory_space<vmem>>, vector<1x8x128xf32>
      %swap3A_361 = vector.shape_cast %swap3A_360 : vector<1x8x128xf32> to vector<8x128xf32>
      %swap3A_362 = vector.shape_cast %broadcast_in_dim3A_356 : vector<8x128xf32> to vector<1x8x128xf32>
      tpu.vector_store %arg9[%swap3A_357, %swap3A_358, %swap3A_359], %swap3A_362 {strides = array<i32>} : memref<32x8x128xf32, #tpu.memory_space<vmem>>, vector<1x8x128xf32>,
      %broadcast_in_dim3A_363 = arith.constant 0 : i32
      %broadcast_in_dim3A_364 = vector.broadcast %broadcast_in_dim3A_363 : i32 to vector<8x128xi32>
      %swap3A_365 = arith.constant 11 : index
      %swap3A_366 = arith.constant 0 : index
      %swap3A_367 = arith.constant 0 : index
      %swap3A_368 = vector.load %arg10[%swap3A_365, %swap3A_366, %swap3A_367] : memref<32x8x128xi32, #tpu.memory_space<vmem>>, vector<1x8x128xi32>
      %swap3A_369 = vector.shape_cast %swap3A_368 : vector<1x8x128xi32> to vector<8x128xi32>
      %swap3A_370 = vector.shape_cast %broadcast_in_dim3A_364 : vector<8x128xi32> to vector<1x8x128xi32>
      tpu.vector_store %arg10[%swap3A_365, %swap3A_366, %swap3A_367], %swap3A_370 {strides = array<i32>} : memref<32x8x128xi32, #tpu.memory_space<vmem>>, vector<1x8x128xi32>,
      %broadcast_in_dim3A_371 = arith.constant 3.000000e+38 : f32
      %broadcast_in_dim3A_372 = vector.broadcast %broadcast_in_dim3A_371 : f32 to vector<8x128xf32>
      %swap3A_373 = arith.constant 12 : index
      %swap3A_374 = arith.constant 0 : index
      %swap3A_375 = arith.constant 0 : index
      %swap3A_376 = vector.load %arg9[%swap3A_373, %swap3A_374, %swap3A_375] : memref<32x8x128xf32, #tpu.memory_space<vmem>>, vector<1x8x128xf32>
      %swap3A_377 = vector.shape_cast %swap3A_376 : vector<1x8x128xf32> to vector<8x128xf32>
      %swap3A_378 = vector.shape_cast %broadcast_in_dim3A_372 : vector<8x128xf32> to vector<1x8x128xf32>
      tpu.vector_store %arg9[%swap3A_373, %swap3A_374, %swap3A_375], %swap3A_378 {strides = array<i32>} : memref<32x8x128xf32, #tpu.memory_space<vmem>>, vector<1x8x128xf32>,
      %broadcast_in_dim3A_379 = arith.constant 0 : i32
      %broadcast_in_dim3A_380 = vector.broadcast %broadcast_in_dim3A_379 : i32 to vector<8x128xi32>
      %swap3A_381 = arith.constant 12 : index
      %swap3A_382 = arith.constant 0 : index
      %swap3A_383 = arith.constant 0 : index
      %swap3A_384 = vector.load %arg10[%swap3A_381, %swap3A_382, %swap3A_383] : memref<32x8x128xi32, #tpu.memory_space<vmem>>, vector<1x8x128xi32>
      %swap3A_385 = vector.shape_cast %swap3A_384 : vector<1x8x128xi32> to vector<8x128xi32>
      %swap3A_386 = vector.shape_cast %broadcast_in_dim3A_380 : vector<8x128xi32> to vector<1x8x128xi32>
      tpu.vector_store %arg10[%swap3A_381, %swap3A_382, %swap3A_383], %swap3A_386 {strides = array<i32>} : memref<32x8x128xi32, #tpu.memory_space<vmem>>, vector<1x8x128xi32>,
      %broadcast_in_dim3A_387 = arith.constant 3.000000e+38 : f32
      %broadcast_in_dim3A_388 = vector.broadcast %broadcast_in_dim3A_387 : f32 to vector<8x128xf32>
      %swap3A_389 = arith.constant 13 : index
      %swap3A_390 = arith.constant 0 : index
      %swap3A_391 = arith.constant 0 : index
      %swap3A_392 = vector.load %arg9[%swap3A_389, %swap3A_390, %swap3A_391] : memref<32x8x128xf32, #tpu.memory_space<vmem>>, vector<1x8x128xf32>
      %swap3A_393 = vector.shape_cast %swap3A_392 : vector<1x8x128xf32> to vector<8x128xf32>
      %swap3A_394 = vector.shape_cast %broadcast_in_dim3A_388 : vector<8x128xf32> to vector<1x8x128xf32>
      tpu.vector_store %arg9[%swap3A_389, %swap3A_390, %swap3A_391], %swap3A_394 {strides = array<i32>} : memref<32x8x128xf32, #tpu.memory_space<vmem>>, vector<1x8x128xf32>,
      %broadcast_in_dim3A_395 = arith.constant 0 : i32
      %broadcast_in_dim3A_396 = vector.broadcast %broadcast_in_dim3A_395 : i32 to vector<8x128xi32>
      %swap3A_397 = arith.constant 13 : index
      %swap3A_398 = arith.constant 0 : index
      %swap3A_399 = arith.constant 0 : index
      %swap3A_400 = vector.load %arg10[%swap3A_397, %swap3A_398, %swap3A_399] : memref<32x8x128xi32, #tpu.memory_space<vmem>>, vector<1x8x128xi32>
      %swap3A_401 = vector.shape_cast %swap3A_400 : vector<1x8x128xi32> to vector<8x128xi32>
      %swap3A_402 = vector.shape_cast %broadcast_in_dim3A_396 : vector<8x128xi32> to vector<1x8x128xi32>
      tpu.vector_store %arg10[%swap3A_397, %swap3A_398, %swap3A_399], %swap3A_402 {strides = array<i32>} : memref<32x8x128xi32, #tpu.memory_space<vmem>>, vector<1x8x128xi32>,
      %broadcast_in_dim3A_403 = arith.constant 3.000000e+38 : f32
      %broadcast_in_dim3A_404 = vector.broadcast %broadcast_in_dim3A_403 : f32 to vector<8x128xf32>
      %swap3A_405 = arith.constant 14 : index
      %swap3A_406 = arith.constant 0 : index
      %swap3A_407 = arith.constant 0 : index
      %swap3A_408 = vector.load %arg9[%swap3A_405, %swap3A_406, %swap3A_407] : memref<32x8x128xf32, #tpu.memory_space<vmem>>, vector<1x8x128xf32>
      %swap3A_409 = vector.shape_cast %swap3A_408 : vector<1x8x128xf32> to vector<8x128xf32>
      %swap3A_410 = vector.shape_cast %broadcast_in_dim3A_404 : vector<8x128xf32> to vector<1x8x128xf32>
      tpu.vector_store %arg9[%swap3A_405, %swap3A_406, %swap3A_407], %swap3A_410 {strides = array<i32>} : memref<32x8x128xf32, #tpu.memory_space<vmem>>, vector<1x8x128xf32>,
      %broadcast_in_dim3A_411 = arith.constant 0 : i32
      %broadcast_in_dim3A_412 = vector.broadcast %broadcast_in_dim3A_411 : i32 to vector<8x128xi32>
      %swap3A_413 = arith.constant 14 : index
      %swap3A_414 = arith.constant 0 : index
      %swap3A_415 = arith.constant 0 : index
      %swap3A_416 = vector.load %arg10[%swap3A_413, %swap3A_414, %swap3A_415] : memref<32x8x128xi32, #tpu.memory_space<vmem>>, vector<1x8x128xi32>
      %swap3A_417 = vector.shape_cast %swap3A_416 : vector<1x8x128xi32> to vector<8x128xi32>
      %swap3A_418 = vector.shape_cast %broadcast_in_dim3A_412 : vector<8x128xi32> to vector<1x8x128xi32>
      tpu.vector_store %arg10[%swap3A_413, %swap3A_414, %swap3A_415], %swap3A_418 {strides = array<i32>} : memref<32x8x128xi32, #tpu.memory_space<vmem>>, vector<1x8x128xi32>,
      %broadcast_in_dim3A_419 = arith.constant 3.000000e+38 : f32
      %broadcast_in_dim3A_420 = vector.broadcast %broadcast_in_dim3A_419 : f32 to vector<8x128xf32>
      %swap3A_421 = arith.constant 15 : index
      %swap3A_422 = arith.constant 0 : index
      %swap3A_423 = arith.constant 0 : index
      %swap3A_424 = vector.load %arg9[%swap3A_421, %swap3A_422, %swap3A_423] : memref<32x8x128xf32, #tpu.memory_space<vmem>>, vector<1x8x128xf32>
      %swap3A_425 = vector.shape_cast %swap3A_424 : vector<1x8x128xf32> to vector<8x128xf32>
      %swap3A_426 = vector.shape_cast %broadcast_in_dim3A_420 : vector<8x128xf32> to vector<1x8x128xf32>
      tpu.vector_store %arg9[%swap3A_421, %swap3A_422, %swap3A_423], %swap3A_426 {strides = array<i32>} : memref<32x8x128xf32, #tpu.memory_space<vmem>>, vector<1x8x128xf32>,
      %broadcast_in_dim3A_427 = arith.constant 0 : i32
      %broadcast_in_dim3A_428 = vector.broadcast %broadcast_in_dim3A_427 : i32 to vector<8x128xi32>
      %swap3A_429 = arith.constant 15 : index
      %swap3A_430 = arith.constant 0 : index
      %swap3A_431 = arith.constant 0 : index
      %swap3A_432 = vector.load %arg10[%swap3A_429, %swap3A_430, %swap3A_431] : memref<32x8x128xi32, #tpu.memory_space<vmem>>, vector<1x8x128xi32>
      %swap3A_433 = vector.shape_cast %swap3A_432 : vector<1x8x128xi32> to vector<8x128xi32>
      %swap3A_434 = vector.shape_cast %broadcast_in_dim3A_428 : vector<8x128xi32> to vector<1x8x128xi32>
      tpu.vector_store %arg10[%swap3A_429, %swap3A_430, %swap3A_431], %swap3A_434 {strides = array<i32>} : memref<32x8x128xi32, #tpu.memory_space<vmem>>, vector<1x8x128xi32>,
      %broadcast_in_dim3A_435 = arith.constant 3.000000e+38 : f32
      %broadcast_in_dim3A_436 = vector.broadcast %broadcast_in_dim3A_435 : f32 to vector<8x128xf32>
      %swap3A_437 = arith.constant 16 : index
      %swap3A_438 = arith.constant 0 : index
      %swap3A_439 = arith.constant 0 : index
      %swap3A_440 = vector.load %arg9[%swap3A_437, %swap3A_438, %swap3A_439] : memref<32x8x128xf32, #tpu.memory_space<vmem>>, vector<1x8x128xf32>
      %swap3A_441 = vector.shape_cast %swap3A_440 : vector<1x8x128xf32> to vector<8x128xf32>
      %swap3A_442 = vector.shape_cast %broadcast_in_dim3A_436 : vector<8x128xf32> to vector<1x8x128xf32>
      tpu.vector_store %arg9[%swap3A_437, %swap3A_438, %swap3A_439], %swap3A_442 {strides = array<i32>} : memref<32x8x128xf32, #tpu.memory_space<vmem>>, vector<1x8x128xf32>,
      %broadcast_in_dim3A_443 = arith.constant 0 : i32
      %broadcast_in_dim3A_444 = vector.broadcast %broadcast_in_dim3A_443 : i32 to vector<8x128xi32>
      %swap3A_445 = arith.constant 16 : index
      %swap3A_446 = arith.constant 0 : index
      %swap3A_447 = arith.constant 0 : index
      %swap3A_448 = vector.load %arg10[%swap3A_445, %swap3A_446, %swap3A_447] : memref<32x8x128xi32, #tpu.memory_space<vmem>>, vector<1x8x128xi32>
      %swap3A_449 = vector.shape_cast %swap3A_448 : vector<1x8x128xi32> to vector<8x128xi32>
      %swap3A_450 = vector.shape_cast %broadcast_in_dim3A_444 : vector<8x128xi32> to vector<1x8x128xi32>
      tpu.vector_store %arg10[%swap3A_445, %swap3A_446, %swap3A_447], %swap3A_450 {strides = array<i32>} : memref<32x8x128xi32, #tpu.memory_space<vmem>>, vector<1x8x128xi32>,
      %broadcast_in_dim3A_451 = arith.constant 3.000000e+38 : f32
      %broadcast_in_dim3A_452 = vector.broadcast %broadcast_in_dim3A_451 : f32 to vector<8x128xf32>
      %swap3A_453 = arith.constant 17 : index
      %swap3A_454 = arith.constant 0 : index
      %swap3A_455 = arith.constant 0 : index
      %swap3A_456 = vector.load %arg9[%swap3A_453, %swap3A_454, %swap3A_455] : memref<32x8x128xf32, #tpu.memory_space<vmem>>, vector<1x8x128xf32>
      %swap3A_457 = vector.shape_cast %swap3A_456 : vector<1x8x128xf32> to vector<8x128xf32>
      %swap3A_458 = vector.shape_cast %broadcast_in_dim3A_452 : vector<8x128xf32> to vector<1x8x128xf32>
      tpu.vector_store %arg9[%swap3A_453, %swap3A_454, %swap3A_455], %swap3A_458 {strides = array<i32>} : memref<32x8x128xf32, #tpu.memory_space<vmem>>, vector<1x8x128xf32>,
      %broadcast_in_dim3A_459 = arith.constant 0 : i32
      %broadcast_in_dim3A_460 = vector.broadcast %broadcast_in_dim3A_459 : i32 to vector<8x128xi32>
      %swap3A_461 = arith.constant 17 : index
      %swap3A_462 = arith.constant 0 : index
      %swap3A_463 = arith.constant 0 : index
      %swap3A_464 = vector.load %arg10[%swap3A_461, %swap3A_462, %swap3A_463] : memref<32x8x128xi32, #tpu.memory_space<vmem>>, vector<1x8x128xi32>
      %swap3A_465 = vector.shape_cast %swap3A_464 : vector<1x8x128xi32> to vector<8x128xi32>
      %swap3A_466 = vector.shape_cast %broadcast_in_dim3A_460 : vector<8x128xi32> to vector<1x8x128xi32>
      tpu.vector_store %arg10[%swap3A_461, %swap3A_462, %swap3A_463], %swap3A_466 {strides = array<i32>} : memref<32x8x128xi32, #tpu.memory_space<vmem>>, vector<1x8x128xi32>,
      %broadcast_in_dim3A_467 = arith.constant 3.000000e+38 : f32
      %broadcast_in_dim3A_468 = vector.broadcast %broadcast_in_dim3A_467 : f32 to vector<8x128xf32>
      %swap3A_469 = arith.constant 18 : index
      %swap3A_470 = arith.constant 0 : index
      %swap3A_471 = arith.constant 0 : index
      %swap3A_472 = vector.load %arg9[%swap3A_469, %swap3A_470, %swap3A_471] : memref<32x8x128xf32, #tpu.memory_space<vmem>>, vector<1x8x128xf32>
      %swap3A_473 = vector.shape_cast %swap3A_472 : vector<1x8x128xf32> to vector<8x128xf32>
      %swap3A_474 = vector.shape_cast %broadcast_in_dim3A_468 : vector<8x128xf32> to vector<1x8x128xf32>
      tpu.vector_store %arg9[%swap3A_469, %swap3A_470, %swap3A_471], %swap3A_474 {strides = array<i32>} : memref<32x8x128xf32, #tpu.memory_space<vmem>>, vector<1x8x128xf32>,
      %broadcast_in_dim3A_475 = arith.constant 0 : i32
      %broadcast_in_dim3A_476 = vector.broadcast %broadcast_in_dim3A_475 : i32 to vector<8x128xi32>
      %swap3A_477 = arith.constant 18 : index
      %swap3A_478 = arith.constant 0 : index
      %swap3A_479 = arith.constant 0 : index
      %swap3A_480 = vector.load %arg10[%swap3A_477, %swap3A_478, %swap3A_479] : memref<32x8x128xi32, #tpu.memory_space<vmem>>, vector<1x8x128xi32>
      %swap3A_481 = vector.shape_cast %swap3A_480 : vector<1x8x128xi32> to vector<8x128xi32>
      %swap3A_482 = vector.shape_cast %broadcast_in_dim3A_476 : vector<8x128xi32> to vector<1x8x128xi32>
      tpu.vector_store %arg10[%swap3A_477, %swap3A_478, %swap3A_479], %swap3A_482 {strides = array<i32>} : memref<32x8x128xi32, #tpu.memory_space<vmem>>, vector<1x8x128xi32>,
      %broadcast_in_dim3A_483 = arith.constant 3.000000e+38 : f32
      %broadcast_in_dim3A_484 = vector.broadcast %broadcast_in_dim3A_483 : f32 to vector<8x128xf32>
      %swap3A_485 = arith.constant 19 : index
      %swap3A_486 = arith.constant 0 : index
      %swap3A_487 = arith.constant 0 : index
      %swap3A_488 = vector.load %arg9[%swap3A_485, %swap3A_486, %swap3A_487] : memref<32x8x128xf32, #tpu.memory_space<vmem>>, vector<1x8x128xf32>
      %swap3A_489 = vector.shape_cast %swap3A_488 : vector<1x8x128xf32> to vector<8x128xf32>
      %swap3A_490 = vector.shape_cast %broadcast_in_dim3A_484 : vector<8x128xf32> to vector<1x8x128xf32>
      tpu.vector_store %arg9[%swap3A_485, %swap3A_486, %swap3A_487], %swap3A_490 {strides = array<i32>} : memref<32x8x128xf32, #tpu.memory_space<vmem>>, vector<1x8x128xf32>,
      %broadcast_in_dim3A_491 = arith.constant 0 : i32
      %broadcast_in_dim3A_492 = vector.broadcast %broadcast_in_dim3A_491 : i32 to vector<8x128xi32>
      %swap3A_493 = arith.constant 19 : index
      %swap3A_494 = arith.constant 0 : index
      %swap3A_495 = arith.constant 0 : index
      %swap3A_496 = vector.load %arg10[%swap3A_493, %swap3A_494, %swap3A_495] : memref<32x8x128xi32, #tpu.memory_space<vmem>>, vector<1x8x128xi32>
      %swap3A_497 = vector.shape_cast %swap3A_496 : vector<1x8x128xi32> to vector<8x128xi32>
      %swap3A_498 = vector.shape_cast %broadcast_in_dim3A_492 : vector<8x128xi32> to vector<1x8x128xi32>
      tpu.vector_store %arg10[%swap3A_493, %swap3A_494, %swap3A_495], %swap3A_498 {strides = array<i32>} : memref<32x8x128xi32, #tpu.memory_space<vmem>>, vector<1x8x128xi32>,
      %broadcast_in_dim3A_499 = arith.constant 3.000000e+38 : f32
      %broadcast_in_dim3A_500 = vector.broadcast %broadcast_in_dim3A_499 : f32 to vector<8x128xf32>
      %swap3A_501 = arith.constant 20 : index
      %swap3A_502 = arith.constant 0 : index
      %swap3A_503 = arith.constant 0 : index
      %swap3A_504 = vector.load %arg9[%swap3A_501, %swap3A_502, %swap3A_503] : memref<32x8x128xf32, #tpu.memory_space<vmem>>, vector<1x8x128xf32>
      %swap3A_505 = vector.shape_cast %swap3A_504 : vector<1x8x128xf32> to vector<8x128xf32>
      %swap3A_506 = vector.shape_cast %broadcast_in_dim3A_500 : vector<8x128xf32> to vector<1x8x128xf32>
      tpu.vector_store %arg9[%swap3A_501, %swap3A_502, %swap3A_503], %swap3A_506 {strides = array<i32>} : memref<32x8x128xf32, #tpu.memory_space<vmem>>, vector<1x8x128xf32>,
      %broadcast_in_dim3A_507 = arith.constant 0 : i32
      %broadcast_in_dim3A_508 = vector.broadcast %broadcast_in_dim3A_507 : i32 to vector<8x128xi32>
      %swap3A_509 = arith.constant 20 : index
      %swap3A_510 = arith.constant 0 : index
      %swap3A_511 = arith.constant 0 : index
      %swap3A_512 = vector.load %arg10[%swap3A_509, %swap3A_510, %swap3A_511] : memref<32x8x128xi32, #tpu.memory_space<vmem>>, vector<1x8x128xi32>
      %swap3A_513 = vector.shape_cast %swap3A_512 : vector<1x8x128xi32> to vector<8x128xi32>
      %swap3A_514 = vector.shape_cast %broadcast_in_dim3A_508 : vector<8x128xi32> to vector<1x8x128xi32>
      tpu.vector_store %arg10[%swap3A_509, %swap3A_510, %swap3A_511], %swap3A_514 {strides = array<i32>} : memref<32x8x128xi32, #tpu.memory_space<vmem>>, vector<1x8x128xi32>,
      %broadcast_in_dim3A_515 = arith.constant 3.000000e+38 : f32
      %broadcast_in_dim3A_516 = vector.broadcast %broadcast_in_dim3A_515 : f32 to vector<8x128xf32>
      %swap3A_517 = arith.constant 21 : index
      %swap3A_518 = arith.constant 0 : index
      %swap3A_519 = arith.constant 0 : index
      %swap3A_520 = vector.load %arg9[%swap3A_517, %swap3A_518, %swap3A_519] : memref<32x8x128xf32, #tpu.memory_space<vmem>>, vector<1x8x128xf32>
      %swap3A_521 = vector.shape_cast %swap3A_520 : vector<1x8x128xf32> to vector<8x128xf32>
      %swap3A_522 = vector.shape_cast %broadcast_in_dim3A_516 : vector<8x128xf32> to vector<1x8x128xf32>
      tpu.vector_store %arg9[%swap3A_517, %swap3A_518, %swap3A_519], %swap3A_522 {strides = array<i32>} : memref<32x8x128xf32, #tpu.memory_space<vmem>>, vector<1x8x128xf32>,
      %broadcast_in_dim3A_523 = arith.constant 0 : i32
      %broadcast_in_dim3A_524 = vector.broadcast %broadcast_in_dim3A_523 : i32 to vector<8x128xi32>
      %swap3A_525 = arith.constant 21 : index
      %swap3A_526 = arith.constant 0 : index
      %swap3A_527 = arith.constant 0 : index
      %swap3A_528 = vector.load %arg10[%swap3A_525, %swap3A_526, %swap3A_527] : memref<32x8x128xi32, #tpu.memory_space<vmem>>, vector<1x8x128xi32>
      %swap3A_529 = vector.shape_cast %swap3A_528 : vector<1x8x128xi32> to vector<8x128xi32>
      %swap3A_530 = vector.shape_cast %broadcast_in_dim3A_524 : vector<8x128xi32> to vector<1x8x128xi32>
      tpu.vector_store %arg10[%swap3A_525, %swap3A_526, %swap3A_527], %swap3A_530 {strides = array<i32>} : memref<32x8x128xi32, #tpu.memory_space<vmem>>, vector<1x8x128xi32>,
      %broadcast_in_dim3A_531 = arith.constant 3.000000e+38 : f32
      %broadcast_in_dim3A_532 = vector.broadcast %broadcast_in_dim3A_531 : f32 to vector<8x128xf32>
      %swap3A_533 = arith.constant 22 : index
      %swap3A_534 = arith.constant 0 : index
      %swap3A_535 = arith.constant 0 : index
      %swap3A_536 = vector.load %arg9[%swap3A_533, %swap3A_534, %swap3A_535] : memref<32x8x128xf32, #tpu.memory_space<vmem>>, vector<1x8x128xf32>
      %swap3A_537 = vector.shape_cast %swap3A_536 : vector<1x8x128xf32> to vector<8x128xf32>
      %swap3A_538 = vector.shape_cast %broadcast_in_dim3A_532 : vector<8x128xf32> to vector<1x8x128xf32>
      tpu.vector_store %arg9[%swap3A_533, %swap3A_534, %swap3A_535], %swap3A_538 {strides = array<i32>} : memref<32x8x128xf32, #tpu.memory_space<vmem>>, vector<1x8x128xf32>,
      %broadcast_in_dim3A_539 = arith.constant 0 : i32
      %broadcast_in_dim3A_540 = vector.broadcast %broadcast_in_dim3A_539 : i32 to vector<8x128xi32>
      %swap3A_541 = arith.constant 22 : index
      %swap3A_542 = arith.constant 0 : index
      %swap3A_543 = arith.constant 0 : index
      %swap3A_544 = vector.load %arg10[%swap3A_541, %swap3A_542, %swap3A_543] : memref<32x8x128xi32, #tpu.memory_space<vmem>>, vector<1x8x128xi32>
      %swap3A_545 = vector.shape_cast %swap3A_544 : vector<1x8x128xi32> to vector<8x128xi32>
      %swap3A_546 = vector.shape_cast %broadcast_in_dim3A_540 : vector<8x128xi32> to vector<1x8x128xi32>
      tpu.vector_store %arg10[%swap3A_541, %swap3A_542, %swap3A_543], %swap3A_546 {strides = array<i32>} : memref<32x8x128xi32, #tpu.memory_space<vmem>>, vector<1x8x128xi32>,
      %broadcast_in_dim3A_547 = arith.constant 3.000000e+38 : f32
      %broadcast_in_dim3A_548 = vector.broadcast %broadcast_in_dim3A_547 : f32 to vector<8x128xf32>
      %swap3A_549 = arith.constant 23 : index
      %swap3A_550 = arith.constant 0 : index
      %swap3A_551 = arith.constant 0 : index
      %swap3A_552 = vector.load %arg9[%swap3A_549, %swap3A_550, %swap3A_551] : memref<32x8x128xf32, #tpu.memory_space<vmem>>, vector<1x8x128xf32>
      %swap3A_553 = vector.shape_cast %swap3A_552 : vector<1x8x128xf32> to vector<8x128xf32>
      %swap3A_554 = vector.shape_cast %broadcast_in_dim3A_548 : vector<8x128xf32> to vector<1x8x128xf32>
      tpu.vector_store %arg9[%swap3A_549, %swap3A_550, %swap3A_551], %swap3A_554 {strides = array<i32>} : memref<32x8x128xf32, #tpu.memory_space<vmem>>, vector<1x8x128xf32>,
      %broadcast_in_dim3A_555 = arith.constant 0 : i32
      %broadcast_in_dim3A_556 = vector.broadcast %broadcast_in_dim3A_555 : i32 to vector<8x128xi32>
      %swap3A_557 = arith.constant 23 : index
      %swap3A_558 = arith.constant 0 : index
      %swap3A_559 = arith.constant 0 : index
      %swap3A_560 = vector.load %arg10[%swap3A_557, %swap3A_558, %swap3A_559] : memref<32x8x128xi32, #tpu.memory_space<vmem>>, vector<1x8x128xi32>
      %swap3A_561 = vector.shape_cast %swap3A_560 : vector<1x8x128xi32> to vector<8x128xi32>
      %swap3A_562 = vector.shape_cast %broadcast_in_dim3A_556 : vector<8x128xi32> to vector<1x8x128xi32>
      tpu.vector_store %arg10[%swap3A_557, %swap3A_558, %swap3A_559], %swap3A_562 {strides = array<i32>} : memref<32x8x128xi32, #tpu.memory_space<vmem>>, vector<1x8x128xi32>,
      %broadcast_in_dim3A_563 = arith.constant 3.000000e+38 : f32
      %broadcast_in_dim3A_564 = vector.broadcast %broadcast_in_dim3A_563 : f32 to vector<8x128xf32>
      %swap3A_565 = arith.constant 24 : index
      %swap3A_566 = arith.constant 0 : index
      %swap3A_567 = arith.constant 0 : index
      %swap3A_568 = vector.load %arg9[%swap3A_565, %swap3A_566, %swap3A_567] : memref<32x8x128xf32, #tpu.memory_space<vmem>>, vector<1x8x128xf32>
      %swap3A_569 = vector.shape_cast %swap3A_568 : vector<1x8x128xf32> to vector<8x128xf32>
      %swap3A_570 = vector.shape_cast %broadcast_in_dim3A_564 : vector<8x128xf32> to vector<1x8x128xf32>
      tpu.vector_store %arg9[%swap3A_565, %swap3A_566, %swap3A_567], %swap3A_570 {strides = array<i32>} : memref<32x8x128xf32, #tpu.memory_space<vmem>>, vector<1x8x128xf32>,
      %broadcast_in_dim3A_571 = arith.constant 0 : i32
      %broadcast_in_dim3A_572 = vector.broadcast %broadcast_in_dim3A_571 : i32 to vector<8x128xi32>
      %swap3A_573 = arith.constant 24 : index
      %swap3A_574 = arith.constant 0 : index
      %swap3A_575 = arith.constant 0 : index
      %swap3A_576 = vector.load %arg10[%swap3A_573, %swap3A_574, %swap3A_575] : memref<32x8x128xi32, #tpu.memory_space<vmem>>, vector<1x8x128xi32>
      %swap3A_577 = vector.shape_cast %swap3A_576 : vector<1x8x128xi32> to vector<8x128xi32>
      %swap3A_578 = vector.shape_cast %broadcast_in_dim3A_572 : vector<8x128xi32> to vector<1x8x128xi32>
      tpu.vector_store %arg10[%swap3A_573, %swap3A_574, %swap3A_575], %swap3A_578 {strides = array<i32>} : memref<32x8x128xi32, #tpu.memory_space<vmem>>, vector<1x8x128xi32>,
      %broadcast_in_dim3A_579 = arith.constant 3.000000e+38 : f32
      %broadcast_in_dim3A_580 = vector.broadcast %broadcast_in_dim3A_579 : f32 to vector<8x128xf32>
      %swap3A_581 = arith.constant 25 : index
      %swap3A_582 = arith.constant 0 : index
      %swap3A_583 = arith.constant 0 : index
      %swap3A_584 = vector.load %arg9[%swap3A_581, %swap3A_582, %swap3A_583] : memref<32x8x128xf32, #tpu.memory_space<vmem>>, vector<1x8x128xf32>
      %swap3A_585 = vector.shape_cast %swap3A_584 : vector<1x8x128xf32> to vector<8x128xf32>
      %swap3A_586 = vector.shape_cast %broadcast_in_dim3A_580 : vector<8x128xf32> to vector<1x8x128xf32>
      tpu.vector_store %arg9[%swap3A_581, %swap3A_582, %swap3A_583], %swap3A_586 {strides = array<i32>} : memref<32x8x128xf32, #tpu.memory_space<vmem>>, vector<1x8x128xf32>,
      %broadcast_in_dim3A_587 = arith.constant 0 : i32
      %broadcast_in_dim3A_588 = vector.broadcast %broadcast_in_dim3A_587 : i32 to vector<8x128xi32>
      %swap3A_589 = arith.constant 25 : index
      %swap3A_590 = arith.constant 0 : index
      %swap3A_591 = arith.constant 0 : index
      %swap3A_592 = vector.load %arg10[%swap3A_589, %swap3A_590, %swap3A_591] : memref<32x8x128xi32, #tpu.memory_space<vmem>>, vector<1x8x128xi32>
      %swap3A_593 = vector.shape_cast %swap3A_592 : vector<1x8x128xi32> to vector<8x128xi32>
      %swap3A_594 = vector.shape_cast %broadcast_in_dim3A_588 : vector<8x128xi32> to vector<1x8x128xi32>
      tpu.vector_store %arg10[%swap3A_589, %swap3A_590, %swap3A_591], %swap3A_594 {strides = array<i32>} : memref<32x8x128xi32, #tpu.memory_space<vmem>>, vector<1x8x128xi32>,
      %broadcast_in_dim3A_595 = arith.constant 3.000000e+38 : f32
      %broadcast_in_dim3A_596 = vector.broadcast %broadcast_in_dim3A_595 : f32 to vector<8x128xf32>
      %swap3A_597 = arith.constant 26 : index
      %swap3A_598 = arith.constant 0 : index
      %swap3A_599 = arith.constant 0 : index
      %swap3A_600 = vector.load %arg9[%swap3A_597, %swap3A_598, %swap3A_599] : memref<32x8x128xf32, #tpu.memory_space<vmem>>, vector<1x8x128xf32>
      %swap3A_601 = vector.shape_cast %swap3A_600 : vector<1x8x128xf32> to vector<8x128xf32>
      %swap3A_602 = vector.shape_cast %broadcast_in_dim3A_596 : vector<8x128xf32> to vector<1x8x128xf32>
      tpu.vector_store %arg9[%swap3A_597, %swap3A_598, %swap3A_599], %swap3A_602 {strides = array<i32>} : memref<32x8x128xf32, #tpu.memory_space<vmem>>, vector<1x8x128xf32>,
      %broadcast_in_dim3A_603 = arith.constant 0 : i32
      %broadcast_in_dim3A_604 = vector.broadcast %broadcast_in_dim3A_603 : i32 to vector<8x128xi32>
      %swap3A_605 = arith.constant 26 : index
      %swap3A_606 = arith.constant 0 : index
      %swap3A_607 = arith.constant 0 : index
      %swap3A_608 = vector.load %arg10[%swap3A_605, %swap3A_606, %swap3A_607] : memref<32x8x128xi32, #tpu.memory_space<vmem>>, vector<1x8x128xi32>
      %swap3A_609 = vector.shape_cast %swap3A_608 : vector<1x8x128xi32> to vector<8x128xi32>
      %swap3A_610 = vector.shape_cast %broadcast_in_dim3A_604 : vector<8x128xi32> to vector<1x8x128xi32>
      tpu.vector_store %arg10[%swap3A_605, %swap3A_606, %swap3A_607], %swap3A_610 {strides = array<i32>} : memref<32x8x128xi32, #tpu.memory_space<vmem>>, vector<1x8x128xi32>,
      %broadcast_in_dim3A_611 = arith.constant 3.000000e+38 : f32
      %broadcast_in_dim3A_612 = vector.broadcast %broadcast_in_dim3A_611 : f32 to vector<8x128xf32>
      %swap3A_613 = arith.constant 27 : index
      %swap3A_614 = arith.constant 0 : index
      %swap3A_615 = arith.constant 0 : index
      %swap3A_616 = vector.load %arg9[%swap3A_613, %swap3A_614, %swap3A_615] : memref<32x8x128xf32, #tpu.memory_space<vmem>>, vector<1x8x128xf32>
      %swap3A_617 = vector.shape_cast %swap3A_616 : vector<1x8x128xf32> to vector<8x128xf32>
      %swap3A_618 = vector.shape_cast %broadcast_in_dim3A_612 : vector<8x128xf32> to vector<1x8x128xf32>
      tpu.vector_store %arg9[%swap3A_613, %swap3A_614, %swap3A_615], %swap3A_618 {strides = array<i32>} : memref<32x8x128xf32, #tpu.memory_space<vmem>>, vector<1x8x128xf32>,
      %broadcast_in_dim3A_619 = arith.constant 0 : i32
      %broadcast_in_dim3A_620 = vector.broadcast %broadcast_in_dim3A_619 : i32 to vector<8x128xi32>
      %swap3A_621 = arith.constant 27 : index
      %swap3A_622 = arith.constant 0 : index
      %swap3A_623 = arith.constant 0 : index
      %swap3A_624 = vector.load %arg10[%swap3A_621, %swap3A_622, %swap3A_623] : memref<32x8x128xi32, #tpu.memory_space<vmem>>, vector<1x8x128xi32>
      %swap3A_625 = vector.shape_cast %swap3A_624 : vector<1x8x128xi32> to vector<8x128xi32>
      %swap3A_626 = vector.shape_cast %broadcast_in_dim3A_620 : vector<8x128xi32> to vector<1x8x128xi32>
      tpu.vector_store %arg10[%swap3A_621, %swap3A_622, %swap3A_623], %swap3A_626 {strides = array<i32>} : memref<32x8x128xi32, #tpu.memory_space<vmem>>, vector<1x8x128xi32>,
      %broadcast_in_dim3A_627 = arith.constant 3.000000e+38 : f32
      %broadcast_in_dim3A_628 = vector.broadcast %broadcast_in_dim3A_627 : f32 to vector<8x128xf32>
      %swap3A_629 = arith.constant 28 : index
      %swap3A_630 = arith.constant 0 : index
      %swap3A_631 = arith.constant 0 : index
      %swap3A_632 = vector.load %arg9[%swap3A_629, %swap3A_630, %swap3A_631] : memref<32x8x128xf32, #tpu.memory_space<vmem>>, vector<1x8x128xf32>
      %swap3A_633 = vector.shape_cast %swap3A_632 : vector<1x8x128xf32> to vector<8x128xf32>
      %swap3A_634 = vector.shape_cast %broadcast_in_dim3A_628 : vector<8x128xf32> to vector<1x8x128xf32>
      tpu.vector_store %arg9[%swap3A_629, %swap3A_630, %swap3A_631], %swap3A_634 {strides = array<i32>} : memref<32x8x128xf32, #tpu.memory_space<vmem>>, vector<1x8x128xf32>,
      %broadcast_in_dim3A_635 = arith.constant 0 : i32
      %broadcast_in_dim3A_636 = vector.broadcast %broadcast_in_dim3A_635 : i32 to vector<8x128xi32>
      %swap3A_637 = arith.constant 28 : index
      %swap3A_638 = arith.constant 0 : index
      %swap3A_639 = arith.constant 0 : index
      %swap3A_640 = vector.load %arg10[%swap3A_637, %swap3A_638, %swap3A_639] : memref<32x8x128xi32, #tpu.memory_space<vmem>>, vector<1x8x128xi32>
      %swap3A_641 = vector.shape_cast %swap3A_640 : vector<1x8x128xi32> to vector<8x128xi32>
      %swap3A_642 = vector.shape_cast %broadcast_in_dim3A_636 : vector<8x128xi32> to vector<1x8x128xi32>
      tpu.vector_store %arg10[%swap3A_637, %swap3A_638, %swap3A_639], %swap3A_642 {strides = array<i32>} : memref<32x8x128xi32, #tpu.memory_space<vmem>>, vector<1x8x128xi32>,
      %broadcast_in_dim3A_643 = arith.constant 3.000000e+38 : f32
      %broadcast_in_dim3A_644 = vector.broadcast %broadcast_in_dim3A_643 : f32 to vector<8x128xf32>
      %swap3A_645 = arith.constant 29 : index
      %swap3A_646 = arith.constant 0 : index
      %swap3A_647 = arith.constant 0 : index
      %swap3A_648 = vector.load %arg9[%swap3A_645, %swap3A_646, %swap3A_647] : memref<32x8x128xf32, #tpu.memory_space<vmem>>, vector<1x8x128xf32>
      %swap3A_649 = vector.shape_cast %swap3A_648 : vector<1x8x128xf32> to vector<8x128xf32>
      %swap3A_650 = vector.shape_cast %broadcast_in_dim3A_644 : vector<8x128xf32> to vector<1x8x128xf32>
      tpu.vector_store %arg9[%swap3A_645, %swap3A_646, %swap3A_647], %swap3A_650 {strides = array<i32>} : memref<32x8x128xf32, #tpu.memory_space<vmem>>, vector<1x8x128xf32>,
      %broadcast_in_dim3A_651 = arith.constant 0 : i32
      %broadcast_in_dim3A_652 = vector.broadcast %broadcast_in_dim3A_651 : i32 to vector<8x128xi32>
      %swap3A_653 = arith.constant 29 : index
      %swap3A_654 = arith.constant 0 : index
      %swap3A_655 = arith.constant 0 : index
      %swap3A_656 = vector.load %arg10[%swap3A_653, %swap3A_654, %swap3A_655] : memref<32x8x128xi32, #tpu.memory_space<vmem>>, vector<1x8x128xi32>
      %swap3A_657 = vector.shape_cast %swap3A_656 : vector<1x8x128xi32> to vector<8x128xi32>
      %swap3A_658 = vector.shape_cast %broadcast_in_dim3A_652 : vector<8x128xi32> to vector<1x8x128xi32>
      tpu.vector_store %arg10[%swap3A_653, %swap3A_654, %swap3A_655], %swap3A_658 {strides = array<i32>} : memref<32x8x128xi32, #tpu.memory_space<vmem>>, vector<1x8x128xi32>,
      %broadcast_in_dim3A_659 = arith.constant 3.000000e+38 : f32
      %broadcast_in_dim3A_660 = vector.broadcast %broadcast_in_dim3A_659 : f32 to vector<8x128xf32>
      %swap3A_661 = arith.constant 30 : index
      %swap3A_662 = arith.constant 0 : index
      %swap3A_663 = arith.constant 0 : index
      %swap3A_664 = vector.load %arg9[%swap3A_661, %swap3A_662, %swap3A_663] : memref<32x8x128xf32, #tpu.memory_space<vmem>>, vector<1x8x128xf32>
      %swap3A_665 = vector.shape_cast %swap3A_664 : vector<1x8x128xf32> to vector<8x128xf32>
      %swap3A_666 = vector.shape_cast %broadcast_in_dim3A_660 : vector<8x128xf32> to vector<1x8x128xf32>
      tpu.vector_store %arg9[%swap3A_661, %swap3A_662, %swap3A_663], %swap3A_666 {strides = array<i32>} : memref<32x8x128xf32, #tpu.memory_space<vmem>>, vector<1x8x128xf32>,
      %broadcast_in_dim3A_667 = arith.constant 0 : i32
      %broadcast_in_dim3A_668 = vector.broadcast %broadcast_in_dim3A_667 : i32 to vector<8x128xi32>
      %swap3A_669 = arith.constant 30 : index
      %swap3A_670 = arith.constant 0 : index
      %swap3A_671 = arith.constant 0 : index
      %swap3A_672 = vector.load %arg10[%swap3A_669, %swap3A_670, %swap3A_671] : memref<32x8x128xi32, #tpu.memory_space<vmem>>, vector<1x8x128xi32>
      %swap3A_673 = vector.shape_cast %swap3A_672 : vector<1x8x128xi32> to vector<8x128xi32>
      %swap3A_674 = vector.shape_cast %broadcast_in_dim3A_668 : vector<8x128xi32> to vector<1x8x128xi32>
      tpu.vector_store %arg10[%swap3A_669, %swap3A_670, %swap3A_671], %swap3A_674 {strides = array<i32>} : memref<32x8x128xi32, #tpu.memory_space<vmem>>, vector<1x8x128xi32>,
      %broadcast_in_dim3A_675 = arith.constant 3.000000e+38 : f32
      %broadcast_in_dim3A_676 = vector.broadcast %broadcast_in_dim3A_675 : f32 to vector<8x128xf32>
      %swap3A_677 = arith.constant 31 : index
      %swap3A_678 = arith.constant 0 : index
      %swap3A_679 = arith.constant 0 : index
      %swap3A_680 = vector.load %arg9[%swap3A_677, %swap3A_678, %swap3A_679] : memref<32x8x128xf32, #tpu.memory_space<vmem>>, vector<1x8x128xf32>
      %swap3A_681 = vector.shape_cast %swap3A_680 : vector<1x8x128xf32> to vector<8x128xf32>
      %swap3A_682 = vector.shape_cast %broadcast_in_dim3A_676 : vector<8x128xf32> to vector<1x8x128xf32>
      tpu.vector_store %arg9[%swap3A_677, %swap3A_678, %swap3A_679], %swap3A_682 {strides = array<i32>} : memref<32x8x128xf32, #tpu.memory_space<vmem>>, vector<1x8x128xf32>,
      %broadcast_in_dim3A_683 = arith.constant 0 : i32
      %broadcast_in_dim3A_684 = vector.broadcast %broadcast_in_dim3A_683 : i32 to vector<8x128xi32>
      %swap3A_685 = arith.constant 31 : index
      %swap3A_686 = arith.constant 0 : index
      %swap3A_687 = arith.constant 0 : index
      %swap3A_688 = vector.load %arg10[%swap3A_685, %swap3A_686, %swap3A_687] : memref<32x8x128xi32, #tpu.memory_space<vmem>>, vector<1x8x128xi32>
      %swap3A_689 = vector.shape_cast %swap3A_688 : vector<1x8x128xi32> to vector<8x128xi32>
      %swap3A_690 = vector.shape_cast %broadcast_in_dim3A_684 : vector<8x128xi32> to vector<1x8x128xi32>
      tpu.vector_store %arg10[%swap3A_685, %swap3A_686, %swap3A_687], %swap3A_690 {strides = array<i32>} : memref<32x8x128xi32, #tpu.memory_space<vmem>>, vector<1x8x128xi32>,
    } else {
    }
    %get3A = arith.constant 0 : index
    %get3A_2 = arith.constant 0 : index
    %get3A_3 = arith.constant 0 : index
    %get3A_4 = vector.load %arg5[%get3A, %get3A_2, %get3A_3] : memref<1x8x128xf32, #tpu.memory_space<vmem>>, vector<1x8x128xf32>
    %get3A_5 = vector.shape_cast %get3A_4 : vector<1x8x128xf32> to vector<8x128xf32>
    %get3A_6 = arith.constant 0 : index
    %get3A_7 = arith.constant 0 : index
    %get3A_8 = arith.constant 0 : index
    %get3A_9 = vector.load %arg6[%get3A_6, %get3A_7, %get3A_8] : memref<1x8x128xf32, #tpu.memory_space<vmem>>, vector<1x8x128xf32>
    %get3A_10 = vector.shape_cast %get3A_9 : vector<1x8x128xf32> to vector<8x128xf32>
    %get3A_11 = arith.constant 0 : index
    %get3A_12 = arith.constant 0 : index
    %get3A_13 = arith.constant 0 : index
    %get3A_14 = vector.load %arg7[%get3A_11, %get3A_12, %get3A_13] : memref<1x8x128xf32, #tpu.memory_space<vmem>>, vector<1x8x128xf32>
    %get3A_15 = vector.shape_cast %get3A_14 : vector<1x8x128xf32> to vector<8x128xf32>
    %mul3A = arith.mulf %get3A_5, %get3A_5 : vector<8x128xf32>
    %mul3A_16 = arith.mulf %get3A_10, %get3A_10 : vector<8x128xf32>
    %add3A = arith.addf %mul3A, %mul3A_16 : vector<8x128xf32>
    %mul3A_17 = arith.mulf %get3A_15, %get3A_15 : vector<8x128xf32>
    %add3A_18 = arith.addf %add3A, %mul3A_17 : vector<8x128xf32>
    %get3A_19 = arith.constant 0 : index
    %get3A_20 = arith.constant 0 : index
    %get3A_21 = arith.constant 0 : index
    %get3A_22 = vector.load %arg2[%get3A_19, %get3A_20, %get3A_21] : memref<1x128x128xf32, #tpu.memory_space<vmem>>, vector<1x128x128xf32>
    %get3A_23 = vector.shape_cast %get3A_22 : vector<1x128x128xf32> to vector<128x128xf32>
    %convert_element_type3A_24 = arith.truncf %get3A_23 : vector<128x128xf32> to vector<128x128xbf16>
    %get3A_25 = arith.constant 0 : index
    %get3A_26 = arith.constant 0 : index
    %get3A_27 = arith.constant 0 : index
    %get3A_28 = vector.load %arg4[%get3A_25, %get3A_26, %get3A_27] : memref<1x128x1024xf32, #tpu.memory_space<vmem>>, vector<1x128x1024xf32>
    %get3A_29 = vector.shape_cast %get3A_28 : vector<1x128x1024xf32> to vector<128x1024xf32>
    %convert_element_type3A_30 = arith.truncf %get3A_29 : vector<128x1024xf32> to vector<128x1024xbf16>
    %get3A_31 = arith.constant 0 : index
    %get3A_32 = arith.constant 0 : index
    %get3A_33 = arith.constant 0 : index
    %get3A_34 = arith.constant 0 : index
    %get3A_35 = vector.load %arg3[%get3A_31, %get3A_32, %get3A_33, %get3A_34] : memref<1x1x128x3xf32, #tpu.memory_space<vmem>>, vector<1x1x128x3xf32>
    %get3A_36 = vector.shape_cast %get3A_35 : vector<1x1x128x3xf32> to vector<128x3xf32>
    %slice3A = vector.extract_strided_slice %get3A_36 {offsets = [0, 0], sizes = [128, 1], strides = [1, 1]} : vector<128x3xf32> to vector<128x1xf32>
    %slice3A_37 = vector.extract_strided_slice %get3A_36 {offsets = [0, 1], sizes = [128, 1], strides = [1, 1]} : vector<128x3xf32> to vector<128x1xf32>
    %slice3A_38 = vector.extract_strided_slice %get3A_36 {offsets = [0, 2], sizes = [128, 1], strides = [1, 1]} : vector<128x3xf32> to vector<128x1xf32>
    %mul3A_39 = arith.mulf %slice3A, %slice3A : vector<128x1xf32>
    %mul3A_40 = arith.mulf %slice3A_37, %slice3A_37 : vector<128x1xf32>
    %add3A_41 = arith.addf %mul3A_39, %mul3A_40 : vector<128x1xf32>
    %mul3A_42 = arith.mulf %slice3A_38, %slice3A_38 : vector<128x1xf32>
    %add3A_43 = arith.addf %add3A_41, %mul3A_42 : vector<128x1xf32>
    %slice3A_44 = vector.extract_strided_slice %convert_element_type3A_30 {offsets = [0, 0], sizes = [128, 128], strides = [1, 1]} : vector<128x1024xbf16> to vector<128x128xbf16>
    %dot_general3A = arith.constant dense<0.000000e+00> : vector<128x128xf32>
    %dot_general3A_45 = tpu.matmul %convert_element_type3A_24, %slice3A_44, %dot_general3A {dimension_numbers = #tpu.dot_dimension_numbers<[1], [0], [0], [1], [0, 0, 1, 1], [], []>, transpose_lhs_hint = false} : vector<128x128xbf16>, vector<128x128xbf16>, vector<128x128xf32> -> vector<128x128xf32>
    %mul3A_46 = arith.constant -2.000000e+00 : f32
    %mul3A_47 = vector.broadcast %mul3A_46 : f32 to vector<128x128xf32>
    %mul3A_48 = arith.mulf %mul3A_47, %dot_general3A_45 : vector<128x128xf32>
    %slice3A_49 = vector.extract_strided_slice %add3A_18 {offsets = [0, 0], sizes = [1, 128], strides = [1, 1]} : vector<8x128xf32> to vector<1x128xf32>
    %add3A_50 = vector.broadcast %slice3A_49 : vector<1x128xf32> to vector<128x128xf32>
    %add3A_51 = arith.addf %mul3A_48, %add3A_50 : vector<128x128xf32>
    %add3A_52 = vector.broadcast %add3A_43 : vector<128x1xf32> to vector<128x128xf32>
    %add3A_53 = arith.addf %add3A_51, %add3A_52 : vector<128x128xf32>
    %reshape3A = vector.shape_cast %add3A_53 : vector<128x128xf32> to vector<128x1x128xf32>
    %swap3A = arith.constant 0 : index
    %swap3A_54 = arith.constant 0 : index
    %swap3A_55 = arith.constant 0 : index
    %swap3A_56 = vector.load %arg11[%swap3A, %swap3A_54, %swap3A_55] : memref<128x8x128xf32, #tpu.memory_space<vmem>>, vector<128x1x128xf32>
    tpu.vector_store %arg11[%swap3A, %swap3A_54, %swap3A_55], %reshape3A {strides = array<i32>} : memref<128x8x128xf32, #tpu.memory_space<vmem>>, vector<128x1x128xf32>,
    %slice3A_57 = vector.extract_strided_slice %convert_element_type3A_30 {offsets = [0, 128], sizes = [128, 128], strides = [1, 1]} : vector<128x1024xbf16> to vector<128x128xbf16>
    %dot_general3A_58 = arith.constant dense<0.000000e+00> : vector<128x128xf32>
    %dot_general3A_59 = tpu.matmul %convert_element_type3A_24, %slice3A_57, %dot_general3A_58 {dimension_numbers = #tpu.dot_dimension_numbers<[1], [0], [0], [1], [0, 0, 1, 1], [], []>, transpose_lhs_hint = false} : vector<128x128xbf16>, vector<128x128xbf16>, vector<128x128xf32> -> vector<128x128xf32>
    %mul3A_60 = arith.constant -2.000000e+00 : f32
    %mul3A_61 = vector.broadcast %mul3A_60 : f32 to vector<128x128xf32>
    %mul3A_62 = arith.mulf %mul3A_61, %dot_general3A_59 : vector<128x128xf32>
    %slice3A_63 = vector.extract_strided_slice %add3A_18 {offsets = [1, 0], sizes = [1, 128], strides = [1, 1]} : vector<8x128xf32> to vector<1x128xf32>
    %add3A_64 = vector.broadcast %slice3A_63 : vector<1x128xf32> to vector<128x128xf32>
    %add3A_65 = arith.addf %mul3A_62, %add3A_64 : vector<128x128xf32>
    %add3A_66 = vector.broadcast %add3A_43 : vector<128x1xf32> to vector<128x128xf32>
    %add3A_67 = arith.addf %add3A_65, %add3A_66 : vector<128x128xf32>
    %reshape3A_68 = vector.shape_cast %add3A_67 : vector<128x128xf32> to vector<128x1x128xf32>
    %swap3A_69 = arith.constant 0 : index
    %swap3A_70 = arith.constant 1 : index
    %swap3A_71 = arith.constant 0 : index
    %swap3A_72 = vector.load %arg11[%swap3A_69, %swap3A_70, %swap3A_71] : memref<128x8x128xf32, #tpu.memory_space<vmem>>, vector<128x1x128xf32>
    tpu.vector_store %arg11[%swap3A_69, %swap3A_70, %swap3A_71], %reshape3A_68 {strides = array<i32>} : memref<128x8x128xf32, #tpu.memory_space<vmem>>, vector<128x1x128xf32>,
    %slice3A_73 = vector.extract_strided_slice %convert_element_type3A_30 {offsets = [0, 256], sizes = [128, 128], strides = [1, 1]} : vector<128x1024xbf16> to vector<128x128xbf16>
    %dot_general3A_74 = arith.constant dense<0.000000e+00> : vector<128x128xf32>
    %dot_general3A_75 = tpu.matmul %convert_element_type3A_24, %slice3A_73, %dot_general3A_74 {dimension_numbers = #tpu.dot_dimension_numbers<[1], [0], [0], [1], [0, 0, 1, 1], [], []>, transpose_lhs_hint = false} : vector<128x128xbf16>, vector<128x128xbf16>, vector<128x128xf32> -> vector<128x128xf32>
    %mul3A_76 = arith.constant -2.000000e+00 : f32
    %mul3A_77 = vector.broadcast %mul3A_76 : f32 to vector<128x128xf32>
    %mul3A_78 = arith.mulf %mul3A_77, %dot_general3A_75 : vector<128x128xf32>
    %slice3A_79 = vector.extract_strided_slice %add3A_18 {offsets = [2, 0], sizes = [1, 128], strides = [1, 1]} : vector<8x128xf32> to vector<1x128xf32>
    %add3A_80 = vector.broadcast %slice3A_79 : vector<1x128xf32> to vector<128x128xf32>
    %add3A_81 = arith.addf %mul3A_78, %add3A_80 : vector<128x128xf32>
    %add3A_82 = vector.broadcast %add3A_43 : vector<128x1xf32> to vector<128x128xf32>
    %add3A_83 = arith.addf %add3A_81, %add3A_82 : vector<128x128xf32>
    %reshape3A_84 = vector.shape_cast %add3A_83 : vector<128x128xf32> to vector<128x1x128xf32>
    %swap3A_85 = arith.constant 0 : index
    %swap3A_86 = arith.constant 2 : index
    %swap3A_87 = arith.constant 0 : index
    %swap3A_88 = vector.load %arg11[%swap3A_85, %swap3A_86, %swap3A_87] : memref<128x8x128xf32, #tpu.memory_space<vmem>>, vector<128x1x128xf32>
    tpu.vector_store %arg11[%swap3A_85, %swap3A_86, %swap3A_87], %reshape3A_84 {strides = array<i32>} : memref<128x8x128xf32, #tpu.memory_space<vmem>>, vector<128x1x128xf32>,
    %slice3A_89 = vector.extract_strided_slice %convert_element_type3A_30 {offsets = [0, 384], sizes = [128, 128], strides = [1, 1]} : vector<128x1024xbf16> to vector<128x128xbf16>
    %dot_general3A_90 = arith.constant dense<0.000000e+00> : vector<128x128xf32>
    %dot_general3A_91 = tpu.matmul %convert_element_type3A_24, %slice3A_89, %dot_general3A_90 {dimension_numbers = #tpu.dot_dimension_numbers<[1], [0], [0], [1], [0, 0, 1, 1], [], []>, transpose_lhs_hint = false} : vector<128x128xbf16>, vector<128x128xbf16>, vector<128x128xf32> -> vector<128x128xf32>
    %mul3A_92 = arith.constant -2.000000e+00 : f32
    %mul3A_93 = vector.broadcast %mul3A_92 : f32 to vector<128x128xf32>
    %mul3A_94 = arith.mulf %mul3A_93, %dot_general3A_91 : vector<128x128xf32>
    %slice3A_95 = vector.extract_strided_slice %add3A_18 {offsets = [3, 0], sizes = [1, 128], strides = [1, 1]} : vector<8x128xf32> to vector<1x128xf32>
    %add3A_96 = vector.broadcast %slice3A_95 : vector<1x128xf32> to vector<128x128xf32>
    %add3A_97 = arith.addf %mul3A_94, %add3A_96 : vector<128x128xf32>
    %add3A_98 = vector.broadcast %add3A_43 : vector<128x1xf32> to vector<128x128xf32>
    %add3A_99 = arith.addf %add3A_97, %add3A_98 : vector<128x128xf32>
    %reshape3A_100 = vector.shape_cast %add3A_99 : vector<128x128xf32> to vector<128x1x128xf32>
    %swap3A_101 = arith.constant 0 : index
    %swap3A_102 = arith.constant 3 : index
    %swap3A_103 = arith.constant 0 : index
    %swap3A_104 = vector.load %arg11[%swap3A_101, %swap3A_102, %swap3A_103] : memref<128x8x128xf32, #tpu.memory_space<vmem>>, vector<128x1x128xf32>
    tpu.vector_store %arg11[%swap3A_101, %swap3A_102, %swap3A_103], %reshape3A_100 {strides = array<i32>} : memref<128x8x128xf32, #tpu.memory_space<vmem>>, vector<128x1x128xf32>,
    %slice3A_105 = vector.extract_strided_slice %convert_element_type3A_30 {offsets = [0, 512], sizes = [128, 128], strides = [1, 1]} : vector<128x1024xbf16> to vector<128x128xbf16>
    %dot_general3A_106 = arith.constant dense<0.000000e+00> : vector<128x128xf32>
    %dot_general3A_107 = tpu.matmul %convert_element_type3A_24, %slice3A_105, %dot_general3A_106 {dimension_numbers = #tpu.dot_dimension_numbers<[1], [0], [0], [1], [0, 0, 1, 1], [], []>, transpose_lhs_hint = false} : vector<128x128xbf16>, vector<128x128xbf16>, vector<128x128xf32> -> vector<128x128xf32>
    %mul3A_108 = arith.constant -2.000000e+00 : f32
    %mul3A_109 = vector.broadcast %mul3A_108 : f32 to vector<128x128xf32>
    %mul3A_110 = arith.mulf %mul3A_109, %dot_general3A_107 : vector<128x128xf32>
    %slice3A_111 = vector.extract_strided_slice %add3A_18 {offsets = [4, 0], sizes = [1, 128], strides = [1, 1]} : vector<8x128xf32> to vector<1x128xf32>
    %add3A_112 = vector.broadcast %slice3A_111 : vector<1x128xf32> to vector<128x128xf32>
    %add3A_113 = arith.addf %mul3A_110, %add3A_112 : vector<128x128xf32>
    %add3A_114 = vector.broadcast %add3A_43 : vector<128x1xf32> to vector<128x128xf32>
    %add3A_115 = arith.addf %add3A_113, %add3A_114 : vector<128x128xf32>
    %reshape3A_116 = vector.shape_cast %add3A_115 : vector<128x128xf32> to vector<128x1x128xf32>
    %swap3A_117 = arith.constant 0 : index
    %swap3A_118 = arith.constant 4 : index
    %swap3A_119 = arith.constant 0 : index
    %swap3A_120 = vector.load %arg11[%swap3A_117, %swap3A_118, %swap3A_119] : memref<128x8x128xf32, #tpu.memory_space<vmem>>, vector<128x1x128xf32>
    tpu.vector_store %arg11[%swap3A_117, %swap3A_118, %swap3A_119], %reshape3A_116 {strides = array<i32>} : memref<128x8x128xf32, #tpu.memory_space<vmem>>, vector<128x1x128xf32>,
    %slice3A_121 = vector.extract_strided_slice %convert_element_type3A_30 {offsets = [0, 640], sizes = [128, 128], strides = [1, 1]} : vector<128x1024xbf16> to vector<128x128xbf16>
    %dot_general3A_122 = arith.constant dense<0.000000e+00> : vector<128x128xf32>
    %dot_general3A_123 = tpu.matmul %convert_element_type3A_24, %slice3A_121, %dot_general3A_122 {dimension_numbers = #tpu.dot_dimension_numbers<[1], [0], [0], [1], [0, 0, 1, 1], [], []>, transpose_lhs_hint = false} : vector<128x128xbf16>, vector<128x128xbf16>, vector<128x128xf32> -> vector<128x128xf32>
    %mul3A_124 = arith.constant -2.000000e+00 : f32
    %mul3A_125 = vector.broadcast %mul3A_124 : f32 to vector<128x128xf32>
    %mul3A_126 = arith.mulf %mul3A_125, %dot_general3A_123 : vector<128x128xf32>
    %slice3A_127 = vector.extract_strided_slice %add3A_18 {offsets = [5, 0], sizes = [1, 128], strides = [1, 1]} : vector<8x128xf32> to vector<1x128xf32>
    %add3A_128 = vector.broadcast %slice3A_127 : vector<1x128xf32> to vector<128x128xf32>
    %add3A_129 = arith.addf %mul3A_126, %add3A_128 : vector<128x128xf32>
    %add3A_130 = vector.broadcast %add3A_43 : vector<128x1xf32> to vector<128x128xf32>
    %add3A_131 = arith.addf %add3A_129, %add3A_130 : vector<128x128xf32>
    %reshape3A_132 = vector.shape_cast %add3A_131 : vector<128x128xf32> to vector<128x1x128xf32>
    %swap3A_133 = arith.constant 0 : index
    %swap3A_134 = arith.constant 5 : index
    %swap3A_135 = arith.constant 0 : index
    %swap3A_136 = vector.load %arg11[%swap3A_133, %swap3A_134, %swap3A_135] : memref<128x8x128xf32, #tpu.memory_space<vmem>>, vector<128x1x128xf32>
    tpu.vector_store %arg11[%swap3A_133, %swap3A_134, %swap3A_135], %reshape3A_132 {strides = array<i32>} : memref<128x8x128xf32, #tpu.memory_space<vmem>>, vector<128x1x128xf32>,
    %slice3A_137 = vector.extract_strided_slice %convert_element_type3A_30 {offsets = [0, 768], sizes = [128, 128], strides = [1, 1]} : vector<128x1024xbf16> to vector<128x128xbf16>
    %dot_general3A_138 = arith.constant dense<0.000000e+00> : vector<128x128xf32>
    %dot_general3A_139 = tpu.matmul %convert_element_type3A_24, %slice3A_137, %dot_general3A_138 {dimension_numbers = #tpu.dot_dimension_numbers<[1], [0], [0], [1], [0, 0, 1, 1], [], []>, transpose_lhs_hint = false} : vector<128x128xbf16>, vector<128x128xbf16>, vector<128x128xf32> -> vector<128x128xf32>
    %mul3A_140 = arith.constant -2.000000e+00 : f32
    %mul3A_141 = vector.broadcast %mul3A_140 : f32 to vector<128x128xf32>
    %mul3A_142 = arith.mulf %mul3A_141, %dot_general3A_139 : vector<128x128xf32>
    %slice3A_143 = vector.extract_strided_slice %add3A_18 {offsets = [6, 0], sizes = [1, 128], strides = [1, 1]} : vector<8x128xf32> to vector<1x128xf32>
    %add3A_144 = vector.broadcast %slice3A_143 : vector<1x128xf32> to vector<128x128xf32>
    %add3A_145 = arith.addf %mul3A_142, %add3A_144 : vector<128x128xf32>
    %add3A_146 = vector.broadcast %add3A_43 : vector<128x1xf32> to vector<128x128xf32>
    %add3A_147 = arith.addf %add3A_145, %add3A_146 : vector<128x128xf32>
    %reshape3A_148 = vector.shape_cast %add3A_147 : vector<128x128xf32> to vector<128x1x128xf32>
    %swap3A_149 = arith.constant 0 : index
    %swap3A_150 = arith.constant 6 : index
    %swap3A_151 = arith.constant 0 : index
    %swap3A_152 = vector.load %arg11[%swap3A_149, %swap3A_150, %swap3A_151] : memref<128x8x128xf32, #tpu.memory_space<vmem>>, vector<128x1x128xf32>
    tpu.vector_store %arg11[%swap3A_149, %swap3A_150, %swap3A_151], %reshape3A_148 {strides = array<i32>} : memref<128x8x128xf32, #tpu.memory_space<vmem>>, vector<128x1x128xf32>,
    %slice3A_153 = vector.extract_strided_slice %convert_element_type3A_30 {offsets = [0, 896], sizes = [128, 128], strides = [1, 1]} : vector<128x1024xbf16> to vector<128x128xbf16>
    %dot_general3A_154 = arith.constant dense<0.000000e+00> : vector<128x128xf32>
    %dot_general3A_155 = tpu.matmul %convert_element_type3A_24, %slice3A_153, %dot_general3A_154 {dimension_numbers = #tpu.dot_dimension_numbers<[1], [0], [0], [1], [0, 0, 1, 1], [], []>, transpose_lhs_hint = false} : vector<128x128xbf16>, vector<128x128xbf16>, vector<128x128xf32> -> vector<128x128xf32>
    %mul3A_156 = arith.constant -2.000000e+00 : f32
    %mul3A_157 = vector.broadcast %mul3A_156 : f32 to vector<128x128xf32>
    %mul3A_158 = arith.mulf %mul3A_157, %dot_general3A_155 : vector<128x128xf32>
    %slice3A_159 = vector.extract_strided_slice %add3A_18 {offsets = [7, 0], sizes = [1, 128], strides = [1, 1]} : vector<8x128xf32> to vector<1x128xf32>
    %add3A_160 = vector.broadcast %slice3A_159 : vector<1x128xf32> to vector<128x128xf32>
    %add3A_161 = arith.addf %mul3A_158, %add3A_160 : vector<128x128xf32>
    %add3A_162 = vector.broadcast %add3A_43 : vector<128x1xf32> to vector<128x128xf32>
    %add3A_163 = arith.addf %add3A_161, %add3A_162 : vector<128x128xf32>
    %reshape3A_164 = vector.shape_cast %add3A_163 : vector<128x128xf32> to vector<128x1x128xf32>
    %swap3A_165 = arith.constant 0 : index
    %swap3A_166 = arith.constant 7 : index
    %swap3A_167 = arith.constant 0 : index
    %swap3A_168 = vector.load %arg11[%swap3A_165, %swap3A_166, %swap3A_167] : memref<128x8x128xf32, #tpu.memory_space<vmem>>, vector<128x1x128xf32>
    tpu.vector_store %arg11[%swap3A_165, %swap3A_166, %swap3A_167], %reshape3A_164 {strides = array<i32>} : memref<128x8x128xf32, #tpu.memory_space<vmem>>, vector<128x1x128xf32>,
    %mul3A_169 = arith.constant 128 : i32
    %mul3A_170 = arith.muli %arg1, %mul3A_169 : i32
    %scan3A = arith.constant 0 : i32
    %scan3A_171 = arith.constant 16 : i32
    %scan3A_172 = arith.addi %scan3A, %scan3A_171 : i32
    %scan3A_173 = arith.constant 1 : i32
    scf.for %scan3A_180 = %scan3A to %scan3A_172 step %scan3A_173  : i32 {
      %mul3A_181 = arith.constant 8 : i32
      %mul3A_182 = arith.muli %scan3A_180, %mul3A_181 : i32
      %add3A_183 = arith.constant 0 : i32
      %add3A_184 = arith.addi %mul3A_182, %add3A_183 : i32
      %get3A_185 = arith.index_cast %add3A_184 : i32 to index
      %get3A_186 = arith.constant 0 : index
      %get3A_187 = arith.constant 0 : index
      %get3A_188 = vector.load %arg11[%get3A_185, %get3A_186, %get3A_187] : memref<128x8x128xf32, #tpu.memory_space<vmem>>, vector<1x8x128xf32>
      %get3A_189 = vector.shape_cast %get3A_188 : vector<1x8x128xf32> to vector<8x128xf32>
      %mul3A_190 = arith.constant 8 : i32
      %mul3A_191 = arith.muli %scan3A_180, %mul3A_190 : i32
      %add3A_192 = arith.addi %mul3A_170, %mul3A_191 : i32
      %add3A_193 = arith.constant 0 : i32
      %add3A_194 = arith.addi %add3A_192, %add3A_193 : i32
      %broadcast_in_dim3A = vector.broadcast %add3A_194 : i32 to vector<8x128xi32>
      %mul3A_195 = arith.constant 8 : i32
      %mul3A_196 = arith.muli %scan3A_180, %mul3A_195 : i32
      %add3A_197 = arith.constant 1 : i32
      %add3A_198 = arith.addi %mul3A_196, %add3A_197 : i32
      %get3A_199 = arith.index_cast %add3A_198 : i32 to index
      %get3A_200 = arith.constant 0 : index
      %get3A_201 = arith.constant 0 : index
      %get3A_202 = vector.load %arg11[%get3A_199, %get3A_200, %get3A_201] : memref<128x8x128xf32, #tpu.memory_space<vmem>>, vector<1x8x128xf32>
      %get3A_203 = vector.shape_cast %get3A_202 : vector<1x8x128xf32> to vector<8x128xf32>
      %mul3A_204 = arith.constant 8 : i32
      %mul3A_205 = arith.muli %scan3A_180, %mul3A_204 : i32
      %add3A_206 = arith.addi %mul3A_170, %mul3A_205 : i32
      %add3A_207 = arith.constant 1 : i32
      %add3A_208 = arith.addi %add3A_206, %add3A_207 : i32
      %broadcast_in_dim3A_209 = vector.broadcast %add3A_208 : i32 to vector<8x128xi32>
      %mul3A_210 = arith.constant 8 : i32
      %mul3A_211 = arith.muli %scan3A_180, %mul3A_210 : i32
      %add3A_212 = arith.constant 2 : i32
      %add3A_213 = arith.addi %mul3A_211, %add3A_212 : i32
      %get3A_214 = arith.index_cast %add3A_213 : i32 to index
      %get3A_215 = arith.constant 0 : index
      %get3A_216 = arith.constant 0 : index
      %get3A_217 = vector.load %arg11[%get3A_214, %get3A_215, %get3A_216] : memref<128x8x128xf32, #tpu.memory_space<vmem>>, vector<1x8x128xf32>
      %get3A_218 = vector.shape_cast %get3A_217 : vector<1x8x128xf32> to vector<8x128xf32>
      %mul3A_219 = arith.constant 8 : i32
      %mul3A_220 = arith.muli %scan3A_180, %mul3A_219 : i32
      %add3A_221 = arith.addi %mul3A_170, %mul3A_220 : i32
      %add3A_222 = arith.constant 2 : i32
      %add3A_223 = arith.addi %add3A_221, %add3A_222 : i32
      %broadcast_in_dim3A_224 = vector.broadcast %add3A_223 : i32 to vector<8x128xi32>
      %mul3A_225 = arith.constant 8 : i32
      %mul3A_226 = arith.muli %scan3A_180, %mul3A_225 : i32
      %add3A_227 = arith.constant 3 : i32
      %add3A_228 = arith.addi %mul3A_226, %add3A_227 : i32
      %get3A_229 = arith.index_cast %add3A_228 : i32 to index
      %get3A_230 = arith.constant 0 : index
      %get3A_231 = arith.constant 0 : index
      %get3A_232 = vector.load %arg11[%get3A_229, %get3A_230, %get3A_231] : memref<128x8x128xf32, #tpu.memory_space<vmem>>, vector<1x8x128xf32>
      %get3A_233 = vector.shape_cast %get3A_232 : vector<1x8x128xf32> to vector<8x128xf32>
      %mul3A_234 = arith.constant 8 : i32
      %mul3A_235 = arith.muli %scan3A_180, %mul3A_234 : i32
      %add3A_236 = arith.addi %mul3A_170, %mul3A_235 : i32
      %add3A_237 = arith.constant 3 : i32
      %add3A_238 = arith.addi %add3A_236, %add3A_237 : i32
      %broadcast_in_dim3A_239 = vector.broadcast %add3A_238 : i32 to vector<8x128xi32>
      %mul3A_240 = arith.constant 8 : i32
      %mul3A_241 = arith.muli %scan3A_180, %mul3A_240 : i32
      %add3A_242 = arith.constant 4 : i32
      %add3A_243 = arith.addi %mul3A_241, %add3A_242 : i32
      %get3A_244 = arith.index_cast %add3A_243 : i32 to index
      %get3A_245 = arith.constant 0 : index
      %get3A_246 = arith.constant 0 : index
      %get3A_247 = vector.load %arg11[%get3A_244, %get3A_245, %get3A_246] : memref<128x8x128xf32, #tpu.memory_space<vmem>>, vector<1x8x128xf32>
      %get3A_248 = vector.shape_cast %get3A_247 : vector<1x8x128xf32> to vector<8x128xf32>
      %mul3A_249 = arith.constant 8 : i32
      %mul3A_250 = arith.muli %scan3A_180, %mul3A_249 : i32
      %add3A_251 = arith.addi %mul3A_170, %mul3A_250 : i32
      %add3A_252 = arith.constant 4 : i32
      %add3A_253 = arith.addi %add3A_251, %add3A_252 : i32
      %broadcast_in_dim3A_254 = vector.broadcast %add3A_253 : i32 to vector<8x128xi32>
      %mul3A_255 = arith.constant 8 : i32
      %mul3A_256 = arith.muli %scan3A_180, %mul3A_255 : i32
      %add3A_257 = arith.constant 5 : i32
      %add3A_258 = arith.addi %mul3A_256, %add3A_257 : i32
      %get3A_259 = arith.index_cast %add3A_258 : i32 to index
      %get3A_260 = arith.constant 0 : index
      %get3A_261 = arith.constant 0 : index
      %get3A_262 = vector.load %arg11[%get3A_259, %get3A_260, %get3A_261] : memref<128x8x128xf32, #tpu.memory_space<vmem>>, vector<1x8x128xf32>
      %get3A_263 = vector.shape_cast %get3A_262 : vector<1x8x128xf32> to vector<8x128xf32>
      %mul3A_264 = arith.constant 8 : i32
      %mul3A_265 = arith.muli %scan3A_180, %mul3A_264 : i32
      %add3A_266 = arith.addi %mul3A_170, %mul3A_265 : i32
      %add3A_267 = arith.constant 5 : i32
      %add3A_268 = arith.addi %add3A_266, %add3A_267 : i32
      %broadcast_in_dim3A_269 = vector.broadcast %add3A_268 : i32 to vector<8x128xi32>
      %mul3A_270 = arith.constant 8 : i32
      %mul3A_271 = arith.muli %scan3A_180, %mul3A_270 : i32
      %add3A_272 = arith.constant 6 : i32
      %add3A_273 = arith.addi %mul3A_271, %add3A_272 : i32
      %get3A_274 = arith.index_cast %add3A_273 : i32 to index
      %get3A_275 = arith.constant 0 : index
      %get3A_276 = arith.constant 0 : index
      %get3A_277 = vector.load %arg11[%get3A_274, %get3A_275, %get3A_276] : memref<128x8x128xf32, #tpu.memory_space<vmem>>, vector<1x8x128xf32>
      %get3A_278 = vector.shape_cast %get3A_277 : vector<1x8x128xf32> to vector<8x128xf32>
      %mul3A_279 = arith.constant 8 : i32
      %mul3A_280 = arith.muli %scan3A_180, %mul3A_279 : i32
      %add3A_281 = arith.addi %mul3A_170, %mul3A_280 : i32
      %add3A_282 = arith.constant 6 : i32
      %add3A_283 = arith.addi %add3A_281, %add3A_282 : i32
      %broadcast_in_dim3A_284 = vector.broadcast %add3A_283 : i32 to vector<8x128xi32>
      %mul3A_285 = arith.constant 8 : i32
      %mul3A_286 = arith.muli %scan3A_180, %mul3A_285 : i32
      %add3A_287 = arith.constant 7 : i32
      %add3A_288 = arith.addi %mul3A_286, %add3A_287 : i32
      %get3A_289 = arith.index_cast %add3A_288 : i32 to index
      %get3A_290 = arith.constant 0 : index
      %get3A_291 = arith.constant 0 : index
      %get3A_292 = vector.load %arg11[%get3A_289, %get3A_290, %get3A_291] : memref<128x8x128xf32, #tpu.memory_space<vmem>>, vector<1x8x128xf32>
      %get3A_293 = vector.shape_cast %get3A_292 : vector<1x8x128xf32> to vector<8x128xf32>
      %mul3A_294 = arith.constant 8 : i32
      %mul3A_295 = arith.muli %scan3A_180, %mul3A_294 : i32
      %add3A_296 = arith.addi %mul3A_170, %mul3A_295 : i32
      %add3A_297 = arith.constant 7 : i32
      %add3A_298 = arith.addi %add3A_296, %add3A_297 : i32
      %broadcast_in_dim3A_299 = vector.broadcast %add3A_298 : i32 to vector<8x128xi32>
      %get3A_300 = arith.constant 0 : index
      %get3A_301 = arith.constant 0 : index
      %get3A_302 = arith.constant 0 : index
      %get3A_303 = vector.load %arg9[%get3A_300, %get3A_301, %get3A_302] : memref<32x8x128xf32, #tpu.memory_space<vmem>>, vector<1x8x128xf32>
      %get3A_304 = vector.shape_cast %get3A_303 : vector<1x8x128xf32> to vector<8x128xf32>
      %get3A_305 = arith.constant 0 : index
      %get3A_306 = arith.constant 0 : index
      %get3A_307 = arith.constant 0 : index
      %get3A_308 = vector.load %arg10[%get3A_305, %get3A_306, %get3A_307] : memref<32x8x128xi32, #tpu.memory_space<vmem>>, vector<1x8x128xi32>
      %get3A_309 = vector.shape_cast %get3A_308 : vector<1x8x128xi32> to vector<8x128xi32>
      %lt3A = arith.cmpf olt, %get3A_189, %get3A_304 : vector<8x128xf32>
      %select_n3A = arith.select %lt3A, %get3A_189, %get3A_304 : vector<8x128xi1>, vector<8x128xf32>
      %select_n3A_310 = arith.select %lt3A, %broadcast_in_dim3A, %get3A_309 : vector<8x128xi1>, vector<8x128xi32>
      %select_n3A_311 = arith.select %lt3A, %get3A_304, %get3A_189 : vector<8x128xi1>, vector<8x128xf32>
      %select_n3A_312 = arith.select %lt3A, %get3A_309, %broadcast_in_dim3A : vector<8x128xi1>, vector<8x128xi32>
      %lt3A_313 = arith.cmpf olt, %get3A_203, %select_n3A : vector<8x128xf32>
      %select_n3A_314 = arith.select %lt3A_313, %get3A_203, %select_n3A : vector<8x128xi1>, vector<8x128xf32>
      %select_n3A_315 = arith.select %lt3A_313, %broadcast_in_dim3A_209, %select_n3A_310 : vector<8x128xi1>, vector<8x128xi32>
      %select_n3A_316 = arith.select %lt3A_313, %select_n3A, %get3A_203 : vector<8x128xi1>, vector<8x128xf32>
      %select_n3A_317 = arith.select %lt3A_313, %select_n3A_310, %broadcast_in_dim3A_209 : vector<8x128xi1>, vector<8x128xi32>
      %lt3A_318 = arith.cmpf olt, %get3A_218, %select_n3A_314 : vector<8x128xf32>
      %select_n3A_319 = arith.select %lt3A_318, %get3A_218, %select_n3A_314 : vector<8x128xi1>, vector<8x128xf32>
      %select_n3A_320 = arith.select %lt3A_318, %broadcast_in_dim3A_224, %select_n3A_315 : vector<8x128xi1>, vector<8x128xi32>
      %select_n3A_321 = arith.select %lt3A_318, %select_n3A_314, %get3A_218 : vector<8x128xi1>, vector<8x128xf32>
      %select_n3A_322 = arith.select %lt3A_318, %select_n3A_315, %broadcast_in_dim3A_224 : vector<8x128xi1>, vector<8x128xi32>
      %lt3A_323 = arith.cmpf olt, %get3A_233, %select_n3A_319 : vector<8x128xf32>
      %select_n3A_324 = arith.select %lt3A_323, %get3A_233, %select_n3A_319 : vector<8x128xi1>, vector<8x128xf32>
      %select_n3A_325 = arith.select %lt3A_323, %broadcast_in_dim3A_239, %select_n3A_320 : vector<8x128xi1>, vector<8x128xi32>
      %select_n3A_326 = arith.select %lt3A_323, %select_n3A_319, %get3A_233 : vector<8x128xi1>, vector<8x128xf32>
      %select_n3A_327 = arith.select %lt3A_323, %select_n3A_320, %broadcast_in_dim3A_239 : vector<8x128xi1>, vector<8x128xi32>
      %lt3A_328 = arith.cmpf olt, %get3A_248, %select_n3A_324 : vector<8x128xf32>
      %select_n3A_329 = arith.select %lt3A_328, %get3A_248, %select_n3A_324 : vector<8x128xi1>, vector<8x128xf32>
      %select_n3A_330 = arith.select %lt3A_328, %broadcast_in_dim3A_254, %select_n3A_325 : vector<8x128xi1>, vector<8x128xi32>
      %select_n3A_331 = arith.select %lt3A_328, %select_n3A_324, %get3A_248 : vector<8x128xi1>, vector<8x128xf32>
      %select_n3A_332 = arith.select %lt3A_328, %select_n3A_325, %broadcast_in_dim3A_254 : vector<8x128xi1>, vector<8x128xi32>
      %lt3A_333 = arith.cmpf olt, %get3A_263, %select_n3A_329 : vector<8x128xf32>
      %select_n3A_334 = arith.select %lt3A_333, %get3A_263, %select_n3A_329 : vector<8x128xi1>, vector<8x128xf32>
      %select_n3A_335 = arith.select %lt3A_333, %broadcast_in_dim3A_269, %select_n3A_330 : vector<8x128xi1>, vector<8x128xi32>
      %select_n3A_336 = arith.select %lt3A_333, %select_n3A_329, %get3A_263 : vector<8x128xi1>, vector<8x128xf32>
      %select_n3A_337 = arith.select %lt3A_333, %select_n3A_330, %broadcast_in_dim3A_269 : vector<8x128xi1>, vector<8x128xi32>
      %lt3A_338 = arith.cmpf olt, %get3A_278, %select_n3A_334 : vector<8x128xf32>
      %select_n3A_339 = arith.select %lt3A_338, %get3A_278, %select_n3A_334 : vector<8x128xi1>, vector<8x128xf32>
      %select_n3A_340 = arith.select %lt3A_338, %broadcast_in_dim3A_284, %select_n3A_335 : vector<8x128xi1>, vector<8x128xi32>
      %select_n3A_341 = arith.select %lt3A_338, %select_n3A_334, %get3A_278 : vector<8x128xi1>, vector<8x128xf32>
      %select_n3A_342 = arith.select %lt3A_338, %select_n3A_335, %broadcast_in_dim3A_284 : vector<8x128xi1>, vector<8x128xi32>
      %lt3A_343 = arith.cmpf olt, %get3A_293, %select_n3A_339 : vector<8x128xf32>
      %select_n3A_344 = arith.select %lt3A_343, %get3A_293, %select_n3A_339 : vector<8x128xi1>, vector<8x128xf32>
      %select_n3A_345 = arith.select %lt3A_343, %broadcast_in_dim3A_299, %select_n3A_340 : vector<8x128xi1>, vector<8x128xi32>
      %select_n3A_346 = arith.select %lt3A_343, %select_n3A_339, %get3A_293 : vector<8x128xi1>, vector<8x128xf32>
      %select_n3A_347 = arith.select %lt3A_343, %select_n3A_340, %broadcast_in_dim3A_299 : vector<8x128xi1>, vector<8x128xi32>
      %swap3A_348 = arith.constant 0 : index
      %swap3A_349 = arith.constant 0 : index
      %swap3A_350 = arith.constant 0 : index
      %swap3A_351 = vector.load %arg9[%swap3A_348, %swap3A_349, %swap3A_350] : memref<32x8x128xf32, #tpu.memory_space<vmem>>, vector<1x8x128xf32>
      %swap3A_352 = vector.shape_cast %swap3A_351 : vector<1x8x128xf32> to vector<8x128xf32>
      %swap3A_353 = vector.shape_cast %select_n3A_344 : vector<8x128xf32> to vector<1x8x128xf32>
      tpu.vector_store %arg9[%swap3A_348, %swap3A_349, %swap3A_350], %swap3A_353 {strides = array<i32>} : memref<32x8x128xf32, #tpu.memory_space<vmem>>, vector<1x8x128xf32>,
      %swap3A_354 = arith.constant 0 : index
      %swap3A_355 = arith.constant 0 : index
      %swap3A_356 = arith.constant 0 : index
      %swap3A_357 = vector.load %arg10[%swap3A_354, %swap3A_355, %swap3A_356] : memref<32x8x128xi32, #tpu.memory_space<vmem>>, vector<1x8x128xi32>
      %swap3A_358 = vector.shape_cast %swap3A_357 : vector<1x8x128xi32> to vector<8x128xi32>
      %swap3A_359 = vector.shape_cast %select_n3A_345 : vector<8x128xi32> to vector<1x8x128xi32>
      tpu.vector_store %arg10[%swap3A_354, %swap3A_355, %swap3A_356], %swap3A_359 {strides = array<i32>} : memref<32x8x128xi32, #tpu.memory_space<vmem>>, vector<1x8x128xi32>,
      %get3A_360 = arith.constant 1 : index
      %get3A_361 = arith.constant 0 : index
      %get3A_362 = arith.constant 0 : index
      %get3A_363 = vector.load %arg9[%get3A_360, %get3A_361, %get3A_362] : memref<32x8x128xf32, #tpu.memory_space<vmem>>, vector<1x8x128xf32>
      %get3A_364 = vector.shape_cast %get3A_363 : vector<1x8x128xf32> to vector<8x128xf32>
      %get3A_365 = arith.constant 1 : index
      %get3A_366 = arith.constant 0 : index
      %get3A_367 = arith.constant 0 : index
      %get3A_368 = vector.load %arg10[%get3A_365, %get3A_366, %get3A_367] : memref<32x8x128xi32, #tpu.memory_space<vmem>>, vector<1x8x128xi32>
      %get3A_369 = vector.shape_cast %get3A_368 : vector<1x8x128xi32> to vector<8x128xi32>
      %lt3A_370 = arith.cmpf olt, %select_n3A_311, %get3A_364 : vector<8x128xf32>
      %select_n3A_371 = arith.select %lt3A_370, %select_n3A_311, %get3A_364 : vector<8x128xi1>, vector<8x128xf32>
      %select_n3A_372 = arith.select %lt3A_370, %select_n3A_312, %get3A_369 : vector<8x128xi1>, vector<8x128xi32>
      %select_n3A_373 = arith.select %lt3A_370, %get3A_364, %select_n3A_311 : vector<8x128xi1>, vector<8x128xf32>
      %select_n3A_374 = arith.select %lt3A_370, %get3A_369, %select_n3A_312 : vector<8x128xi1>, vector<8x128xi32>
      %lt3A_375 = arith.cmpf olt, %select_n3A_316, %select_n3A_371 : vector<8x128xf32>
      %select_n3A_376 = arith.select %lt3A_375, %select_n3A_316, %select_n3A_371 : vector<8x128xi1>, vector<8x128xf32>
      %select_n3A_377 = arith.select %lt3A_375, %select_n3A_317, %select_n3A_372 : vector<8x128xi1>, vector<8x128xi32>
      %select_n3A_378 = arith.select %lt3A_375, %select_n3A_371, %select_n3A_316 : vector<8x128xi1>, vector<8x128xf32>
      %select_n3A_379 = arith.select %lt3A_375, %select_n3A_372, %select_n3A_317 : vector<8x128xi1>, vector<8x128xi32>
      %lt3A_380 = arith.cmpf olt, %select_n3A_321, %select_n3A_376 : vector<8x128xf32>
      %select_n3A_381 = arith.select %lt3A_380, %select_n3A_321, %select_n3A_376 : vector<8x128xi1>, vector<8x128xf32>
      %select_n3A_382 = arith.select %lt3A_380, %select_n3A_322, %select_n3A_377 : vector<8x128xi1>, vector<8x128xi32>
      %select_n3A_383 = arith.select %lt3A_380, %select_n3A_376, %select_n3A_321 : vector<8x128xi1>, vector<8x128xf32>
      %select_n3A_384 = arith.select %lt3A_380, %select_n3A_377, %select_n3A_322 : vector<8x128xi1>, vector<8x128xi32>
      %lt3A_385 = arith.cmpf olt, %select_n3A_326, %select_n3A_381 : vector<8x128xf32>
      %select_n3A_386 = arith.select %lt3A_385, %select_n3A_326, %select_n3A_381 : vector<8x128xi1>, vector<8x128xf32>
      %select_n3A_387 = arith.select %lt3A_385, %select_n3A_327, %select_n3A_382 : vector<8x128xi1>, vector<8x128xi32>
      %select_n3A_388 = arith.select %lt3A_385, %select_n3A_381, %select_n3A_326 : vector<8x128xi1>, vector<8x128xf32>
      %select_n3A_389 = arith.select %lt3A_385, %select_n3A_382, %select_n3A_327 : vector<8x128xi1>, vector<8x128xi32>
      %lt3A_390 = arith.cmpf olt, %select_n3A_331, %select_n3A_386 : vector<8x128xf32>
      %select_n3A_391 = arith.select %lt3A_390, %select_n3A_331, %select_n3A_386 : vector<8x128xi1>, vector<8x128xf32>
      %select_n3A_392 = arith.select %lt3A_390, %select_n3A_332, %select_n3A_387 : vector<8x128xi1>, vector<8x128xi32>
      %select_n3A_393 = arith.select %lt3A_390, %select_n3A_386, %select_n3A_331 : vector<8x128xi1>, vector<8x128xf32>
      %select_n3A_394 = arith.select %lt3A_390, %select_n3A_387, %select_n3A_332 : vector<8x128xi1>, vector<8x128xi32>
      %lt3A_395 = arith.cmpf olt, %select_n3A_336, %select_n3A_391 : vector<8x128xf32>
      %select_n3A_396 = arith.select %lt3A_395, %select_n3A_336, %select_n3A_391 : vector<8x128xi1>, vector<8x128xf32>
      %select_n3A_397 = arith.select %lt3A_395, %select_n3A_337, %select_n3A_392 : vector<8x128xi1>, vector<8x128xi32>
      %select_n3A_398 = arith.select %lt3A_395, %select_n3A_391, %select_n3A_336 : vector<8x128xi1>, vector<8x128xf32>
      %select_n3A_399 = arith.select %lt3A_395, %select_n3A_392, %select_n3A_337 : vector<8x128xi1>, vector<8x128xi32>
      %lt3A_400 = arith.cmpf olt, %select_n3A_341, %select_n3A_396 : vector<8x128xf32>
      %select_n3A_401 = arith.select %lt3A_400, %select_n3A_341, %select_n3A_396 : vector<8x128xi1>, vector<8x128xf32>
      %select_n3A_402 = arith.select %lt3A_400, %select_n3A_342, %select_n3A_397 : vector<8x128xi1>, vector<8x128xi32>
      %select_n3A_403 = arith.select %lt3A_400, %select_n3A_396, %select_n3A_341 : vector<8x128xi1>, vector<8x128xf32>
      %select_n3A_404 = arith.select %lt3A_400, %select_n3A_397, %select_n3A_342 : vector<8x128xi1>, vector<8x128xi32>
      %lt3A_405 = arith.cmpf olt, %select_n3A_346, %select_n3A_401 : vector<8x128xf32>
      %select_n3A_406 = arith.select %lt3A_405, %select_n3A_346, %select_n3A_401 : vector<8x128xi1>, vector<8x128xf32>
      %select_n3A_407 = arith.select %lt3A_405, %select_n3A_347, %select_n3A_402 : vector<8x128xi1>, vector<8x128xi32>
      %select_n3A_408 = arith.select %lt3A_405, %select_n3A_401, %select_n3A_346 : vector<8x128xi1>, vector<8x128xf32>
      %select_n3A_409 = arith.select %lt3A_405, %select_n3A_402, %select_n3A_347 : vector<8x128xi1>, vector<8x128xi32>
      %swap3A_410 = arith.constant 1 : index
      %swap3A_411 = arith.constant 0 : index
      %swap3A_412 = arith.constant 0 : index
      %swap3A_413 = vector.load %arg9[%swap3A_410, %swap3A_411, %swap3A_412] : memref<32x8x128xf32, #tpu.memory_space<vmem>>, vector<1x8x128xf32>
      %swap3A_414 = vector.shape_cast %swap3A_413 : vector<1x8x128xf32> to vector<8x128xf32>
      %swap3A_415 = vector.shape_cast %select_n3A_406 : vector<8x128xf32> to vector<1x8x128xf32>
      tpu.vector_store %arg9[%swap3A_410, %swap3A_411, %swap3A_412], %swap3A_415 {strides = array<i32>} : memref<32x8x128xf32, #tpu.memory_space<vmem>>, vector<1x8x128xf32>,
      %swap3A_416 = arith.constant 1 : index
      %swap3A_417 = arith.constant 0 : index
      %swap3A_418 = arith.constant 0 : index
      %swap3A_419 = vector.load %arg10[%swap3A_416, %swap3A_417, %swap3A_418] : memref<32x8x128xi32, #tpu.memory_space<vmem>>, vector<1x8x128xi32>
      %swap3A_420 = vector.shape_cast %swap3A_419 : vector<1x8x128xi32> to vector<8x128xi32>
      %swap3A_421 = vector.shape_cast %select_n3A_407 : vector<8x128xi32> to vector<1x8x128xi32>
      tpu.vector_store %arg10[%swap3A_416, %swap3A_417, %swap3A_418], %swap3A_421 {strides = array<i32>} : memref<32x8x128xi32, #tpu.memory_space<vmem>>, vector<1x8x128xi32>,
      %get3A_422 = arith.constant 2 : index
      %get3A_423 = arith.constant 0 : index
      %get3A_424 = arith.constant 0 : index
      %get3A_425 = vector.load %arg9[%get3A_422, %get3A_423, %get3A_424] : memref<32x8x128xf32, #tpu.memory_space<vmem>>, vector<1x8x128xf32>
      %get3A_426 = vector.shape_cast %get3A_425 : vector<1x8x128xf32> to vector<8x128xf32>
      %get3A_427 = arith.constant 2 : index
      %get3A_428 = arith.constant 0 : index
      %get3A_429 = arith.constant 0 : index
      %get3A_430 = vector.load %arg10[%get3A_427, %get3A_428, %get3A_429] : memref<32x8x128xi32, #tpu.memory_space<vmem>>, vector<1x8x128xi32>
      %get3A_431 = vector.shape_cast %get3A_430 : vector<1x8x128xi32> to vector<8x128xi32>
      %lt3A_432 = arith.cmpf olt, %select_n3A_373, %get3A_426 : vector<8x128xf32>
      %select_n3A_433 = arith.select %lt3A_432, %select_n3A_373, %get3A_426 : vector<8x128xi1>, vector<8x128xf32>
      %select_n3A_434 = arith.select %lt3A_432, %select_n3A_374, %get3A_431 : vector<8x128xi1>, vector<8x128xi32>
      %select_n3A_435 = arith.select %lt3A_432, %get3A_426, %select_n3A_373 : vector<8x128xi1>, vector<8x128xf32>
      %select_n3A_436 = arith.select %lt3A_432, %get3A_431, %select_n3A_374 : vector<8x128xi1>, vector<8x128xi32>
      %lt3A_437 = arith.cmpf olt, %select_n3A_378, %select_n3A_433 : vector<8x128xf32>
      %select_n3A_438 = arith.select %lt3A_437, %select_n3A_378, %select_n3A_433 : vector<8x128xi1>, vector<8x128xf32>
      %select_n3A_439 = arith.select %lt3A_437, %select_n3A_379, %select_n3A_434 : vector<8x128xi1>, vector<8x128xi32>
      %select_n3A_440 = arith.select %lt3A_437, %select_n3A_433, %select_n3A_378 : vector<8x128xi1>, vector<8x128xf32>
      %select_n3A_441 = arith.select %lt3A_437, %select_n3A_434, %select_n3A_379 : vector<8x128xi1>, vector<8x128xi32>
      %lt3A_442 = arith.cmpf olt, %select_n3A_383, %select_n3A_438 : vector<8x128xf32>
      %select_n3A_443 = arith.select %lt3A_442, %select_n3A_383, %select_n3A_438 : vector<8x128xi1>, vector<8x128xf32>
      %select_n3A_444 = arith.select %lt3A_442, %select_n3A_384, %select_n3A_439 : vector<8x128xi1>, vector<8x128xi32>
      %select_n3A_445 = arith.select %lt3A_442, %select_n3A_438, %select_n3A_383 : vector<8x128xi1>, vector<8x128xf32>
      %select_n3A_446 = arith.select %lt3A_442, %select_n3A_439, %select_n3A_384 : vector<8x128xi1>, vector<8x128xi32>
      %lt3A_447 = arith.cmpf olt, %select_n3A_388, %select_n3A_443 : vector<8x128xf32>
      %select_n3A_448 = arith.select %lt3A_447, %select_n3A_388, %select_n3A_443 : vector<8x128xi1>, vector<8x128xf32>
      %select_n3A_449 = arith.select %lt3A_447, %select_n3A_389, %select_n3A_444 : vector<8x128xi1>, vector<8x128xi32>
      %select_n3A_450 = arith.select %lt3A_447, %select_n3A_443, %select_n3A_388 : vector<8x128xi1>, vector<8x128xf32>
      %select_n3A_451 = arith.select %lt3A_447, %select_n3A_444, %select_n3A_389 : vector<8x128xi1>, vector<8x128xi32>
      %lt3A_452 = arith.cmpf olt, %select_n3A_393, %select_n3A_448 : vector<8x128xf32>
      %select_n3A_453 = arith.select %lt3A_452, %select_n3A_393, %select_n3A_448 : vector<8x128xi1>, vector<8x128xf32>
      %select_n3A_454 = arith.select %lt3A_452, %select_n3A_394, %select_n3A_449 : vector<8x128xi1>, vector<8x128xi32>
      %select_n3A_455 = arith.select %lt3A_452, %select_n3A_448, %select_n3A_393 : vector<8x128xi1>, vector<8x128xf32>
      %select_n3A_456 = arith.select %lt3A_452, %select_n3A_449, %select_n3A_394 : vector<8x128xi1>, vector<8x128xi32>
      %lt3A_457 = arith.cmpf olt, %select_n3A_398, %select_n3A_453 : vector<8x128xf32>
      %select_n3A_458 = arith.select %lt3A_457, %select_n3A_398, %select_n3A_453 : vector<8x128xi1>, vector<8x128xf32>
      %select_n3A_459 = arith.select %lt3A_457, %select_n3A_399, %select_n3A_454 : vector<8x128xi1>, vector<8x128xi32>
      %select_n3A_460 = arith.select %lt3A_457, %select_n3A_453, %select_n3A_398 : vector<8x128xi1>, vector<8x128xf32>
      %select_n3A_461 = arith.select %lt3A_457, %select_n3A_454, %select_n3A_399 : vector<8x128xi1>, vector<8x128xi32>
      %lt3A_462 = arith.cmpf olt, %select_n3A_403, %select_n3A_458 : vector<8x128xf32>
      %select_n3A_463 = arith.select %lt3A_462, %select_n3A_403, %select_n3A_458 : vector<8x128xi1>, vector<8x128xf32>
      %select_n3A_464 = arith.select %lt3A_462, %select_n3A_404, %select_n3A_459 : vector<8x128xi1>, vector<8x128xi32>
      %select_n3A_465 = arith.select %lt3A_462, %select_n3A_458, %select_n3A_403 : vector<8x128xi1>, vector<8x128xf32>
      %select_n3A_466 = arith.select %lt3A_462, %select_n3A_459, %select_n3A_404 : vector<8x128xi1>, vector<8x128xi32>
      %lt3A_467 = arith.cmpf olt, %select_n3A_408, %select_n3A_463 : vector<8x128xf32>
      %select_n3A_468 = arith.select %lt3A_467, %select_n3A_408, %select_n3A_463 : vector<8x128xi1>, vector<8x128xf32>
      %select_n3A_469 = arith.select %lt3A_467, %select_n3A_409, %select_n3A_464 : vector<8x128xi1>, vector<8x128xi32>
      %select_n3A_470 = arith.select %lt3A_467, %select_n3A_463, %select_n3A_408 : vector<8x128xi1>, vector<8x128xf32>
      %select_n3A_471 = arith.select %lt3A_467, %select_n3A_464, %select_n3A_409 : vector<8x128xi1>, vector<8x128xi32>
      %swap3A_472 = arith.constant 2 : index
      %swap3A_473 = arith.constant 0 : index
      %swap3A_474 = arith.constant 0 : index
      %swap3A_475 = vector.load %arg9[%swap3A_472, %swap3A_473, %swap3A_474] : memref<32x8x128xf32, #tpu.memory_space<vmem>>, vector<1x8x128xf32>
      %swap3A_476 = vector.shape_cast %swap3A_475 : vector<1x8x128xf32> to vector<8x128xf32>
      %swap3A_477 = vector.shape_cast %select_n3A_468 : vector<8x128xf32> to vector<1x8x128xf32>
      tpu.vector_store %arg9[%swap3A_472, %swap3A_473, %swap3A_474], %swap3A_477 {strides = array<i32>} : memref<32x8x128xf32, #tpu.memory_space<vmem>>, vector<1x8x128xf32>,
      %swap3A_478 = arith.constant 2 : index
      %swap3A_479 = arith.constant 0 : index
      %swap3A_480 = arith.constant 0 : index
      %swap3A_481 = vector.load %arg10[%swap3A_478, %swap3A_479, %swap3A_480] : memref<32x8x128xi32, #tpu.memory_space<vmem>>, vector<1x8x128xi32>
      %swap3A_482 = vector.shape_cast %swap3A_481 : vector<1x8x128xi32> to vector<8x128xi32>
      %swap3A_483 = vector.shape_cast %select_n3A_469 : vector<8x128xi32> to vector<1x8x128xi32>
      tpu.vector_store %arg10[%swap3A_478, %swap3A_479, %swap3A_480], %swap3A_483 {strides = array<i32>} : memref<32x8x128xi32, #tpu.memory_space<vmem>>, vector<1x8x128xi32>,
      %get3A_484 = arith.constant 3 : index
      %get3A_485 = arith.constant 0 : index
      %get3A_486 = arith.constant 0 : index
      %get3A_487 = vector.load %arg9[%get3A_484, %get3A_485, %get3A_486] : memref<32x8x128xf32, #tpu.memory_space<vmem>>, vector<1x8x128xf32>
      %get3A_488 = vector.shape_cast %get3A_487 : vector<1x8x128xf32> to vector<8x128xf32>
      %get3A_489 = arith.constant 3 : index
      %get3A_490 = arith.constant 0 : index
      %get3A_491 = arith.constant 0 : index
      %get3A_492 = vector.load %arg10[%get3A_489, %get3A_490, %get3A_491] : memref<32x8x128xi32, #tpu.memory_space<vmem>>, vector<1x8x128xi32>
      %get3A_493 = vector.shape_cast %get3A_492 : vector<1x8x128xi32> to vector<8x128xi32>
      %lt3A_494 = arith.cmpf olt, %select_n3A_435, %get3A_488 : vector<8x128xf32>
      %select_n3A_495 = arith.select %lt3A_494, %select_n3A_435, %get3A_488 : vector<8x128xi1>, vector<8x128xf32>
      %select_n3A_496 = arith.select %lt3A_494, %select_n3A_436, %get3A_493 : vector<8x128xi1>, vector<8x128xi32>
      %select_n3A_497 = arith.select %lt3A_494, %get3A_488, %select_n3A_435 : vector<8x128xi1>, vector<8x128xf32>
      %select_n3A_498 = arith.select %lt3A_494, %get3A_493, %select_n3A_436 : vector<8x128xi1>, vector<8x128xi32>
      %lt3A_499 = arith.cmpf olt, %select_n3A_440, %select_n3A_495 : vector<8x128xf32>
      %select_n3A_500 = arith.select %lt3A_499, %select_n3A_440, %select_n3A_495 : vector<8x128xi1>, vector<8x128xf32>
      %select_n3A_501 = arith.select %lt3A_499, %select_n3A_441, %select_n3A_496 : vector<8x128xi1>, vector<8x128xi32>
      %select_n3A_502 = arith.select %lt3A_499, %select_n3A_495, %select_n3A_440 : vector<8x128xi1>, vector<8x128xf32>
      %select_n3A_503 = arith.select %lt3A_499, %select_n3A_496, %select_n3A_441 : vector<8x128xi1>, vector<8x128xi32>
      %lt3A_504 = arith.cmpf olt, %select_n3A_445, %select_n3A_500 : vector<8x128xf32>
      %select_n3A_505 = arith.select %lt3A_504, %select_n3A_445, %select_n3A_500 : vector<8x128xi1>, vector<8x128xf32>
      %select_n3A_506 = arith.select %lt3A_504, %select_n3A_446, %select_n3A_501 : vector<8x128xi1>, vector<8x128xi32>
      %select_n3A_507 = arith.select %lt3A_504, %select_n3A_500, %select_n3A_445 : vector<8x128xi1>, vector<8x128xf32>
      %select_n3A_508 = arith.select %lt3A_504, %select_n3A_501, %select_n3A_446 : vector<8x128xi1>, vector<8x128xi32>
      %lt3A_509 = arith.cmpf olt, %select_n3A_450, %select_n3A_505 : vector<8x128xf32>
      %select_n3A_510 = arith.select %lt3A_509, %select_n3A_450, %select_n3A_505 : vector<8x128xi1>, vector<8x128xf32>
      %select_n3A_511 = arith.select %lt3A_509, %select_n3A_451, %select_n3A_506 : vector<8x128xi1>, vector<8x128xi32>
      %select_n3A_512 = arith.select %lt3A_509, %select_n3A_505, %select_n3A_450 : vector<8x128xi1>, vector<8x128xf32>
      %select_n3A_513 = arith.select %lt3A_509, %select_n3A_506, %select_n3A_451 : vector<8x128xi1>, vector<8x128xi32>
      %lt3A_514 = arith.cmpf olt, %select_n3A_455, %select_n3A_510 : vector<8x128xf32>
      %select_n3A_515 = arith.select %lt3A_514, %select_n3A_455, %select_n3A_510 : vector<8x128xi1>, vector<8x128xf32>
      %select_n3A_516 = arith.select %lt3A_514, %select_n3A_456, %select_n3A_511 : vector<8x128xi1>, vector<8x128xi32>
      %select_n3A_517 = arith.select %lt3A_514, %select_n3A_510, %select_n3A_455 : vector<8x128xi1>, vector<8x128xf32>
      %select_n3A_518 = arith.select %lt3A_514, %select_n3A_511, %select_n3A_456 : vector<8x128xi1>, vector<8x128xi32>
      %lt3A_519 = arith.cmpf olt, %select_n3A_460, %select_n3A_515 : vector<8x128xf32>
      %select_n3A_520 = arith.select %lt3A_519, %select_n3A_460, %select_n3A_515 : vector<8x128xi1>, vector<8x128xf32>
      %select_n3A_521 = arith.select %lt3A_519, %select_n3A_461, %select_n3A_516 : vector<8x128xi1>, vector<8x128xi32>
      %select_n3A_522 = arith.select %lt3A_519, %select_n3A_515, %select_n3A_460 : vector<8x128xi1>, vector<8x128xf32>
      %select_n3A_523 = arith.select %lt3A_519, %select_n3A_516, %select_n3A_461 : vector<8x128xi1>, vector<8x128xi32>
      %lt3A_524 = arith.cmpf olt, %select_n3A_465, %select_n3A_520 : vector<8x128xf32>
      %select_n3A_525 = arith.select %lt3A_524, %select_n3A_465, %select_n3A_520 : vector<8x128xi1>, vector<8x128xf32>
      %select_n3A_526 = arith.select %lt3A_524, %select_n3A_466, %select_n3A_521 : vector<8x128xi1>, vector<8x128xi32>
      %select_n3A_527 = arith.select %lt3A_524, %select_n3A_520, %select_n3A_465 : vector<8x128xi1>, vector<8x128xf32>
      %select_n3A_528 = arith.select %lt3A_524, %select_n3A_521, %select_n3A_466 : vector<8x128xi1>, vector<8x128xi32>
      %lt3A_529 = arith.cmpf olt, %select_n3A_470, %select_n3A_525 : vector<8x128xf32>
      %select_n3A_530 = arith.select %lt3A_529, %select_n3A_470, %select_n3A_525 : vector<8x128xi1>, vector<8x128xf32>
      %select_n3A_531 = arith.select %lt3A_529, %select_n3A_471, %select_n3A_526 : vector<8x128xi1>, vector<8x128xi32>
      %select_n3A_532 = arith.select %lt3A_529, %select_n3A_525, %select_n3A_470 : vector<8x128xi1>, vector<8x128xf32>
      %select_n3A_533 = arith.select %lt3A_529, %select_n3A_526, %select_n3A_471 : vector<8x128xi1>, vector<8x128xi32>
      %swap3A_534 = arith.constant 3 : index
      %swap3A_535 = arith.constant 0 : index
      %swap3A_536 = arith.constant 0 : index
      %swap3A_537 = vector.load %arg9[%swap3A_534, %swap3A_535, %swap3A_536] : memref<32x8x128xf32, #tpu.memory_space<vmem>>, vector<1x8x128xf32>
      %swap3A_538 = vector.shape_cast %swap3A_537 : vector<1x8x128xf32> to vector<8x128xf32>
      %swap3A_539 = vector.shape_cast %select_n3A_530 : vector<8x128xf32> to vector<1x8x128xf32>
      tpu.vector_store %arg9[%swap3A_534, %swap3A_535, %swap3A_536], %swap3A_539 {strides = array<i32>} : memref<32x8x128xf32, #tpu.memory_space<vmem>>, vector<1x8x128xf32>,
      %swap3A_540 = arith.constant 3 : index
      %swap3A_541 = arith.constant 0 : index
      %swap3A_542 = arith.constant 0 : index
      %swap3A_543 = vector.load %arg10[%swap3A_540, %swap3A_541, %swap3A_542] : memref<32x8x128xi32, #tpu.memory_space<vmem>>, vector<1x8x128xi32>
      %swap3A_544 = vector.shape_cast %swap3A_543 : vector<1x8x128xi32> to vector<8x128xi32>
      %swap3A_545 = vector.shape_cast %select_n3A_531 : vector<8x128xi32> to vector<1x8x128xi32>
      tpu.vector_store %arg10[%swap3A_540, %swap3A_541, %swap3A_542], %swap3A_545 {strides = array<i32>} : memref<32x8x128xi32, #tpu.memory_space<vmem>>, vector<1x8x128xi32>,
      %get3A_546 = arith.constant 4 : index
      %get3A_547 = arith.constant 0 : index
      %get3A_548 = arith.constant 0 : index
      %get3A_549 = vector.load %arg9[%get3A_546, %get3A_547, %get3A_548] : memref<32x8x128xf32, #tpu.memory_space<vmem>>, vector<1x8x128xf32>
      %get3A_550 = vector.shape_cast %get3A_549 : vector<1x8x128xf32> to vector<8x128xf32>
      %get3A_551 = arith.constant 4 : index
      %get3A_552 = arith.constant 0 : index
      %get3A_553 = arith.constant 0 : index
      %get3A_554 = vector.load %arg10[%get3A_551, %get3A_552, %get3A_553] : memref<32x8x128xi32, #tpu.memory_space<vmem>>, vector<1x8x128xi32>
      %get3A_555 = vector.shape_cast %get3A_554 : vector<1x8x128xi32> to vector<8x128xi32>
      %lt3A_556 = arith.cmpf olt, %select_n3A_497, %get3A_550 : vector<8x128xf32>
      %select_n3A_557 = arith.select %lt3A_556, %select_n3A_497, %get3A_550 : vector<8x128xi1>, vector<8x128xf32>
      %select_n3A_558 = arith.select %lt3A_556, %select_n3A_498, %get3A_555 : vector<8x128xi1>, vector<8x128xi32>
      %select_n3A_559 = arith.select %lt3A_556, %get3A_550, %select_n3A_497 : vector<8x128xi1>, vector<8x128xf32>
      %select_n3A_560 = arith.select %lt3A_556, %get3A_555, %select_n3A_498 : vector<8x128xi1>, vector<8x128xi32>
      %lt3A_561 = arith.cmpf olt, %select_n3A_502, %select_n3A_557 : vector<8x128xf32>
      %select_n3A_562 = arith.select %lt3A_561, %select_n3A_502, %select_n3A_557 : vector<8x128xi1>, vector<8x128xf32>
      %select_n3A_563 = arith.select %lt3A_561, %select_n3A_503, %select_n3A_558 : vector<8x128xi1>, vector<8x128xi32>
      %select_n3A_564 = arith.select %lt3A_561, %select_n3A_557, %select_n3A_502 : vector<8x128xi1>, vector<8x128xf32>
      %select_n3A_565 = arith.select %lt3A_561, %select_n3A_558, %select_n3A_503 : vector<8x128xi1>, vector<8x128xi32>
      %lt3A_566 = arith.cmpf olt, %select_n3A_507, %select_n3A_562 : vector<8x128xf32>
      %select_n3A_567 = arith.select %lt3A_566, %select_n3A_507, %select_n3A_562 : vector<8x128xi1>, vector<8x128xf32>
      %select_n3A_568 = arith.select %lt3A_566, %select_n3A_508, %select_n3A_563 : vector<8x128xi1>, vector<8x128xi32>
      %select_n3A_569 = arith.select %lt3A_566, %select_n3A_562, %select_n3A_507 : vector<8x128xi1>, vector<8x128xf32>
      %select_n3A_570 = arith.select %lt3A_566, %select_n3A_563, %select_n3A_508 : vector<8x128xi1>, vector<8x128xi32>
      %lt3A_571 = arith.cmpf olt, %select_n3A_512, %select_n3A_567 : vector<8x128xf32>
      %select_n3A_572 = arith.select %lt3A_571, %select_n3A_512, %select_n3A_567 : vector<8x128xi1>, vector<8x128xf32>
      %select_n3A_573 = arith.select %lt3A_571, %select_n3A_513, %select_n3A_568 : vector<8x128xi1>, vector<8x128xi32>
      %select_n3A_574 = arith.select %lt3A_571, %select_n3A_567, %select_n3A_512 : vector<8x128xi1>, vector<8x128xf32>
      %select_n3A_575 = arith.select %lt3A_571, %select_n3A_568, %select_n3A_513 : vector<8x128xi1>, vector<8x128xi32>
      %lt3A_576 = arith.cmpf olt, %select_n3A_517, %select_n3A_572 : vector<8x128xf32>
      %select_n3A_577 = arith.select %lt3A_576, %select_n3A_517, %select_n3A_572 : vector<8x128xi1>, vector<8x128xf32>
      %select_n3A_578 = arith.select %lt3A_576, %select_n3A_518, %select_n3A_573 : vector<8x128xi1>, vector<8x128xi32>
      %select_n3A_579 = arith.select %lt3A_576, %select_n3A_572, %select_n3A_517 : vector<8x128xi1>, vector<8x128xf32>
      %select_n3A_580 = arith.select %lt3A_576, %select_n3A_573, %select_n3A_518 : vector<8x128xi1>, vector<8x128xi32>
      %lt3A_581 = arith.cmpf olt, %select_n3A_522, %select_n3A_577 : vector<8x128xf32>
      %select_n3A_582 = arith.select %lt3A_581, %select_n3A_522, %select_n3A_577 : vector<8x128xi1>, vector<8x128xf32>
      %select_n3A_583 = arith.select %lt3A_581, %select_n3A_523, %select_n3A_578 : vector<8x128xi1>, vector<8x128xi32>
      %select_n3A_584 = arith.select %lt3A_581, %select_n3A_577, %select_n3A_522 : vector<8x128xi1>, vector<8x128xf32>
      %select_n3A_585 = arith.select %lt3A_581, %select_n3A_578, %select_n3A_523 : vector<8x128xi1>, vector<8x128xi32>
      %lt3A_586 = arith.cmpf olt, %select_n3A_527, %select_n3A_582 : vector<8x128xf32>
      %select_n3A_587 = arith.select %lt3A_586, %select_n3A_527, %select_n3A_582 : vector<8x128xi1>, vector<8x128xf32>
      %select_n3A_588 = arith.select %lt3A_586, %select_n3A_528, %select_n3A_583 : vector<8x128xi1>, vector<8x128xi32>
      %select_n3A_589 = arith.select %lt3A_586, %select_n3A_582, %select_n3A_527 : vector<8x128xi1>, vector<8x128xf32>
      %select_n3A_590 = arith.select %lt3A_586, %select_n3A_583, %select_n3A_528 : vector<8x128xi1>, vector<8x128xi32>
      %lt3A_591 = arith.cmpf olt, %select_n3A_532, %select_n3A_587 : vector<8x128xf32>
      %select_n3A_592 = arith.select %lt3A_591, %select_n3A_532, %select_n3A_587 : vector<8x128xi1>, vector<8x128xf32>
      %select_n3A_593 = arith.select %lt3A_591, %select_n3A_533, %select_n3A_588 : vector<8x128xi1>, vector<8x128xi32>
      %select_n3A_594 = arith.select %lt3A_591, %select_n3A_587, %select_n3A_532 : vector<8x128xi1>, vector<8x128xf32>
      %select_n3A_595 = arith.select %lt3A_591, %select_n3A_588, %select_n3A_533 : vector<8x128xi1>, vector<8x128xi32>
      %swap3A_596 = arith.constant 4 : index
      %swap3A_597 = arith.constant 0 : index
      %swap3A_598 = arith.constant 0 : index
      %swap3A_599 = vector.load %arg9[%swap3A_596, %swap3A_597, %swap3A_598] : memref<32x8x128xf32, #tpu.memory_space<vmem>>, vector<1x8x128xf32>
      %swap3A_600 = vector.shape_cast %swap3A_599 : vector<1x8x128xf32> to vector<8x128xf32>
      %swap3A_601 = vector.shape_cast %select_n3A_592 : vector<8x128xf32> to vector<1x8x128xf32>
      tpu.vector_store %arg9[%swap3A_596, %swap3A_597, %swap3A_598], %swap3A_601 {strides = array<i32>} : memref<32x8x128xf32, #tpu.memory_space<vmem>>, vector<1x8x128xf32>,
      %swap3A_602 = arith.constant 4 : index
      %swap3A_603 = arith.constant 0 : index
      %swap3A_604 = arith.constant 0 : index
      %swap3A_605 = vector.load %arg10[%swap3A_602, %swap3A_603, %swap3A_604] : memref<32x8x128xi32, #tpu.memory_space<vmem>>, vector<1x8x128xi32>
      %swap3A_606 = vector.shape_cast %swap3A_605 : vector<1x8x128xi32> to vector<8x128xi32>
      %swap3A_607 = vector.shape_cast %select_n3A_593 : vector<8x128xi32> to vector<1x8x128xi32>
      tpu.vector_store %arg10[%swap3A_602, %swap3A_603, %swap3A_604], %swap3A_607 {strides = array<i32>} : memref<32x8x128xi32, #tpu.memory_space<vmem>>, vector<1x8x128xi32>,
      %get3A_608 = arith.constant 5 : index
      %get3A_609 = arith.constant 0 : index
      %get3A_610 = arith.constant 0 : index
      %get3A_611 = vector.load %arg9[%get3A_608, %get3A_609, %get3A_610] : memref<32x8x128xf32, #tpu.memory_space<vmem>>, vector<1x8x128xf32>
      %get3A_612 = vector.shape_cast %get3A_611 : vector<1x8x128xf32> to vector<8x128xf32>
      %get3A_613 = arith.constant 5 : index
      %get3A_614 = arith.constant 0 : index
      %get3A_615 = arith.constant 0 : index
      %get3A_616 = vector.load %arg10[%get3A_613, %get3A_614, %get3A_615] : memref<32x8x128xi32, #tpu.memory_space<vmem>>, vector<1x8x128xi32>
      %get3A_617 = vector.shape_cast %get3A_616 : vector<1x8x128xi32> to vector<8x128xi32>
      %lt3A_618 = arith.cmpf olt, %select_n3A_559, %get3A_612 : vector<8x128xf32>
      %select_n3A_619 = arith.select %lt3A_618, %select_n3A_559, %get3A_612 : vector<8x128xi1>, vector<8x128xf32>
      %select_n3A_620 = arith.select %lt3A_618, %select_n3A_560, %get3A_617 : vector<8x128xi1>, vector<8x128xi32>
      %select_n3A_621 = arith.select %lt3A_618, %get3A_612, %select_n3A_559 : vector<8x128xi1>, vector<8x128xf32>
      %select_n3A_622 = arith.select %lt3A_618, %get3A_617, %select_n3A_560 : vector<8x128xi1>, vector<8x128xi32>
      %lt3A_623 = arith.cmpf olt, %select_n3A_564, %select_n3A_619 : vector<8x128xf32>
      %select_n3A_624 = arith.select %lt3A_623, %select_n3A_564, %select_n3A_619 : vector<8x128xi1>, vector<8x128xf32>
      %select_n3A_625 = arith.select %lt3A_623, %select_n3A_565, %select_n3A_620 : vector<8x128xi1>, vector<8x128xi32>
      %select_n3A_626 = arith.select %lt3A_623, %select_n3A_619, %select_n3A_564 : vector<8x128xi1>, vector<8x128xf32>
      %select_n3A_627 = arith.select %lt3A_623, %select_n3A_620, %select_n3A_565 : vector<8x128xi1>, vector<8x128xi32>
      %lt3A_628 = arith.cmpf olt, %select_n3A_569, %select_n3A_624 : vector<8x128xf32>
      %select_n3A_629 = arith.select %lt3A_628, %select_n3A_569, %select_n3A_624 : vector<8x128xi1>, vector<8x128xf32>
      %select_n3A_630 = arith.select %lt3A_628, %select_n3A_570, %select_n3A_625 : vector<8x128xi1>, vector<8x128xi32>
      %select_n3A_631 = arith.select %lt3A_628, %select_n3A_624, %select_n3A_569 : vector<8x128xi1>, vector<8x128xf32>
      %select_n3A_632 = arith.select %lt3A_628, %select_n3A_625, %select_n3A_570 : vector<8x128xi1>, vector<8x128xi32>
      %lt3A_633 = arith.cmpf olt, %select_n3A_574, %select_n3A_629 : vector<8x128xf32>
      %select_n3A_634 = arith.select %lt3A_633, %select_n3A_574, %select_n3A_629 : vector<8x128xi1>, vector<8x128xf32>
      %select_n3A_635 = arith.select %lt3A_633, %select_n3A_575, %select_n3A_630 : vector<8x128xi1>, vector<8x128xi32>
      %select_n3A_636 = arith.select %lt3A_633, %select_n3A_629, %select_n3A_574 : vector<8x128xi1>, vector<8x128xf32>
      %select_n3A_637 = arith.select %lt3A_633, %select_n3A_630, %select_n3A_575 : vector<8x128xi1>, vector<8x128xi32>
      %lt3A_638 = arith.cmpf olt, %select_n3A_579, %select_n3A_634 : vector<8x128xf32>
      %select_n3A_639 = arith.select %lt3A_638, %select_n3A_579, %select_n3A_634 : vector<8x128xi1>, vector<8x128xf32>
      %select_n3A_640 = arith.select %lt3A_638, %select_n3A_580, %select_n3A_635 : vector<8x128xi1>, vector<8x128xi32>
      %select_n3A_641 = arith.select %lt3A_638, %select_n3A_634, %select_n3A_579 : vector<8x128xi1>, vector<8x128xf32>
      %select_n3A_642 = arith.select %lt3A_638, %select_n3A_635, %select_n3A_580 : vector<8x128xi1>, vector<8x128xi32>
      %lt3A_643 = arith.cmpf olt, %select_n3A_584, %select_n3A_639 : vector<8x128xf32>
      %select_n3A_644 = arith.select %lt3A_643, %select_n3A_584, %select_n3A_639 : vector<8x128xi1>, vector<8x128xf32>
      %select_n3A_645 = arith.select %lt3A_643, %select_n3A_585, %select_n3A_640 : vector<8x128xi1>, vector<8x128xi32>
      %select_n3A_646 = arith.select %lt3A_643, %select_n3A_639, %select_n3A_584 : vector<8x128xi1>, vector<8x128xf32>
      %select_n3A_647 = arith.select %lt3A_643, %select_n3A_640, %select_n3A_585 : vector<8x128xi1>, vector<8x128xi32>
      %lt3A_648 = arith.cmpf olt, %select_n3A_589, %select_n3A_644 : vector<8x128xf32>
      %select_n3A_649 = arith.select %lt3A_648, %select_n3A_589, %select_n3A_644 : vector<8x128xi1>, vector<8x128xf32>
      %select_n3A_650 = arith.select %lt3A_648, %select_n3A_590, %select_n3A_645 : vector<8x128xi1>, vector<8x128xi32>
      %select_n3A_651 = arith.select %lt3A_648, %select_n3A_644, %select_n3A_589 : vector<8x128xi1>, vector<8x128xf32>
      %select_n3A_652 = arith.select %lt3A_648, %select_n3A_645, %select_n3A_590 : vector<8x128xi1>, vector<8x128xi32>
      %lt3A_653 = arith.cmpf olt, %select_n3A_594, %select_n3A_649 : vector<8x128xf32>
      %select_n3A_654 = arith.select %lt3A_653, %select_n3A_594, %select_n3A_649 : vector<8x128xi1>, vector<8x128xf32>
      %select_n3A_655 = arith.select %lt3A_653, %select_n3A_595, %select_n3A_650 : vector<8x128xi1>, vector<8x128xi32>
      %select_n3A_656 = arith.select %lt3A_653, %select_n3A_649, %select_n3A_594 : vector<8x128xi1>, vector<8x128xf32>
      %select_n3A_657 = arith.select %lt3A_653, %select_n3A_650, %select_n3A_595 : vector<8x128xi1>, vector<8x128xi32>
      %swap3A_658 = arith.constant 5 : index
      %swap3A_659 = arith.constant 0 : index
      %swap3A_660 = arith.constant 0 : index
      %swap3A_661 = vector.load %arg9[%swap3A_658, %swap3A_659, %swap3A_660] : memref<32x8x128xf32, #tpu.memory_space<vmem>>, vector<1x8x128xf32>
      %swap3A_662 = vector.shape_cast %swap3A_661 : vector<1x8x128xf32> to vector<8x128xf32>
      %swap3A_663 = vector.shape_cast %select_n3A_654 : vector<8x128xf32> to vector<1x8x128xf32>
      tpu.vector_store %arg9[%swap3A_658, %swap3A_659, %swap3A_660], %swap3A_663 {strides = array<i32>} : memref<32x8x128xf32, #tpu.memory_space<vmem>>, vector<1x8x128xf32>,
      %swap3A_664 = arith.constant 5 : index
      %swap3A_665 = arith.constant 0 : index
      %swap3A_666 = arith.constant 0 : index
      %swap3A_667 = vector.load %arg10[%swap3A_664, %swap3A_665, %swap3A_666] : memref<32x8x128xi32, #tpu.memory_space<vmem>>, vector<1x8x128xi32>
      %swap3A_668 = vector.shape_cast %swap3A_667 : vector<1x8x128xi32> to vector<8x128xi32>
      %swap3A_669 = vector.shape_cast %select_n3A_655 : vector<8x128xi32> to vector<1x8x128xi32>
      tpu.vector_store %arg10[%swap3A_664, %swap3A_665, %swap3A_666], %swap3A_669 {strides = array<i32>} : memref<32x8x128xi32, #tpu.memory_space<vmem>>, vector<1x8x128xi32>,
      %get3A_670 = arith.constant 6 : index
      %get3A_671 = arith.constant 0 : index
      %get3A_672 = arith.constant 0 : index
      %get3A_673 = vector.load %arg9[%get3A_670, %get3A_671, %get3A_672] : memref<32x8x128xf32, #tpu.memory_space<vmem>>, vector<1x8x128xf32>
      %get3A_674 = vector.shape_cast %get3A_673 : vector<1x8x128xf32> to vector<8x128xf32>
      %get3A_675 = arith.constant 6 : index
      %get3A_676 = arith.constant 0 : index
      %get3A_677 = arith.constant 0 : index
      %get3A_678 = vector.load %arg10[%get3A_675, %get3A_676, %get3A_677] : memref<32x8x128xi32, #tpu.memory_space<vmem>>, vector<1x8x128xi32>
      %get3A_679 = vector.shape_cast %get3A_678 : vector<1x8x128xi32> to vector<8x128xi32>
      %lt3A_680 = arith.cmpf olt, %select_n3A_621, %get3A_674 : vector<8x128xf32>
      %select_n3A_681 = arith.select %lt3A_680, %select_n3A_621, %get3A_674 : vector<8x128xi1>, vector<8x128xf32>
      %select_n3A_682 = arith.select %lt3A_680, %select_n3A_622, %get3A_679 : vector<8x128xi1>, vector<8x128xi32>
      %select_n3A_683 = arith.select %lt3A_680, %get3A_674, %select_n3A_621 : vector<8x128xi1>, vector<8x128xf32>
      %select_n3A_684 = arith.select %lt3A_680, %get3A_679, %select_n3A_622 : vector<8x128xi1>, vector<8x128xi32>
      %lt3A_685 = arith.cmpf olt, %select_n3A_626, %select_n3A_681 : vector<8x128xf32>
      %select_n3A_686 = arith.select %lt3A_685, %select_n3A_626, %select_n3A_681 : vector<8x128xi1>, vector<8x128xf32>
      %select_n3A_687 = arith.select %lt3A_685, %select_n3A_627, %select_n3A_682 : vector<8x128xi1>, vector<8x128xi32>
      %select_n3A_688 = arith.select %lt3A_685, %select_n3A_681, %select_n3A_626 : vector<8x128xi1>, vector<8x128xf32>
      %select_n3A_689 = arith.select %lt3A_685, %select_n3A_682, %select_n3A_627 : vector<8x128xi1>, vector<8x128xi32>
      %lt3A_690 = arith.cmpf olt, %select_n3A_631, %select_n3A_686 : vector<8x128xf32>
      %select_n3A_691 = arith.select %lt3A_690, %select_n3A_631, %select_n3A_686 : vector<8x128xi1>, vector<8x128xf32>
      %select_n3A_692 = arith.select %lt3A_690, %select_n3A_632, %select_n3A_687 : vector<8x128xi1>, vector<8x128xi32>
      %select_n3A_693 = arith.select %lt3A_690, %select_n3A_686, %select_n3A_631 : vector<8x128xi1>, vector<8x128xf32>
      %select_n3A_694 = arith.select %lt3A_690, %select_n3A_687, %select_n3A_632 : vector<8x128xi1>, vector<8x128xi32>
      %lt3A_695 = arith.cmpf olt, %select_n3A_636, %select_n3A_691 : vector<8x128xf32>
      %select_n3A_696 = arith.select %lt3A_695, %select_n3A_636, %select_n3A_691 : vector<8x128xi1>, vector<8x128xf32>
      %select_n3A_697 = arith.select %lt3A_695, %select_n3A_637, %select_n3A_692 : vector<8x128xi1>, vector<8x128xi32>
      %select_n3A_698 = arith.select %lt3A_695, %select_n3A_691, %select_n3A_636 : vector<8x128xi1>, vector<8x128xf32>
      %select_n3A_699 = arith.select %lt3A_695, %select_n3A_692, %select_n3A_637 : vector<8x128xi1>, vector<8x128xi32>
      %lt3A_700 = arith.cmpf olt, %select_n3A_641, %select_n3A_696 : vector<8x128xf32>
      %select_n3A_701 = arith.select %lt3A_700, %select_n3A_641, %select_n3A_696 : vector<8x128xi1>, vector<8x128xf32>
      %select_n3A_702 = arith.select %lt3A_700, %select_n3A_642, %select_n3A_697 : vector<8x128xi1>, vector<8x128xi32>
      %select_n3A_703 = arith.select %lt3A_700, %select_n3A_696, %select_n3A_641 : vector<8x128xi1>, vector<8x128xf32>
      %select_n3A_704 = arith.select %lt3A_700, %select_n3A_697, %select_n3A_642 : vector<8x128xi1>, vector<8x128xi32>
      %lt3A_705 = arith.cmpf olt, %select_n3A_646, %select_n3A_701 : vector<8x128xf32>
      %select_n3A_706 = arith.select %lt3A_705, %select_n3A_646, %select_n3A_701 : vector<8x128xi1>, vector<8x128xf32>
      %select_n3A_707 = arith.select %lt3A_705, %select_n3A_647, %select_n3A_702 : vector<8x128xi1>, vector<8x128xi32>
      %select_n3A_708 = arith.select %lt3A_705, %select_n3A_701, %select_n3A_646 : vector<8x128xi1>, vector<8x128xf32>
      %select_n3A_709 = arith.select %lt3A_705, %select_n3A_702, %select_n3A_647 : vector<8x128xi1>, vector<8x128xi32>
      %lt3A_710 = arith.cmpf olt, %select_n3A_651, %select_n3A_706 : vector<8x128xf32>
      %select_n3A_711 = arith.select %lt3A_710, %select_n3A_651, %select_n3A_706 : vector<8x128xi1>, vector<8x128xf32>
      %select_n3A_712 = arith.select %lt3A_710, %select_n3A_652, %select_n3A_707 : vector<8x128xi1>, vector<8x128xi32>
      %select_n3A_713 = arith.select %lt3A_710, %select_n3A_706, %select_n3A_651 : vector<8x128xi1>, vector<8x128xf32>
      %select_n3A_714 = arith.select %lt3A_710, %select_n3A_707, %select_n3A_652 : vector<8x128xi1>, vector<8x128xi32>
      %lt3A_715 = arith.cmpf olt, %select_n3A_656, %select_n3A_711 : vector<8x128xf32>
      %select_n3A_716 = arith.select %lt3A_715, %select_n3A_656, %select_n3A_711 : vector<8x128xi1>, vector<8x128xf32>
      %select_n3A_717 = arith.select %lt3A_715, %select_n3A_657, %select_n3A_712 : vector<8x128xi1>, vector<8x128xi32>
      %select_n3A_718 = arith.select %lt3A_715, %select_n3A_711, %select_n3A_656 : vector<8x128xi1>, vector<8x128xf32>
      %select_n3A_719 = arith.select %lt3A_715, %select_n3A_712, %select_n3A_657 : vector<8x128xi1>, vector<8x128xi32>
      %swap3A_720 = arith.constant 6 : index
      %swap3A_721 = arith.constant 0 : index
      %swap3A_722 = arith.constant 0 : index
      %swap3A_723 = vector.load %arg9[%swap3A_720, %swap3A_721, %swap3A_722] : memref<32x8x128xf32, #tpu.memory_space<vmem>>, vector<1x8x128xf32>
      %swap3A_724 = vector.shape_cast %swap3A_723 : vector<1x8x128xf32> to vector<8x128xf32>
      %swap3A_725 = vector.shape_cast %select_n3A_716 : vector<8x128xf32> to vector<1x8x128xf32>
      tpu.vector_store %arg9[%swap3A_720, %swap3A_721, %swap3A_722], %swap3A_725 {strides = array<i32>} : memref<32x8x128xf32, #tpu.memory_space<vmem>>, vector<1x8x128xf32>,
      %swap3A_726 = arith.constant 6 : index
      %swap3A_727 = arith.constant 0 : index
      %swap3A_728 = arith.constant 0 : index
      %swap3A_729 = vector.load %arg10[%swap3A_726, %swap3A_727, %swap3A_728] : memref<32x8x128xi32, #tpu.memory_space<vmem>>, vector<1x8x128xi32>
      %swap3A_730 = vector.shape_cast %swap3A_729 : vector<1x8x128xi32> to vector<8x128xi32>
      %swap3A_731 = vector.shape_cast %select_n3A_717 : vector<8x128xi32> to vector<1x8x128xi32>
      tpu.vector_store %arg10[%swap3A_726, %swap3A_727, %swap3A_728], %swap3A_731 {strides = array<i32>} : memref<32x8x128xi32, #tpu.memory_space<vmem>>, vector<1x8x128xi32>,
      %get3A_732 = arith.constant 7 : index
      %get3A_733 = arith.constant 0 : index
      %get3A_734 = arith.constant 0 : index
      %get3A_735 = vector.load %arg9[%get3A_732, %get3A_733, %get3A_734] : memref<32x8x128xf32, #tpu.memory_space<vmem>>, vector<1x8x128xf32>
      %get3A_736 = vector.shape_cast %get3A_735 : vector<1x8x128xf32> to vector<8x128xf32>
      %get3A_737 = arith.constant 7 : index
      %get3A_738 = arith.constant 0 : index
      %get3A_739 = arith.constant 0 : index
      %get3A_740 = vector.load %arg10[%get3A_737, %get3A_738, %get3A_739] : memref<32x8x128xi32, #tpu.memory_space<vmem>>, vector<1x8x128xi32>
      %get3A_741 = vector.shape_cast %get3A_740 : vector<1x8x128xi32> to vector<8x128xi32>
      %lt3A_742 = arith.cmpf olt, %select_n3A_683, %get3A_736 : vector<8x128xf32>
      %select_n3A_743 = arith.select %lt3A_742, %select_n3A_683, %get3A_736 : vector<8x128xi1>, vector<8x128xf32>
      %select_n3A_744 = arith.select %lt3A_742, %select_n3A_684, %get3A_741 : vector<8x128xi1>, vector<8x128xi32>
      %select_n3A_745 = arith.select %lt3A_742, %get3A_736, %select_n3A_683 : vector<8x128xi1>, vector<8x128xf32>
      %select_n3A_746 = arith.select %lt3A_742, %get3A_741, %select_n3A_684 : vector<8x128xi1>, vector<8x128xi32>
      %lt3A_747 = arith.cmpf olt, %select_n3A_688, %select_n3A_743 : vector<8x128xf32>
      %select_n3A_748 = arith.select %lt3A_747, %select_n3A_688, %select_n3A_743 : vector<8x128xi1>, vector<8x128xf32>
      %select_n3A_749 = arith.select %lt3A_747, %select_n3A_689, %select_n3A_744 : vector<8x128xi1>, vector<8x128xi32>
      %select_n3A_750 = arith.select %lt3A_747, %select_n3A_743, %select_n3A_688 : vector<8x128xi1>, vector<8x128xf32>
      %select_n3A_751 = arith.select %lt3A_747, %select_n3A_744, %select_n3A_689 : vector<8x128xi1>, vector<8x128xi32>
      %lt3A_752 = arith.cmpf olt, %select_n3A_693, %select_n3A_748 : vector<8x128xf32>
      %select_n3A_753 = arith.select %lt3A_752, %select_n3A_693, %select_n3A_748 : vector<8x128xi1>, vector<8x128xf32>
      %select_n3A_754 = arith.select %lt3A_752, %select_n3A_694, %select_n3A_749 : vector<8x128xi1>, vector<8x128xi32>
      %select_n3A_755 = arith.select %lt3A_752, %select_n3A_748, %select_n3A_693 : vector<8x128xi1>, vector<8x128xf32>
      %select_n3A_756 = arith.select %lt3A_752, %select_n3A_749, %select_n3A_694 : vector<8x128xi1>, vector<8x128xi32>
      %lt3A_757 = arith.cmpf olt, %select_n3A_698, %select_n3A_753 : vector<8x128xf32>
      %select_n3A_758 = arith.select %lt3A_757, %select_n3A_698, %select_n3A_753 : vector<8x128xi1>, vector<8x128xf32>
      %select_n3A_759 = arith.select %lt3A_757, %select_n3A_699, %select_n3A_754 : vector<8x128xi1>, vector<8x128xi32>
      %select_n3A_760 = arith.select %lt3A_757, %select_n3A_753, %select_n3A_698 : vector<8x128xi1>, vector<8x128xf32>
      %select_n3A_761 = arith.select %lt3A_757, %select_n3A_754, %select_n3A_699 : vector<8x128xi1>, vector<8x128xi32>
      %lt3A_762 = arith.cmpf olt, %select_n3A_703, %select_n3A_758 : vector<8x128xf32>
      %select_n3A_763 = arith.select %lt3A_762, %select_n3A_703, %select_n3A_758 : vector<8x128xi1>, vector<8x128xf32>
      %select_n3A_764 = arith.select %lt3A_762, %select_n3A_704, %select_n3A_759 : vector<8x128xi1>, vector<8x128xi32>
      %select_n3A_765 = arith.select %lt3A_762, %select_n3A_758, %select_n3A_703 : vector<8x128xi1>, vector<8x128xf32>
      %select_n3A_766 = arith.select %lt3A_762, %select_n3A_759, %select_n3A_704 : vector<8x128xi1>, vector<8x128xi32>
      %lt3A_767 = arith.cmpf olt, %select_n3A_708, %select_n3A_763 : vector<8x128xf32>
      %select_n3A_768 = arith.select %lt3A_767, %select_n3A_708, %select_n3A_763 : vector<8x128xi1>, vector<8x128xf32>
      %select_n3A_769 = arith.select %lt3A_767, %select_n3A_709, %select_n3A_764 : vector<8x128xi1>, vector<8x128xi32>
      %select_n3A_770 = arith.select %lt3A_767, %select_n3A_763, %select_n3A_708 : vector<8x128xi1>, vector<8x128xf32>
      %select_n3A_771 = arith.select %lt3A_767, %select_n3A_764, %select_n3A_709 : vector<8x128xi1>, vector<8x128xi32>
      %lt3A_772 = arith.cmpf olt, %select_n3A_713, %select_n3A_768 : vector<8x128xf32>
      %select_n3A_773 = arith.select %lt3A_772, %select_n3A_713, %select_n3A_768 : vector<8x128xi1>, vector<8x128xf32>
      %select_n3A_774 = arith.select %lt3A_772, %select_n3A_714, %select_n3A_769 : vector<8x128xi1>, vector<8x128xi32>
      %select_n3A_775 = arith.select %lt3A_772, %select_n3A_768, %select_n3A_713 : vector<8x128xi1>, vector<8x128xf32>
      %select_n3A_776 = arith.select %lt3A_772, %select_n3A_769, %select_n3A_714 : vector<8x128xi1>, vector<8x128xi32>
      %lt3A_777 = arith.cmpf olt, %select_n3A_718, %select_n3A_773 : vector<8x128xf32>
      %select_n3A_778 = arith.select %lt3A_777, %select_n3A_718, %select_n3A_773 : vector<8x128xi1>, vector<8x128xf32>
      %select_n3A_779 = arith.select %lt3A_777, %select_n3A_719, %select_n3A_774 : vector<8x128xi1>, vector<8x128xi32>
      %select_n3A_780 = arith.select %lt3A_777, %select_n3A_773, %select_n3A_718 : vector<8x128xi1>, vector<8x128xf32>
      %select_n3A_781 = arith.select %lt3A_777, %select_n3A_774, %select_n3A_719 : vector<8x128xi1>, vector<8x128xi32>
      %swap3A_782 = arith.constant 7 : index
      %swap3A_783 = arith.constant 0 : index
      %swap3A_784 = arith.constant 0 : index
      %swap3A_785 = vector.load %arg9[%swap3A_782, %swap3A_783, %swap3A_784] : memref<32x8x128xf32, #tpu.memory_space<vmem>>, vector<1x8x128xf32>
      %swap3A_786 = vector.shape_cast %swap3A_785 : vector<1x8x128xf32> to vector<8x128xf32>
      %swap3A_787 = vector.shape_cast %select_n3A_778 : vector<8x128xf32> to vector<1x8x128xf32>
      tpu.vector_store %arg9[%swap3A_782, %swap3A_783, %swap3A_784], %swap3A_787 {strides = array<i32>} : memref<32x8x128xf32, #tpu.memory_space<vmem>>, vector<1x8x128xf32>,
      %swap3A_788 = arith.constant 7 : index
      %swap3A_789 = arith.constant 0 : index
      %swap3A_790 = arith.constant 0 : index
      %swap3A_791 = vector.load %arg10[%swap3A_788, %swap3A_789, %swap3A_790] : memref<32x8x128xi32, #tpu.memory_space<vmem>>, vector<1x8x128xi32>
      %swap3A_792 = vector.shape_cast %swap3A_791 : vector<1x8x128xi32> to vector<8x128xi32>
      %swap3A_793 = vector.shape_cast %select_n3A_779 : vector<8x128xi32> to vector<1x8x128xi32>
      tpu.vector_store %arg10[%swap3A_788, %swap3A_789, %swap3A_790], %swap3A_793 {strides = array<i32>} : memref<32x8x128xi32, #tpu.memory_space<vmem>>, vector<1x8x128xi32>,
      %get3A_794 = arith.constant 8 : index
      %get3A_795 = arith.constant 0 : index
      %get3A_796 = arith.constant 0 : index
      %get3A_797 = vector.load %arg9[%get3A_794, %get3A_795, %get3A_796] : memref<32x8x128xf32, #tpu.memory_space<vmem>>, vector<1x8x128xf32>
      %get3A_798 = vector.shape_cast %get3A_797 : vector<1x8x128xf32> to vector<8x128xf32>
      %get3A_799 = arith.constant 8 : index
      %get3A_800 = arith.constant 0 : index
      %get3A_801 = arith.constant 0 : index
      %get3A_802 = vector.load %arg10[%get3A_799, %get3A_800, %get3A_801] : memref<32x8x128xi32, #tpu.memory_space<vmem>>, vector<1x8x128xi32>
      %get3A_803 = vector.shape_cast %get3A_802 : vector<1x8x128xi32> to vector<8x128xi32>
      %lt3A_804 = arith.cmpf olt, %select_n3A_745, %get3A_798 : vector<8x128xf32>
      %select_n3A_805 = arith.select %lt3A_804, %select_n3A_745, %get3A_798 : vector<8x128xi1>, vector<8x128xf32>
      %select_n3A_806 = arith.select %lt3A_804, %select_n3A_746, %get3A_803 : vector<8x128xi1>, vector<8x128xi32>
      %select_n3A_807 = arith.select %lt3A_804, %get3A_798, %select_n3A_745 : vector<8x128xi1>, vector<8x128xf32>
      %select_n3A_808 = arith.select %lt3A_804, %get3A_803, %select_n3A_746 : vector<8x128xi1>, vector<8x128xi32>
      %lt3A_809 = arith.cmpf olt, %select_n3A_750, %select_n3A_805 : vector<8x128xf32>
      %select_n3A_810 = arith.select %lt3A_809, %select_n3A_750, %select_n3A_805 : vector<8x128xi1>, vector<8x128xf32>
      %select_n3A_811 = arith.select %lt3A_809, %select_n3A_751, %select_n3A_806 : vector<8x128xi1>, vector<8x128xi32>
      %select_n3A_812 = arith.select %lt3A_809, %select_n3A_805, %select_n3A_750 : vector<8x128xi1>, vector<8x128xf32>
      %select_n3A_813 = arith.select %lt3A_809, %select_n3A_806, %select_n3A_751 : vector<8x128xi1>, vector<8x128xi32>
      %lt3A_814 = arith.cmpf olt, %select_n3A_755, %select_n3A_810 : vector<8x128xf32>
      %select_n3A_815 = arith.select %lt3A_814, %select_n3A_755, %select_n3A_810 : vector<8x128xi1>, vector<8x128xf32>
      %select_n3A_816 = arith.select %lt3A_814, %select_n3A_756, %select_n3A_811 : vector<8x128xi1>, vector<8x128xi32>
      %select_n3A_817 = arith.select %lt3A_814, %select_n3A_810, %select_n3A_755 : vector<8x128xi1>, vector<8x128xf32>
      %select_n3A_818 = arith.select %lt3A_814, %select_n3A_811, %select_n3A_756 : vector<8x128xi1>, vector<8x128xi32>
      %lt3A_819 = arith.cmpf olt, %select_n3A_760, %select_n3A_815 : vector<8x128xf32>
      %select_n3A_820 = arith.select %lt3A_819, %select_n3A_760, %select_n3A_815 : vector<8x128xi1>, vector<8x128xf32>
      %select_n3A_821 = arith.select %lt3A_819, %select_n3A_761, %select_n3A_816 : vector<8x128xi1>, vector<8x128xi32>
      %select_n3A_822 = arith.select %lt3A_819, %select_n3A_815, %select_n3A_760 : vector<8x128xi1>, vector<8x128xf32>
      %select_n3A_823 = arith.select %lt3A_819, %select_n3A_816, %select_n3A_761 : vector<8x128xi1>, vector<8x128xi32>
      %lt3A_824 = arith.cmpf olt, %select_n3A_765, %select_n3A_820 : vector<8x128xf32>
      %select_n3A_825 = arith.select %lt3A_824, %select_n3A_765, %select_n3A_820 : vector<8x128xi1>, vector<8x128xf32>
      %select_n3A_826 = arith.select %lt3A_824, %select_n3A_766, %select_n3A_821 : vector<8x128xi1>, vector<8x128xi32>
      %select_n3A_827 = arith.select %lt3A_824, %select_n3A_820, %select_n3A_765 : vector<8x128xi1>, vector<8x128xf32>
      %select_n3A_828 = arith.select %lt3A_824, %select_n3A_821, %select_n3A_766 : vector<8x128xi1>, vector<8x128xi32>
      %lt3A_829 = arith.cmpf olt, %select_n3A_770, %select_n3A_825 : vector<8x128xf32>
      %select_n3A_830 = arith.select %lt3A_829, %select_n3A_770, %select_n3A_825 : vector<8x128xi1>, vector<8x128xf32>
      %select_n3A_831 = arith.select %lt3A_829, %select_n3A_771, %select_n3A_826 : vector<8x128xi1>, vector<8x128xi32>
      %select_n3A_832 = arith.select %lt3A_829, %select_n3A_825, %select_n3A_770 : vector<8x128xi1>, vector<8x128xf32>
      %select_n3A_833 = arith.select %lt3A_829, %select_n3A_826, %select_n3A_771 : vector<8x128xi1>, vector<8x128xi32>
      %lt3A_834 = arith.cmpf olt, %select_n3A_775, %select_n3A_830 : vector<8x128xf32>
      %select_n3A_835 = arith.select %lt3A_834, %select_n3A_775, %select_n3A_830 : vector<8x128xi1>, vector<8x128xf32>
      %select_n3A_836 = arith.select %lt3A_834, %select_n3A_776, %select_n3A_831 : vector<8x128xi1>, vector<8x128xi32>
      %select_n3A_837 = arith.select %lt3A_834, %select_n3A_830, %select_n3A_775 : vector<8x128xi1>, vector<8x128xf32>
      %select_n3A_838 = arith.select %lt3A_834, %select_n3A_831, %select_n3A_776 : vector<8x128xi1>, vector<8x128xi32>
      %lt3A_839 = arith.cmpf olt, %select_n3A_780, %select_n3A_835 : vector<8x128xf32>
      %select_n3A_840 = arith.select %lt3A_839, %select_n3A_780, %select_n3A_835 : vector<8x128xi1>, vector<8x128xf32>
      %select_n3A_841 = arith.select %lt3A_839, %select_n3A_781, %select_n3A_836 : vector<8x128xi1>, vector<8x128xi32>
      %select_n3A_842 = arith.select %lt3A_839, %select_n3A_835, %select_n3A_780 : vector<8x128xi1>, vector<8x128xf32>
      %select_n3A_843 = arith.select %lt3A_839, %select_n3A_836, %select_n3A_781 : vector<8x128xi1>, vector<8x128xi32>
      %swap3A_844 = arith.constant 8 : index
      %swap3A_845 = arith.constant 0 : index
      %swap3A_846 = arith.constant 0 : index
      %swap3A_847 = vector.load %arg9[%swap3A_844, %swap3A_845, %swap3A_846] : memref<32x8x128xf32, #tpu.memory_space<vmem>>, vector<1x8x128xf32>
      %swap3A_848 = vector.shape_cast %swap3A_847 : vector<1x8x128xf32> to vector<8x128xf32>
      %swap3A_849 = vector.shape_cast %select_n3A_840 : vector<8x128xf32> to vector<1x8x128xf32>
      tpu.vector_store %arg9[%swap3A_844, %swap3A_845, %swap3A_846], %swap3A_849 {strides = array<i32>} : memref<32x8x128xf32, #tpu.memory_space<vmem>>, vector<1x8x128xf32>,
      %swap3A_850 = arith.constant 8 : index
      %swap3A_851 = arith.constant 0 : index
      %swap3A_852 = arith.constant 0 : index
      %swap3A_853 = vector.load %arg10[%swap3A_850, %swap3A_851, %swap3A_852] : memref<32x8x128xi32, #tpu.memory_space<vmem>>, vector<1x8x128xi32>
      %swap3A_854 = vector.shape_cast %swap3A_853 : vector<1x8x128xi32> to vector<8x128xi32>
      %swap3A_855 = vector.shape_cast %select_n3A_841 : vector<8x128xi32> to vector<1x8x128xi32>
      tpu.vector_store %arg10[%swap3A_850, %swap3A_851, %swap3A_852], %swap3A_855 {strides = array<i32>} : memref<32x8x128xi32, #tpu.memory_space<vmem>>, vector<1x8x128xi32>,
      %get3A_856 = arith.constant 9 : index
      %get3A_857 = arith.constant 0 : index
      %get3A_858 = arith.constant 0 : index
      %get3A_859 = vector.load %arg9[%get3A_856, %get3A_857, %get3A_858] : memref<32x8x128xf32, #tpu.memory_space<vmem>>, vector<1x8x128xf32>
      %get3A_860 = vector.shape_cast %get3A_859 : vector<1x8x128xf32> to vector<8x128xf32>
      %get3A_861 = arith.constant 9 : index
      %get3A_862 = arith.constant 0 : index
      %get3A_863 = arith.constant 0 : index
      %get3A_864 = vector.load %arg10[%get3A_861, %get3A_862, %get3A_863] : memref<32x8x128xi32, #tpu.memory_space<vmem>>, vector<1x8x128xi32>
      %get3A_865 = vector.shape_cast %get3A_864 : vector<1x8x128xi32> to vector<8x128xi32>
      %lt3A_866 = arith.cmpf olt, %select_n3A_807, %get3A_860 : vector<8x128xf32>
      %select_n3A_867 = arith.select %lt3A_866, %select_n3A_807, %get3A_860 : vector<8x128xi1>, vector<8x128xf32>
      %select_n3A_868 = arith.select %lt3A_866, %select_n3A_808, %get3A_865 : vector<8x128xi1>, vector<8x128xi32>
      %select_n3A_869 = arith.select %lt3A_866, %get3A_860, %select_n3A_807 : vector<8x128xi1>, vector<8x128xf32>
      %select_n3A_870 = arith.select %lt3A_866, %get3A_865, %select_n3A_808 : vector<8x128xi1>, vector<8x128xi32>
      %lt3A_871 = arith.cmpf olt, %select_n3A_812, %select_n3A_867 : vector<8x128xf32>
      %select_n3A_872 = arith.select %lt3A_871, %select_n3A_812, %select_n3A_867 : vector<8x128xi1>, vector<8x128xf32>
      %select_n3A_873 = arith.select %lt3A_871, %select_n3A_813, %select_n3A_868 : vector<8x128xi1>, vector<8x128xi32>
      %select_n3A_874 = arith.select %lt3A_871, %select_n3A_867, %select_n3A_812 : vector<8x128xi1>, vector<8x128xf32>
      %select_n3A_875 = arith.select %lt3A_871, %select_n3A_868, %select_n3A_813 : vector<8x128xi1>, vector<8x128xi32>
      %lt3A_876 = arith.cmpf olt, %select_n3A_817, %select_n3A_872 : vector<8x128xf32>
      %select_n3A_877 = arith.select %lt3A_876, %select_n3A_817, %select_n3A_872 : vector<8x128xi1>, vector<8x128xf32>
      %select_n3A_878 = arith.select %lt3A_876, %select_n3A_818, %select_n3A_873 : vector<8x128xi1>, vector<8x128xi32>
      %select_n3A_879 = arith.select %lt3A_876, %select_n3A_872, %select_n3A_817 : vector<8x128xi1>, vector<8x128xf32>
      %select_n3A_880 = arith.select %lt3A_876, %select_n3A_873, %select_n3A_818 : vector<8x128xi1>, vector<8x128xi32>
      %lt3A_881 = arith.cmpf olt, %select_n3A_822, %select_n3A_877 : vector<8x128xf32>
      %select_n3A_882 = arith.select %lt3A_881, %select_n3A_822, %select_n3A_877 : vector<8x128xi1>, vector<8x128xf32>
      %select_n3A_883 = arith.select %lt3A_881, %select_n3A_823, %select_n3A_878 : vector<8x128xi1>, vector<8x128xi32>
      %select_n3A_884 = arith.select %lt3A_881, %select_n3A_877, %select_n3A_822 : vector<8x128xi1>, vector<8x128xf32>
      %select_n3A_885 = arith.select %lt3A_881, %select_n3A_878, %select_n3A_823 : vector<8x128xi1>, vector<8x128xi32>
      %lt3A_886 = arith.cmpf olt, %select_n3A_827, %select_n3A_882 : vector<8x128xf32>
      %select_n3A_887 = arith.select %lt3A_886, %select_n3A_827, %select_n3A_882 : vector<8x128xi1>, vector<8x128xf32>
      %select_n3A_888 = arith.select %lt3A_886, %select_n3A_828, %select_n3A_883 : vector<8x128xi1>, vector<8x128xi32>
      %select_n3A_889 = arith.select %lt3A_886, %select_n3A_882, %select_n3A_827 : vector<8x128xi1>, vector<8x128xf32>
      %select_n3A_890 = arith.select %lt3A_886, %select_n3A_883, %select_n3A_828 : vector<8x128xi1>, vector<8x128xi32>
      %lt3A_891 = arith.cmpf olt, %select_n3A_832, %select_n3A_887 : vector<8x128xf32>
      %select_n3A_892 = arith.select %lt3A_891, %select_n3A_832, %select_n3A_887 : vector<8x128xi1>, vector<8x128xf32>
      %select_n3A_893 = arith.select %lt3A_891, %select_n3A_833, %select_n3A_888 : vector<8x128xi1>, vector<8x128xi32>
      %select_n3A_894 = arith.select %lt3A_891, %select_n3A_887, %select_n3A_832 : vector<8x128xi1>, vector<8x128xf32>
      %select_n3A_895 = arith.select %lt3A_891, %select_n3A_888, %select_n3A_833 : vector<8x128xi1>, vector<8x128xi32>
      %lt3A_896 = arith.cmpf olt, %select_n3A_837, %select_n3A_892 : vector<8x128xf32>
      %select_n3A_897 = arith.select %lt3A_896, %select_n3A_837, %select_n3A_892 : vector<8x128xi1>, vector<8x128xf32>
      %select_n3A_898 = arith.select %lt3A_896, %select_n3A_838, %select_n3A_893 : vector<8x128xi1>, vector<8x128xi32>
      %select_n3A_899 = arith.select %lt3A_896, %select_n3A_892, %select_n3A_837 : vector<8x128xi1>, vector<8x128xf32>
      %select_n3A_900 = arith.select %lt3A_896, %select_n3A_893, %select_n3A_838 : vector<8x128xi1>, vector<8x128xi32>
      %lt3A_901 = arith.cmpf olt, %select_n3A_842, %select_n3A_897 : vector<8x128xf32>
      %select_n3A_902 = arith.select %lt3A_901, %select_n3A_842, %select_n3A_897 : vector<8x128xi1>, vector<8x128xf32>
      %select_n3A_903 = arith.select %lt3A_901, %select_n3A_843, %select_n3A_898 : vector<8x128xi1>, vector<8x128xi32>
      %select_n3A_904 = arith.select %lt3A_901, %select_n3A_897, %select_n3A_842 : vector<8x128xi1>, vector<8x128xf32>
      %select_n3A_905 = arith.select %lt3A_901, %select_n3A_898, %select_n3A_843 : vector<8x128xi1>, vector<8x128xi32>
      %swap3A_906 = arith.constant 9 : index
      %swap3A_907 = arith.constant 0 : index
      %swap3A_908 = arith.constant 0 : index
      %swap3A_909 = vector.load %arg9[%swap3A_906, %swap3A_907, %swap3A_908] : memref<32x8x128xf32, #tpu.memory_space<vmem>>, vector<1x8x128xf32>
      %swap3A_910 = vector.shape_cast %swap3A_909 : vector<1x8x128xf32> to vector<8x128xf32>
      %swap3A_911 = vector.shape_cast %select_n3A_902 : vector<8x128xf32> to vector<1x8x128xf32>
      tpu.vector_store %arg9[%swap3A_906, %swap3A_907, %swap3A_908], %swap3A_911 {strides = array<i32>} : memref<32x8x128xf32, #tpu.memory_space<vmem>>, vector<1x8x128xf32>,
      %swap3A_912 = arith.constant 9 : index
      %swap3A_913 = arith.constant 0 : index
      %swap3A_914 = arith.constant 0 : index
      %swap3A_915 = vector.load %arg10[%swap3A_912, %swap3A_913, %swap3A_914] : memref<32x8x128xi32, #tpu.memory_space<vmem>>, vector<1x8x128xi32>
      %swap3A_916 = vector.shape_cast %swap3A_915 : vector<1x8x128xi32> to vector<8x128xi32>
      %swap3A_917 = vector.shape_cast %select_n3A_903 : vector<8x128xi32> to vector<1x8x128xi32>
      tpu.vector_store %arg10[%swap3A_912, %swap3A_913, %swap3A_914], %swap3A_917 {strides = array<i32>} : memref<32x8x128xi32, #tpu.memory_space<vmem>>, vector<1x8x128xi32>,
      %get3A_918 = arith.constant 10 : index
      %get3A_919 = arith.constant 0 : index
      %get3A_920 = arith.constant 0 : index
      %get3A_921 = vector.load %arg9[%get3A_918, %get3A_919, %get3A_920] : memref<32x8x128xf32, #tpu.memory_space<vmem>>, vector<1x8x128xf32>
      %get3A_922 = vector.shape_cast %get3A_921 : vector<1x8x128xf32> to vector<8x128xf32>
      %get3A_923 = arith.constant 10 : index
      %get3A_924 = arith.constant 0 : index
      %get3A_925 = arith.constant 0 : index
      %get3A_926 = vector.load %arg10[%get3A_923, %get3A_924, %get3A_925] : memref<32x8x128xi32, #tpu.memory_space<vmem>>, vector<1x8x128xi32>
      %get3A_927 = vector.shape_cast %get3A_926 : vector<1x8x128xi32> to vector<8x128xi32>
      %lt3A_928 = arith.cmpf olt, %select_n3A_869, %get3A_922 : vector<8x128xf32>
      %select_n3A_929 = arith.select %lt3A_928, %select_n3A_869, %get3A_922 : vector<8x128xi1>, vector<8x128xf32>
      %select_n3A_930 = arith.select %lt3A_928, %select_n3A_870, %get3A_927 : vector<8x128xi1>, vector<8x128xi32>
      %select_n3A_931 = arith.select %lt3A_928, %get3A_922, %select_n3A_869 : vector<8x128xi1>, vector<8x128xf32>
      %select_n3A_932 = arith.select %lt3A_928, %get3A_927, %select_n3A_870 : vector<8x128xi1>, vector<8x128xi32>
      %lt3A_933 = arith.cmpf olt, %select_n3A_874, %select_n3A_929 : vector<8x128xf32>
      %select_n3A_934 = arith.select %lt3A_933, %select_n3A_874, %select_n3A_929 : vector<8x128xi1>, vector<8x128xf32>
      %select_n3A_935 = arith.select %lt3A_933, %select_n3A_875, %select_n3A_930 : vector<8x128xi1>, vector<8x128xi32>
      %select_n3A_936 = arith.select %lt3A_933, %select_n3A_929, %select_n3A_874 : vector<8x128xi1>, vector<8x128xf32>
      %select_n3A_937 = arith.select %lt3A_933, %select_n3A_930, %select_n3A_875 : vector<8x128xi1>, vector<8x128xi32>
      %lt3A_938 = arith.cmpf olt, %select_n3A_879, %select_n3A_934 : vector<8x128xf32>
      %select_n3A_939 = arith.select %lt3A_938, %select_n3A_879, %select_n3A_934 : vector<8x128xi1>, vector<8x128xf32>
      %select_n3A_940 = arith.select %lt3A_938, %select_n3A_880, %select_n3A_935 : vector<8x128xi1>, vector<8x128xi32>
      %select_n3A_941 = arith.select %lt3A_938, %select_n3A_934, %select_n3A_879 : vector<8x128xi1>, vector<8x128xf32>
      %select_n3A_942 = arith.select %lt3A_938, %select_n3A_935, %select_n3A_880 : vector<8x128xi1>, vector<8x128xi32>
      %lt3A_943 = arith.cmpf olt, %select_n3A_884, %select_n3A_939 : vector<8x128xf32>
      %select_n3A_944 = arith.select %lt3A_943, %select_n3A_884, %select_n3A_939 : vector<8x128xi1>, vector<8x128xf32>
      %select_n3A_945 = arith.select %lt3A_943, %select_n3A_885, %select_n3A_940 : vector<8x128xi1>, vector<8x128xi32>
      %select_n3A_946 = arith.select %lt3A_943, %select_n3A_939, %select_n3A_884 : vector<8x128xi1>, vector<8x128xf32>
      %select_n3A_947 = arith.select %lt3A_943, %select_n3A_940, %select_n3A_885 : vector<8x128xi1>, vector<8x128xi32>
      %lt3A_948 = arith.cmpf olt, %select_n3A_889, %select_n3A_944 : vector<8x128xf32>
      %select_n3A_949 = arith.select %lt3A_948, %select_n3A_889, %select_n3A_944 : vector<8x128xi1>, vector<8x128xf32>
      %select_n3A_950 = arith.select %lt3A_948, %select_n3A_890, %select_n3A_945 : vector<8x128xi1>, vector<8x128xi32>
      %select_n3A_951 = arith.select %lt3A_948, %select_n3A_944, %select_n3A_889 : vector<8x128xi1>, vector<8x128xf32>
      %select_n3A_952 = arith.select %lt3A_948, %select_n3A_945, %select_n3A_890 : vector<8x128xi1>, vector<8x128xi32>
      %lt3A_953 = arith.cmpf olt, %select_n3A_894, %select_n3A_949 : vector<8x128xf32>
      %select_n3A_954 = arith.select %lt3A_953, %select_n3A_894, %select_n3A_949 : vector<8x128xi1>, vector<8x128xf32>
      %select_n3A_955 = arith.select %lt3A_953, %select_n3A_895, %select_n3A_950 : vector<8x128xi1>, vector<8x128xi32>
      %select_n3A_956 = arith.select %lt3A_953, %select_n3A_949, %select_n3A_894 : vector<8x128xi1>, vector<8x128xf32>
      %select_n3A_957 = arith.select %lt3A_953, %select_n3A_950, %select_n3A_895 : vector<8x128xi1>, vector<8x128xi32>
      %lt3A_958 = arith.cmpf olt, %select_n3A_899, %select_n3A_954 : vector<8x128xf32>
      %select_n3A_959 = arith.select %lt3A_958, %select_n3A_899, %select_n3A_954 : vector<8x128xi1>, vector<8x128xf32>
      %select_n3A_960 = arith.select %lt3A_958, %select_n3A_900, %select_n3A_955 : vector<8x128xi1>, vector<8x128xi32>
      %select_n3A_961 = arith.select %lt3A_958, %select_n3A_954, %select_n3A_899 : vector<8x128xi1>, vector<8x128xf32>
      %select_n3A_962 = arith.select %lt3A_958, %select_n3A_955, %select_n3A_900 : vector<8x128xi1>, vector<8x128xi32>
      %lt3A_963 = arith.cmpf olt, %select_n3A_904, %select_n3A_959 : vector<8x128xf32>
      %select_n3A_964 = arith.select %lt3A_963, %select_n3A_904, %select_n3A_959 : vector<8x128xi1>, vector<8x128xf32>
      %select_n3A_965 = arith.select %lt3A_963, %select_n3A_905, %select_n3A_960 : vector<8x128xi1>, vector<8x128xi32>
      %select_n3A_966 = arith.select %lt3A_963, %select_n3A_959, %select_n3A_904 : vector<8x128xi1>, vector<8x128xf32>
      %select_n3A_967 = arith.select %lt3A_963, %select_n3A_960, %select_n3A_905 : vector<8x128xi1>, vector<8x128xi32>
      %swap3A_968 = arith.constant 10 : index
      %swap3A_969 = arith.constant 0 : index
      %swap3A_970 = arith.constant 0 : index
      %swap3A_971 = vector.load %arg9[%swap3A_968, %swap3A_969, %swap3A_970] : memref<32x8x128xf32, #tpu.memory_space<vmem>>, vector<1x8x128xf32>
      %swap3A_972 = vector.shape_cast %swap3A_971 : vector<1x8x128xf32> to vector<8x128xf32>
      %swap3A_973 = vector.shape_cast %select_n3A_964 : vector<8x128xf32> to vector<1x8x128xf32>
      tpu.vector_store %arg9[%swap3A_968, %swap3A_969, %swap3A_970], %swap3A_973 {strides = array<i32>} : memref<32x8x128xf32, #tpu.memory_space<vmem>>, vector<1x8x128xf32>,
      %swap3A_974 = arith.constant 10 : index
      %swap3A_975 = arith.constant 0 : index
      %swap3A_976 = arith.constant 0 : index
      %swap3A_977 = vector.load %arg10[%swap3A_974, %swap3A_975, %swap3A_976] : memref<32x8x128xi32, #tpu.memory_space<vmem>>, vector<1x8x128xi32>
      %swap3A_978 = vector.shape_cast %swap3A_977 : vector<1x8x128xi32> to vector<8x128xi32>
      %swap3A_979 = vector.shape_cast %select_n3A_965 : vector<8x128xi32> to vector<1x8x128xi32>
      tpu.vector_store %arg10[%swap3A_974, %swap3A_975, %swap3A_976], %swap3A_979 {strides = array<i32>} : memref<32x8x128xi32, #tpu.memory_space<vmem>>, vector<1x8x128xi32>,
      %get3A_980 = arith.constant 11 : index
      %get3A_981 = arith.constant 0 : index
      %get3A_982 = arith.constant 0 : index
      %get3A_983 = vector.load %arg9[%get3A_980, %get3A_981, %get3A_982] : memref<32x8x128xf32, #tpu.memory_space<vmem>>, vector<1x8x128xf32>
      %get3A_984 = vector.shape_cast %get3A_983 : vector<1x8x128xf32> to vector<8x128xf32>
      %get3A_985 = arith.constant 11 : index
      %get3A_986 = arith.constant 0 : index
      %get3A_987 = arith.constant 0 : index
      %get3A_988 = vector.load %arg10[%get3A_985, %get3A_986, %get3A_987] : memref<32x8x128xi32, #tpu.memory_space<vmem>>, vector<1x8x128xi32>
      %get3A_989 = vector.shape_cast %get3A_988 : vector<1x8x128xi32> to vector<8x128xi32>
      %lt3A_990 = arith.cmpf olt, %select_n3A_931, %get3A_984 : vector<8x128xf32>
      %select_n3A_991 = arith.select %lt3A_990, %select_n3A_931, %get3A_984 : vector<8x128xi1>, vector<8x128xf32>
      %select_n3A_992 = arith.select %lt3A_990, %select_n3A_932, %get3A_989 : vector<8x128xi1>, vector<8x128xi32>
      %select_n3A_993 = arith.select %lt3A_990, %get3A_984, %select_n3A_931 : vector<8x128xi1>, vector<8x128xf32>
      %select_n3A_994 = arith.select %lt3A_990, %get3A_989, %select_n3A_932 : vector<8x128xi1>, vector<8x128xi32>
      %lt3A_995 = arith.cmpf olt, %select_n3A_936, %select_n3A_991 : vector<8x128xf32>
      %select_n3A_996 = arith.select %lt3A_995, %select_n3A_936, %select_n3A_991 : vector<8x128xi1>, vector<8x128xf32>
      %select_n3A_997 = arith.select %lt3A_995, %select_n3A_937, %select_n3A_992 : vector<8x128xi1>, vector<8x128xi32>
      %select_n3A_998 = arith.select %lt3A_995, %select_n3A_991, %select_n3A_936 : vector<8x128xi1>, vector<8x128xf32>
      %select_n3A_999 = arith.select %lt3A_995, %select_n3A_992, %select_n3A_937 : vector<8x128xi1>, vector<8x128xi32>
      %lt3A_1000 = arith.cmpf olt, %select_n3A_941, %select_n3A_996 : vector<8x128xf32>
      %select_n3A_1001 = arith.select %lt3A_1000, %select_n3A_941, %select_n3A_996 : vector<8x128xi1>, vector<8x128xf32>
      %select_n3A_1002 = arith.select %lt3A_1000, %select_n3A_942, %select_n3A_997 : vector<8x128xi1>, vector<8x128xi32>
      %select_n3A_1003 = arith.select %lt3A_1000, %select_n3A_996, %select_n3A_941 : vector<8x128xi1>, vector<8x128xf32>
      %select_n3A_1004 = arith.select %lt3A_1000, %select_n3A_997, %select_n3A_942 : vector<8x128xi1>, vector<8x128xi32>
      %lt3A_1005 = arith.cmpf olt, %select_n3A_946, %select_n3A_1001 : vector<8x128xf32>
      %select_n3A_1006 = arith.select %lt3A_1005, %select_n3A_946, %select_n3A_1001 : vector<8x128xi1>, vector<8x128xf32>
      %select_n3A_1007 = arith.select %lt3A_1005, %select_n3A_947, %select_n3A_1002 : vector<8x128xi1>, vector<8x128xi32>
      %select_n3A_1008 = arith.select %lt3A_1005, %select_n3A_1001, %select_n3A_946 : vector<8x128xi1>, vector<8x128xf32>
      %select_n3A_1009 = arith.select %lt3A_1005, %select_n3A_1002, %select_n3A_947 : vector<8x128xi1>, vector<8x128xi32>
      %lt3A_1010 = arith.cmpf olt, %select_n3A_951, %select_n3A_1006 : vector<8x128xf32>
      %select_n3A_1011 = arith.select %lt3A_1010, %select_n3A_951, %select_n3A_1006 : vector<8x128xi1>, vector<8x128xf32>
      %select_n3A_1012 = arith.select %lt3A_1010, %select_n3A_952, %select_n3A_1007 : vector<8x128xi1>, vector<8x128xi32>
      %select_n3A_1013 = arith.select %lt3A_1010, %select_n3A_1006, %select_n3A_951 : vector<8x128xi1>, vector<8x128xf32>
      %select_n3A_1014 = arith.select %lt3A_1010, %select_n3A_1007, %select_n3A_952 : vector<8x128xi1>, vector<8x128xi32>
      %lt3A_1015 = arith.cmpf olt, %select_n3A_956, %select_n3A_1011 : vector<8x128xf32>
      %select_n3A_1016 = arith.select %lt3A_1015, %select_n3A_956, %select_n3A_1011 : vector<8x128xi1>, vector<8x128xf32>
      %select_n3A_1017 = arith.select %lt3A_1015, %select_n3A_957, %select_n3A_1012 : vector<8x128xi1>, vector<8x128xi32>
      %select_n3A_1018 = arith.select %lt3A_1015, %select_n3A_1011, %select_n3A_956 : vector<8x128xi1>, vector<8x128xf32>
      %select_n3A_1019 = arith.select %lt3A_1015, %select_n3A_1012, %select_n3A_957 : vector<8x128xi1>, vector<8x128xi32>
      %lt3A_1020 = arith.cmpf olt, %select_n3A_961, %select_n3A_1016 : vector<8x128xf32>
      %select_n3A_1021 = arith.select %lt3A_1020, %select_n3A_961, %select_n3A_1016 : vector<8x128xi1>, vector<8x128xf32>
      %select_n3A_1022 = arith.select %lt3A_1020, %select_n3A_962, %select_n3A_1017 : vector<8x128xi1>, vector<8x128xi32>
      %select_n3A_1023 = arith.select %lt3A_1020, %select_n3A_1016, %select_n3A_961 : vector<8x128xi1>, vector<8x128xf32>
      %select_n3A_1024 = arith.select %lt3A_1020, %select_n3A_1017, %select_n3A_962 : vector<8x128xi1>, vector<8x128xi32>
      %lt3A_1025 = arith.cmpf olt, %select_n3A_966, %select_n3A_1021 : vector<8x128xf32>
      %select_n3A_1026 = arith.select %lt3A_1025, %select_n3A_966, %select_n3A_1021 : vector<8x128xi1>, vector<8x128xf32>
      %select_n3A_1027 = arith.select %lt3A_1025, %select_n3A_967, %select_n3A_1022 : vector<8x128xi1>, vector<8x128xi32>
      %select_n3A_1028 = arith.select %lt3A_1025, %select_n3A_1021, %select_n3A_966 : vector<8x128xi1>, vector<8x128xf32>
      %select_n3A_1029 = arith.select %lt3A_1025, %select_n3A_1022, %select_n3A_967 : vector<8x128xi1>, vector<8x128xi32>
      %swap3A_1030 = arith.constant 11 : index
      %swap3A_1031 = arith.constant 0 : index
      %swap3A_1032 = arith.constant 0 : index
      %swap3A_1033 = vector.load %arg9[%swap3A_1030, %swap3A_1031, %swap3A_1032] : memref<32x8x128xf32, #tpu.memory_space<vmem>>, vector<1x8x128xf32>
      %swap3A_1034 = vector.shape_cast %swap3A_1033 : vector<1x8x128xf32> to vector<8x128xf32>
      %swap3A_1035 = vector.shape_cast %select_n3A_1026 : vector<8x128xf32> to vector<1x8x128xf32>
      tpu.vector_store %arg9[%swap3A_1030, %swap3A_1031, %swap3A_1032], %swap3A_1035 {strides = array<i32>} : memref<32x8x128xf32, #tpu.memory_space<vmem>>, vector<1x8x128xf32>,
      %swap3A_1036 = arith.constant 11 : index
      %swap3A_1037 = arith.constant 0 : index
      %swap3A_1038 = arith.constant 0 : index
      %swap3A_1039 = vector.load %arg10[%swap3A_1036, %swap3A_1037, %swap3A_1038] : memref<32x8x128xi32, #tpu.memory_space<vmem>>, vector<1x8x128xi32>
      %swap3A_1040 = vector.shape_cast %swap3A_1039 : vector<1x8x128xi32> to vector<8x128xi32>
      %swap3A_1041 = vector.shape_cast %select_n3A_1027 : vector<8x128xi32> to vector<1x8x128xi32>
      tpu.vector_store %arg10[%swap3A_1036, %swap3A_1037, %swap3A_1038], %swap3A_1041 {strides = array<i32>} : memref<32x8x128xi32, #tpu.memory_space<vmem>>, vector<1x8x128xi32>,
      %get3A_1042 = arith.constant 12 : index
      %get3A_1043 = arith.constant 0 : index
      %get3A_1044 = arith.constant 0 : index
      %get3A_1045 = vector.load %arg9[%get3A_1042, %get3A_1043, %get3A_1044] : memref<32x8x128xf32, #tpu.memory_space<vmem>>, vector<1x8x128xf32>
      %get3A_1046 = vector.shape_cast %get3A_1045 : vector<1x8x128xf32> to vector<8x128xf32>
      %get3A_1047 = arith.constant 12 : index
      %get3A_1048 = arith.constant 0 : index
      %get3A_1049 = arith.constant 0 : index
      %get3A_1050 = vector.load %arg10[%get3A_1047, %get3A_1048, %get3A_1049] : memref<32x8x128xi32, #tpu.memory_space<vmem>>, vector<1x8x128xi32>
      %get3A_1051 = vector.shape_cast %get3A_1050 : vector<1x8x128xi32> to vector<8x128xi32>
      %lt3A_1052 = arith.cmpf olt, %select_n3A_993, %get3A_1046 : vector<8x128xf32>
      %select_n3A_1053 = arith.select %lt3A_1052, %select_n3A_993, %get3A_1046 : vector<8x128xi1>, vector<8x128xf32>
      %select_n3A_1054 = arith.select %lt3A_1052, %select_n3A_994, %get3A_1051 : vector<8x128xi1>, vector<8x128xi32>
      %select_n3A_1055 = arith.select %lt3A_1052, %get3A_1046, %select_n3A_993 : vector<8x128xi1>, vector<8x128xf32>
      %select_n3A_1056 = arith.select %lt3A_1052, %get3A_1051, %select_n3A_994 : vector<8x128xi1>, vector<8x128xi32>
      %lt3A_1057 = arith.cmpf olt, %select_n3A_998, %select_n3A_1053 : vector<8x128xf32>
      %select_n3A_1058 = arith.select %lt3A_1057, %select_n3A_998, %select_n3A_1053 : vector<8x128xi1>, vector<8x128xf32>
      %select_n3A_1059 = arith.select %lt3A_1057, %select_n3A_999, %select_n3A_1054 : vector<8x128xi1>, vector<8x128xi32>
      %select_n3A_1060 = arith.select %lt3A_1057, %select_n3A_1053, %select_n3A_998 : vector<8x128xi1>, vector<8x128xf32>
      %select_n3A_1061 = arith.select %lt3A_1057, %select_n3A_1054, %select_n3A_999 : vector<8x128xi1>, vector<8x128xi32>
      %lt3A_1062 = arith.cmpf olt, %select_n3A_1003, %select_n3A_1058 : vector<8x128xf32>
      %select_n3A_1063 = arith.select %lt3A_1062, %select_n3A_1003, %select_n3A_1058 : vector<8x128xi1>, vector<8x128xf32>
      %select_n3A_1064 = arith.select %lt3A_1062, %select_n3A_1004, %select_n3A_1059 : vector<8x128xi1>, vector<8x128xi32>
      %select_n3A_1065 = arith.select %lt3A_1062, %select_n3A_1058, %select_n3A_1003 : vector<8x128xi1>, vector<8x128xf32>
      %select_n3A_1066 = arith.select %lt3A_1062, %select_n3A_1059, %select_n3A_1004 : vector<8x128xi1>, vector<8x128xi32>
      %lt3A_1067 = arith.cmpf olt, %select_n3A_1008, %select_n3A_1063 : vector<8x128xf32>
      %select_n3A_1068 = arith.select %lt3A_1067, %select_n3A_1008, %select_n3A_1063 : vector<8x128xi1>, vector<8x128xf32>
      %select_n3A_1069 = arith.select %lt3A_1067, %select_n3A_1009, %select_n3A_1064 : vector<8x128xi1>, vector<8x128xi32>
      %select_n3A_1070 = arith.select %lt3A_1067, %select_n3A_1063, %select_n3A_1008 : vector<8x128xi1>, vector<8x128xf32>
      %select_n3A_1071 = arith.select %lt3A_1067, %select_n3A_1064, %select_n3A_1009 : vector<8x128xi1>, vector<8x128xi32>
      %lt3A_1072 = arith.cmpf olt, %select_n3A_1013, %select_n3A_1068 : vector<8x128xf32>
      %select_n3A_1073 = arith.select %lt3A_1072, %select_n3A_1013, %select_n3A_1068 : vector<8x128xi1>, vector<8x128xf32>
      %select_n3A_1074 = arith.select %lt3A_1072, %select_n3A_1014, %select_n3A_1069 : vector<8x128xi1>, vector<8x128xi32>
      %select_n3A_1075 = arith.select %lt3A_1072, %select_n3A_1068, %select_n3A_1013 : vector<8x128xi1>, vector<8x128xf32>
      %select_n3A_1076 = arith.select %lt3A_1072, %select_n3A_1069, %select_n3A_1014 : vector<8x128xi1>, vector<8x128xi32>
      %lt3A_1077 = arith.cmpf olt, %select_n3A_1018, %select_n3A_1073 : vector<8x128xf32>
      %select_n3A_1078 = arith.select %lt3A_1077, %select_n3A_1018, %select_n3A_1073 : vector<8x128xi1>, vector<8x128xf32>
      %select_n3A_1079 = arith.select %lt3A_1077, %select_n3A_1019, %select_n3A_1074 : vector<8x128xi1>, vector<8x128xi32>
      %select_n3A_1080 = arith.select %lt3A_1077, %select_n3A_1073, %select_n3A_1018 : vector<8x128xi1>, vector<8x128xf32>
      %select_n3A_1081 = arith.select %lt3A_1077, %select_n3A_1074, %select_n3A_1019 : vector<8x128xi1>, vector<8x128xi32>
      %lt3A_1082 = arith.cmpf olt, %select_n3A_1023, %select_n3A_1078 : vector<8x128xf32>
      %select_n3A_1083 = arith.select %lt3A_1082, %select_n3A_1023, %select_n3A_1078 : vector<8x128xi1>, vector<8x128xf32>
      %select_n3A_1084 = arith.select %lt3A_1082, %select_n3A_1024, %select_n3A_1079 : vector<8x128xi1>, vector<8x128xi32>
      %select_n3A_1085 = arith.select %lt3A_1082, %select_n3A_1078, %select_n3A_1023 : vector<8x128xi1>, vector<8x128xf32>
      %select_n3A_1086 = arith.select %lt3A_1082, %select_n3A_1079, %select_n3A_1024 : vector<8x128xi1>, vector<8x128xi32>
      %lt3A_1087 = arith.cmpf olt, %select_n3A_1028, %select_n3A_1083 : vector<8x128xf32>
      %select_n3A_1088 = arith.select %lt3A_1087, %select_n3A_1028, %select_n3A_1083 : vector<8x128xi1>, vector<8x128xf32>
      %select_n3A_1089 = arith.select %lt3A_1087, %select_n3A_1029, %select_n3A_1084 : vector<8x128xi1>, vector<8x128xi32>
      %select_n3A_1090 = arith.select %lt3A_1087, %select_n3A_1083, %select_n3A_1028 : vector<8x128xi1>, vector<8x128xf32>
      %select_n3A_1091 = arith.select %lt3A_1087, %select_n3A_1084, %select_n3A_1029 : vector<8x128xi1>, vector<8x128xi32>
      %swap3A_1092 = arith.constant 12 : index
      %swap3A_1093 = arith.constant 0 : index
      %swap3A_1094 = arith.constant 0 : index
      %swap3A_1095 = vector.load %arg9[%swap3A_1092, %swap3A_1093, %swap3A_1094] : memref<32x8x128xf32, #tpu.memory_space<vmem>>, vector<1x8x128xf32>
      %swap3A_1096 = vector.shape_cast %swap3A_1095 : vector<1x8x128xf32> to vector<8x128xf32>
      %swap3A_1097 = vector.shape_cast %select_n3A_1088 : vector<8x128xf32> to vector<1x8x128xf32>
      tpu.vector_store %arg9[%swap3A_1092, %swap3A_1093, %swap3A_1094], %swap3A_1097 {strides = array<i32>} : memref<32x8x128xf32, #tpu.memory_space<vmem>>, vector<1x8x128xf32>,
      %swap3A_1098 = arith.constant 12 : index
      %swap3A_1099 = arith.constant 0 : index
      %swap3A_1100 = arith.constant 0 : index
      %swap3A_1101 = vector.load %arg10[%swap3A_1098, %swap3A_1099, %swap3A_1100] : memref<32x8x128xi32, #tpu.memory_space<vmem>>, vector<1x8x128xi32>
      %swap3A_1102 = vector.shape_cast %swap3A_1101 : vector<1x8x128xi32> to vector<8x128xi32>
      %swap3A_1103 = vector.shape_cast %select_n3A_1089 : vector<8x128xi32> to vector<1x8x128xi32>
      tpu.vector_store %arg10[%swap3A_1098, %swap3A_1099, %swap3A_1100], %swap3A_1103 {strides = array<i32>} : memref<32x8x128xi32, #tpu.memory_space<vmem>>, vector<1x8x128xi32>,
      %get3A_1104 = arith.constant 13 : index
      %get3A_1105 = arith.constant 0 : index
      %get3A_1106 = arith.constant 0 : index
      %get3A_1107 = vector.load %arg9[%get3A_1104, %get3A_1105, %get3A_1106] : memref<32x8x128xf32, #tpu.memory_space<vmem>>, vector<1x8x128xf32>
      %get3A_1108 = vector.shape_cast %get3A_1107 : vector<1x8x128xf32> to vector<8x128xf32>
      %get3A_1109 = arith.constant 13 : index
      %get3A_1110 = arith.constant 0 : index
      %get3A_1111 = arith.constant 0 : index
      %get3A_1112 = vector.load %arg10[%get3A_1109, %get3A_1110, %get3A_1111] : memref<32x8x128xi32, #tpu.memory_space<vmem>>, vector<1x8x128xi32>
      %get3A_1113 = vector.shape_cast %get3A_1112 : vector<1x8x128xi32> to vector<8x128xi32>
      %lt3A_1114 = arith.cmpf olt, %select_n3A_1055, %get3A_1108 : vector<8x128xf32>
      %select_n3A_1115 = arith.select %lt3A_1114, %select_n3A_1055, %get3A_1108 : vector<8x128xi1>, vector<8x128xf32>
      %select_n3A_1116 = arith.select %lt3A_1114, %select_n3A_1056, %get3A_1113 : vector<8x128xi1>, vector<8x128xi32>
      %select_n3A_1117 = arith.select %lt3A_1114, %get3A_1108, %select_n3A_1055 : vector<8x128xi1>, vector<8x128xf32>
      %select_n3A_1118 = arith.select %lt3A_1114, %get3A_1113, %select_n3A_1056 : vector<8x128xi1>, vector<8x128xi32>
      %lt3A_1119 = arith.cmpf olt, %select_n3A_1060, %select_n3A_1115 : vector<8x128xf32>
      %select_n3A_1120 = arith.select %lt3A_1119, %select_n3A_1060, %select_n3A_1115 : vector<8x128xi1>, vector<8x128xf32>
      %select_n3A_1121 = arith.select %lt3A_1119, %select_n3A_1061, %select_n3A_1116 : vector<8x128xi1>, vector<8x128xi32>
      %select_n3A_1122 = arith.select %lt3A_1119, %select_n3A_1115, %select_n3A_1060 : vector<8x128xi1>, vector<8x128xf32>
      %select_n3A_1123 = arith.select %lt3A_1119, %select_n3A_1116, %select_n3A_1061 : vector<8x128xi1>, vector<8x128xi32>
      %lt3A_1124 = arith.cmpf olt, %select_n3A_1065, %select_n3A_1120 : vector<8x128xf32>
      %select_n3A_1125 = arith.select %lt3A_1124, %select_n3A_1065, %select_n3A_1120 : vector<8x128xi1>, vector<8x128xf32>
      %select_n3A_1126 = arith.select %lt3A_1124, %select_n3A_1066, %select_n3A_1121 : vector<8x128xi1>, vector<8x128xi32>
      %select_n3A_1127 = arith.select %lt3A_1124, %select_n3A_1120, %select_n3A_1065 : vector<8x128xi1>, vector<8x128xf32>
      %select_n3A_1128 = arith.select %lt3A_1124, %select_n3A_1121, %select_n3A_1066 : vector<8x128xi1>, vector<8x128xi32>
      %lt3A_1129 = arith.cmpf olt, %select_n3A_1070, %select_n3A_1125 : vector<8x128xf32>
      %select_n3A_1130 = arith.select %lt3A_1129, %select_n3A_1070, %select_n3A_1125 : vector<8x128xi1>, vector<8x128xf32>
      %select_n3A_1131 = arith.select %lt3A_1129, %select_n3A_1071, %select_n3A_1126 : vector<8x128xi1>, vector<8x128xi32>
      %select_n3A_1132 = arith.select %lt3A_1129, %select_n3A_1125, %select_n3A_1070 : vector<8x128xi1>, vector<8x128xf32>
      %select_n3A_1133 = arith.select %lt3A_1129, %select_n3A_1126, %select_n3A_1071 : vector<8x128xi1>, vector<8x128xi32>
      %lt3A_1134 = arith.cmpf olt, %select_n3A_1075, %select_n3A_1130 : vector<8x128xf32>
      %select_n3A_1135 = arith.select %lt3A_1134, %select_n3A_1075, %select_n3A_1130 : vector<8x128xi1>, vector<8x128xf32>
      %select_n3A_1136 = arith.select %lt3A_1134, %select_n3A_1076, %select_n3A_1131 : vector<8x128xi1>, vector<8x128xi32>
      %select_n3A_1137 = arith.select %lt3A_1134, %select_n3A_1130, %select_n3A_1075 : vector<8x128xi1>, vector<8x128xf32>
      %select_n3A_1138 = arith.select %lt3A_1134, %select_n3A_1131, %select_n3A_1076 : vector<8x128xi1>, vector<8x128xi32>
      %lt3A_1139 = arith.cmpf olt, %select_n3A_1080, %select_n3A_1135 : vector<8x128xf32>
      %select_n3A_1140 = arith.select %lt3A_1139, %select_n3A_1080, %select_n3A_1135 : vector<8x128xi1>, vector<8x128xf32>
      %select_n3A_1141 = arith.select %lt3A_1139, %select_n3A_1081, %select_n3A_1136 : vector<8x128xi1>, vector<8x128xi32>
      %select_n3A_1142 = arith.select %lt3A_1139, %select_n3A_1135, %select_n3A_1080 : vector<8x128xi1>, vector<8x128xf32>
      %select_n3A_1143 = arith.select %lt3A_1139, %select_n3A_1136, %select_n3A_1081 : vector<8x128xi1>, vector<8x128xi32>
      %lt3A_1144 = arith.cmpf olt, %select_n3A_1085, %select_n3A_1140 : vector<8x128xf32>
      %select_n3A_1145 = arith.select %lt3A_1144, %select_n3A_1085, %select_n3A_1140 : vector<8x128xi1>, vector<8x128xf32>
      %select_n3A_1146 = arith.select %lt3A_1144, %select_n3A_1086, %select_n3A_1141 : vector<8x128xi1>, vector<8x128xi32>
      %select_n3A_1147 = arith.select %lt3A_1144, %select_n3A_1140, %select_n3A_1085 : vector<8x128xi1>, vector<8x128xf32>
      %select_n3A_1148 = arith.select %lt3A_1144, %select_n3A_1141, %select_n3A_1086 : vector<8x128xi1>, vector<8x128xi32>
      %lt3A_1149 = arith.cmpf olt, %select_n3A_1090, %select_n3A_1145 : vector<8x128xf32>
      %select_n3A_1150 = arith.select %lt3A_1149, %select_n3A_1090, %select_n3A_1145 : vector<8x128xi1>, vector<8x128xf32>
      %select_n3A_1151 = arith.select %lt3A_1149, %select_n3A_1091, %select_n3A_1146 : vector<8x128xi1>, vector<8x128xi32>
      %select_n3A_1152 = arith.select %lt3A_1149, %select_n3A_1145, %select_n3A_1090 : vector<8x128xi1>, vector<8x128xf32>
      %select_n3A_1153 = arith.select %lt3A_1149, %select_n3A_1146, %select_n3A_1091 : vector<8x128xi1>, vector<8x128xi32>
      %swap3A_1154 = arith.constant 13 : index
      %swap3A_1155 = arith.constant 0 : index
      %swap3A_1156 = arith.constant 0 : index
      %swap3A_1157 = vector.load %arg9[%swap3A_1154, %swap3A_1155, %swap3A_1156] : memref<32x8x128xf32, #tpu.memory_space<vmem>>, vector<1x8x128xf32>
      %swap3A_1158 = vector.shape_cast %swap3A_1157 : vector<1x8x128xf32> to vector<8x128xf32>
      %swap3A_1159 = vector.shape_cast %select_n3A_1150 : vector<8x128xf32> to vector<1x8x128xf32>
      tpu.vector_store %arg9[%swap3A_1154, %swap3A_1155, %swap3A_1156], %swap3A_1159 {strides = array<i32>} : memref<32x8x128xf32, #tpu.memory_space<vmem>>, vector<1x8x128xf32>,
      %swap3A_1160 = arith.constant 13 : index
      %swap3A_1161 = arith.constant 0 : index
      %swap3A_1162 = arith.constant 0 : index
      %swap3A_1163 = vector.load %arg10[%swap3A_1160, %swap3A_1161, %swap3A_1162] : memref<32x8x128xi32, #tpu.memory_space<vmem>>, vector<1x8x128xi32>
      %swap3A_1164 = vector.shape_cast %swap3A_1163 : vector<1x8x128xi32> to vector<8x128xi32>
      %swap3A_1165 = vector.shape_cast %select_n3A_1151 : vector<8x128xi32> to vector<1x8x128xi32>
      tpu.vector_store %arg10[%swap3A_1160, %swap3A_1161, %swap3A_1162], %swap3A_1165 {strides = array<i32>} : memref<32x8x128xi32, #tpu.memory_space<vmem>>, vector<1x8x128xi32>,
      %get3A_1166 = arith.constant 14 : index
      %get3A_1167 = arith.constant 0 : index
      %get3A_1168 = arith.constant 0 : index
      %get3A_1169 = vector.load %arg9[%get3A_1166, %get3A_1167, %get3A_1168] : memref<32x8x128xf32, #tpu.memory_space<vmem>>, vector<1x8x128xf32>
      %get3A_1170 = vector.shape_cast %get3A_1169 : vector<1x8x128xf32> to vector<8x128xf32>
      %get3A_1171 = arith.constant 14 : index
      %get3A_1172 = arith.constant 0 : index
      %get3A_1173 = arith.constant 0 : index
      %get3A_1174 = vector.load %arg10[%get3A_1171, %get3A_1172, %get3A_1173] : memref<32x8x128xi32, #tpu.memory_space<vmem>>, vector<1x8x128xi32>
      %get3A_1175 = vector.shape_cast %get3A_1174 : vector<1x8x128xi32> to vector<8x128xi32>
      %lt3A_1176 = arith.cmpf olt, %select_n3A_1117, %get3A_1170 : vector<8x128xf32>
      %select_n3A_1177 = arith.select %lt3A_1176, %select_n3A_1117, %get3A_1170 : vector<8x128xi1>, vector<8x128xf32>
      %select_n3A_1178 = arith.select %lt3A_1176, %select_n3A_1118, %get3A_1175 : vector<8x128xi1>, vector<8x128xi32>
      %select_n3A_1179 = arith.select %lt3A_1176, %get3A_1170, %select_n3A_1117 : vector<8x128xi1>, vector<8x128xf32>
      %select_n3A_1180 = arith.select %lt3A_1176, %get3A_1175, %select_n3A_1118 : vector<8x128xi1>, vector<8x128xi32>
      %lt3A_1181 = arith.cmpf olt, %select_n3A_1122, %select_n3A_1177 : vector<8x128xf32>
      %select_n3A_1182 = arith.select %lt3A_1181, %select_n3A_1122, %select_n3A_1177 : vector<8x128xi1>, vector<8x128xf32>
      %select_n3A_1183 = arith.select %lt3A_1181, %select_n3A_1123, %select_n3A_1178 : vector<8x128xi1>, vector<8x128xi32>
      %select_n3A_1184 = arith.select %lt3A_1181, %select_n3A_1177, %select_n3A_1122 : vector<8x128xi1>, vector<8x128xf32>
      %select_n3A_1185 = arith.select %lt3A_1181, %select_n3A_1178, %select_n3A_1123 : vector<8x128xi1>, vector<8x128xi32>
      %lt3A_1186 = arith.cmpf olt, %select_n3A_1127, %select_n3A_1182 : vector<8x128xf32>
      %select_n3A_1187 = arith.select %lt3A_1186, %select_n3A_1127, %select_n3A_1182 : vector<8x128xi1>, vector<8x128xf32>
      %select_n3A_1188 = arith.select %lt3A_1186, %select_n3A_1128, %select_n3A_1183 : vector<8x128xi1>, vector<8x128xi32>
      %select_n3A_1189 = arith.select %lt3A_1186, %select_n3A_1182, %select_n3A_1127 : vector<8x128xi1>, vector<8x128xf32>
      %select_n3A_1190 = arith.select %lt3A_1186, %select_n3A_1183, %select_n3A_1128 : vector<8x128xi1>, vector<8x128xi32>
      %lt3A_1191 = arith.cmpf olt, %select_n3A_1132, %select_n3A_1187 : vector<8x128xf32>
      %select_n3A_1192 = arith.select %lt3A_1191, %select_n3A_1132, %select_n3A_1187 : vector<8x128xi1>, vector<8x128xf32>
      %select_n3A_1193 = arith.select %lt3A_1191, %select_n3A_1133, %select_n3A_1188 : vector<8x128xi1>, vector<8x128xi32>
      %select_n3A_1194 = arith.select %lt3A_1191, %select_n3A_1187, %select_n3A_1132 : vector<8x128xi1>, vector<8x128xf32>
      %select_n3A_1195 = arith.select %lt3A_1191, %select_n3A_1188, %select_n3A_1133 : vector<8x128xi1>, vector<8x128xi32>
      %lt3A_1196 = arith.cmpf olt, %select_n3A_1137, %select_n3A_1192 : vector<8x128xf32>
      %select_n3A_1197 = arith.select %lt3A_1196, %select_n3A_1137, %select_n3A_1192 : vector<8x128xi1>, vector<8x128xf32>
      %select_n3A_1198 = arith.select %lt3A_1196, %select_n3A_1138, %select_n3A_1193 : vector<8x128xi1>, vector<8x128xi32>
      %select_n3A_1199 = arith.select %lt3A_1196, %select_n3A_1192, %select_n3A_1137 : vector<8x128xi1>, vector<8x128xf32>
      %select_n3A_1200 = arith.select %lt3A_1196, %select_n3A_1193, %select_n3A_1138 : vector<8x128xi1>, vector<8x128xi32>
      %lt3A_1201 = arith.cmpf olt, %select_n3A_1142, %select_n3A_1197 : vector<8x128xf32>
      %select_n3A_1202 = arith.select %lt3A_1201, %select_n3A_1142, %select_n3A_1197 : vector<8x128xi1>, vector<8x128xf32>
      %select_n3A_1203 = arith.select %lt3A_1201, %select_n3A_1143, %select_n3A_1198 : vector<8x128xi1>, vector<8x128xi32>
      %select_n3A_1204 = arith.select %lt3A_1201, %select_n3A_1197, %select_n3A_1142 : vector<8x128xi1>, vector<8x128xf32>
      %select_n3A_1205 = arith.select %lt3A_1201, %select_n3A_1198, %select_n3A_1143 : vector<8x128xi1>, vector<8x128xi32>
      %lt3A_1206 = arith.cmpf olt, %select_n3A_1147, %select_n3A_1202 : vector<8x128xf32>
      %select_n3A_1207 = arith.select %lt3A_1206, %select_n3A_1147, %select_n3A_1202 : vector<8x128xi1>, vector<8x128xf32>
      %select_n3A_1208 = arith.select %lt3A_1206, %select_n3A_1148, %select_n3A_1203 : vector<8x128xi1>, vector<8x128xi32>
      %select_n3A_1209 = arith.select %lt3A_1206, %select_n3A_1202, %select_n3A_1147 : vector<8x128xi1>, vector<8x128xf32>
      %select_n3A_1210 = arith.select %lt3A_1206, %select_n3A_1203, %select_n3A_1148 : vector<8x128xi1>, vector<8x128xi32>
      %lt3A_1211 = arith.cmpf olt, %select_n3A_1152, %select_n3A_1207 : vector<8x128xf32>
      %select_n3A_1212 = arith.select %lt3A_1211, %select_n3A_1152, %select_n3A_1207 : vector<8x128xi1>, vector<8x128xf32>
      %select_n3A_1213 = arith.select %lt3A_1211, %select_n3A_1153, %select_n3A_1208 : vector<8x128xi1>, vector<8x128xi32>
      %select_n3A_1214 = arith.select %lt3A_1211, %select_n3A_1207, %select_n3A_1152 : vector<8x128xi1>, vector<8x128xf32>
      %select_n3A_1215 = arith.select %lt3A_1211, %select_n3A_1208, %select_n3A_1153 : vector<8x128xi1>, vector<8x128xi32>
      %swap3A_1216 = arith.constant 14 : index
      %swap3A_1217 = arith.constant 0 : index
      %swap3A_1218 = arith.constant 0 : index
      %swap3A_1219 = vector.load %arg9[%swap3A_1216, %swap3A_1217, %swap3A_1218] : memref<32x8x128xf32, #tpu.memory_space<vmem>>, vector<1x8x128xf32>
      %swap3A_1220 = vector.shape_cast %swap3A_1219 : vector<1x8x128xf32> to vector<8x128xf32>
      %swap3A_1221 = vector.shape_cast %select_n3A_1212 : vector<8x128xf32> to vector<1x8x128xf32>
      tpu.vector_store %arg9[%swap3A_1216, %swap3A_1217, %swap3A_1218], %swap3A_1221 {strides = array<i32>} : memref<32x8x128xf32, #tpu.memory_space<vmem>>, vector<1x8x128xf32>,
      %swap3A_1222 = arith.constant 14 : index
      %swap3A_1223 = arith.constant 0 : index
      %swap3A_1224 = arith.constant 0 : index
      %swap3A_1225 = vector.load %arg10[%swap3A_1222, %swap3A_1223, %swap3A_1224] : memref<32x8x128xi32, #tpu.memory_space<vmem>>, vector<1x8x128xi32>
      %swap3A_1226 = vector.shape_cast %swap3A_1225 : vector<1x8x128xi32> to vector<8x128xi32>
      %swap3A_1227 = vector.shape_cast %select_n3A_1213 : vector<8x128xi32> to vector<1x8x128xi32>
      tpu.vector_store %arg10[%swap3A_1222, %swap3A_1223, %swap3A_1224], %swap3A_1227 {strides = array<i32>} : memref<32x8x128xi32, #tpu.memory_space<vmem>>, vector<1x8x128xi32>,
      %get3A_1228 = arith.constant 15 : index
      %get3A_1229 = arith.constant 0 : index
      %get3A_1230 = arith.constant 0 : index
      %get3A_1231 = vector.load %arg9[%get3A_1228, %get3A_1229, %get3A_1230] : memref<32x8x128xf32, #tpu.memory_space<vmem>>, vector<1x8x128xf32>
      %get3A_1232 = vector.shape_cast %get3A_1231 : vector<1x8x128xf32> to vector<8x128xf32>
      %get3A_1233 = arith.constant 15 : index
      %get3A_1234 = arith.constant 0 : index
      %get3A_1235 = arith.constant 0 : index
      %get3A_1236 = vector.load %arg10[%get3A_1233, %get3A_1234, %get3A_1235] : memref<32x8x128xi32, #tpu.memory_space<vmem>>, vector<1x8x128xi32>
      %get3A_1237 = vector.shape_cast %get3A_1236 : vector<1x8x128xi32> to vector<8x128xi32>
      %lt3A_1238 = arith.cmpf olt, %select_n3A_1179, %get3A_1232 : vector<8x128xf32>
      %select_n3A_1239 = arith.select %lt3A_1238, %select_n3A_1179, %get3A_1232 : vector<8x128xi1>, vector<8x128xf32>
      %select_n3A_1240 = arith.select %lt3A_1238, %select_n3A_1180, %get3A_1237 : vector<8x128xi1>, vector<8x128xi32>
      %select_n3A_1241 = arith.select %lt3A_1238, %get3A_1232, %select_n3A_1179 : vector<8x128xi1>, vector<8x128xf32>
      %select_n3A_1242 = arith.select %lt3A_1238, %get3A_1237, %select_n3A_1180 : vector<8x128xi1>, vector<8x128xi32>
      %lt3A_1243 = arith.cmpf olt, %select_n3A_1184, %select_n3A_1239 : vector<8x128xf32>
      %select_n3A_1244 = arith.select %lt3A_1243, %select_n3A_1184, %select_n3A_1239 : vector<8x128xi1>, vector<8x128xf32>
      %select_n3A_1245 = arith.select %lt3A_1243, %select_n3A_1185, %select_n3A_1240 : vector<8x128xi1>, vector<8x128xi32>
      %select_n3A_1246 = arith.select %lt3A_1243, %select_n3A_1239, %select_n3A_1184 : vector<8x128xi1>, vector<8x128xf32>
      %select_n3A_1247 = arith.select %lt3A_1243, %select_n3A_1240, %select_n3A_1185 : vector<8x128xi1>, vector<8x128xi32>
      %lt3A_1248 = arith.cmpf olt, %select_n3A_1189, %select_n3A_1244 : vector<8x128xf32>
      %select_n3A_1249 = arith.select %lt3A_1248, %select_n3A_1189, %select_n3A_1244 : vector<8x128xi1>, vector<8x128xf32>
      %select_n3A_1250 = arith.select %lt3A_1248, %select_n3A_1190, %select_n3A_1245 : vector<8x128xi1>, vector<8x128xi32>
      %select_n3A_1251 = arith.select %lt3A_1248, %select_n3A_1244, %select_n3A_1189 : vector<8x128xi1>, vector<8x128xf32>
      %select_n3A_1252 = arith.select %lt3A_1248, %select_n3A_1245, %select_n3A_1190 : vector<8x128xi1>, vector<8x128xi32>
      %lt3A_1253 = arith.cmpf olt, %select_n3A_1194, %select_n3A_1249 : vector<8x128xf32>
      %select_n3A_1254 = arith.select %lt3A_1253, %select_n3A_1194, %select_n3A_1249 : vector<8x128xi1>, vector<8x128xf32>
      %select_n3A_1255 = arith.select %lt3A_1253, %select_n3A_1195, %select_n3A_1250 : vector<8x128xi1>, vector<8x128xi32>
      %select_n3A_1256 = arith.select %lt3A_1253, %select_n3A_1249, %select_n3A_1194 : vector<8x128xi1>, vector<8x128xf32>
      %select_n3A_1257 = arith.select %lt3A_1253, %select_n3A_1250, %select_n3A_1195 : vector<8x128xi1>, vector<8x128xi32>
      %lt3A_1258 = arith.cmpf olt, %select_n3A_1199, %select_n3A_1254 : vector<8x128xf32>
      %select_n3A_1259 = arith.select %lt3A_1258, %select_n3A_1199, %select_n3A_1254 : vector<8x128xi1>, vector<8x128xf32>
      %select_n3A_1260 = arith.select %lt3A_1258, %select_n3A_1200, %select_n3A_1255 : vector<8x128xi1>, vector<8x128xi32>
      %select_n3A_1261 = arith.select %lt3A_1258, %select_n3A_1254, %select_n3A_1199 : vector<8x128xi1>, vector<8x128xf32>
      %select_n3A_1262 = arith.select %lt3A_1258, %select_n3A_1255, %select_n3A_1200 : vector<8x128xi1>, vector<8x128xi32>
      %lt3A_1263 = arith.cmpf olt, %select_n3A_1204, %select_n3A_1259 : vector<8x128xf32>
      %select_n3A_1264 = arith.select %lt3A_1263, %select_n3A_1204, %select_n3A_1259 : vector<8x128xi1>, vector<8x128xf32>
      %select_n3A_1265 = arith.select %lt3A_1263, %select_n3A_1205, %select_n3A_1260 : vector<8x128xi1>, vector<8x128xi32>
      %select_n3A_1266 = arith.select %lt3A_1263, %select_n3A_1259, %select_n3A_1204 : vector<8x128xi1>, vector<8x128xf32>
      %select_n3A_1267 = arith.select %lt3A_1263, %select_n3A_1260, %select_n3A_1205 : vector<8x128xi1>, vector<8x128xi32>
      %lt3A_1268 = arith.cmpf olt, %select_n3A_1209, %select_n3A_1264 : vector<8x128xf32>
      %select_n3A_1269 = arith.select %lt3A_1268, %select_n3A_1209, %select_n3A_1264 : vector<8x128xi1>, vector<8x128xf32>
      %select_n3A_1270 = arith.select %lt3A_1268, %select_n3A_1210, %select_n3A_1265 : vector<8x128xi1>, vector<8x128xi32>
      %select_n3A_1271 = arith.select %lt3A_1268, %select_n3A_1264, %select_n3A_1209 : vector<8x128xi1>, vector<8x128xf32>
      %select_n3A_1272 = arith.select %lt3A_1268, %select_n3A_1265, %select_n3A_1210 : vector<8x128xi1>, vector<8x128xi32>
      %lt3A_1273 = arith.cmpf olt, %select_n3A_1214, %select_n3A_1269 : vector<8x128xf32>
      %select_n3A_1274 = arith.select %lt3A_1273, %select_n3A_1214, %select_n3A_1269 : vector<8x128xi1>, vector<8x128xf32>
      %select_n3A_1275 = arith.select %lt3A_1273, %select_n3A_1215, %select_n3A_1270 : vector<8x128xi1>, vector<8x128xi32>
      %select_n3A_1276 = arith.select %lt3A_1273, %select_n3A_1269, %select_n3A_1214 : vector<8x128xi1>, vector<8x128xf32>
      %select_n3A_1277 = arith.select %lt3A_1273, %select_n3A_1270, %select_n3A_1215 : vector<8x128xi1>, vector<8x128xi32>
      %swap3A_1278 = arith.constant 15 : index
      %swap3A_1279 = arith.constant 0 : index
      %swap3A_1280 = arith.constant 0 : index
      %swap3A_1281 = vector.load %arg9[%swap3A_1278, %swap3A_1279, %swap3A_1280] : memref<32x8x128xf32, #tpu.memory_space<vmem>>, vector<1x8x128xf32>
      %swap3A_1282 = vector.shape_cast %swap3A_1281 : vector<1x8x128xf32> to vector<8x128xf32>
      %swap3A_1283 = vector.shape_cast %select_n3A_1274 : vector<8x128xf32> to vector<1x8x128xf32>
      tpu.vector_store %arg9[%swap3A_1278, %swap3A_1279, %swap3A_1280], %swap3A_1283 {strides = array<i32>} : memref<32x8x128xf32, #tpu.memory_space<vmem>>, vector<1x8x128xf32>,
      %swap3A_1284 = arith.constant 15 : index
      %swap3A_1285 = arith.constant 0 : index
      %swap3A_1286 = arith.constant 0 : index
      %swap3A_1287 = vector.load %arg10[%swap3A_1284, %swap3A_1285, %swap3A_1286] : memref<32x8x128xi32, #tpu.memory_space<vmem>>, vector<1x8x128xi32>
      %swap3A_1288 = vector.shape_cast %swap3A_1287 : vector<1x8x128xi32> to vector<8x128xi32>
      %swap3A_1289 = vector.shape_cast %select_n3A_1275 : vector<8x128xi32> to vector<1x8x128xi32>
      tpu.vector_store %arg10[%swap3A_1284, %swap3A_1285, %swap3A_1286], %swap3A_1289 {strides = array<i32>} : memref<32x8x128xi32, #tpu.memory_space<vmem>>, vector<1x8x128xi32>,
      %get3A_1290 = arith.constant 16 : index
      %get3A_1291 = arith.constant 0 : index
      %get3A_1292 = arith.constant 0 : index
      %get3A_1293 = vector.load %arg9[%get3A_1290, %get3A_1291, %get3A_1292] : memref<32x8x128xf32, #tpu.memory_space<vmem>>, vector<1x8x128xf32>
      %get3A_1294 = vector.shape_cast %get3A_1293 : vector<1x8x128xf32> to vector<8x128xf32>
      %get3A_1295 = arith.constant 16 : index
      %get3A_1296 = arith.constant 0 : index
      %get3A_1297 = arith.constant 0 : index
      %get3A_1298 = vector.load %arg10[%get3A_1295, %get3A_1296, %get3A_1297] : memref<32x8x128xi32, #tpu.memory_space<vmem>>, vector<1x8x128xi32>
      %get3A_1299 = vector.shape_cast %get3A_1298 : vector<1x8x128xi32> to vector<8x128xi32>
      %lt3A_1300 = arith.cmpf olt, %select_n3A_1241, %get3A_1294 : vector<8x128xf32>
      %select_n3A_1301 = arith.select %lt3A_1300, %select_n3A_1241, %get3A_1294 : vector<8x128xi1>, vector<8x128xf32>
      %select_n3A_1302 = arith.select %lt3A_1300, %select_n3A_1242, %get3A_1299 : vector<8x128xi1>, vector<8x128xi32>
      %select_n3A_1303 = arith.select %lt3A_1300, %get3A_1294, %select_n3A_1241 : vector<8x128xi1>, vector<8x128xf32>
      %select_n3A_1304 = arith.select %lt3A_1300, %get3A_1299, %select_n3A_1242 : vector<8x128xi1>, vector<8x128xi32>
      %lt3A_1305 = arith.cmpf olt, %select_n3A_1246, %select_n3A_1301 : vector<8x128xf32>
      %select_n3A_1306 = arith.select %lt3A_1305, %select_n3A_1246, %select_n3A_1301 : vector<8x128xi1>, vector<8x128xf32>
      %select_n3A_1307 = arith.select %lt3A_1305, %select_n3A_1247, %select_n3A_1302 : vector<8x128xi1>, vector<8x128xi32>
      %select_n3A_1308 = arith.select %lt3A_1305, %select_n3A_1301, %select_n3A_1246 : vector<8x128xi1>, vector<8x128xf32>
      %select_n3A_1309 = arith.select %lt3A_1305, %select_n3A_1302, %select_n3A_1247 : vector<8x128xi1>, vector<8x128xi32>
      %lt3A_1310 = arith.cmpf olt, %select_n3A_1251, %select_n3A_1306 : vector<8x128xf32>
      %select_n3A_1311 = arith.select %lt3A_1310, %select_n3A_1251, %select_n3A_1306 : vector<8x128xi1>, vector<8x128xf32>
      %select_n3A_1312 = arith.select %lt3A_1310, %select_n3A_1252, %select_n3A_1307 : vector<8x128xi1>, vector<8x128xi32>
      %select_n3A_1313 = arith.select %lt3A_1310, %select_n3A_1306, %select_n3A_1251 : vector<8x128xi1>, vector<8x128xf32>
      %select_n3A_1314 = arith.select %lt3A_1310, %select_n3A_1307, %select_n3A_1252 : vector<8x128xi1>, vector<8x128xi32>
      %lt3A_1315 = arith.cmpf olt, %select_n3A_1256, %select_n3A_1311 : vector<8x128xf32>
      %select_n3A_1316 = arith.select %lt3A_1315, %select_n3A_1256, %select_n3A_1311 : vector<8x128xi1>, vector<8x128xf32>
      %select_n3A_1317 = arith.select %lt3A_1315, %select_n3A_1257, %select_n3A_1312 : vector<8x128xi1>, vector<8x128xi32>
      %select_n3A_1318 = arith.select %lt3A_1315, %select_n3A_1311, %select_n3A_1256 : vector<8x128xi1>, vector<8x128xf32>
      %select_n3A_1319 = arith.select %lt3A_1315, %select_n3A_1312, %select_n3A_1257 : vector<8x128xi1>, vector<8x128xi32>
      %lt3A_1320 = arith.cmpf olt, %select_n3A_1261, %select_n3A_1316 : vector<8x128xf32>
      %select_n3A_1321 = arith.select %lt3A_1320, %select_n3A_1261, %select_n3A_1316 : vector<8x128xi1>, vector<8x128xf32>
      %select_n3A_1322 = arith.select %lt3A_1320, %select_n3A_1262, %select_n3A_1317 : vector<8x128xi1>, vector<8x128xi32>
      %select_n3A_1323 = arith.select %lt3A_1320, %select_n3A_1316, %select_n3A_1261 : vector<8x128xi1>, vector<8x128xf32>
      %select_n3A_1324 = arith.select %lt3A_1320, %select_n3A_1317, %select_n3A_1262 : vector<8x128xi1>, vector<8x128xi32>
      %lt3A_1325 = arith.cmpf olt, %select_n3A_1266, %select_n3A_1321 : vector<8x128xf32>
      %select_n3A_1326 = arith.select %lt3A_1325, %select_n3A_1266, %select_n3A_1321 : vector<8x128xi1>, vector<8x128xf32>
      %select_n3A_1327 = arith.select %lt3A_1325, %select_n3A_1267, %select_n3A_1322 : vector<8x128xi1>, vector<8x128xi32>
      %select_n3A_1328 = arith.select %lt3A_1325, %select_n3A_1321, %select_n3A_1266 : vector<8x128xi1>, vector<8x128xf32>
      %select_n3A_1329 = arith.select %lt3A_1325, %select_n3A_1322, %select_n3A_1267 : vector<8x128xi1>, vector<8x128xi32>
      %lt3A_1330 = arith.cmpf olt, %select_n3A_1271, %select_n3A_1326 : vector<8x128xf32>
      %select_n3A_1331 = arith.select %lt3A_1330, %select_n3A_1271, %select_n3A_1326 : vector<8x128xi1>, vector<8x128xf32>
      %select_n3A_1332 = arith.select %lt3A_1330, %select_n3A_1272, %select_n3A_1327 : vector<8x128xi1>, vector<8x128xi32>
      %select_n3A_1333 = arith.select %lt3A_1330, %select_n3A_1326, %select_n3A_1271 : vector<8x128xi1>, vector<8x128xf32>
      %select_n3A_1334 = arith.select %lt3A_1330, %select_n3A_1327, %select_n3A_1272 : vector<8x128xi1>, vector<8x128xi32>
      %lt3A_1335 = arith.cmpf olt, %select_n3A_1276, %select_n3A_1331 : vector<8x128xf32>
      %select_n3A_1336 = arith.select %lt3A_1335, %select_n3A_1276, %select_n3A_1331 : vector<8x128xi1>, vector<8x128xf32>
      %select_n3A_1337 = arith.select %lt3A_1335, %select_n3A_1277, %select_n3A_1332 : vector<8x128xi1>, vector<8x128xi32>
      %select_n3A_1338 = arith.select %lt3A_1335, %select_n3A_1331, %select_n3A_1276 : vector<8x128xi1>, vector<8x128xf32>
      %select_n3A_1339 = arith.select %lt3A_1335, %select_n3A_1332, %select_n3A_1277 : vector<8x128xi1>, vector<8x128xi32>
      %swap3A_1340 = arith.constant 16 : index
      %swap3A_1341 = arith.constant 0 : index
      %swap3A_1342 = arith.constant 0 : index
      %swap3A_1343 = vector.load %arg9[%swap3A_1340, %swap3A_1341, %swap3A_1342] : memref<32x8x128xf32, #tpu.memory_space<vmem>>, vector<1x8x128xf32>
      %swap3A_1344 = vector.shape_cast %swap3A_1343 : vector<1x8x128xf32> to vector<8x128xf32>
      %swap3A_1345 = vector.shape_cast %select_n3A_1336 : vector<8x128xf32> to vector<1x8x128xf32>
      tpu.vector_store %arg9[%swap3A_1340, %swap3A_1341, %swap3A_1342], %swap3A_1345 {strides = array<i32>} : memref<32x8x128xf32, #tpu.memory_space<vmem>>, vector<1x8x128xf32>,
      %swap3A_1346 = arith.constant 16 : index
      %swap3A_1347 = arith.constant 0 : index
      %swap3A_1348 = arith.constant 0 : index
      %swap3A_1349 = vector.load %arg10[%swap3A_1346, %swap3A_1347, %swap3A_1348] : memref<32x8x128xi32, #tpu.memory_space<vmem>>, vector<1x8x128xi32>
      %swap3A_1350 = vector.shape_cast %swap3A_1349 : vector<1x8x128xi32> to vector<8x128xi32>
      %swap3A_1351 = vector.shape_cast %select_n3A_1337 : vector<8x128xi32> to vector<1x8x128xi32>
      tpu.vector_store %arg10[%swap3A_1346, %swap3A_1347, %swap3A_1348], %swap3A_1351 {strides = array<i32>} : memref<32x8x128xi32, #tpu.memory_space<vmem>>, vector<1x8x128xi32>,
      %get3A_1352 = arith.constant 17 : index
      %get3A_1353 = arith.constant 0 : index
      %get3A_1354 = arith.constant 0 : index
      %get3A_1355 = vector.load %arg9[%get3A_1352, %get3A_1353, %get3A_1354] : memref<32x8x128xf32, #tpu.memory_space<vmem>>, vector<1x8x128xf32>
      %get3A_1356 = vector.shape_cast %get3A_1355 : vector<1x8x128xf32> to vector<8x128xf32>
      %get3A_1357 = arith.constant 17 : index
      %get3A_1358 = arith.constant 0 : index
      %get3A_1359 = arith.constant 0 : index
      %get3A_1360 = vector.load %arg10[%get3A_1357, %get3A_1358, %get3A_1359] : memref<32x8x128xi32, #tpu.memory_space<vmem>>, vector<1x8x128xi32>
      %get3A_1361 = vector.shape_cast %get3A_1360 : vector<1x8x128xi32> to vector<8x128xi32>
      %lt3A_1362 = arith.cmpf olt, %select_n3A_1303, %get3A_1356 : vector<8x128xf32>
      %select_n3A_1363 = arith.select %lt3A_1362, %select_n3A_1303, %get3A_1356 : vector<8x128xi1>, vector<8x128xf32>
      %select_n3A_1364 = arith.select %lt3A_1362, %select_n3A_1304, %get3A_1361 : vector<8x128xi1>, vector<8x128xi32>
      %select_n3A_1365 = arith.select %lt3A_1362, %get3A_1356, %select_n3A_1303 : vector<8x128xi1>, vector<8x128xf32>
      %select_n3A_1366 = arith.select %lt3A_1362, %get3A_1361, %select_n3A_1304 : vector<8x128xi1>, vector<8x128xi32>
      %lt3A_1367 = arith.cmpf olt, %select_n3A_1308, %select_n3A_1363 : vector<8x128xf32>
      %select_n3A_1368 = arith.select %lt3A_1367, %select_n3A_1308, %select_n3A_1363 : vector<8x128xi1>, vector<8x128xf32>
      %select_n3A_1369 = arith.select %lt3A_1367, %select_n3A_1309, %select_n3A_1364 : vector<8x128xi1>, vector<8x128xi32>
      %select_n3A_1370 = arith.select %lt3A_1367, %select_n3A_1363, %select_n3A_1308 : vector<8x128xi1>, vector<8x128xf32>
      %select_n3A_1371 = arith.select %lt3A_1367, %select_n3A_1364, %select_n3A_1309 : vector<8x128xi1>, vector<8x128xi32>
      %lt3A_1372 = arith.cmpf olt, %select_n3A_1313, %select_n3A_1368 : vector<8x128xf32>
      %select_n3A_1373 = arith.select %lt3A_1372, %select_n3A_1313, %select_n3A_1368 : vector<8x128xi1>, vector<8x128xf32>
      %select_n3A_1374 = arith.select %lt3A_1372, %select_n3A_1314, %select_n3A_1369 : vector<8x128xi1>, vector<8x128xi32>
      %select_n3A_1375 = arith.select %lt3A_1372, %select_n3A_1368, %select_n3A_1313 : vector<8x128xi1>, vector<8x128xf32>
      %select_n3A_1376 = arith.select %lt3A_1372, %select_n3A_1369, %select_n3A_1314 : vector<8x128xi1>, vector<8x128xi32>
      %lt3A_1377 = arith.cmpf olt, %select_n3A_1318, %select_n3A_1373 : vector<8x128xf32>
      %select_n3A_1378 = arith.select %lt3A_1377, %select_n3A_1318, %select_n3A_1373 : vector<8x128xi1>, vector<8x128xf32>
      %select_n3A_1379 = arith.select %lt3A_1377, %select_n3A_1319, %select_n3A_1374 : vector<8x128xi1>, vector<8x128xi32>
      %select_n3A_1380 = arith.select %lt3A_1377, %select_n3A_1373, %select_n3A_1318 : vector<8x128xi1>, vector<8x128xf32>
      %select_n3A_1381 = arith.select %lt3A_1377, %select_n3A_1374, %select_n3A_1319 : vector<8x128xi1>, vector<8x128xi32>
      %lt3A_1382 = arith.cmpf olt, %select_n3A_1323, %select_n3A_1378 : vector<8x128xf32>
      %select_n3A_1383 = arith.select %lt3A_1382, %select_n3A_1323, %select_n3A_1378 : vector<8x128xi1>, vector<8x128xf32>
      %select_n3A_1384 = arith.select %lt3A_1382, %select_n3A_1324, %select_n3A_1379 : vector<8x128xi1>, vector<8x128xi32>
      %select_n3A_1385 = arith.select %lt3A_1382, %select_n3A_1378, %select_n3A_1323 : vector<8x128xi1>, vector<8x128xf32>
      %select_n3A_1386 = arith.select %lt3A_1382, %select_n3A_1379, %select_n3A_1324 : vector<8x128xi1>, vector<8x128xi32>
      %lt3A_1387 = arith.cmpf olt, %select_n3A_1328, %select_n3A_1383 : vector<8x128xf32>
      %select_n3A_1388 = arith.select %lt3A_1387, %select_n3A_1328, %select_n3A_1383 : vector<8x128xi1>, vector<8x128xf32>
      %select_n3A_1389 = arith.select %lt3A_1387, %select_n3A_1329, %select_n3A_1384 : vector<8x128xi1>, vector<8x128xi32>
      %select_n3A_1390 = arith.select %lt3A_1387, %select_n3A_1383, %select_n3A_1328 : vector<8x128xi1>, vector<8x128xf32>
      %select_n3A_1391 = arith.select %lt3A_1387, %select_n3A_1384, %select_n3A_1329 : vector<8x128xi1>, vector<8x128xi32>
      %lt3A_1392 = arith.cmpf olt, %select_n3A_1333, %select_n3A_1388 : vector<8x128xf32>
      %select_n3A_1393 = arith.select %lt3A_1392, %select_n3A_1333, %select_n3A_1388 : vector<8x128xi1>, vector<8x128xf32>
      %select_n3A_1394 = arith.select %lt3A_1392, %select_n3A_1334, %select_n3A_1389 : vector<8x128xi1>, vector<8x128xi32>
      %select_n3A_1395 = arith.select %lt3A_1392, %select_n3A_1388, %select_n3A_1333 : vector<8x128xi1>, vector<8x128xf32>
      %select_n3A_1396 = arith.select %lt3A_1392, %select_n3A_1389, %select_n3A_1334 : vector<8x128xi1>, vector<8x128xi32>
      %lt3A_1397 = arith.cmpf olt, %select_n3A_1338, %select_n3A_1393 : vector<8x128xf32>
      %select_n3A_1398 = arith.select %lt3A_1397, %select_n3A_1338, %select_n3A_1393 : vector<8x128xi1>, vector<8x128xf32>
      %select_n3A_1399 = arith.select %lt3A_1397, %select_n3A_1339, %select_n3A_1394 : vector<8x128xi1>, vector<8x128xi32>
      %select_n3A_1400 = arith.select %lt3A_1397, %select_n3A_1393, %select_n3A_1338 : vector<8x128xi1>, vector<8x128xf32>
      %select_n3A_1401 = arith.select %lt3A_1397, %select_n3A_1394, %select_n3A_1339 : vector<8x128xi1>, vector<8x128xi32>
      %swap3A_1402 = arith.constant 17 : index
      %swap3A_1403 = arith.constant 0 : index
      %swap3A_1404 = arith.constant 0 : index
      %swap3A_1405 = vector.load %arg9[%swap3A_1402, %swap3A_1403, %swap3A_1404] : memref<32x8x128xf32, #tpu.memory_space<vmem>>, vector<1x8x128xf32>
      %swap3A_1406 = vector.shape_cast %swap3A_1405 : vector<1x8x128xf32> to vector<8x128xf32>
      %swap3A_1407 = vector.shape_cast %select_n3A_1398 : vector<8x128xf32> to vector<1x8x128xf32>
      tpu.vector_store %arg9[%swap3A_1402, %swap3A_1403, %swap3A_1404], %swap3A_1407 {strides = array<i32>} : memref<32x8x128xf32, #tpu.memory_space<vmem>>, vector<1x8x128xf32>,
      %swap3A_1408 = arith.constant 17 : index
      %swap3A_1409 = arith.constant 0 : index
      %swap3A_1410 = arith.constant 0 : index
      %swap3A_1411 = vector.load %arg10[%swap3A_1408, %swap3A_1409, %swap3A_1410] : memref<32x8x128xi32, #tpu.memory_space<vmem>>, vector<1x8x128xi32>
      %swap3A_1412 = vector.shape_cast %swap3A_1411 : vector<1x8x128xi32> to vector<8x128xi32>
      %swap3A_1413 = vector.shape_cast %select_n3A_1399 : vector<8x128xi32> to vector<1x8x128xi32>
      tpu.vector_store %arg10[%swap3A_1408, %swap3A_1409, %swap3A_1410], %swap3A_1413 {strides = array<i32>} : memref<32x8x128xi32, #tpu.memory_space<vmem>>, vector<1x8x128xi32>,
      %get3A_1414 = arith.constant 18 : index
      %get3A_1415 = arith.constant 0 : index
      %get3A_1416 = arith.constant 0 : index
      %get3A_1417 = vector.load %arg9[%get3A_1414, %get3A_1415, %get3A_1416] : memref<32x8x128xf32, #tpu.memory_space<vmem>>, vector<1x8x128xf32>
      %get3A_1418 = vector.shape_cast %get3A_1417 : vector<1x8x128xf32> to vector<8x128xf32>
      %get3A_1419 = arith.constant 18 : index
      %get3A_1420 = arith.constant 0 : index
      %get3A_1421 = arith.constant 0 : index
      %get3A_1422 = vector.load %arg10[%get3A_1419, %get3A_1420, %get3A_1421] : memref<32x8x128xi32, #tpu.memory_space<vmem>>, vector<1x8x128xi32>
      %get3A_1423 = vector.shape_cast %get3A_1422 : vector<1x8x128xi32> to vector<8x128xi32>
      %lt3A_1424 = arith.cmpf olt, %select_n3A_1365, %get3A_1418 : vector<8x128xf32>
      %select_n3A_1425 = arith.select %lt3A_1424, %select_n3A_1365, %get3A_1418 : vector<8x128xi1>, vector<8x128xf32>
      %select_n3A_1426 = arith.select %lt3A_1424, %select_n3A_1366, %get3A_1423 : vector<8x128xi1>, vector<8x128xi32>
      %select_n3A_1427 = arith.select %lt3A_1424, %get3A_1418, %select_n3A_1365 : vector<8x128xi1>, vector<8x128xf32>
      %select_n3A_1428 = arith.select %lt3A_1424, %get3A_1423, %select_n3A_1366 : vector<8x128xi1>, vector<8x128xi32>
      %lt3A_1429 = arith.cmpf olt, %select_n3A_1370, %select_n3A_1425 : vector<8x128xf32>
      %select_n3A_1430 = arith.select %lt3A_1429, %select_n3A_1370, %select_n3A_1425 : vector<8x128xi1>, vector<8x128xf32>
      %select_n3A_1431 = arith.select %lt3A_1429, %select_n3A_1371, %select_n3A_1426 : vector<8x128xi1>, vector<8x128xi32>
      %select_n3A_1432 = arith.select %lt3A_1429, %select_n3A_1425, %select_n3A_1370 : vector<8x128xi1>, vector<8x128xf32>
      %select_n3A_1433 = arith.select %lt3A_1429, %select_n3A_1426, %select_n3A_1371 : vector<8x128xi1>, vector<8x128xi32>
      %lt3A_1434 = arith.cmpf olt, %select_n3A_1375, %select_n3A_1430 : vector<8x128xf32>
      %select_n3A_1435 = arith.select %lt3A_1434, %select_n3A_1375, %select_n3A_1430 : vector<8x128xi1>, vector<8x128xf32>
      %select_n3A_1436 = arith.select %lt3A_1434, %select_n3A_1376, %select_n3A_1431 : vector<8x128xi1>, vector<8x128xi32>
      %select_n3A_1437 = arith.select %lt3A_1434, %select_n3A_1430, %select_n3A_1375 : vector<8x128xi1>, vector<8x128xf32>
      %select_n3A_1438 = arith.select %lt3A_1434, %select_n3A_1431, %select_n3A_1376 : vector<8x128xi1>, vector<8x128xi32>
      %lt3A_1439 = arith.cmpf olt, %select_n3A_1380, %select_n3A_1435 : vector<8x128xf32>
      %select_n3A_1440 = arith.select %lt3A_1439, %select_n3A_1380, %select_n3A_1435 : vector<8x128xi1>, vector<8x128xf32>
      %select_n3A_1441 = arith.select %lt3A_1439, %select_n3A_1381, %select_n3A_1436 : vector<8x128xi1>, vector<8x128xi32>
      %select_n3A_1442 = arith.select %lt3A_1439, %select_n3A_1435, %select_n3A_1380 : vector<8x128xi1>, vector<8x128xf32>
      %select_n3A_1443 = arith.select %lt3A_1439, %select_n3A_1436, %select_n3A_1381 : vector<8x128xi1>, vector<8x128xi32>
      %lt3A_1444 = arith.cmpf olt, %select_n3A_1385, %select_n3A_1440 : vector<8x128xf32>
      %select_n3A_1445 = arith.select %lt3A_1444, %select_n3A_1385, %select_n3A_1440 : vector<8x128xi1>, vector<8x128xf32>
      %select_n3A_1446 = arith.select %lt3A_1444, %select_n3A_1386, %select_n3A_1441 : vector<8x128xi1>, vector<8x128xi32>
      %select_n3A_1447 = arith.select %lt3A_1444, %select_n3A_1440, %select_n3A_1385 : vector<8x128xi1>, vector<8x128xf32>
      %select_n3A_1448 = arith.select %lt3A_1444, %select_n3A_1441, %select_n3A_1386 : vector<8x128xi1>, vector<8x128xi32>
      %lt3A_1449 = arith.cmpf olt, %select_n3A_1390, %select_n3A_1445 : vector<8x128xf32>
      %select_n3A_1450 = arith.select %lt3A_1449, %select_n3A_1390, %select_n3A_1445 : vector<8x128xi1>, vector<8x128xf32>
      %select_n3A_1451 = arith.select %lt3A_1449, %select_n3A_1391, %select_n3A_1446 : vector<8x128xi1>, vector<8x128xi32>
      %select_n3A_1452 = arith.select %lt3A_1449, %select_n3A_1445, %select_n3A_1390 : vector<8x128xi1>, vector<8x128xf32>
      %select_n3A_1453 = arith.select %lt3A_1449, %select_n3A_1446, %select_n3A_1391 : vector<8x128xi1>, vector<8x128xi32>
      %lt3A_1454 = arith.cmpf olt, %select_n3A_1395, %select_n3A_1450 : vector<8x128xf32>
      %select_n3A_1455 = arith.select %lt3A_1454, %select_n3A_1395, %select_n3A_1450 : vector<8x128xi1>, vector<8x128xf32>
      %select_n3A_1456 = arith.select %lt3A_1454, %select_n3A_1396, %select_n3A_1451 : vector<8x128xi1>, vector<8x128xi32>
      %select_n3A_1457 = arith.select %lt3A_1454, %select_n3A_1450, %select_n3A_1395 : vector<8x128xi1>, vector<8x128xf32>
      %select_n3A_1458 = arith.select %lt3A_1454, %select_n3A_1451, %select_n3A_1396 : vector<8x128xi1>, vector<8x128xi32>
      %lt3A_1459 = arith.cmpf olt, %select_n3A_1400, %select_n3A_1455 : vector<8x128xf32>
      %select_n3A_1460 = arith.select %lt3A_1459, %select_n3A_1400, %select_n3A_1455 : vector<8x128xi1>, vector<8x128xf32>
      %select_n3A_1461 = arith.select %lt3A_1459, %select_n3A_1401, %select_n3A_1456 : vector<8x128xi1>, vector<8x128xi32>
      %select_n3A_1462 = arith.select %lt3A_1459, %select_n3A_1455, %select_n3A_1400 : vector<8x128xi1>, vector<8x128xf32>
      %select_n3A_1463 = arith.select %lt3A_1459, %select_n3A_1456, %select_n3A_1401 : vector<8x128xi1>, vector<8x128xi32>
      %swap3A_1464 = arith.constant 18 : index
      %swap3A_1465 = arith.constant 0 : index
      %swap3A_1466 = arith.constant 0 : index
      %swap3A_1467 = vector.load %arg9[%swap3A_1464, %swap3A_1465, %swap3A_1466] : memref<32x8x128xf32, #tpu.memory_space<vmem>>, vector<1x8x128xf32>
      %swap3A_1468 = vector.shape_cast %swap3A_1467 : vector<1x8x128xf32> to vector<8x128xf32>
      %swap3A_1469 = vector.shape_cast %select_n3A_1460 : vector<8x128xf32> to vector<1x8x128xf32>
      tpu.vector_store %arg9[%swap3A_1464, %swap3A_1465, %swap3A_1466], %swap3A_1469 {strides = array<i32>} : memref<32x8x128xf32, #tpu.memory_space<vmem>>, vector<1x8x128xf32>,
      %swap3A_1470 = arith.constant 18 : index
      %swap3A_1471 = arith.constant 0 : index
      %swap3A_1472 = arith.constant 0 : index
      %swap3A_1473 = vector.load %arg10[%swap3A_1470, %swap3A_1471, %swap3A_1472] : memref<32x8x128xi32, #tpu.memory_space<vmem>>, vector<1x8x128xi32>
      %swap3A_1474 = vector.shape_cast %swap3A_1473 : vector<1x8x128xi32> to vector<8x128xi32>
      %swap3A_1475 = vector.shape_cast %select_n3A_1461 : vector<8x128xi32> to vector<1x8x128xi32>
      tpu.vector_store %arg10[%swap3A_1470, %swap3A_1471, %swap3A_1472], %swap3A_1475 {strides = array<i32>} : memref<32x8x128xi32, #tpu.memory_space<vmem>>, vector<1x8x128xi32>,
      %get3A_1476 = arith.constant 19 : index
      %get3A_1477 = arith.constant 0 : index
      %get3A_1478 = arith.constant 0 : index
      %get3A_1479 = vector.load %arg9[%get3A_1476, %get3A_1477, %get3A_1478] : memref<32x8x128xf32, #tpu.memory_space<vmem>>, vector<1x8x128xf32>
      %get3A_1480 = vector.shape_cast %get3A_1479 : vector<1x8x128xf32> to vector<8x128xf32>
      %get3A_1481 = arith.constant 19 : index
      %get3A_1482 = arith.constant 0 : index
      %get3A_1483 = arith.constant 0 : index
      %get3A_1484 = vector.load %arg10[%get3A_1481, %get3A_1482, %get3A_1483] : memref<32x8x128xi32, #tpu.memory_space<vmem>>, vector<1x8x128xi32>
      %get3A_1485 = vector.shape_cast %get3A_1484 : vector<1x8x128xi32> to vector<8x128xi32>
      %lt3A_1486 = arith.cmpf olt, %select_n3A_1427, %get3A_1480 : vector<8x128xf32>
      %select_n3A_1487 = arith.select %lt3A_1486, %select_n3A_1427, %get3A_1480 : vector<8x128xi1>, vector<8x128xf32>
      %select_n3A_1488 = arith.select %lt3A_1486, %select_n3A_1428, %get3A_1485 : vector<8x128xi1>, vector<8x128xi32>
      %select_n3A_1489 = arith.select %lt3A_1486, %get3A_1480, %select_n3A_1427 : vector<8x128xi1>, vector<8x128xf32>
      %select_n3A_1490 = arith.select %lt3A_1486, %get3A_1485, %select_n3A_1428 : vector<8x128xi1>, vector<8x128xi32>
      %lt3A_1491 = arith.cmpf olt, %select_n3A_1432, %select_n3A_1487 : vector<8x128xf32>
      %select_n3A_1492 = arith.select %lt3A_1491, %select_n3A_1432, %select_n3A_1487 : vector<8x128xi1>, vector<8x128xf32>
      %select_n3A_1493 = arith.select %lt3A_1491, %select_n3A_1433, %select_n3A_1488 : vector<8x128xi1>, vector<8x128xi32>
      %select_n3A_1494 = arith.select %lt3A_1491, %select_n3A_1487, %select_n3A_1432 : vector<8x128xi1>, vector<8x128xf32>
      %select_n3A_1495 = arith.select %lt3A_1491, %select_n3A_1488, %select_n3A_1433 : vector<8x128xi1>, vector<8x128xi32>
      %lt3A_1496 = arith.cmpf olt, %select_n3A_1437, %select_n3A_1492 : vector<8x128xf32>
      %select_n3A_1497 = arith.select %lt3A_1496, %select_n3A_1437, %select_n3A_1492 : vector<8x128xi1>, vector<8x128xf32>
      %select_n3A_1498 = arith.select %lt3A_1496, %select_n3A_1438, %select_n3A_1493 : vector<8x128xi1>, vector<8x128xi32>
      %select_n3A_1499 = arith.select %lt3A_1496, %select_n3A_1492, %select_n3A_1437 : vector<8x128xi1>, vector<8x128xf32>
      %select_n3A_1500 = arith.select %lt3A_1496, %select_n3A_1493, %select_n3A_1438 : vector<8x128xi1>, vector<8x128xi32>
      %lt3A_1501 = arith.cmpf olt, %select_n3A_1442, %select_n3A_1497 : vector<8x128xf32>
      %select_n3A_1502 = arith.select %lt3A_1501, %select_n3A_1442, %select_n3A_1497 : vector<8x128xi1>, vector<8x128xf32>
      %select_n3A_1503 = arith.select %lt3A_1501, %select_n3A_1443, %select_n3A_1498 : vector<8x128xi1>, vector<8x128xi32>
      %select_n3A_1504 = arith.select %lt3A_1501, %select_n3A_1497, %select_n3A_1442 : vector<8x128xi1>, vector<8x128xf32>
      %select_n3A_1505 = arith.select %lt3A_1501, %select_n3A_1498, %select_n3A_1443 : vector<8x128xi1>, vector<8x128xi32>
      %lt3A_1506 = arith.cmpf olt, %select_n3A_1447, %select_n3A_1502 : vector<8x128xf32>
      %select_n3A_1507 = arith.select %lt3A_1506, %select_n3A_1447, %select_n3A_1502 : vector<8x128xi1>, vector<8x128xf32>
      %select_n3A_1508 = arith.select %lt3A_1506, %select_n3A_1448, %select_n3A_1503 : vector<8x128xi1>, vector<8x128xi32>
      %select_n3A_1509 = arith.select %lt3A_1506, %select_n3A_1502, %select_n3A_1447 : vector<8x128xi1>, vector<8x128xf32>
      %select_n3A_1510 = arith.select %lt3A_1506, %select_n3A_1503, %select_n3A_1448 : vector<8x128xi1>, vector<8x128xi32>
      %lt3A_1511 = arith.cmpf olt, %select_n3A_1452, %select_n3A_1507 : vector<8x128xf32>
      %select_n3A_1512 = arith.select %lt3A_1511, %select_n3A_1452, %select_n3A_1507 : vector<8x128xi1>, vector<8x128xf32>
      %select_n3A_1513 = arith.select %lt3A_1511, %select_n3A_1453, %select_n3A_1508 : vector<8x128xi1>, vector<8x128xi32>
      %select_n3A_1514 = arith.select %lt3A_1511, %select_n3A_1507, %select_n3A_1452 : vector<8x128xi1>, vector<8x128xf32>
      %select_n3A_1515 = arith.select %lt3A_1511, %select_n3A_1508, %select_n3A_1453 : vector<8x128xi1>, vector<8x128xi32>
      %lt3A_1516 = arith.cmpf olt, %select_n3A_1457, %select_n3A_1512 : vector<8x128xf32>
      %select_n3A_1517 = arith.select %lt3A_1516, %select_n3A_1457, %select_n3A_1512 : vector<8x128xi1>, vector<8x128xf32>
      %select_n3A_1518 = arith.select %lt3A_1516, %select_n3A_1458, %select_n3A_1513 : vector<8x128xi1>, vector<8x128xi32>
      %select_n3A_1519 = arith.select %lt3A_1516, %select_n3A_1512, %select_n3A_1457 : vector<8x128xi1>, vector<8x128xf32>
      %select_n3A_1520 = arith.select %lt3A_1516, %select_n3A_1513, %select_n3A_1458 : vector<8x128xi1>, vector<8x128xi32>
      %lt3A_1521 = arith.cmpf olt, %select_n3A_1462, %select_n3A_1517 : vector<8x128xf32>
      %select_n3A_1522 = arith.select %lt3A_1521, %select_n3A_1462, %select_n3A_1517 : vector<8x128xi1>, vector<8x128xf32>
      %select_n3A_1523 = arith.select %lt3A_1521, %select_n3A_1463, %select_n3A_1518 : vector<8x128xi1>, vector<8x128xi32>
      %select_n3A_1524 = arith.select %lt3A_1521, %select_n3A_1517, %select_n3A_1462 : vector<8x128xi1>, vector<8x128xf32>
      %select_n3A_1525 = arith.select %lt3A_1521, %select_n3A_1518, %select_n3A_1463 : vector<8x128xi1>, vector<8x128xi32>
      %swap3A_1526 = arith.constant 19 : index
      %swap3A_1527 = arith.constant 0 : index
      %swap3A_1528 = arith.constant 0 : index
      %swap3A_1529 = vector.load %arg9[%swap3A_1526, %swap3A_1527, %swap3A_1528] : memref<32x8x128xf32, #tpu.memory_space<vmem>>, vector<1x8x128xf32>
      %swap3A_1530 = vector.shape_cast %swap3A_1529 : vector<1x8x128xf32> to vector<8x128xf32>
      %swap3A_1531 = vector.shape_cast %select_n3A_1522 : vector<8x128xf32> to vector<1x8x128xf32>
      tpu.vector_store %arg9[%swap3A_1526, %swap3A_1527, %swap3A_1528], %swap3A_1531 {strides = array<i32>} : memref<32x8x128xf32, #tpu.memory_space<vmem>>, vector<1x8x128xf32>,
      %swap3A_1532 = arith.constant 19 : index
      %swap3A_1533 = arith.constant 0 : index
      %swap3A_1534 = arith.constant 0 : index
      %swap3A_1535 = vector.load %arg10[%swap3A_1532, %swap3A_1533, %swap3A_1534] : memref<32x8x128xi32, #tpu.memory_space<vmem>>, vector<1x8x128xi32>
      %swap3A_1536 = vector.shape_cast %swap3A_1535 : vector<1x8x128xi32> to vector<8x128xi32>
      %swap3A_1537 = vector.shape_cast %select_n3A_1523 : vector<8x128xi32> to vector<1x8x128xi32>
      tpu.vector_store %arg10[%swap3A_1532, %swap3A_1533, %swap3A_1534], %swap3A_1537 {strides = array<i32>} : memref<32x8x128xi32, #tpu.memory_space<vmem>>, vector<1x8x128xi32>,
      %get3A_1538 = arith.constant 20 : index
      %get3A_1539 = arith.constant 0 : index
      %get3A_1540 = arith.constant 0 : index
      %get3A_1541 = vector.load %arg9[%get3A_1538, %get3A_1539, %get3A_1540] : memref<32x8x128xf32, #tpu.memory_space<vmem>>, vector<1x8x128xf32>
      %get3A_1542 = vector.shape_cast %get3A_1541 : vector<1x8x128xf32> to vector<8x128xf32>
      %get3A_1543 = arith.constant 20 : index
      %get3A_1544 = arith.constant 0 : index
      %get3A_1545 = arith.constant 0 : index
      %get3A_1546 = vector.load %arg10[%get3A_1543, %get3A_1544, %get3A_1545] : memref<32x8x128xi32, #tpu.memory_space<vmem>>, vector<1x8x128xi32>
      %get3A_1547 = vector.shape_cast %get3A_1546 : vector<1x8x128xi32> to vector<8x128xi32>
      %lt3A_1548 = arith.cmpf olt, %select_n3A_1489, %get3A_1542 : vector<8x128xf32>
      %select_n3A_1549 = arith.select %lt3A_1548, %select_n3A_1489, %get3A_1542 : vector<8x128xi1>, vector<8x128xf32>
      %select_n3A_1550 = arith.select %lt3A_1548, %select_n3A_1490, %get3A_1547 : vector<8x128xi1>, vector<8x128xi32>
      %select_n3A_1551 = arith.select %lt3A_1548, %get3A_1542, %select_n3A_1489 : vector<8x128xi1>, vector<8x128xf32>
      %select_n3A_1552 = arith.select %lt3A_1548, %get3A_1547, %select_n3A_1490 : vector<8x128xi1>, vector<8x128xi32>
      %lt3A_1553 = arith.cmpf olt, %select_n3A_1494, %select_n3A_1549 : vector<8x128xf32>
      %select_n3A_1554 = arith.select %lt3A_1553, %select_n3A_1494, %select_n3A_1549 : vector<8x128xi1>, vector<8x128xf32>
      %select_n3A_1555 = arith.select %lt3A_1553, %select_n3A_1495, %select_n3A_1550 : vector<8x128xi1>, vector<8x128xi32>
      %select_n3A_1556 = arith.select %lt3A_1553, %select_n3A_1549, %select_n3A_1494 : vector<8x128xi1>, vector<8x128xf32>
      %select_n3A_1557 = arith.select %lt3A_1553, %select_n3A_1550, %select_n3A_1495 : vector<8x128xi1>, vector<8x128xi32>
      %lt3A_1558 = arith.cmpf olt, %select_n3A_1499, %select_n3A_1554 : vector<8x128xf32>
      %select_n3A_1559 = arith.select %lt3A_1558, %select_n3A_1499, %select_n3A_1554 : vector<8x128xi1>, vector<8x128xf32>
      %select_n3A_1560 = arith.select %lt3A_1558, %select_n3A_1500, %select_n3A_1555 : vector<8x128xi1>, vector<8x128xi32>
      %select_n3A_1561 = arith.select %lt3A_1558, %select_n3A_1554, %select_n3A_1499 : vector<8x128xi1>, vector<8x128xf32>
      %select_n3A_1562 = arith.select %lt3A_1558, %select_n3A_1555, %select_n3A_1500 : vector<8x128xi1>, vector<8x128xi32>
      %lt3A_1563 = arith.cmpf olt, %select_n3A_1504, %select_n3A_1559 : vector<8x128xf32>
      %select_n3A_1564 = arith.select %lt3A_1563, %select_n3A_1504, %select_n3A_1559 : vector<8x128xi1>, vector<8x128xf32>
      %select_n3A_1565 = arith.select %lt3A_1563, %select_n3A_1505, %select_n3A_1560 : vector<8x128xi1>, vector<8x128xi32>
      %select_n3A_1566 = arith.select %lt3A_1563, %select_n3A_1559, %select_n3A_1504 : vector<8x128xi1>, vector<8x128xf32>
      %select_n3A_1567 = arith.select %lt3A_1563, %select_n3A_1560, %select_n3A_1505 : vector<8x128xi1>, vector<8x128xi32>
      %lt3A_1568 = arith.cmpf olt, %select_n3A_1509, %select_n3A_1564 : vector<8x128xf32>
      %select_n3A_1569 = arith.select %lt3A_1568, %select_n3A_1509, %select_n3A_1564 : vector<8x128xi1>, vector<8x128xf32>
      %select_n3A_1570 = arith.select %lt3A_1568, %select_n3A_1510, %select_n3A_1565 : vector<8x128xi1>, vector<8x128xi32>
      %select_n3A_1571 = arith.select %lt3A_1568, %select_n3A_1564, %select_n3A_1509 : vector<8x128xi1>, vector<8x128xf32>
      %select_n3A_1572 = arith.select %lt3A_1568, %select_n3A_1565, %select_n3A_1510 : vector<8x128xi1>, vector<8x128xi32>
      %lt3A_1573 = arith.cmpf olt, %select_n3A_1514, %select_n3A_1569 : vector<8x128xf32>
      %select_n3A_1574 = arith.select %lt3A_1573, %select_n3A_1514, %select_n3A_1569 : vector<8x128xi1>, vector<8x128xf32>
      %select_n3A_1575 = arith.select %lt3A_1573, %select_n3A_1515, %select_n3A_1570 : vector<8x128xi1>, vector<8x128xi32>
      %select_n3A_1576 = arith.select %lt3A_1573, %select_n3A_1569, %select_n3A_1514 : vector<8x128xi1>, vector<8x128xf32>
      %select_n3A_1577 = arith.select %lt3A_1573, %select_n3A_1570, %select_n3A_1515 : vector<8x128xi1>, vector<8x128xi32>
      %lt3A_1578 = arith.cmpf olt, %select_n3A_1519, %select_n3A_1574 : vector<8x128xf32>
      %select_n3A_1579 = arith.select %lt3A_1578, %select_n3A_1519, %select_n3A_1574 : vector<8x128xi1>, vector<8x128xf32>
      %select_n3A_1580 = arith.select %lt3A_1578, %select_n3A_1520, %select_n3A_1575 : vector<8x128xi1>, vector<8x128xi32>
      %select_n3A_1581 = arith.select %lt3A_1578, %select_n3A_1574, %select_n3A_1519 : vector<8x128xi1>, vector<8x128xf32>
      %select_n3A_1582 = arith.select %lt3A_1578, %select_n3A_1575, %select_n3A_1520 : vector<8x128xi1>, vector<8x128xi32>
      %lt3A_1583 = arith.cmpf olt, %select_n3A_1524, %select_n3A_1579 : vector<8x128xf32>
      %select_n3A_1584 = arith.select %lt3A_1583, %select_n3A_1524, %select_n3A_1579 : vector<8x128xi1>, vector<8x128xf32>
      %select_n3A_1585 = arith.select %lt3A_1583, %select_n3A_1525, %select_n3A_1580 : vector<8x128xi1>, vector<8x128xi32>
      %select_n3A_1586 = arith.select %lt3A_1583, %select_n3A_1579, %select_n3A_1524 : vector<8x128xi1>, vector<8x128xf32>
      %select_n3A_1587 = arith.select %lt3A_1583, %select_n3A_1580, %select_n3A_1525 : vector<8x128xi1>, vector<8x128xi32>
      %swap3A_1588 = arith.constant 20 : index
      %swap3A_1589 = arith.constant 0 : index
      %swap3A_1590 = arith.constant 0 : index
      %swap3A_1591 = vector.load %arg9[%swap3A_1588, %swap3A_1589, %swap3A_1590] : memref<32x8x128xf32, #tpu.memory_space<vmem>>, vector<1x8x128xf32>
      %swap3A_1592 = vector.shape_cast %swap3A_1591 : vector<1x8x128xf32> to vector<8x128xf32>
      %swap3A_1593 = vector.shape_cast %select_n3A_1584 : vector<8x128xf32> to vector<1x8x128xf32>
      tpu.vector_store %arg9[%swap3A_1588, %swap3A_1589, %swap3A_1590], %swap3A_1593 {strides = array<i32>} : memref<32x8x128xf32, #tpu.memory_space<vmem>>, vector<1x8x128xf32>,
      %swap3A_1594 = arith.constant 20 : index
      %swap3A_1595 = arith.constant 0 : index
      %swap3A_1596 = arith.constant 0 : index
      %swap3A_1597 = vector.load %arg10[%swap3A_1594, %swap3A_1595, %swap3A_1596] : memref<32x8x128xi32, #tpu.memory_space<vmem>>, vector<1x8x128xi32>
      %swap3A_1598 = vector.shape_cast %swap3A_1597 : vector<1x8x128xi32> to vector<8x128xi32>
      %swap3A_1599 = vector.shape_cast %select_n3A_1585 : vector<8x128xi32> to vector<1x8x128xi32>
      tpu.vector_store %arg10[%swap3A_1594, %swap3A_1595, %swap3A_1596], %swap3A_1599 {strides = array<i32>} : memref<32x8x128xi32, #tpu.memory_space<vmem>>, vector<1x8x128xi32>,
      %get3A_1600 = arith.constant 21 : index
      %get3A_1601 = arith.constant 0 : index
      %get3A_1602 = arith.constant 0 : index
      %get3A_1603 = vector.load %arg9[%get3A_1600, %get3A_1601, %get3A_1602] : memref<32x8x128xf32, #tpu.memory_space<vmem>>, vector<1x8x128xf32>
      %get3A_1604 = vector.shape_cast %get3A_1603 : vector<1x8x128xf32> to vector<8x128xf32>
      %get3A_1605 = arith.constant 21 : index
      %get3A_1606 = arith.constant 0 : index
      %get3A_1607 = arith.constant 0 : index
      %get3A_1608 = vector.load %arg10[%get3A_1605, %get3A_1606, %get3A_1607] : memref<32x8x128xi32, #tpu.memory_space<vmem>>, vector<1x8x128xi32>
      %get3A_1609 = vector.shape_cast %get3A_1608 : vector<1x8x128xi32> to vector<8x128xi32>
      %lt3A_1610 = arith.cmpf olt, %select_n3A_1551, %get3A_1604 : vector<8x128xf32>
      %select_n3A_1611 = arith.select %lt3A_1610, %select_n3A_1551, %get3A_1604 : vector<8x128xi1>, vector<8x128xf32>
      %select_n3A_1612 = arith.select %lt3A_1610, %select_n3A_1552, %get3A_1609 : vector<8x128xi1>, vector<8x128xi32>
      %select_n3A_1613 = arith.select %lt3A_1610, %get3A_1604, %select_n3A_1551 : vector<8x128xi1>, vector<8x128xf32>
      %select_n3A_1614 = arith.select %lt3A_1610, %get3A_1609, %select_n3A_1552 : vector<8x128xi1>, vector<8x128xi32>
      %lt3A_1615 = arith.cmpf olt, %select_n3A_1556, %select_n3A_1611 : vector<8x128xf32>
      %select_n3A_1616 = arith.select %lt3A_1615, %select_n3A_1556, %select_n3A_1611 : vector<8x128xi1>, vector<8x128xf32>
      %select_n3A_1617 = arith.select %lt3A_1615, %select_n3A_1557, %select_n3A_1612 : vector<8x128xi1>, vector<8x128xi32>
      %select_n3A_1618 = arith.select %lt3A_1615, %select_n3A_1611, %select_n3A_1556 : vector<8x128xi1>, vector<8x128xf32>
      %select_n3A_1619 = arith.select %lt3A_1615, %select_n3A_1612, %select_n3A_1557 : vector<8x128xi1>, vector<8x128xi32>
      %lt3A_1620 = arith.cmpf olt, %select_n3A_1561, %select_n3A_1616 : vector<8x128xf32>
      %select_n3A_1621 = arith.select %lt3A_1620, %select_n3A_1561, %select_n3A_1616 : vector<8x128xi1>, vector<8x128xf32>
      %select_n3A_1622 = arith.select %lt3A_1620, %select_n3A_1562, %select_n3A_1617 : vector<8x128xi1>, vector<8x128xi32>
      %select_n3A_1623 = arith.select %lt3A_1620, %select_n3A_1616, %select_n3A_1561 : vector<8x128xi1>, vector<8x128xf32>
      %select_n3A_1624 = arith.select %lt3A_1620, %select_n3A_1617, %select_n3A_1562 : vector<8x128xi1>, vector<8x128xi32>
      %lt3A_1625 = arith.cmpf olt, %select_n3A_1566, %select_n3A_1621 : vector<8x128xf32>
      %select_n3A_1626 = arith.select %lt3A_1625, %select_n3A_1566, %select_n3A_1621 : vector<8x128xi1>, vector<8x128xf32>
      %select_n3A_1627 = arith.select %lt3A_1625, %select_n3A_1567, %select_n3A_1622 : vector<8x128xi1>, vector<8x128xi32>
      %select_n3A_1628 = arith.select %lt3A_1625, %select_n3A_1621, %select_n3A_1566 : vector<8x128xi1>, vector<8x128xf32>
      %select_n3A_1629 = arith.select %lt3A_1625, %select_n3A_1622, %select_n3A_1567 : vector<8x128xi1>, vector<8x128xi32>
      %lt3A_1630 = arith.cmpf olt, %select_n3A_1571, %select_n3A_1626 : vector<8x128xf32>
      %select_n3A_1631 = arith.select %lt3A_1630, %select_n3A_1571, %select_n3A_1626 : vector<8x128xi1>, vector<8x128xf32>
      %select_n3A_1632 = arith.select %lt3A_1630, %select_n3A_1572, %select_n3A_1627 : vector<8x128xi1>, vector<8x128xi32>
      %select_n3A_1633 = arith.select %lt3A_1630, %select_n3A_1626, %select_n3A_1571 : vector<8x128xi1>, vector<8x128xf32>
      %select_n3A_1634 = arith.select %lt3A_1630, %select_n3A_1627, %select_n3A_1572 : vector<8x128xi1>, vector<8x128xi32>
      %lt3A_1635 = arith.cmpf olt, %select_n3A_1576, %select_n3A_1631 : vector<8x128xf32>
      %select_n3A_1636 = arith.select %lt3A_1635, %select_n3A_1576, %select_n3A_1631 : vector<8x128xi1>, vector<8x128xf32>
      %select_n3A_1637 = arith.select %lt3A_1635, %select_n3A_1577, %select_n3A_1632 : vector<8x128xi1>, vector<8x128xi32>
      %select_n3A_1638 = arith.select %lt3A_1635, %select_n3A_1631, %select_n3A_1576 : vector<8x128xi1>, vector<8x128xf32>
      %select_n3A_1639 = arith.select %lt3A_1635, %select_n3A_1632, %select_n3A_1577 : vector<8x128xi1>, vector<8x128xi32>
      %lt3A_1640 = arith.cmpf olt, %select_n3A_1581, %select_n3A_1636 : vector<8x128xf32>
      %select_n3A_1641 = arith.select %lt3A_1640, %select_n3A_1581, %select_n3A_1636 : vector<8x128xi1>, vector<8x128xf32>
      %select_n3A_1642 = arith.select %lt3A_1640, %select_n3A_1582, %select_n3A_1637 : vector<8x128xi1>, vector<8x128xi32>
      %select_n3A_1643 = arith.select %lt3A_1640, %select_n3A_1636, %select_n3A_1581 : vector<8x128xi1>, vector<8x128xf32>
      %select_n3A_1644 = arith.select %lt3A_1640, %select_n3A_1637, %select_n3A_1582 : vector<8x128xi1>, vector<8x128xi32>
      %lt3A_1645 = arith.cmpf olt, %select_n3A_1586, %select_n3A_1641 : vector<8x128xf32>
      %select_n3A_1646 = arith.select %lt3A_1645, %select_n3A_1586, %select_n3A_1641 : vector<8x128xi1>, vector<8x128xf32>
      %select_n3A_1647 = arith.select %lt3A_1645, %select_n3A_1587, %select_n3A_1642 : vector<8x128xi1>, vector<8x128xi32>
      %select_n3A_1648 = arith.select %lt3A_1645, %select_n3A_1641, %select_n3A_1586 : vector<8x128xi1>, vector<8x128xf32>
      %select_n3A_1649 = arith.select %lt3A_1645, %select_n3A_1642, %select_n3A_1587 : vector<8x128xi1>, vector<8x128xi32>
      %swap3A_1650 = arith.constant 21 : index
      %swap3A_1651 = arith.constant 0 : index
      %swap3A_1652 = arith.constant 0 : index
      %swap3A_1653 = vector.load %arg9[%swap3A_1650, %swap3A_1651, %swap3A_1652] : memref<32x8x128xf32, #tpu.memory_space<vmem>>, vector<1x8x128xf32>
      %swap3A_1654 = vector.shape_cast %swap3A_1653 : vector<1x8x128xf32> to vector<8x128xf32>
      %swap3A_1655 = vector.shape_cast %select_n3A_1646 : vector<8x128xf32> to vector<1x8x128xf32>
      tpu.vector_store %arg9[%swap3A_1650, %swap3A_1651, %swap3A_1652], %swap3A_1655 {strides = array<i32>} : memref<32x8x128xf32, #tpu.memory_space<vmem>>, vector<1x8x128xf32>,
      %swap3A_1656 = arith.constant 21 : index
      %swap3A_1657 = arith.constant 0 : index
      %swap3A_1658 = arith.constant 0 : index
      %swap3A_1659 = vector.load %arg10[%swap3A_1656, %swap3A_1657, %swap3A_1658] : memref<32x8x128xi32, #tpu.memory_space<vmem>>, vector<1x8x128xi32>
      %swap3A_1660 = vector.shape_cast %swap3A_1659 : vector<1x8x128xi32> to vector<8x128xi32>
      %swap3A_1661 = vector.shape_cast %select_n3A_1647 : vector<8x128xi32> to vector<1x8x128xi32>
      tpu.vector_store %arg10[%swap3A_1656, %swap3A_1657, %swap3A_1658], %swap3A_1661 {strides = array<i32>} : memref<32x8x128xi32, #tpu.memory_space<vmem>>, vector<1x8x128xi32>,
      %get3A_1662 = arith.constant 22 : index
      %get3A_1663 = arith.constant 0 : index
      %get3A_1664 = arith.constant 0 : index
      %get3A_1665 = vector.load %arg9[%get3A_1662, %get3A_1663, %get3A_1664] : memref<32x8x128xf32, #tpu.memory_space<vmem>>, vector<1x8x128xf32>
      %get3A_1666 = vector.shape_cast %get3A_1665 : vector<1x8x128xf32> to vector<8x128xf32>
      %get3A_1667 = arith.constant 22 : index
      %get3A_1668 = arith.constant 0 : index
      %get3A_1669 = arith.constant 0 : index
      %get3A_1670 = vector.load %arg10[%get3A_1667, %get3A_1668, %get3A_1669] : memref<32x8x128xi32, #tpu.memory_space<vmem>>, vector<1x8x128xi32>
      %get3A_1671 = vector.shape_cast %get3A_1670 : vector<1x8x128xi32> to vector<8x128xi32>
      %lt3A_1672 = arith.cmpf olt, %select_n3A_1613, %get3A_1666 : vector<8x128xf32>
      %select_n3A_1673 = arith.select %lt3A_1672, %select_n3A_1613, %get3A_1666 : vector<8x128xi1>, vector<8x128xf32>
      %select_n3A_1674 = arith.select %lt3A_1672, %select_n3A_1614, %get3A_1671 : vector<8x128xi1>, vector<8x128xi32>
      %select_n3A_1675 = arith.select %lt3A_1672, %get3A_1666, %select_n3A_1613 : vector<8x128xi1>, vector<8x128xf32>
      %select_n3A_1676 = arith.select %lt3A_1672, %get3A_1671, %select_n3A_1614 : vector<8x128xi1>, vector<8x128xi32>
      %lt3A_1677 = arith.cmpf olt, %select_n3A_1618, %select_n3A_1673 : vector<8x128xf32>
      %select_n3A_1678 = arith.select %lt3A_1677, %select_n3A_1618, %select_n3A_1673 : vector<8x128xi1>, vector<8x128xf32>
      %select_n3A_1679 = arith.select %lt3A_1677, %select_n3A_1619, %select_n3A_1674 : vector<8x128xi1>, vector<8x128xi32>
      %select_n3A_1680 = arith.select %lt3A_1677, %select_n3A_1673, %select_n3A_1618 : vector<8x128xi1>, vector<8x128xf32>
      %select_n3A_1681 = arith.select %lt3A_1677, %select_n3A_1674, %select_n3A_1619 : vector<8x128xi1>, vector<8x128xi32>
      %lt3A_1682 = arith.cmpf olt, %select_n3A_1623, %select_n3A_1678 : vector<8x128xf32>
      %select_n3A_1683 = arith.select %lt3A_1682, %select_n3A_1623, %select_n3A_1678 : vector<8x128xi1>, vector<8x128xf32>
      %select_n3A_1684 = arith.select %lt3A_1682, %select_n3A_1624, %select_n3A_1679 : vector<8x128xi1>, vector<8x128xi32>
      %select_n3A_1685 = arith.select %lt3A_1682, %select_n3A_1678, %select_n3A_1623 : vector<8x128xi1>, vector<8x128xf32>
      %select_n3A_1686 = arith.select %lt3A_1682, %select_n3A_1679, %select_n3A_1624 : vector<8x128xi1>, vector<8x128xi32>
      %lt3A_1687 = arith.cmpf olt, %select_n3A_1628, %select_n3A_1683 : vector<8x128xf32>
      %select_n3A_1688 = arith.select %lt3A_1687, %select_n3A_1628, %select_n3A_1683 : vector<8x128xi1>, vector<8x128xf32>
      %select_n3A_1689 = arith.select %lt3A_1687, %select_n3A_1629, %select_n3A_1684 : vector<8x128xi1>, vector<8x128xi32>
      %select_n3A_1690 = arith.select %lt3A_1687, %select_n3A_1683, %select_n3A_1628 : vector<8x128xi1>, vector<8x128xf32>
      %select_n3A_1691 = arith.select %lt3A_1687, %select_n3A_1684, %select_n3A_1629 : vector<8x128xi1>, vector<8x128xi32>
      %lt3A_1692 = arith.cmpf olt, %select_n3A_1633, %select_n3A_1688 : vector<8x128xf32>
      %select_n3A_1693 = arith.select %lt3A_1692, %select_n3A_1633, %select_n3A_1688 : vector<8x128xi1>, vector<8x128xf32>
      %select_n3A_1694 = arith.select %lt3A_1692, %select_n3A_1634, %select_n3A_1689 : vector<8x128xi1>, vector<8x128xi32>
      %select_n3A_1695 = arith.select %lt3A_1692, %select_n3A_1688, %select_n3A_1633 : vector<8x128xi1>, vector<8x128xf32>
      %select_n3A_1696 = arith.select %lt3A_1692, %select_n3A_1689, %select_n3A_1634 : vector<8x128xi1>, vector<8x128xi32>
      %lt3A_1697 = arith.cmpf olt, %select_n3A_1638, %select_n3A_1693 : vector<8x128xf32>
      %select_n3A_1698 = arith.select %lt3A_1697, %select_n3A_1638, %select_n3A_1693 : vector<8x128xi1>, vector<8x128xf32>
      %select_n3A_1699 = arith.select %lt3A_1697, %select_n3A_1639, %select_n3A_1694 : vector<8x128xi1>, vector<8x128xi32>
      %select_n3A_1700 = arith.select %lt3A_1697, %select_n3A_1693, %select_n3A_1638 : vector<8x128xi1>, vector<8x128xf32>
      %select_n3A_1701 = arith.select %lt3A_1697, %select_n3A_1694, %select_n3A_1639 : vector<8x128xi1>, vector<8x128xi32>
      %lt3A_1702 = arith.cmpf olt, %select_n3A_1643, %select_n3A_1698 : vector<8x128xf32>
      %select_n3A_1703 = arith.select %lt3A_1702, %select_n3A_1643, %select_n3A_1698 : vector<8x128xi1>, vector<8x128xf32>
      %select_n3A_1704 = arith.select %lt3A_1702, %select_n3A_1644, %select_n3A_1699 : vector<8x128xi1>, vector<8x128xi32>
      %select_n3A_1705 = arith.select %lt3A_1702, %select_n3A_1698, %select_n3A_1643 : vector<8x128xi1>, vector<8x128xf32>
      %select_n3A_1706 = arith.select %lt3A_1702, %select_n3A_1699, %select_n3A_1644 : vector<8x128xi1>, vector<8x128xi32>
      %lt3A_1707 = arith.cmpf olt, %select_n3A_1648, %select_n3A_1703 : vector<8x128xf32>
      %select_n3A_1708 = arith.select %lt3A_1707, %select_n3A_1648, %select_n3A_1703 : vector<8x128xi1>, vector<8x128xf32>
      %select_n3A_1709 = arith.select %lt3A_1707, %select_n3A_1649, %select_n3A_1704 : vector<8x128xi1>, vector<8x128xi32>
      %select_n3A_1710 = arith.select %lt3A_1707, %select_n3A_1703, %select_n3A_1648 : vector<8x128xi1>, vector<8x128xf32>
      %select_n3A_1711 = arith.select %lt3A_1707, %select_n3A_1704, %select_n3A_1649 : vector<8x128xi1>, vector<8x128xi32>
      %swap3A_1712 = arith.constant 22 : index
      %swap3A_1713 = arith.constant 0 : index
      %swap3A_1714 = arith.constant 0 : index
      %swap3A_1715 = vector.load %arg9[%swap3A_1712, %swap3A_1713, %swap3A_1714] : memref<32x8x128xf32, #tpu.memory_space<vmem>>, vector<1x8x128xf32>
      %swap3A_1716 = vector.shape_cast %swap3A_1715 : vector<1x8x128xf32> to vector<8x128xf32>
      %swap3A_1717 = vector.shape_cast %select_n3A_1708 : vector<8x128xf32> to vector<1x8x128xf32>
      tpu.vector_store %arg9[%swap3A_1712, %swap3A_1713, %swap3A_1714], %swap3A_1717 {strides = array<i32>} : memref<32x8x128xf32, #tpu.memory_space<vmem>>, vector<1x8x128xf32>,
      %swap3A_1718 = arith.constant 22 : index
      %swap3A_1719 = arith.constant 0 : index
      %swap3A_1720 = arith.constant 0 : index
      %swap3A_1721 = vector.load %arg10[%swap3A_1718, %swap3A_1719, %swap3A_1720] : memref<32x8x128xi32, #tpu.memory_space<vmem>>, vector<1x8x128xi32>
      %swap3A_1722 = vector.shape_cast %swap3A_1721 : vector<1x8x128xi32> to vector<8x128xi32>
      %swap3A_1723 = vector.shape_cast %select_n3A_1709 : vector<8x128xi32> to vector<1x8x128xi32>
      tpu.vector_store %arg10[%swap3A_1718, %swap3A_1719, %swap3A_1720], %swap3A_1723 {strides = array<i32>} : memref<32x8x128xi32, #tpu.memory_space<vmem>>, vector<1x8x128xi32>,
      %get3A_1724 = arith.constant 23 : index
      %get3A_1725 = arith.constant 0 : index
      %get3A_1726 = arith.constant 0 : index
      %get3A_1727 = vector.load %arg9[%get3A_1724, %get3A_1725, %get3A_1726] : memref<32x8x128xf32, #tpu.memory_space<vmem>>, vector<1x8x128xf32>
      %get3A_1728 = vector.shape_cast %get3A_1727 : vector<1x8x128xf32> to vector<8x128xf32>
      %get3A_1729 = arith.constant 23 : index
      %get3A_1730 = arith.constant 0 : index
      %get3A_1731 = arith.constant 0 : index
      %get3A_1732 = vector.load %arg10[%get3A_1729, %get3A_1730, %get3A_1731] : memref<32x8x128xi32, #tpu.memory_space<vmem>>, vector<1x8x128xi32>
      %get3A_1733 = vector.shape_cast %get3A_1732 : vector<1x8x128xi32> to vector<8x128xi32>
      %lt3A_1734 = arith.cmpf olt, %select_n3A_1675, %get3A_1728 : vector<8x128xf32>
      %select_n3A_1735 = arith.select %lt3A_1734, %select_n3A_1675, %get3A_1728 : vector<8x128xi1>, vector<8x128xf32>
      %select_n3A_1736 = arith.select %lt3A_1734, %select_n3A_1676, %get3A_1733 : vector<8x128xi1>, vector<8x128xi32>
      %select_n3A_1737 = arith.select %lt3A_1734, %get3A_1728, %select_n3A_1675 : vector<8x128xi1>, vector<8x128xf32>
      %select_n3A_1738 = arith.select %lt3A_1734, %get3A_1733, %select_n3A_1676 : vector<8x128xi1>, vector<8x128xi32>
      %lt3A_1739 = arith.cmpf olt, %select_n3A_1680, %select_n3A_1735 : vector<8x128xf32>
      %select_n3A_1740 = arith.select %lt3A_1739, %select_n3A_1680, %select_n3A_1735 : vector<8x128xi1>, vector<8x128xf32>
      %select_n3A_1741 = arith.select %lt3A_1739, %select_n3A_1681, %select_n3A_1736 : vector<8x128xi1>, vector<8x128xi32>
      %select_n3A_1742 = arith.select %lt3A_1739, %select_n3A_1735, %select_n3A_1680 : vector<8x128xi1>, vector<8x128xf32>
      %select_n3A_1743 = arith.select %lt3A_1739, %select_n3A_1736, %select_n3A_1681 : vector<8x128xi1>, vector<8x128xi32>
      %lt3A_1744 = arith.cmpf olt, %select_n3A_1685, %select_n3A_1740 : vector<8x128xf32>
      %select_n3A_1745 = arith.select %lt3A_1744, %select_n3A_1685, %select_n3A_1740 : vector<8x128xi1>, vector<8x128xf32>
      %select_n3A_1746 = arith.select %lt3A_1744, %select_n3A_1686, %select_n3A_1741 : vector<8x128xi1>, vector<8x128xi32>
      %select_n3A_1747 = arith.select %lt3A_1744, %select_n3A_1740, %select_n3A_1685 : vector<8x128xi1>, vector<8x128xf32>
      %select_n3A_1748 = arith.select %lt3A_1744, %select_n3A_1741, %select_n3A_1686 : vector<8x128xi1>, vector<8x128xi32>
      %lt3A_1749 = arith.cmpf olt, %select_n3A_1690, %select_n3A_1745 : vector<8x128xf32>
      %select_n3A_1750 = arith.select %lt3A_1749, %select_n3A_1690, %select_n3A_1745 : vector<8x128xi1>, vector<8x128xf32>
      %select_n3A_1751 = arith.select %lt3A_1749, %select_n3A_1691, %select_n3A_1746 : vector<8x128xi1>, vector<8x128xi32>
      %select_n3A_1752 = arith.select %lt3A_1749, %select_n3A_1745, %select_n3A_1690 : vector<8x128xi1>, vector<8x128xf32>
      %select_n3A_1753 = arith.select %lt3A_1749, %select_n3A_1746, %select_n3A_1691 : vector<8x128xi1>, vector<8x128xi32>
      %lt3A_1754 = arith.cmpf olt, %select_n3A_1695, %select_n3A_1750 : vector<8x128xf32>
      %select_n3A_1755 = arith.select %lt3A_1754, %select_n3A_1695, %select_n3A_1750 : vector<8x128xi1>, vector<8x128xf32>
      %select_n3A_1756 = arith.select %lt3A_1754, %select_n3A_1696, %select_n3A_1751 : vector<8x128xi1>, vector<8x128xi32>
      %select_n3A_1757 = arith.select %lt3A_1754, %select_n3A_1750, %select_n3A_1695 : vector<8x128xi1>, vector<8x128xf32>
      %select_n3A_1758 = arith.select %lt3A_1754, %select_n3A_1751, %select_n3A_1696 : vector<8x128xi1>, vector<8x128xi32>
      %lt3A_1759 = arith.cmpf olt, %select_n3A_1700, %select_n3A_1755 : vector<8x128xf32>
      %select_n3A_1760 = arith.select %lt3A_1759, %select_n3A_1700, %select_n3A_1755 : vector<8x128xi1>, vector<8x128xf32>
      %select_n3A_1761 = arith.select %lt3A_1759, %select_n3A_1701, %select_n3A_1756 : vector<8x128xi1>, vector<8x128xi32>
      %select_n3A_1762 = arith.select %lt3A_1759, %select_n3A_1755, %select_n3A_1700 : vector<8x128xi1>, vector<8x128xf32>
      %select_n3A_1763 = arith.select %lt3A_1759, %select_n3A_1756, %select_n3A_1701 : vector<8x128xi1>, vector<8x128xi32>
      %lt3A_1764 = arith.cmpf olt, %select_n3A_1705, %select_n3A_1760 : vector<8x128xf32>
      %select_n3A_1765 = arith.select %lt3A_1764, %select_n3A_1705, %select_n3A_1760 : vector<8x128xi1>, vector<8x128xf32>
      %select_n3A_1766 = arith.select %lt3A_1764, %select_n3A_1706, %select_n3A_1761 : vector<8x128xi1>, vector<8x128xi32>
      %select_n3A_1767 = arith.select %lt3A_1764, %select_n3A_1760, %select_n3A_1705 : vector<8x128xi1>, vector<8x128xf32>
      %select_n3A_1768 = arith.select %lt3A_1764, %select_n3A_1761, %select_n3A_1706 : vector<8x128xi1>, vector<8x128xi32>
      %lt3A_1769 = arith.cmpf olt, %select_n3A_1710, %select_n3A_1765 : vector<8x128xf32>
      %select_n3A_1770 = arith.select %lt3A_1769, %select_n3A_1710, %select_n3A_1765 : vector<8x128xi1>, vector<8x128xf32>
      %select_n3A_1771 = arith.select %lt3A_1769, %select_n3A_1711, %select_n3A_1766 : vector<8x128xi1>, vector<8x128xi32>
      %select_n3A_1772 = arith.select %lt3A_1769, %select_n3A_1765, %select_n3A_1710 : vector<8x128xi1>, vector<8x128xf32>
      %select_n3A_1773 = arith.select %lt3A_1769, %select_n3A_1766, %select_n3A_1711 : vector<8x128xi1>, vector<8x128xi32>
      %swap3A_1774 = arith.constant 23 : index
      %swap3A_1775 = arith.constant 0 : index
      %swap3A_1776 = arith.constant 0 : index
      %swap3A_1777 = vector.load %arg9[%swap3A_1774, %swap3A_1775, %swap3A_1776] : memref<32x8x128xf32, #tpu.memory_space<vmem>>, vector<1x8x128xf32>
      %swap3A_1778 = vector.shape_cast %swap3A_1777 : vector<1x8x128xf32> to vector<8x128xf32>
      %swap3A_1779 = vector.shape_cast %select_n3A_1770 : vector<8x128xf32> to vector<1x8x128xf32>
      tpu.vector_store %arg9[%swap3A_1774, %swap3A_1775, %swap3A_1776], %swap3A_1779 {strides = array<i32>} : memref<32x8x128xf32, #tpu.memory_space<vmem>>, vector<1x8x128xf32>,
      %swap3A_1780 = arith.constant 23 : index
      %swap3A_1781 = arith.constant 0 : index
      %swap3A_1782 = arith.constant 0 : index
      %swap3A_1783 = vector.load %arg10[%swap3A_1780, %swap3A_1781, %swap3A_1782] : memref<32x8x128xi32, #tpu.memory_space<vmem>>, vector<1x8x128xi32>
      %swap3A_1784 = vector.shape_cast %swap3A_1783 : vector<1x8x128xi32> to vector<8x128xi32>
      %swap3A_1785 = vector.shape_cast %select_n3A_1771 : vector<8x128xi32> to vector<1x8x128xi32>
      tpu.vector_store %arg10[%swap3A_1780, %swap3A_1781, %swap3A_1782], %swap3A_1785 {strides = array<i32>} : memref<32x8x128xi32, #tpu.memory_space<vmem>>, vector<1x8x128xi32>,
      %get3A_1786 = arith.constant 24 : index
      %get3A_1787 = arith.constant 0 : index
      %get3A_1788 = arith.constant 0 : index
      %get3A_1789 = vector.load %arg9[%get3A_1786, %get3A_1787, %get3A_1788] : memref<32x8x128xf32, #tpu.memory_space<vmem>>, vector<1x8x128xf32>
      %get3A_1790 = vector.shape_cast %get3A_1789 : vector<1x8x128xf32> to vector<8x128xf32>
      %get3A_1791 = arith.constant 24 : index
      %get3A_1792 = arith.constant 0 : index
      %get3A_1793 = arith.constant 0 : index
      %get3A_1794 = vector.load %arg10[%get3A_1791, %get3A_1792, %get3A_1793] : memref<32x8x128xi32, #tpu.memory_space<vmem>>, vector<1x8x128xi32>
      %get3A_1795 = vector.shape_cast %get3A_1794 : vector<1x8x128xi32> to vector<8x128xi32>
      %lt3A_1796 = arith.cmpf olt, %select_n3A_1737, %get3A_1790 : vector<8x128xf32>
      %select_n3A_1797 = arith.select %lt3A_1796, %select_n3A_1737, %get3A_1790 : vector<8x128xi1>, vector<8x128xf32>
      %select_n3A_1798 = arith.select %lt3A_1796, %select_n3A_1738, %get3A_1795 : vector<8x128xi1>, vector<8x128xi32>
      %select_n3A_1799 = arith.select %lt3A_1796, %get3A_1790, %select_n3A_1737 : vector<8x128xi1>, vector<8x128xf32>
      %select_n3A_1800 = arith.select %lt3A_1796, %get3A_1795, %select_n3A_1738 : vector<8x128xi1>, vector<8x128xi32>
      %lt3A_1801 = arith.cmpf olt, %select_n3A_1742, %select_n3A_1797 : vector<8x128xf32>
      %select_n3A_1802 = arith.select %lt3A_1801, %select_n3A_1742, %select_n3A_1797 : vector<8x128xi1>, vector<8x128xf32>
      %select_n3A_1803 = arith.select %lt3A_1801, %select_n3A_1743, %select_n3A_1798 : vector<8x128xi1>, vector<8x128xi32>
      %select_n3A_1804 = arith.select %lt3A_1801, %select_n3A_1797, %select_n3A_1742 : vector<8x128xi1>, vector<8x128xf32>
      %select_n3A_1805 = arith.select %lt3A_1801, %select_n3A_1798, %select_n3A_1743 : vector<8x128xi1>, vector<8x128xi32>
      %lt3A_1806 = arith.cmpf olt, %select_n3A_1747, %select_n3A_1802 : vector<8x128xf32>
      %select_n3A_1807 = arith.select %lt3A_1806, %select_n3A_1747, %select_n3A_1802 : vector<8x128xi1>, vector<8x128xf32>
      %select_n3A_1808 = arith.select %lt3A_1806, %select_n3A_1748, %select_n3A_1803 : vector<8x128xi1>, vector<8x128xi32>
      %select_n3A_1809 = arith.select %lt3A_1806, %select_n3A_1802, %select_n3A_1747 : vector<8x128xi1>, vector<8x128xf32>
      %select_n3A_1810 = arith.select %lt3A_1806, %select_n3A_1803, %select_n3A_1748 : vector<8x128xi1>, vector<8x128xi32>
      %lt3A_1811 = arith.cmpf olt, %select_n3A_1752, %select_n3A_1807 : vector<8x128xf32>
      %select_n3A_1812 = arith.select %lt3A_1811, %select_n3A_1752, %select_n3A_1807 : vector<8x128xi1>, vector<8x128xf32>
      %select_n3A_1813 = arith.select %lt3A_1811, %select_n3A_1753, %select_n3A_1808 : vector<8x128xi1>, vector<8x128xi32>
      %select_n3A_1814 = arith.select %lt3A_1811, %select_n3A_1807, %select_n3A_1752 : vector<8x128xi1>, vector<8x128xf32>
      %select_n3A_1815 = arith.select %lt3A_1811, %select_n3A_1808, %select_n3A_1753 : vector<8x128xi1>, vector<8x128xi32>
      %lt3A_1816 = arith.cmpf olt, %select_n3A_1757, %select_n3A_1812 : vector<8x128xf32>
      %select_n3A_1817 = arith.select %lt3A_1816, %select_n3A_1757, %select_n3A_1812 : vector<8x128xi1>, vector<8x128xf32>
      %select_n3A_1818 = arith.select %lt3A_1816, %select_n3A_1758, %select_n3A_1813 : vector<8x128xi1>, vector<8x128xi32>
      %select_n3A_1819 = arith.select %lt3A_1816, %select_n3A_1812, %select_n3A_1757 : vector<8x128xi1>, vector<8x128xf32>
      %select_n3A_1820 = arith.select %lt3A_1816, %select_n3A_1813, %select_n3A_1758 : vector<8x128xi1>, vector<8x128xi32>
      %lt3A_1821 = arith.cmpf olt, %select_n3A_1762, %select_n3A_1817 : vector<8x128xf32>
      %select_n3A_1822 = arith.select %lt3A_1821, %select_n3A_1762, %select_n3A_1817 : vector<8x128xi1>, vector<8x128xf32>
      %select_n3A_1823 = arith.select %lt3A_1821, %select_n3A_1763, %select_n3A_1818 : vector<8x128xi1>, vector<8x128xi32>
      %select_n3A_1824 = arith.select %lt3A_1821, %select_n3A_1817, %select_n3A_1762 : vector<8x128xi1>, vector<8x128xf32>
      %select_n3A_1825 = arith.select %lt3A_1821, %select_n3A_1818, %select_n3A_1763 : vector<8x128xi1>, vector<8x128xi32>
      %lt3A_1826 = arith.cmpf olt, %select_n3A_1767, %select_n3A_1822 : vector<8x128xf32>
      %select_n3A_1827 = arith.select %lt3A_1826, %select_n3A_1767, %select_n3A_1822 : vector<8x128xi1>, vector<8x128xf32>
      %select_n3A_1828 = arith.select %lt3A_1826, %select_n3A_1768, %select_n3A_1823 : vector<8x128xi1>, vector<8x128xi32>
      %select_n3A_1829 = arith.select %lt3A_1826, %select_n3A_1822, %select_n3A_1767 : vector<8x128xi1>, vector<8x128xf32>
      %select_n3A_1830 = arith.select %lt3A_1826, %select_n3A_1823, %select_n3A_1768 : vector<8x128xi1>, vector<8x128xi32>
      %lt3A_1831 = arith.cmpf olt, %select_n3A_1772, %select_n3A_1827 : vector<8x128xf32>
      %select_n3A_1832 = arith.select %lt3A_1831, %select_n3A_1772, %select_n3A_1827 : vector<8x128xi1>, vector<8x128xf32>
      %select_n3A_1833 = arith.select %lt3A_1831, %select_n3A_1773, %select_n3A_1828 : vector<8x128xi1>, vector<8x128xi32>
      %select_n3A_1834 = arith.select %lt3A_1831, %select_n3A_1827, %select_n3A_1772 : vector<8x128xi1>, vector<8x128xf32>
      %select_n3A_1835 = arith.select %lt3A_1831, %select_n3A_1828, %select_n3A_1773 : vector<8x128xi1>, vector<8x128xi32>
      %swap3A_1836 = arith.constant 24 : index
      %swap3A_1837 = arith.constant 0 : index
      %swap3A_1838 = arith.constant 0 : index
      %swap3A_1839 = vector.load %arg9[%swap3A_1836, %swap3A_1837, %swap3A_1838] : memref<32x8x128xf32, #tpu.memory_space<vmem>>, vector<1x8x128xf32>
      %swap3A_1840 = vector.shape_cast %swap3A_1839 : vector<1x8x128xf32> to vector<8x128xf32>
      %swap3A_1841 = vector.shape_cast %select_n3A_1832 : vector<8x128xf32> to vector<1x8x128xf32>
      tpu.vector_store %arg9[%swap3A_1836, %swap3A_1837, %swap3A_1838], %swap3A_1841 {strides = array<i32>} : memref<32x8x128xf32, #tpu.memory_space<vmem>>, vector<1x8x128xf32>,
      %swap3A_1842 = arith.constant 24 : index
      %swap3A_1843 = arith.constant 0 : index
      %swap3A_1844 = arith.constant 0 : index
      %swap3A_1845 = vector.load %arg10[%swap3A_1842, %swap3A_1843, %swap3A_1844] : memref<32x8x128xi32, #tpu.memory_space<vmem>>, vector<1x8x128xi32>
      %swap3A_1846 = vector.shape_cast %swap3A_1845 : vector<1x8x128xi32> to vector<8x128xi32>
      %swap3A_1847 = vector.shape_cast %select_n3A_1833 : vector<8x128xi32> to vector<1x8x128xi32>
      tpu.vector_store %arg10[%swap3A_1842, %swap3A_1843, %swap3A_1844], %swap3A_1847 {strides = array<i32>} : memref<32x8x128xi32, #tpu.memory_space<vmem>>, vector<1x8x128xi32>,
      %get3A_1848 = arith.constant 25 : index
      %get3A_1849 = arith.constant 0 : index
      %get3A_1850 = arith.constant 0 : index
      %get3A_1851 = vector.load %arg9[%get3A_1848, %get3A_1849, %get3A_1850] : memref<32x8x128xf32, #tpu.memory_space<vmem>>, vector<1x8x128xf32>
      %get3A_1852 = vector.shape_cast %get3A_1851 : vector<1x8x128xf32> to vector<8x128xf32>
      %get3A_1853 = arith.constant 25 : index
      %get3A_1854 = arith.constant 0 : index
      %get3A_1855 = arith.constant 0 : index
      %get3A_1856 = vector.load %arg10[%get3A_1853, %get3A_1854, %get3A_1855] : memref<32x8x128xi32, #tpu.memory_space<vmem>>, vector<1x8x128xi32>
      %get3A_1857 = vector.shape_cast %get3A_1856 : vector<1x8x128xi32> to vector<8x128xi32>
      %lt3A_1858 = arith.cmpf olt, %select_n3A_1799, %get3A_1852 : vector<8x128xf32>
      %select_n3A_1859 = arith.select %lt3A_1858, %select_n3A_1799, %get3A_1852 : vector<8x128xi1>, vector<8x128xf32>
      %select_n3A_1860 = arith.select %lt3A_1858, %select_n3A_1800, %get3A_1857 : vector<8x128xi1>, vector<8x128xi32>
      %select_n3A_1861 = arith.select %lt3A_1858, %get3A_1852, %select_n3A_1799 : vector<8x128xi1>, vector<8x128xf32>
      %select_n3A_1862 = arith.select %lt3A_1858, %get3A_1857, %select_n3A_1800 : vector<8x128xi1>, vector<8x128xi32>
      %lt3A_1863 = arith.cmpf olt, %select_n3A_1804, %select_n3A_1859 : vector<8x128xf32>
      %select_n3A_1864 = arith.select %lt3A_1863, %select_n3A_1804, %select_n3A_1859 : vector<8x128xi1>, vector<8x128xf32>
      %select_n3A_1865 = arith.select %lt3A_1863, %select_n3A_1805, %select_n3A_1860 : vector<8x128xi1>, vector<8x128xi32>
      %select_n3A_1866 = arith.select %lt3A_1863, %select_n3A_1859, %select_n3A_1804 : vector<8x128xi1>, vector<8x128xf32>
      %select_n3A_1867 = arith.select %lt3A_1863, %select_n3A_1860, %select_n3A_1805 : vector<8x128xi1>, vector<8x128xi32>
      %lt3A_1868 = arith.cmpf olt, %select_n3A_1809, %select_n3A_1864 : vector<8x128xf32>
      %select_n3A_1869 = arith.select %lt3A_1868, %select_n3A_1809, %select_n3A_1864 : vector<8x128xi1>, vector<8x128xf32>
      %select_n3A_1870 = arith.select %lt3A_1868, %select_n3A_1810, %select_n3A_1865 : vector<8x128xi1>, vector<8x128xi32>
      %select_n3A_1871 = arith.select %lt3A_1868, %select_n3A_1864, %select_n3A_1809 : vector<8x128xi1>, vector<8x128xf32>
      %select_n3A_1872 = arith.select %lt3A_1868, %select_n3A_1865, %select_n3A_1810 : vector<8x128xi1>, vector<8x128xi32>
      %lt3A_1873 = arith.cmpf olt, %select_n3A_1814, %select_n3A_1869 : vector<8x128xf32>
      %select_n3A_1874 = arith.select %lt3A_1873, %select_n3A_1814, %select_n3A_1869 : vector<8x128xi1>, vector<8x128xf32>
      %select_n3A_1875 = arith.select %lt3A_1873, %select_n3A_1815, %select_n3A_1870 : vector<8x128xi1>, vector<8x128xi32>
      %select_n3A_1876 = arith.select %lt3A_1873, %select_n3A_1869, %select_n3A_1814 : vector<8x128xi1>, vector<8x128xf32>
      %select_n3A_1877 = arith.select %lt3A_1873, %select_n3A_1870, %select_n3A_1815 : vector<8x128xi1>, vector<8x128xi32>
      %lt3A_1878 = arith.cmpf olt, %select_n3A_1819, %select_n3A_1874 : vector<8x128xf32>
      %select_n3A_1879 = arith.select %lt3A_1878, %select_n3A_1819, %select_n3A_1874 : vector<8x128xi1>, vector<8x128xf32>
      %select_n3A_1880 = arith.select %lt3A_1878, %select_n3A_1820, %select_n3A_1875 : vector<8x128xi1>, vector<8x128xi32>
      %select_n3A_1881 = arith.select %lt3A_1878, %select_n3A_1874, %select_n3A_1819 : vector<8x128xi1>, vector<8x128xf32>
      %select_n3A_1882 = arith.select %lt3A_1878, %select_n3A_1875, %select_n3A_1820 : vector<8x128xi1>, vector<8x128xi32>
      %lt3A_1883 = arith.cmpf olt, %select_n3A_1824, %select_n3A_1879 : vector<8x128xf32>
      %select_n3A_1884 = arith.select %lt3A_1883, %select_n3A_1824, %select_n3A_1879 : vector<8x128xi1>, vector<8x128xf32>
      %select_n3A_1885 = arith.select %lt3A_1883, %select_n3A_1825, %select_n3A_1880 : vector<8x128xi1>, vector<8x128xi32>
      %select_n3A_1886 = arith.select %lt3A_1883, %select_n3A_1879, %select_n3A_1824 : vector<8x128xi1>, vector<8x128xf32>
      %select_n3A_1887 = arith.select %lt3A_1883, %select_n3A_1880, %select_n3A_1825 : vector<8x128xi1>, vector<8x128xi32>
      %lt3A_1888 = arith.cmpf olt, %select_n3A_1829, %select_n3A_1884 : vector<8x128xf32>
      %select_n3A_1889 = arith.select %lt3A_1888, %select_n3A_1829, %select_n3A_1884 : vector<8x128xi1>, vector<8x128xf32>
      %select_n3A_1890 = arith.select %lt3A_1888, %select_n3A_1830, %select_n3A_1885 : vector<8x128xi1>, vector<8x128xi32>
      %select_n3A_1891 = arith.select %lt3A_1888, %select_n3A_1884, %select_n3A_1829 : vector<8x128xi1>, vector<8x128xf32>
      %select_n3A_1892 = arith.select %lt3A_1888, %select_n3A_1885, %select_n3A_1830 : vector<8x128xi1>, vector<8x128xi32>
      %lt3A_1893 = arith.cmpf olt, %select_n3A_1834, %select_n3A_1889 : vector<8x128xf32>
      %select_n3A_1894 = arith.select %lt3A_1893, %select_n3A_1834, %select_n3A_1889 : vector<8x128xi1>, vector<8x128xf32>
      %select_n3A_1895 = arith.select %lt3A_1893, %select_n3A_1835, %select_n3A_1890 : vector<8x128xi1>, vector<8x128xi32>
      %select_n3A_1896 = arith.select %lt3A_1893, %select_n3A_1889, %select_n3A_1834 : vector<8x128xi1>, vector<8x128xf32>
      %select_n3A_1897 = arith.select %lt3A_1893, %select_n3A_1890, %select_n3A_1835 : vector<8x128xi1>, vector<8x128xi32>
      %swap3A_1898 = arith.constant 25 : index
      %swap3A_1899 = arith.constant 0 : index
      %swap3A_1900 = arith.constant 0 : index
      %swap3A_1901 = vector.load %arg9[%swap3A_1898, %swap3A_1899, %swap3A_1900] : memref<32x8x128xf32, #tpu.memory_space<vmem>>, vector<1x8x128xf32>
      %swap3A_1902 = vector.shape_cast %swap3A_1901 : vector<1x8x128xf32> to vector<8x128xf32>
      %swap3A_1903 = vector.shape_cast %select_n3A_1894 : vector<8x128xf32> to vector<1x8x128xf32>
      tpu.vector_store %arg9[%swap3A_1898, %swap3A_1899, %swap3A_1900], %swap3A_1903 {strides = array<i32>} : memref<32x8x128xf32, #tpu.memory_space<vmem>>, vector<1x8x128xf32>,
      %swap3A_1904 = arith.constant 25 : index
      %swap3A_1905 = arith.constant 0 : index
      %swap3A_1906 = arith.constant 0 : index
      %swap3A_1907 = vector.load %arg10[%swap3A_1904, %swap3A_1905, %swap3A_1906] : memref<32x8x128xi32, #tpu.memory_space<vmem>>, vector<1x8x128xi32>
      %swap3A_1908 = vector.shape_cast %swap3A_1907 : vector<1x8x128xi32> to vector<8x128xi32>
      %swap3A_1909 = vector.shape_cast %select_n3A_1895 : vector<8x128xi32> to vector<1x8x128xi32>
      tpu.vector_store %arg10[%swap3A_1904, %swap3A_1905, %swap3A_1906], %swap3A_1909 {strides = array<i32>} : memref<32x8x128xi32, #tpu.memory_space<vmem>>, vector<1x8x128xi32>,
      %get3A_1910 = arith.constant 26 : index
      %get3A_1911 = arith.constant 0 : index
      %get3A_1912 = arith.constant 0 : index
      %get3A_1913 = vector.load %arg9[%get3A_1910, %get3A_1911, %get3A_1912] : memref<32x8x128xf32, #tpu.memory_space<vmem>>, vector<1x8x128xf32>
      %get3A_1914 = vector.shape_cast %get3A_1913 : vector<1x8x128xf32> to vector<8x128xf32>
      %get3A_1915 = arith.constant 26 : index
      %get3A_1916 = arith.constant 0 : index
      %get3A_1917 = arith.constant 0 : index
      %get3A_1918 = vector.load %arg10[%get3A_1915, %get3A_1916, %get3A_1917] : memref<32x8x128xi32, #tpu.memory_space<vmem>>, vector<1x8x128xi32>
      %get3A_1919 = vector.shape_cast %get3A_1918 : vector<1x8x128xi32> to vector<8x128xi32>
      %lt3A_1920 = arith.cmpf olt, %select_n3A_1861, %get3A_1914 : vector<8x128xf32>
      %select_n3A_1921 = arith.select %lt3A_1920, %select_n3A_1861, %get3A_1914 : vector<8x128xi1>, vector<8x128xf32>
      %select_n3A_1922 = arith.select %lt3A_1920, %select_n3A_1862, %get3A_1919 : vector<8x128xi1>, vector<8x128xi32>
      %select_n3A_1923 = arith.select %lt3A_1920, %get3A_1914, %select_n3A_1861 : vector<8x128xi1>, vector<8x128xf32>
      %select_n3A_1924 = arith.select %lt3A_1920, %get3A_1919, %select_n3A_1862 : vector<8x128xi1>, vector<8x128xi32>
      %lt3A_1925 = arith.cmpf olt, %select_n3A_1866, %select_n3A_1921 : vector<8x128xf32>
      %select_n3A_1926 = arith.select %lt3A_1925, %select_n3A_1866, %select_n3A_1921 : vector<8x128xi1>, vector<8x128xf32>
      %select_n3A_1927 = arith.select %lt3A_1925, %select_n3A_1867, %select_n3A_1922 : vector<8x128xi1>, vector<8x128xi32>
      %select_n3A_1928 = arith.select %lt3A_1925, %select_n3A_1921, %select_n3A_1866 : vector<8x128xi1>, vector<8x128xf32>
      %select_n3A_1929 = arith.select %lt3A_1925, %select_n3A_1922, %select_n3A_1867 : vector<8x128xi1>, vector<8x128xi32>
      %lt3A_1930 = arith.cmpf olt, %select_n3A_1871, %select_n3A_1926 : vector<8x128xf32>
      %select_n3A_1931 = arith.select %lt3A_1930, %select_n3A_1871, %select_n3A_1926 : vector<8x128xi1>, vector<8x128xf32>
      %select_n3A_1932 = arith.select %lt3A_1930, %select_n3A_1872, %select_n3A_1927 : vector<8x128xi1>, vector<8x128xi32>
      %select_n3A_1933 = arith.select %lt3A_1930, %select_n3A_1926, %select_n3A_1871 : vector<8x128xi1>, vector<8x128xf32>
      %select_n3A_1934 = arith.select %lt3A_1930, %select_n3A_1927, %select_n3A_1872 : vector<8x128xi1>, vector<8x128xi32>
      %lt3A_1935 = arith.cmpf olt, %select_n3A_1876, %select_n3A_1931 : vector<8x128xf32>
      %select_n3A_1936 = arith.select %lt3A_1935, %select_n3A_1876, %select_n3A_1931 : vector<8x128xi1>, vector<8x128xf32>
      %select_n3A_1937 = arith.select %lt3A_1935, %select_n3A_1877, %select_n3A_1932 : vector<8x128xi1>, vector<8x128xi32>
      %select_n3A_1938 = arith.select %lt3A_1935, %select_n3A_1931, %select_n3A_1876 : vector<8x128xi1>, vector<8x128xf32>
      %select_n3A_1939 = arith.select %lt3A_1935, %select_n3A_1932, %select_n3A_1877 : vector<8x128xi1>, vector<8x128xi32>
      %lt3A_1940 = arith.cmpf olt, %select_n3A_1881, %select_n3A_1936 : vector<8x128xf32>
      %select_n3A_1941 = arith.select %lt3A_1940, %select_n3A_1881, %select_n3A_1936 : vector<8x128xi1>, vector<8x128xf32>
      %select_n3A_1942 = arith.select %lt3A_1940, %select_n3A_1882, %select_n3A_1937 : vector<8x128xi1>, vector<8x128xi32>
      %select_n3A_1943 = arith.select %lt3A_1940, %select_n3A_1936, %select_n3A_1881 : vector<8x128xi1>, vector<8x128xf32>
      %select_n3A_1944 = arith.select %lt3A_1940, %select_n3A_1937, %select_n3A_1882 : vector<8x128xi1>, vector<8x128xi32>
      %lt3A_1945 = arith.cmpf olt, %select_n3A_1886, %select_n3A_1941 : vector<8x128xf32>
      %select_n3A_1946 = arith.select %lt3A_1945, %select_n3A_1886, %select_n3A_1941 : vector<8x128xi1>, vector<8x128xf32>
      %select_n3A_1947 = arith.select %lt3A_1945, %select_n3A_1887, %select_n3A_1942 : vector<8x128xi1>, vector<8x128xi32>
      %select_n3A_1948 = arith.select %lt3A_1945, %select_n3A_1941, %select_n3A_1886 : vector<8x128xi1>, vector<8x128xf32>
      %select_n3A_1949 = arith.select %lt3A_1945, %select_n3A_1942, %select_n3A_1887 : vector<8x128xi1>, vector<8x128xi32>
      %lt3A_1950 = arith.cmpf olt, %select_n3A_1891, %select_n3A_1946 : vector<8x128xf32>
      %select_n3A_1951 = arith.select %lt3A_1950, %select_n3A_1891, %select_n3A_1946 : vector<8x128xi1>, vector<8x128xf32>
      %select_n3A_1952 = arith.select %lt3A_1950, %select_n3A_1892, %select_n3A_1947 : vector<8x128xi1>, vector<8x128xi32>
      %select_n3A_1953 = arith.select %lt3A_1950, %select_n3A_1946, %select_n3A_1891 : vector<8x128xi1>, vector<8x128xf32>
      %select_n3A_1954 = arith.select %lt3A_1950, %select_n3A_1947, %select_n3A_1892 : vector<8x128xi1>, vector<8x128xi32>
      %lt3A_1955 = arith.cmpf olt, %select_n3A_1896, %select_n3A_1951 : vector<8x128xf32>
      %select_n3A_1956 = arith.select %lt3A_1955, %select_n3A_1896, %select_n3A_1951 : vector<8x128xi1>, vector<8x128xf32>
      %select_n3A_1957 = arith.select %lt3A_1955, %select_n3A_1897, %select_n3A_1952 : vector<8x128xi1>, vector<8x128xi32>
      %select_n3A_1958 = arith.select %lt3A_1955, %select_n3A_1951, %select_n3A_1896 : vector<8x128xi1>, vector<8x128xf32>
      %select_n3A_1959 = arith.select %lt3A_1955, %select_n3A_1952, %select_n3A_1897 : vector<8x128xi1>, vector<8x128xi32>
      %swap3A_1960 = arith.constant 26 : index
      %swap3A_1961 = arith.constant 0 : index
      %swap3A_1962 = arith.constant 0 : index
      %swap3A_1963 = vector.load %arg9[%swap3A_1960, %swap3A_1961, %swap3A_1962] : memref<32x8x128xf32, #tpu.memory_space<vmem>>, vector<1x8x128xf32>
      %swap3A_1964 = vector.shape_cast %swap3A_1963 : vector<1x8x128xf32> to vector<8x128xf32>
      %swap3A_1965 = vector.shape_cast %select_n3A_1956 : vector<8x128xf32> to vector<1x8x128xf32>
      tpu.vector_store %arg9[%swap3A_1960, %swap3A_1961, %swap3A_1962], %swap3A_1965 {strides = array<i32>} : memref<32x8x128xf32, #tpu.memory_space<vmem>>, vector<1x8x128xf32>,
      %swap3A_1966 = arith.constant 26 : index
      %swap3A_1967 = arith.constant 0 : index
      %swap3A_1968 = arith.constant 0 : index
      %swap3A_1969 = vector.load %arg10[%swap3A_1966, %swap3A_1967, %swap3A_1968] : memref<32x8x128xi32, #tpu.memory_space<vmem>>, vector<1x8x128xi32>
      %swap3A_1970 = vector.shape_cast %swap3A_1969 : vector<1x8x128xi32> to vector<8x128xi32>
      %swap3A_1971 = vector.shape_cast %select_n3A_1957 : vector<8x128xi32> to vector<1x8x128xi32>
      tpu.vector_store %arg10[%swap3A_1966, %swap3A_1967, %swap3A_1968], %swap3A_1971 {strides = array<i32>} : memref<32x8x128xi32, #tpu.memory_space<vmem>>, vector<1x8x128xi32>,
      %get3A_1972 = arith.constant 27 : index
      %get3A_1973 = arith.constant 0 : index
      %get3A_1974 = arith.constant 0 : index
      %get3A_1975 = vector.load %arg9[%get3A_1972, %get3A_1973, %get3A_1974] : memref<32x8x128xf32, #tpu.memory_space<vmem>>, vector<1x8x128xf32>
      %get3A_1976 = vector.shape_cast %get3A_1975 : vector<1x8x128xf32> to vector<8x128xf32>
      %get3A_1977 = arith.constant 27 : index
      %get3A_1978 = arith.constant 0 : index
      %get3A_1979 = arith.constant 0 : index
      %get3A_1980 = vector.load %arg10[%get3A_1977, %get3A_1978, %get3A_1979] : memref<32x8x128xi32, #tpu.memory_space<vmem>>, vector<1x8x128xi32>
      %get3A_1981 = vector.shape_cast %get3A_1980 : vector<1x8x128xi32> to vector<8x128xi32>
      %lt3A_1982 = arith.cmpf olt, %select_n3A_1923, %get3A_1976 : vector<8x128xf32>
      %select_n3A_1983 = arith.select %lt3A_1982, %select_n3A_1923, %get3A_1976 : vector<8x128xi1>, vector<8x128xf32>
      %select_n3A_1984 = arith.select %lt3A_1982, %select_n3A_1924, %get3A_1981 : vector<8x128xi1>, vector<8x128xi32>
      %select_n3A_1985 = arith.select %lt3A_1982, %get3A_1976, %select_n3A_1923 : vector<8x128xi1>, vector<8x128xf32>
      %select_n3A_1986 = arith.select %lt3A_1982, %get3A_1981, %select_n3A_1924 : vector<8x128xi1>, vector<8x128xi32>
      %lt3A_1987 = arith.cmpf olt, %select_n3A_1928, %select_n3A_1983 : vector<8x128xf32>
      %select_n3A_1988 = arith.select %lt3A_1987, %select_n3A_1928, %select_n3A_1983 : vector<8x128xi1>, vector<8x128xf32>
      %select_n3A_1989 = arith.select %lt3A_1987, %select_n3A_1929, %select_n3A_1984 : vector<8x128xi1>, vector<8x128xi32>
      %select_n3A_1990 = arith.select %lt3A_1987, %select_n3A_1983, %select_n3A_1928 : vector<8x128xi1>, vector<8x128xf32>
      %select_n3A_1991 = arith.select %lt3A_1987, %select_n3A_1984, %select_n3A_1929 : vector<8x128xi1>, vector<8x128xi32>
      %lt3A_1992 = arith.cmpf olt, %select_n3A_1933, %select_n3A_1988 : vector<8x128xf32>
      %select_n3A_1993 = arith.select %lt3A_1992, %select_n3A_1933, %select_n3A_1988 : vector<8x128xi1>, vector<8x128xf32>
      %select_n3A_1994 = arith.select %lt3A_1992, %select_n3A_1934, %select_n3A_1989 : vector<8x128xi1>, vector<8x128xi32>
      %select_n3A_1995 = arith.select %lt3A_1992, %select_n3A_1988, %select_n3A_1933 : vector<8x128xi1>, vector<8x128xf32>
      %select_n3A_1996 = arith.select %lt3A_1992, %select_n3A_1989, %select_n3A_1934 : vector<8x128xi1>, vector<8x128xi32>
      %lt3A_1997 = arith.cmpf olt, %select_n3A_1938, %select_n3A_1993 : vector<8x128xf32>
      %select_n3A_1998 = arith.select %lt3A_1997, %select_n3A_1938, %select_n3A_1993 : vector<8x128xi1>, vector<8x128xf32>
      %select_n3A_1999 = arith.select %lt3A_1997, %select_n3A_1939, %select_n3A_1994 : vector<8x128xi1>, vector<8x128xi32>
      %select_n3A_2000 = arith.select %lt3A_1997, %select_n3A_1993, %select_n3A_1938 : vector<8x128xi1>, vector<8x128xf32>
      %select_n3A_2001 = arith.select %lt3A_1997, %select_n3A_1994, %select_n3A_1939 : vector<8x128xi1>, vector<8x128xi32>
      %lt3A_2002 = arith.cmpf olt, %select_n3A_1943, %select_n3A_1998 : vector<8x128xf32>
      %select_n3A_2003 = arith.select %lt3A_2002, %select_n3A_1943, %select_n3A_1998 : vector<8x128xi1>, vector<8x128xf32>
      %select_n3A_2004 = arith.select %lt3A_2002, %select_n3A_1944, %select_n3A_1999 : vector<8x128xi1>, vector<8x128xi32>
      %select_n3A_2005 = arith.select %lt3A_2002, %select_n3A_1998, %select_n3A_1943 : vector<8x128xi1>, vector<8x128xf32>
      %select_n3A_2006 = arith.select %lt3A_2002, %select_n3A_1999, %select_n3A_1944 : vector<8x128xi1>, vector<8x128xi32>
      %lt3A_2007 = arith.cmpf olt, %select_n3A_1948, %select_n3A_2003 : vector<8x128xf32>
      %select_n3A_2008 = arith.select %lt3A_2007, %select_n3A_1948, %select_n3A_2003 : vector<8x128xi1>, vector<8x128xf32>
      %select_n3A_2009 = arith.select %lt3A_2007, %select_n3A_1949, %select_n3A_2004 : vector<8x128xi1>, vector<8x128xi32>
      %select_n3A_2010 = arith.select %lt3A_2007, %select_n3A_2003, %select_n3A_1948 : vector<8x128xi1>, vector<8x128xf32>
      %select_n3A_2011 = arith.select %lt3A_2007, %select_n3A_2004, %select_n3A_1949 : vector<8x128xi1>, vector<8x128xi32>
      %lt3A_2012 = arith.cmpf olt, %select_n3A_1953, %select_n3A_2008 : vector<8x128xf32>
      %select_n3A_2013 = arith.select %lt3A_2012, %select_n3A_1953, %select_n3A_2008 : vector<8x128xi1>, vector<8x128xf32>
      %select_n3A_2014 = arith.select %lt3A_2012, %select_n3A_1954, %select_n3A_2009 : vector<8x128xi1>, vector<8x128xi32>
      %select_n3A_2015 = arith.select %lt3A_2012, %select_n3A_2008, %select_n3A_1953 : vector<8x128xi1>, vector<8x128xf32>
      %select_n3A_2016 = arith.select %lt3A_2012, %select_n3A_2009, %select_n3A_1954 : vector<8x128xi1>, vector<8x128xi32>
      %lt3A_2017 = arith.cmpf olt, %select_n3A_1958, %select_n3A_2013 : vector<8x128xf32>
      %select_n3A_2018 = arith.select %lt3A_2017, %select_n3A_1958, %select_n3A_2013 : vector<8x128xi1>, vector<8x128xf32>
      %select_n3A_2019 = arith.select %lt3A_2017, %select_n3A_1959, %select_n3A_2014 : vector<8x128xi1>, vector<8x128xi32>
      %select_n3A_2020 = arith.select %lt3A_2017, %select_n3A_2013, %select_n3A_1958 : vector<8x128xi1>, vector<8x128xf32>
      %select_n3A_2021 = arith.select %lt3A_2017, %select_n3A_2014, %select_n3A_1959 : vector<8x128xi1>, vector<8x128xi32>
      %swap3A_2022 = arith.constant 27 : index
      %swap3A_2023 = arith.constant 0 : index
      %swap3A_2024 = arith.constant 0 : index
      %swap3A_2025 = vector.load %arg9[%swap3A_2022, %swap3A_2023, %swap3A_2024] : memref<32x8x128xf32, #tpu.memory_space<vmem>>, vector<1x8x128xf32>
      %swap3A_2026 = vector.shape_cast %swap3A_2025 : vector<1x8x128xf32> to vector<8x128xf32>
      %swap3A_2027 = vector.shape_cast %select_n3A_2018 : vector<8x128xf32> to vector<1x8x128xf32>
      tpu.vector_store %arg9[%swap3A_2022, %swap3A_2023, %swap3A_2024], %swap3A_2027 {strides = array<i32>} : memref<32x8x128xf32, #tpu.memory_space<vmem>>, vector<1x8x128xf32>,
      %swap3A_2028 = arith.constant 27 : index
      %swap3A_2029 = arith.constant 0 : index
      %swap3A_2030 = arith.constant 0 : index
      %swap3A_2031 = vector.load %arg10[%swap3A_2028, %swap3A_2029, %swap3A_2030] : memref<32x8x128xi32, #tpu.memory_space<vmem>>, vector<1x8x128xi32>
      %swap3A_2032 = vector.shape_cast %swap3A_2031 : vector<1x8x128xi32> to vector<8x128xi32>
      %swap3A_2033 = vector.shape_cast %select_n3A_2019 : vector<8x128xi32> to vector<1x8x128xi32>
      tpu.vector_store %arg10[%swap3A_2028, %swap3A_2029, %swap3A_2030], %swap3A_2033 {strides = array<i32>} : memref<32x8x128xi32, #tpu.memory_space<vmem>>, vector<1x8x128xi32>,
      %get3A_2034 = arith.constant 28 : index
      %get3A_2035 = arith.constant 0 : index
      %get3A_2036 = arith.constant 0 : index
      %get3A_2037 = vector.load %arg9[%get3A_2034, %get3A_2035, %get3A_2036] : memref<32x8x128xf32, #tpu.memory_space<vmem>>, vector<1x8x128xf32>
      %get3A_2038 = vector.shape_cast %get3A_2037 : vector<1x8x128xf32> to vector<8x128xf32>
      %get3A_2039 = arith.constant 28 : index
      %get3A_2040 = arith.constant 0 : index
      %get3A_2041 = arith.constant 0 : index
      %get3A_2042 = vector.load %arg10[%get3A_2039, %get3A_2040, %get3A_2041] : memref<32x8x128xi32, #tpu.memory_space<vmem>>, vector<1x8x128xi32>
      %get3A_2043 = vector.shape_cast %get3A_2042 : vector<1x8x128xi32> to vector<8x128xi32>
      %lt3A_2044 = arith.cmpf olt, %select_n3A_1985, %get3A_2038 : vector<8x128xf32>
      %select_n3A_2045 = arith.select %lt3A_2044, %select_n3A_1985, %get3A_2038 : vector<8x128xi1>, vector<8x128xf32>
      %select_n3A_2046 = arith.select %lt3A_2044, %select_n3A_1986, %get3A_2043 : vector<8x128xi1>, vector<8x128xi32>
      %select_n3A_2047 = arith.select %lt3A_2044, %get3A_2038, %select_n3A_1985 : vector<8x128xi1>, vector<8x128xf32>
      %select_n3A_2048 = arith.select %lt3A_2044, %get3A_2043, %select_n3A_1986 : vector<8x128xi1>, vector<8x128xi32>
      %lt3A_2049 = arith.cmpf olt, %select_n3A_1990, %select_n3A_2045 : vector<8x128xf32>
      %select_n3A_2050 = arith.select %lt3A_2049, %select_n3A_1990, %select_n3A_2045 : vector<8x128xi1>, vector<8x128xf32>
      %select_n3A_2051 = arith.select %lt3A_2049, %select_n3A_1991, %select_n3A_2046 : vector<8x128xi1>, vector<8x128xi32>
      %select_n3A_2052 = arith.select %lt3A_2049, %select_n3A_2045, %select_n3A_1990 : vector<8x128xi1>, vector<8x128xf32>
      %select_n3A_2053 = arith.select %lt3A_2049, %select_n3A_2046, %select_n3A_1991 : vector<8x128xi1>, vector<8x128xi32>
      %lt3A_2054 = arith.cmpf olt, %select_n3A_1995, %select_n3A_2050 : vector<8x128xf32>
      %select_n3A_2055 = arith.select %lt3A_2054, %select_n3A_1995, %select_n3A_2050 : vector<8x128xi1>, vector<8x128xf32>
      %select_n3A_2056 = arith.select %lt3A_2054, %select_n3A_1996, %select_n3A_2051 : vector<8x128xi1>, vector<8x128xi32>
      %select_n3A_2057 = arith.select %lt3A_2054, %select_n3A_2050, %select_n3A_1995 : vector<8x128xi1>, vector<8x128xf32>
      %select_n3A_2058 = arith.select %lt3A_2054, %select_n3A_2051, %select_n3A_1996 : vector<8x128xi1>, vector<8x128xi32>
      %lt3A_2059 = arith.cmpf olt, %select_n3A_2000, %select_n3A_2055 : vector<8x128xf32>
      %select_n3A_2060 = arith.select %lt3A_2059, %select_n3A_2000, %select_n3A_2055 : vector<8x128xi1>, vector<8x128xf32>
      %select_n3A_2061 = arith.select %lt3A_2059, %select_n3A_2001, %select_n3A_2056 : vector<8x128xi1>, vector<8x128xi32>
      %select_n3A_2062 = arith.select %lt3A_2059, %select_n3A_2055, %select_n3A_2000 : vector<8x128xi1>, vector<8x128xf32>
      %select_n3A_2063 = arith.select %lt3A_2059, %select_n3A_2056, %select_n3A_2001 : vector<8x128xi1>, vector<8x128xi32>
      %lt3A_2064 = arith.cmpf olt, %select_n3A_2005, %select_n3A_2060 : vector<8x128xf32>
      %select_n3A_2065 = arith.select %lt3A_2064, %select_n3A_2005, %select_n3A_2060 : vector<8x128xi1>, vector<8x128xf32>
      %select_n3A_2066 = arith.select %lt3A_2064, %select_n3A_2006, %select_n3A_2061 : vector<8x128xi1>, vector<8x128xi32>
      %select_n3A_2067 = arith.select %lt3A_2064, %select_n3A_2060, %select_n3A_2005 : vector<8x128xi1>, vector<8x128xf32>
      %select_n3A_2068 = arith.select %lt3A_2064, %select_n3A_2061, %select_n3A_2006 : vector<8x128xi1>, vector<8x128xi32>
      %lt3A_2069 = arith.cmpf olt, %select_n3A_2010, %select_n3A_2065 : vector<8x128xf32>
      %select_n3A_2070 = arith.select %lt3A_2069, %select_n3A_2010, %select_n3A_2065 : vector<8x128xi1>, vector<8x128xf32>
      %select_n3A_2071 = arith.select %lt3A_2069, %select_n3A_2011, %select_n3A_2066 : vector<8x128xi1>, vector<8x128xi32>
      %select_n3A_2072 = arith.select %lt3A_2069, %select_n3A_2065, %select_n3A_2010 : vector<8x128xi1>, vector<8x128xf32>
      %select_n3A_2073 = arith.select %lt3A_2069, %select_n3A_2066, %select_n3A_2011 : vector<8x128xi1>, vector<8x128xi32>
      %lt3A_2074 = arith.cmpf olt, %select_n3A_2015, %select_n3A_2070 : vector<8x128xf32>
      %select_n3A_2075 = arith.select %lt3A_2074, %select_n3A_2015, %select_n3A_2070 : vector<8x128xi1>, vector<8x128xf32>
      %select_n3A_2076 = arith.select %lt3A_2074, %select_n3A_2016, %select_n3A_2071 : vector<8x128xi1>, vector<8x128xi32>
      %select_n3A_2077 = arith.select %lt3A_2074, %select_n3A_2070, %select_n3A_2015 : vector<8x128xi1>, vector<8x128xf32>
      %select_n3A_2078 = arith.select %lt3A_2074, %select_n3A_2071, %select_n3A_2016 : vector<8x128xi1>, vector<8x128xi32>
      %lt3A_2079 = arith.cmpf olt, %select_n3A_2020, %select_n3A_2075 : vector<8x128xf32>
      %select_n3A_2080 = arith.select %lt3A_2079, %select_n3A_2020, %select_n3A_2075 : vector<8x128xi1>, vector<8x128xf32>
      %select_n3A_2081 = arith.select %lt3A_2079, %select_n3A_2021, %select_n3A_2076 : vector<8x128xi1>, vector<8x128xi32>
      %select_n3A_2082 = arith.select %lt3A_2079, %select_n3A_2075, %select_n3A_2020 : vector<8x128xi1>, vector<8x128xf32>
      %select_n3A_2083 = arith.select %lt3A_2079, %select_n3A_2076, %select_n3A_2021 : vector<8x128xi1>, vector<8x128xi32>
      %swap3A_2084 = arith.constant 28 : index
      %swap3A_2085 = arith.constant 0 : index
      %swap3A_2086 = arith.constant 0 : index
      %swap3A_2087 = vector.load %arg9[%swap3A_2084, %swap3A_2085, %swap3A_2086] : memref<32x8x128xf32, #tpu.memory_space<vmem>>, vector<1x8x128xf32>
      %swap3A_2088 = vector.shape_cast %swap3A_2087 : vector<1x8x128xf32> to vector<8x128xf32>
      %swap3A_2089 = vector.shape_cast %select_n3A_2080 : vector<8x128xf32> to vector<1x8x128xf32>
      tpu.vector_store %arg9[%swap3A_2084, %swap3A_2085, %swap3A_2086], %swap3A_2089 {strides = array<i32>} : memref<32x8x128xf32, #tpu.memory_space<vmem>>, vector<1x8x128xf32>,
      %swap3A_2090 = arith.constant 28 : index
      %swap3A_2091 = arith.constant 0 : index
      %swap3A_2092 = arith.constant 0 : index
      %swap3A_2093 = vector.load %arg10[%swap3A_2090, %swap3A_2091, %swap3A_2092] : memref<32x8x128xi32, #tpu.memory_space<vmem>>, vector<1x8x128xi32>
      %swap3A_2094 = vector.shape_cast %swap3A_2093 : vector<1x8x128xi32> to vector<8x128xi32>
      %swap3A_2095 = vector.shape_cast %select_n3A_2081 : vector<8x128xi32> to vector<1x8x128xi32>
      tpu.vector_store %arg10[%swap3A_2090, %swap3A_2091, %swap3A_2092], %swap3A_2095 {strides = array<i32>} : memref<32x8x128xi32, #tpu.memory_space<vmem>>, vector<1x8x128xi32>,
      %get3A_2096 = arith.constant 29 : index
      %get3A_2097 = arith.constant 0 : index
      %get3A_2098 = arith.constant 0 : index
      %get3A_2099 = vector.load %arg9[%get3A_2096, %get3A_2097, %get3A_2098] : memref<32x8x128xf32, #tpu.memory_space<vmem>>, vector<1x8x128xf32>
      %get3A_2100 = vector.shape_cast %get3A_2099 : vector<1x8x128xf32> to vector<8x128xf32>
      %get3A_2101 = arith.constant 29 : index
      %get3A_2102 = arith.constant 0 : index
      %get3A_2103 = arith.constant 0 : index
      %get3A_2104 = vector.load %arg10[%get3A_2101, %get3A_2102, %get3A_2103] : memref<32x8x128xi32, #tpu.memory_space<vmem>>, vector<1x8x128xi32>
      %get3A_2105 = vector.shape_cast %get3A_2104 : vector<1x8x128xi32> to vector<8x128xi32>
      %lt3A_2106 = arith.cmpf olt, %select_n3A_2047, %get3A_2100 : vector<8x128xf32>
      %select_n3A_2107 = arith.select %lt3A_2106, %select_n3A_2047, %get3A_2100 : vector<8x128xi1>, vector<8x128xf32>
      %select_n3A_2108 = arith.select %lt3A_2106, %select_n3A_2048, %get3A_2105 : vector<8x128xi1>, vector<8x128xi32>
      %select_n3A_2109 = arith.select %lt3A_2106, %get3A_2100, %select_n3A_2047 : vector<8x128xi1>, vector<8x128xf32>
      %select_n3A_2110 = arith.select %lt3A_2106, %get3A_2105, %select_n3A_2048 : vector<8x128xi1>, vector<8x128xi32>
      %lt3A_2111 = arith.cmpf olt, %select_n3A_2052, %select_n3A_2107 : vector<8x128xf32>
      %select_n3A_2112 = arith.select %lt3A_2111, %select_n3A_2052, %select_n3A_2107 : vector<8x128xi1>, vector<8x128xf32>
      %select_n3A_2113 = arith.select %lt3A_2111, %select_n3A_2053, %select_n3A_2108 : vector<8x128xi1>, vector<8x128xi32>
      %select_n3A_2114 = arith.select %lt3A_2111, %select_n3A_2107, %select_n3A_2052 : vector<8x128xi1>, vector<8x128xf32>
      %select_n3A_2115 = arith.select %lt3A_2111, %select_n3A_2108, %select_n3A_2053 : vector<8x128xi1>, vector<8x128xi32>
      %lt3A_2116 = arith.cmpf olt, %select_n3A_2057, %select_n3A_2112 : vector<8x128xf32>
      %select_n3A_2117 = arith.select %lt3A_2116, %select_n3A_2057, %select_n3A_2112 : vector<8x128xi1>, vector<8x128xf32>
      %select_n3A_2118 = arith.select %lt3A_2116, %select_n3A_2058, %select_n3A_2113 : vector<8x128xi1>, vector<8x128xi32>
      %select_n3A_2119 = arith.select %lt3A_2116, %select_n3A_2112, %select_n3A_2057 : vector<8x128xi1>, vector<8x128xf32>
      %select_n3A_2120 = arith.select %lt3A_2116, %select_n3A_2113, %select_n3A_2058 : vector<8x128xi1>, vector<8x128xi32>
      %lt3A_2121 = arith.cmpf olt, %select_n3A_2062, %select_n3A_2117 : vector<8x128xf32>
      %select_n3A_2122 = arith.select %lt3A_2121, %select_n3A_2062, %select_n3A_2117 : vector<8x128xi1>, vector<8x128xf32>
      %select_n3A_2123 = arith.select %lt3A_2121, %select_n3A_2063, %select_n3A_2118 : vector<8x128xi1>, vector<8x128xi32>
      %select_n3A_2124 = arith.select %lt3A_2121, %select_n3A_2117, %select_n3A_2062 : vector<8x128xi1>, vector<8x128xf32>
      %select_n3A_2125 = arith.select %lt3A_2121, %select_n3A_2118, %select_n3A_2063 : vector<8x128xi1>, vector<8x128xi32>
      %lt3A_2126 = arith.cmpf olt, %select_n3A_2067, %select_n3A_2122 : vector<8x128xf32>
      %select_n3A_2127 = arith.select %lt3A_2126, %select_n3A_2067, %select_n3A_2122 : vector<8x128xi1>, vector<8x128xf32>
      %select_n3A_2128 = arith.select %lt3A_2126, %select_n3A_2068, %select_n3A_2123 : vector<8x128xi1>, vector<8x128xi32>
      %select_n3A_2129 = arith.select %lt3A_2126, %select_n3A_2122, %select_n3A_2067 : vector<8x128xi1>, vector<8x128xf32>
      %select_n3A_2130 = arith.select %lt3A_2126, %select_n3A_2123, %select_n3A_2068 : vector<8x128xi1>, vector<8x128xi32>
      %lt3A_2131 = arith.cmpf olt, %select_n3A_2072, %select_n3A_2127 : vector<8x128xf32>
      %select_n3A_2132 = arith.select %lt3A_2131, %select_n3A_2072, %select_n3A_2127 : vector<8x128xi1>, vector<8x128xf32>
      %select_n3A_2133 = arith.select %lt3A_2131, %select_n3A_2073, %select_n3A_2128 : vector<8x128xi1>, vector<8x128xi32>
      %select_n3A_2134 = arith.select %lt3A_2131, %select_n3A_2127, %select_n3A_2072 : vector<8x128xi1>, vector<8x128xf32>
      %select_n3A_2135 = arith.select %lt3A_2131, %select_n3A_2128, %select_n3A_2073 : vector<8x128xi1>, vector<8x128xi32>
      %lt3A_2136 = arith.cmpf olt, %select_n3A_2077, %select_n3A_2132 : vector<8x128xf32>
      %select_n3A_2137 = arith.select %lt3A_2136, %select_n3A_2077, %select_n3A_2132 : vector<8x128xi1>, vector<8x128xf32>
      %select_n3A_2138 = arith.select %lt3A_2136, %select_n3A_2078, %select_n3A_2133 : vector<8x128xi1>, vector<8x128xi32>
      %select_n3A_2139 = arith.select %lt3A_2136, %select_n3A_2132, %select_n3A_2077 : vector<8x128xi1>, vector<8x128xf32>
      %select_n3A_2140 = arith.select %lt3A_2136, %select_n3A_2133, %select_n3A_2078 : vector<8x128xi1>, vector<8x128xi32>
      %lt3A_2141 = arith.cmpf olt, %select_n3A_2082, %select_n3A_2137 : vector<8x128xf32>
      %select_n3A_2142 = arith.select %lt3A_2141, %select_n3A_2082, %select_n3A_2137 : vector<8x128xi1>, vector<8x128xf32>
      %select_n3A_2143 = arith.select %lt3A_2141, %select_n3A_2083, %select_n3A_2138 : vector<8x128xi1>, vector<8x128xi32>
      %select_n3A_2144 = arith.select %lt3A_2141, %select_n3A_2137, %select_n3A_2082 : vector<8x128xi1>, vector<8x128xf32>
      %select_n3A_2145 = arith.select %lt3A_2141, %select_n3A_2138, %select_n3A_2083 : vector<8x128xi1>, vector<8x128xi32>
      %swap3A_2146 = arith.constant 29 : index
      %swap3A_2147 = arith.constant 0 : index
      %swap3A_2148 = arith.constant 0 : index
      %swap3A_2149 = vector.load %arg9[%swap3A_2146, %swap3A_2147, %swap3A_2148] : memref<32x8x128xf32, #tpu.memory_space<vmem>>, vector<1x8x128xf32>
      %swap3A_2150 = vector.shape_cast %swap3A_2149 : vector<1x8x128xf32> to vector<8x128xf32>
      %swap3A_2151 = vector.shape_cast %select_n3A_2142 : vector<8x128xf32> to vector<1x8x128xf32>
      tpu.vector_store %arg9[%swap3A_2146, %swap3A_2147, %swap3A_2148], %swap3A_2151 {strides = array<i32>} : memref<32x8x128xf32, #tpu.memory_space<vmem>>, vector<1x8x128xf32>,
      %swap3A_2152 = arith.constant 29 : index
      %swap3A_2153 = arith.constant 0 : index
      %swap3A_2154 = arith.constant 0 : index
      %swap3A_2155 = vector.load %arg10[%swap3A_2152, %swap3A_2153, %swap3A_2154] : memref<32x8x128xi32, #tpu.memory_space<vmem>>, vector<1x8x128xi32>
      %swap3A_2156 = vector.shape_cast %swap3A_2155 : vector<1x8x128xi32> to vector<8x128xi32>
      %swap3A_2157 = vector.shape_cast %select_n3A_2143 : vector<8x128xi32> to vector<1x8x128xi32>
      tpu.vector_store %arg10[%swap3A_2152, %swap3A_2153, %swap3A_2154], %swap3A_2157 {strides = array<i32>} : memref<32x8x128xi32, #tpu.memory_space<vmem>>, vector<1x8x128xi32>,
      %get3A_2158 = arith.constant 30 : index
      %get3A_2159 = arith.constant 0 : index
      %get3A_2160 = arith.constant 0 : index
      %get3A_2161 = vector.load %arg9[%get3A_2158, %get3A_2159, %get3A_2160] : memref<32x8x128xf32, #tpu.memory_space<vmem>>, vector<1x8x128xf32>
      %get3A_2162 = vector.shape_cast %get3A_2161 : vector<1x8x128xf32> to vector<8x128xf32>
      %get3A_2163 = arith.constant 30 : index
      %get3A_2164 = arith.constant 0 : index
      %get3A_2165 = arith.constant 0 : index
      %get3A_2166 = vector.load %arg10[%get3A_2163, %get3A_2164, %get3A_2165] : memref<32x8x128xi32, #tpu.memory_space<vmem>>, vector<1x8x128xi32>
      %get3A_2167 = vector.shape_cast %get3A_2166 : vector<1x8x128xi32> to vector<8x128xi32>
      %lt3A_2168 = arith.cmpf olt, %select_n3A_2109, %get3A_2162 : vector<8x128xf32>
      %select_n3A_2169 = arith.select %lt3A_2168, %select_n3A_2109, %get3A_2162 : vector<8x128xi1>, vector<8x128xf32>
      %select_n3A_2170 = arith.select %lt3A_2168, %select_n3A_2110, %get3A_2167 : vector<8x128xi1>, vector<8x128xi32>
      %select_n3A_2171 = arith.select %lt3A_2168, %get3A_2162, %select_n3A_2109 : vector<8x128xi1>, vector<8x128xf32>
      %select_n3A_2172 = arith.select %lt3A_2168, %get3A_2167, %select_n3A_2110 : vector<8x128xi1>, vector<8x128xi32>
      %lt3A_2173 = arith.cmpf olt, %select_n3A_2114, %select_n3A_2169 : vector<8x128xf32>
      %select_n3A_2174 = arith.select %lt3A_2173, %select_n3A_2114, %select_n3A_2169 : vector<8x128xi1>, vector<8x128xf32>
      %select_n3A_2175 = arith.select %lt3A_2173, %select_n3A_2115, %select_n3A_2170 : vector<8x128xi1>, vector<8x128xi32>
      %select_n3A_2176 = arith.select %lt3A_2173, %select_n3A_2169, %select_n3A_2114 : vector<8x128xi1>, vector<8x128xf32>
      %select_n3A_2177 = arith.select %lt3A_2173, %select_n3A_2170, %select_n3A_2115 : vector<8x128xi1>, vector<8x128xi32>
      %lt3A_2178 = arith.cmpf olt, %select_n3A_2119, %select_n3A_2174 : vector<8x128xf32>
      %select_n3A_2179 = arith.select %lt3A_2178, %select_n3A_2119, %select_n3A_2174 : vector<8x128xi1>, vector<8x128xf32>
      %select_n3A_2180 = arith.select %lt3A_2178, %select_n3A_2120, %select_n3A_2175 : vector<8x128xi1>, vector<8x128xi32>
      %select_n3A_2181 = arith.select %lt3A_2178, %select_n3A_2174, %select_n3A_2119 : vector<8x128xi1>, vector<8x128xf32>
      %select_n3A_2182 = arith.select %lt3A_2178, %select_n3A_2175, %select_n3A_2120 : vector<8x128xi1>, vector<8x128xi32>
      %lt3A_2183 = arith.cmpf olt, %select_n3A_2124, %select_n3A_2179 : vector<8x128xf32>
      %select_n3A_2184 = arith.select %lt3A_2183, %select_n3A_2124, %select_n3A_2179 : vector<8x128xi1>, vector<8x128xf32>
      %select_n3A_2185 = arith.select %lt3A_2183, %select_n3A_2125, %select_n3A_2180 : vector<8x128xi1>, vector<8x128xi32>
      %select_n3A_2186 = arith.select %lt3A_2183, %select_n3A_2179, %select_n3A_2124 : vector<8x128xi1>, vector<8x128xf32>
      %select_n3A_2187 = arith.select %lt3A_2183, %select_n3A_2180, %select_n3A_2125 : vector<8x128xi1>, vector<8x128xi32>
      %lt3A_2188 = arith.cmpf olt, %select_n3A_2129, %select_n3A_2184 : vector<8x128xf32>
      %select_n3A_2189 = arith.select %lt3A_2188, %select_n3A_2129, %select_n3A_2184 : vector<8x128xi1>, vector<8x128xf32>
      %select_n3A_2190 = arith.select %lt3A_2188, %select_n3A_2130, %select_n3A_2185 : vector<8x128xi1>, vector<8x128xi32>
      %select_n3A_2191 = arith.select %lt3A_2188, %select_n3A_2184, %select_n3A_2129 : vector<8x128xi1>, vector<8x128xf32>
      %select_n3A_2192 = arith.select %lt3A_2188, %select_n3A_2185, %select_n3A_2130 : vector<8x128xi1>, vector<8x128xi32>
      %lt3A_2193 = arith.cmpf olt, %select_n3A_2134, %select_n3A_2189 : vector<8x128xf32>
      %select_n3A_2194 = arith.select %lt3A_2193, %select_n3A_2134, %select_n3A_2189 : vector<8x128xi1>, vector<8x128xf32>
      %select_n3A_2195 = arith.select %lt3A_2193, %select_n3A_2135, %select_n3A_2190 : vector<8x128xi1>, vector<8x128xi32>
      %select_n3A_2196 = arith.select %lt3A_2193, %select_n3A_2189, %select_n3A_2134 : vector<8x128xi1>, vector<8x128xf32>
      %select_n3A_2197 = arith.select %lt3A_2193, %select_n3A_2190, %select_n3A_2135 : vector<8x128xi1>, vector<8x128xi32>
      %lt3A_2198 = arith.cmpf olt, %select_n3A_2139, %select_n3A_2194 : vector<8x128xf32>
      %select_n3A_2199 = arith.select %lt3A_2198, %select_n3A_2139, %select_n3A_2194 : vector<8x128xi1>, vector<8x128xf32>
      %select_n3A_2200 = arith.select %lt3A_2198, %select_n3A_2140, %select_n3A_2195 : vector<8x128xi1>, vector<8x128xi32>
      %select_n3A_2201 = arith.select %lt3A_2198, %select_n3A_2194, %select_n3A_2139 : vector<8x128xi1>, vector<8x128xf32>
      %select_n3A_2202 = arith.select %lt3A_2198, %select_n3A_2195, %select_n3A_2140 : vector<8x128xi1>, vector<8x128xi32>
      %lt3A_2203 = arith.cmpf olt, %select_n3A_2144, %select_n3A_2199 : vector<8x128xf32>
      %select_n3A_2204 = arith.select %lt3A_2203, %select_n3A_2144, %select_n3A_2199 : vector<8x128xi1>, vector<8x128xf32>
      %select_n3A_2205 = arith.select %lt3A_2203, %select_n3A_2145, %select_n3A_2200 : vector<8x128xi1>, vector<8x128xi32>
      %select_n3A_2206 = arith.select %lt3A_2203, %select_n3A_2199, %select_n3A_2144 : vector<8x128xi1>, vector<8x128xf32>
      %select_n3A_2207 = arith.select %lt3A_2203, %select_n3A_2200, %select_n3A_2145 : vector<8x128xi1>, vector<8x128xi32>
      %swap3A_2208 = arith.constant 30 : index
      %swap3A_2209 = arith.constant 0 : index
      %swap3A_2210 = arith.constant 0 : index
      %swap3A_2211 = vector.load %arg9[%swap3A_2208, %swap3A_2209, %swap3A_2210] : memref<32x8x128xf32, #tpu.memory_space<vmem>>, vector<1x8x128xf32>
      %swap3A_2212 = vector.shape_cast %swap3A_2211 : vector<1x8x128xf32> to vector<8x128xf32>
      %swap3A_2213 = vector.shape_cast %select_n3A_2204 : vector<8x128xf32> to vector<1x8x128xf32>
      tpu.vector_store %arg9[%swap3A_2208, %swap3A_2209, %swap3A_2210], %swap3A_2213 {strides = array<i32>} : memref<32x8x128xf32, #tpu.memory_space<vmem>>, vector<1x8x128xf32>,
      %swap3A_2214 = arith.constant 30 : index
      %swap3A_2215 = arith.constant 0 : index
      %swap3A_2216 = arith.constant 0 : index
      %swap3A_2217 = vector.load %arg10[%swap3A_2214, %swap3A_2215, %swap3A_2216] : memref<32x8x128xi32, #tpu.memory_space<vmem>>, vector<1x8x128xi32>
      %swap3A_2218 = vector.shape_cast %swap3A_2217 : vector<1x8x128xi32> to vector<8x128xi32>
      %swap3A_2219 = vector.shape_cast %select_n3A_2205 : vector<8x128xi32> to vector<1x8x128xi32>
      tpu.vector_store %arg10[%swap3A_2214, %swap3A_2215, %swap3A_2216], %swap3A_2219 {strides = array<i32>} : memref<32x8x128xi32, #tpu.memory_space<vmem>>, vector<1x8x128xi32>,
      %get3A_2220 = arith.constant 31 : index
      %get3A_2221 = arith.constant 0 : index
      %get3A_2222 = arith.constant 0 : index
      %get3A_2223 = vector.load %arg9[%get3A_2220, %get3A_2221, %get3A_2222] : memref<32x8x128xf32, #tpu.memory_space<vmem>>, vector<1x8x128xf32>
      %get3A_2224 = vector.shape_cast %get3A_2223 : vector<1x8x128xf32> to vector<8x128xf32>
      %get3A_2225 = arith.constant 31 : index
      %get3A_2226 = arith.constant 0 : index
      %get3A_2227 = arith.constant 0 : index
      %get3A_2228 = vector.load %arg10[%get3A_2225, %get3A_2226, %get3A_2227] : memref<32x8x128xi32, #tpu.memory_space<vmem>>, vector<1x8x128xi32>
      %get3A_2229 = vector.shape_cast %get3A_2228 : vector<1x8x128xi32> to vector<8x128xi32>
      %lt3A_2230 = arith.cmpf olt, %select_n3A_2171, %get3A_2224 : vector<8x128xf32>
      %select_n3A_2231 = arith.select %lt3A_2230, %select_n3A_2171, %get3A_2224 : vector<8x128xi1>, vector<8x128xf32>
      %select_n3A_2232 = arith.select %lt3A_2230, %select_n3A_2172, %get3A_2229 : vector<8x128xi1>, vector<8x128xi32>
      %lt3A_2233 = arith.cmpf olt, %select_n3A_2176, %select_n3A_2231 : vector<8x128xf32>
      %select_n3A_2234 = arith.select %lt3A_2233, %select_n3A_2176, %select_n3A_2231 : vector<8x128xi1>, vector<8x128xf32>
      %select_n3A_2235 = arith.select %lt3A_2233, %select_n3A_2177, %select_n3A_2232 : vector<8x128xi1>, vector<8x128xi32>
      %lt3A_2236 = arith.cmpf olt, %select_n3A_2181, %select_n3A_2234 : vector<8x128xf32>
      %select_n3A_2237 = arith.select %lt3A_2236, %select_n3A_2181, %select_n3A_2234 : vector<8x128xi1>, vector<8x128xf32>
      %select_n3A_2238 = arith.select %lt3A_2236, %select_n3A_2182, %select_n3A_2235 : vector<8x128xi1>, vector<8x128xi32>
      %lt3A_2239 = arith.cmpf olt, %select_n3A_2186, %select_n3A_2237 : vector<8x128xf32>
      %select_n3A_2240 = arith.select %lt3A_2239, %select_n3A_2186, %select_n3A_2237 : vector<8x128xi1>, vector<8x128xf32>
      %select_n3A_2241 = arith.select %lt3A_2239, %select_n3A_2187, %select_n3A_2238 : vector<8x128xi1>, vector<8x128xi32>
      %lt3A_2242 = arith.cmpf olt, %select_n3A_2191, %select_n3A_2240 : vector<8x128xf32>
      %select_n3A_2243 = arith.select %lt3A_2242, %select_n3A_2191, %select_n3A_2240 : vector<8x128xi1>, vector<8x128xf32>
      %select_n3A_2244 = arith.select %lt3A_2242, %select_n3A_2192, %select_n3A_2241 : vector<8x128xi1>, vector<8x128xi32>
      %lt3A_2245 = arith.cmpf olt, %select_n3A_2196, %select_n3A_2243 : vector<8x128xf32>
      %select_n3A_2246 = arith.select %lt3A_2245, %select_n3A_2196, %select_n3A_2243 : vector<8x128xi1>, vector<8x128xf32>
      %select_n3A_2247 = arith.select %lt3A_2245, %select_n3A_2197, %select_n3A_2244 : vector<8x128xi1>, vector<8x128xi32>
      %lt3A_2248 = arith.cmpf olt, %select_n3A_2201, %select_n3A_2246 : vector<8x128xf32>
      %select_n3A_2249 = arith.select %lt3A_2248, %select_n3A_2201, %select_n3A_2246 : vector<8x128xi1>, vector<8x128xf32>
      %select_n3A_2250 = arith.select %lt3A_2248, %select_n3A_2202, %select_n3A_2247 : vector<8x128xi1>, vector<8x128xi32>
      %lt3A_2251 = arith.cmpf olt, %select_n3A_2206, %select_n3A_2249 : vector<8x128xf32>
      %select_n3A_2252 = arith.select %lt3A_2251, %select_n3A_2206, %select_n3A_2249 : vector<8x128xi1>, vector<8x128xf32>
      %select_n3A_2253 = arith.select %lt3A_2251, %select_n3A_2207, %select_n3A_2250 : vector<8x128xi1>, vector<8x128xi32>
      %swap3A_2254 = arith.constant 31 : index
      %swap3A_2255 = arith.constant 0 : index
      %swap3A_2256 = arith.constant 0 : index
      %swap3A_2257 = vector.load %arg9[%swap3A_2254, %swap3A_2255, %swap3A_2256] : memref<32x8x128xf32, #tpu.memory_space<vmem>>, vector<1x8x128xf32>
      %swap3A_2258 = vector.shape_cast %swap3A_2257 : vector<1x8x128xf32> to vector<8x128xf32>
      %swap3A_2259 = vector.shape_cast %select_n3A_2252 : vector<8x128xf32> to vector<1x8x128xf32>
      tpu.vector_store %arg9[%swap3A_2254, %swap3A_2255, %swap3A_2256], %swap3A_2259 {strides = array<i32>} : memref<32x8x128xf32, #tpu.memory_space<vmem>>, vector<1x8x128xf32>,
      %swap3A_2260 = arith.constant 31 : index
      %swap3A_2261 = arith.constant 0 : index
      %swap3A_2262 = arith.constant 0 : index
      %swap3A_2263 = vector.load %arg10[%swap3A_2260, %swap3A_2261, %swap3A_2262] : memref<32x8x128xi32, #tpu.memory_space<vmem>>, vector<1x8x128xi32>
      %swap3A_2264 = vector.shape_cast %swap3A_2263 : vector<1x8x128xi32> to vector<8x128xi32>
      %swap3A_2265 = vector.shape_cast %select_n3A_2253 : vector<8x128xi32> to vector<1x8x128xi32>
      tpu.vector_store %arg10[%swap3A_2260, %swap3A_2261, %swap3A_2262], %swap3A_2265 {strides = array<i32>} : memref<32x8x128xi32, #tpu.memory_space<vmem>>, vector<1x8x128xi32>,
    }
    %scan3A_174 = arith.constant 16 : i32
    %eq3A_175 = arith.constant 127 : i32
    %eq3A_176 = arith.cmpi eq, %arg1, %eq3A_175 : i32
    %convert_element_type3A_177 = arith.extui %eq3A_176 : i1 to i32
    %cond3A_178 = arith.constant 0 : i32
    %cond3A_179 = arith.cmpi ne, %convert_element_type3A_177, %cond3A_178 : i32
    scf.if %cond3A_179 {
      %mul3A_180 = arith.constant 16384 : i32
      %mul3A_181 = arith.muli %arg0, %mul3A_180 : i32
      %get3A_182 = arith.constant 0 : index
      %get3A_183 = arith.constant 0 : index
      %get3A_184 = arith.constant 0 : index
      %get3A_185 = vector.load %arg10[%get3A_182, %get3A_183, %get3A_184] : memref<32x8x128xi32, #tpu.memory_space<vmem>>, vector<1x8x128xi32>
      %get3A_186 = vector.shape_cast %get3A_185 : vector<1x8x128xi32> to vector<8x128xi32>
      %add3A_187 = vector.broadcast %mul3A_181 : i32 to vector<8x128xi32>
      %add3A_188 = arith.addi %get3A_186, %add3A_187 : vector<8x128xi32>
      %swap3A_189 = arith.constant 0 : index
      %swap3A_190 = arith.constant 0 : index
      %swap3A_191 = arith.constant 0 : index
      %swap3A_192 = arith.constant 0 : index
      %swap3A_193 = vector.load %arg8[%swap3A_189, %swap3A_190, %swap3A_191, %swap3A_192] : memref<1x32x8x128xi32, #tpu.memory_space<vmem>>, vector<1x1x8x128xi32>
      %swap3A_194 = vector.shape_cast %swap3A_193 : vector<1x1x8x128xi32> to vector<8x128xi32>
      %swap3A_195 = vector.shape_cast %add3A_188 : vector<8x128xi32> to vector<1x1x8x128xi32>
      tpu.vector_store %arg8[%swap3A_189, %swap3A_190, %swap3A_191, %swap3A_192], %swap3A_195 {strides = array<i32>} : memref<1x32x8x128xi32, #tpu.memory_space<vmem>>, vector<1x1x8x128xi32>,
      %get3A_196 = arith.constant 1 : index
      %get3A_197 = arith.constant 0 : index
      %get3A_198 = arith.constant 0 : index
      %get3A_199 = vector.load %arg10[%get3A_196, %get3A_197, %get3A_198] : memref<32x8x128xi32, #tpu.memory_space<vmem>>, vector<1x8x128xi32>
      %get3A_200 = vector.shape_cast %get3A_199 : vector<1x8x128xi32> to vector<8x128xi32>
      %add3A_201 = vector.broadcast %mul3A_181 : i32 to vector<8x128xi32>
      %add3A_202 = arith.addi %get3A_200, %add3A_201 : vector<8x128xi32>
      %swap3A_203 = arith.constant 0 : index
      %swap3A_204 = arith.constant 1 : index
      %swap3A_205 = arith.constant 0 : index
      %swap3A_206 = arith.constant 0 : index
      %swap3A_207 = vector.load %arg8[%swap3A_203, %swap3A_204, %swap3A_205, %swap3A_206] : memref<1x32x8x128xi32, #tpu.memory_space<vmem>>, vector<1x1x8x128xi32>
      %swap3A_208 = vector.shape_cast %swap3A_207 : vector<1x1x8x128xi32> to vector<8x128xi32>
      %swap3A_209 = vector.shape_cast %add3A_202 : vector<8x128xi32> to vector<1x1x8x128xi32>
      tpu.vector_store %arg8[%swap3A_203, %swap3A_204, %swap3A_205, %swap3A_206], %swap3A_209 {strides = array<i32>} : memref<1x32x8x128xi32, #tpu.memory_space<vmem>>, vector<1x1x8x128xi32>,
      %get3A_210 = arith.constant 2 : index
      %get3A_211 = arith.constant 0 : index
      %get3A_212 = arith.constant 0 : index
      %get3A_213 = vector.load %arg10[%get3A_210, %get3A_211, %get3A_212] : memref<32x8x128xi32, #tpu.memory_space<vmem>>, vector<1x8x128xi32>
      %get3A_214 = vector.shape_cast %get3A_213 : vector<1x8x128xi32> to vector<8x128xi32>
      %add3A_215 = vector.broadcast %mul3A_181 : i32 to vector<8x128xi32>
      %add3A_216 = arith.addi %get3A_214, %add3A_215 : vector<8x128xi32>
      %swap3A_217 = arith.constant 0 : index
      %swap3A_218 = arith.constant 2 : index
      %swap3A_219 = arith.constant 0 : index
      %swap3A_220 = arith.constant 0 : index
      %swap3A_221 = vector.load %arg8[%swap3A_217, %swap3A_218, %swap3A_219, %swap3A_220] : memref<1x32x8x128xi32, #tpu.memory_space<vmem>>, vector<1x1x8x128xi32>
      %swap3A_222 = vector.shape_cast %swap3A_221 : vector<1x1x8x128xi32> to vector<8x128xi32>
      %swap3A_223 = vector.shape_cast %add3A_216 : vector<8x128xi32> to vector<1x1x8x128xi32>
      tpu.vector_store %arg8[%swap3A_217, %swap3A_218, %swap3A_219, %swap3A_220], %swap3A_223 {strides = array<i32>} : memref<1x32x8x128xi32, #tpu.memory_space<vmem>>, vector<1x1x8x128xi32>,
      %get3A_224 = arith.constant 3 : index
      %get3A_225 = arith.constant 0 : index
      %get3A_226 = arith.constant 0 : index
      %get3A_227 = vector.load %arg10[%get3A_224, %get3A_225, %get3A_226] : memref<32x8x128xi32, #tpu.memory_space<vmem>>, vector<1x8x128xi32>
      %get3A_228 = vector.shape_cast %get3A_227 : vector<1x8x128xi32> to vector<8x128xi32>
      %add3A_229 = vector.broadcast %mul3A_181 : i32 to vector<8x128xi32>
      %add3A_230 = arith.addi %get3A_228, %add3A_229 : vector<8x128xi32>
      %swap3A_231 = arith.constant 0 : index
      %swap3A_232 = arith.constant 3 : index
      %swap3A_233 = arith.constant 0 : index
      %swap3A_234 = arith.constant 0 : index
      %swap3A_235 = vector.load %arg8[%swap3A_231, %swap3A_232, %swap3A_233, %swap3A_234] : memref<1x32x8x128xi32, #tpu.memory_space<vmem>>, vector<1x1x8x128xi32>
      %swap3A_236 = vector.shape_cast %swap3A_235 : vector<1x1x8x128xi32> to vector<8x128xi32>
      %swap3A_237 = vector.shape_cast %add3A_230 : vector<8x128xi32> to vector<1x1x8x128xi32>
      tpu.vector_store %arg8[%swap3A_231, %swap3A_232, %swap3A_233, %swap3A_234], %swap3A_237 {strides = array<i32>} : memref<1x32x8x128xi32, #tpu.memory_space<vmem>>, vector<1x1x8x128xi32>,
      %get3A_238 = arith.constant 4 : index
      %get3A_239 = arith.constant 0 : index
      %get3A_240 = arith.constant 0 : index
      %get3A_241 = vector.load %arg10[%get3A_238, %get3A_239, %get3A_240] : memref<32x8x128xi32, #tpu.memory_space<vmem>>, vector<1x8x128xi32>
      %get3A_242 = vector.shape_cast %get3A_241 : vector<1x8x128xi32> to vector<8x128xi32>
      %add3A_243 = vector.broadcast %mul3A_181 : i32 to vector<8x128xi32>
      %add3A_244 = arith.addi %get3A_242, %add3A_243 : vector<8x128xi32>
      %swap3A_245 = arith.constant 0 : index
      %swap3A_246 = arith.constant 4 : index
      %swap3A_247 = arith.constant 0 : index
      %swap3A_248 = arith.constant 0 : index
      %swap3A_249 = vector.load %arg8[%swap3A_245, %swap3A_246, %swap3A_247, %swap3A_248] : memref<1x32x8x128xi32, #tpu.memory_space<vmem>>, vector<1x1x8x128xi32>
      %swap3A_250 = vector.shape_cast %swap3A_249 : vector<1x1x8x128xi32> to vector<8x128xi32>
      %swap3A_251 = vector.shape_cast %add3A_244 : vector<8x128xi32> to vector<1x1x8x128xi32>
      tpu.vector_store %arg8[%swap3A_245, %swap3A_246, %swap3A_247, %swap3A_248], %swap3A_251 {strides = array<i32>} : memref<1x32x8x128xi32, #tpu.memory_space<vmem>>, vector<1x1x8x128xi32>,
      %get3A_252 = arith.constant 5 : index
      %get3A_253 = arith.constant 0 : index
      %get3A_254 = arith.constant 0 : index
      %get3A_255 = vector.load %arg10[%get3A_252, %get3A_253, %get3A_254] : memref<32x8x128xi32, #tpu.memory_space<vmem>>, vector<1x8x128xi32>
      %get3A_256 = vector.shape_cast %get3A_255 : vector<1x8x128xi32> to vector<8x128xi32>
      %add3A_257 = vector.broadcast %mul3A_181 : i32 to vector<8x128xi32>
      %add3A_258 = arith.addi %get3A_256, %add3A_257 : vector<8x128xi32>
      %swap3A_259 = arith.constant 0 : index
      %swap3A_260 = arith.constant 5 : index
      %swap3A_261 = arith.constant 0 : index
      %swap3A_262 = arith.constant 0 : index
      %swap3A_263 = vector.load %arg8[%swap3A_259, %swap3A_260, %swap3A_261, %swap3A_262] : memref<1x32x8x128xi32, #tpu.memory_space<vmem>>, vector<1x1x8x128xi32>
      %swap3A_264 = vector.shape_cast %swap3A_263 : vector<1x1x8x128xi32> to vector<8x128xi32>
      %swap3A_265 = vector.shape_cast %add3A_258 : vector<8x128xi32> to vector<1x1x8x128xi32>
      tpu.vector_store %arg8[%swap3A_259, %swap3A_260, %swap3A_261, %swap3A_262], %swap3A_265 {strides = array<i32>} : memref<1x32x8x128xi32, #tpu.memory_space<vmem>>, vector<1x1x8x128xi32>,
      %get3A_266 = arith.constant 6 : index
      %get3A_267 = arith.constant 0 : index
      %get3A_268 = arith.constant 0 : index
      %get3A_269 = vector.load %arg10[%get3A_266, %get3A_267, %get3A_268] : memref<32x8x128xi32, #tpu.memory_space<vmem>>, vector<1x8x128xi32>
      %get3A_270 = vector.shape_cast %get3A_269 : vector<1x8x128xi32> to vector<8x128xi32>
      %add3A_271 = vector.broadcast %mul3A_181 : i32 to vector<8x128xi32>
      %add3A_272 = arith.addi %get3A_270, %add3A_271 : vector<8x128xi32>
      %swap3A_273 = arith.constant 0 : index
      %swap3A_274 = arith.constant 6 : index
      %swap3A_275 = arith.constant 0 : index
      %swap3A_276 = arith.constant 0 : index
      %swap3A_277 = vector.load %arg8[%swap3A_273, %swap3A_274, %swap3A_275, %swap3A_276] : memref<1x32x8x128xi32, #tpu.memory_space<vmem>>, vector<1x1x8x128xi32>
      %swap3A_278 = vector.shape_cast %swap3A_277 : vector<1x1x8x128xi32> to vector<8x128xi32>
      %swap3A_279 = vector.shape_cast %add3A_272 : vector<8x128xi32> to vector<1x1x8x128xi32>
      tpu.vector_store %arg8[%swap3A_273, %swap3A_274, %swap3A_275, %swap3A_276], %swap3A_279 {strides = array<i32>} : memref<1x32x8x128xi32, #tpu.memory_space<vmem>>, vector<1x1x8x128xi32>,
      %get3A_280 = arith.constant 7 : index
      %get3A_281 = arith.constant 0 : index
      %get3A_282 = arith.constant 0 : index
      %get3A_283 = vector.load %arg10[%get3A_280, %get3A_281, %get3A_282] : memref<32x8x128xi32, #tpu.memory_space<vmem>>, vector<1x8x128xi32>
      %get3A_284 = vector.shape_cast %get3A_283 : vector<1x8x128xi32> to vector<8x128xi32>
      %add3A_285 = vector.broadcast %mul3A_181 : i32 to vector<8x128xi32>
      %add3A_286 = arith.addi %get3A_284, %add3A_285 : vector<8x128xi32>
      %swap3A_287 = arith.constant 0 : index
      %swap3A_288 = arith.constant 7 : index
      %swap3A_289 = arith.constant 0 : index
      %swap3A_290 = arith.constant 0 : index
      %swap3A_291 = vector.load %arg8[%swap3A_287, %swap3A_288, %swap3A_289, %swap3A_290] : memref<1x32x8x128xi32, #tpu.memory_space<vmem>>, vector<1x1x8x128xi32>
      %swap3A_292 = vector.shape_cast %swap3A_291 : vector<1x1x8x128xi32> to vector<8x128xi32>
      %swap3A_293 = vector.shape_cast %add3A_286 : vector<8x128xi32> to vector<1x1x8x128xi32>
      tpu.vector_store %arg8[%swap3A_287, %swap3A_288, %swap3A_289, %swap3A_290], %swap3A_293 {strides = array<i32>} : memref<1x32x8x128xi32, #tpu.memory_space<vmem>>, vector<1x1x8x128xi32>,
      %get3A_294 = arith.constant 8 : index
      %get3A_295 = arith.constant 0 : index
      %get3A_296 = arith.constant 0 : index
      %get3A_297 = vector.load %arg10[%get3A_294, %get3A_295, %get3A_296] : memref<32x8x128xi32, #tpu.memory_space<vmem>>, vector<1x8x128xi32>
      %get3A_298 = vector.shape_cast %get3A_297 : vector<1x8x128xi32> to vector<8x128xi32>
      %add3A_299 = vector.broadcast %mul3A_181 : i32 to vector<8x128xi32>
      %add3A_300 = arith.addi %get3A_298, %add3A_299 : vector<8x128xi32>
      %swap3A_301 = arith.constant 0 : index
      %swap3A_302 = arith.constant 8 : index
      %swap3A_303 = arith.constant 0 : index
      %swap3A_304 = arith.constant 0 : index
      %swap3A_305 = vector.load %arg8[%swap3A_301, %swap3A_302, %swap3A_303, %swap3A_304] : memref<1x32x8x128xi32, #tpu.memory_space<vmem>>, vector<1x1x8x128xi32>
      %swap3A_306 = vector.shape_cast %swap3A_305 : vector<1x1x8x128xi32> to vector<8x128xi32>
      %swap3A_307 = vector.shape_cast %add3A_300 : vector<8x128xi32> to vector<1x1x8x128xi32>
      tpu.vector_store %arg8[%swap3A_301, %swap3A_302, %swap3A_303, %swap3A_304], %swap3A_307 {strides = array<i32>} : memref<1x32x8x128xi32, #tpu.memory_space<vmem>>, vector<1x1x8x128xi32>,
      %get3A_308 = arith.constant 9 : index
      %get3A_309 = arith.constant 0 : index
      %get3A_310 = arith.constant 0 : index
      %get3A_311 = vector.load %arg10[%get3A_308, %get3A_309, %get3A_310] : memref<32x8x128xi32, #tpu.memory_space<vmem>>, vector<1x8x128xi32>
      %get3A_312 = vector.shape_cast %get3A_311 : vector<1x8x128xi32> to vector<8x128xi32>
      %add3A_313 = vector.broadcast %mul3A_181 : i32 to vector<8x128xi32>
      %add3A_314 = arith.addi %get3A_312, %add3A_313 : vector<8x128xi32>
      %swap3A_315 = arith.constant 0 : index
      %swap3A_316 = arith.constant 9 : index
      %swap3A_317 = arith.constant 0 : index
      %swap3A_318 = arith.constant 0 : index
      %swap3A_319 = vector.load %arg8[%swap3A_315, %swap3A_316, %swap3A_317, %swap3A_318] : memref<1x32x8x128xi32, #tpu.memory_space<vmem>>, vector<1x1x8x128xi32>
      %swap3A_320 = vector.shape_cast %swap3A_319 : vector<1x1x8x128xi32> to vector<8x128xi32>
      %swap3A_321 = vector.shape_cast %add3A_314 : vector<8x128xi32> to vector<1x1x8x128xi32>
      tpu.vector_store %arg8[%swap3A_315, %swap3A_316, %swap3A_317, %swap3A_318], %swap3A_321 {strides = array<i32>} : memref<1x32x8x128xi32, #tpu.memory_space<vmem>>, vector<1x1x8x128xi32>,
      %get3A_322 = arith.constant 10 : index
      %get3A_323 = arith.constant 0 : index
      %get3A_324 = arith.constant 0 : index
      %get3A_325 = vector.load %arg10[%get3A_322, %get3A_323, %get3A_324] : memref<32x8x128xi32, #tpu.memory_space<vmem>>, vector<1x8x128xi32>
      %get3A_326 = vector.shape_cast %get3A_325 : vector<1x8x128xi32> to vector<8x128xi32>
      %add3A_327 = vector.broadcast %mul3A_181 : i32 to vector<8x128xi32>
      %add3A_328 = arith.addi %get3A_326, %add3A_327 : vector<8x128xi32>
      %swap3A_329 = arith.constant 0 : index
      %swap3A_330 = arith.constant 10 : index
      %swap3A_331 = arith.constant 0 : index
      %swap3A_332 = arith.constant 0 : index
      %swap3A_333 = vector.load %arg8[%swap3A_329, %swap3A_330, %swap3A_331, %swap3A_332] : memref<1x32x8x128xi32, #tpu.memory_space<vmem>>, vector<1x1x8x128xi32>
      %swap3A_334 = vector.shape_cast %swap3A_333 : vector<1x1x8x128xi32> to vector<8x128xi32>
      %swap3A_335 = vector.shape_cast %add3A_328 : vector<8x128xi32> to vector<1x1x8x128xi32>
      tpu.vector_store %arg8[%swap3A_329, %swap3A_330, %swap3A_331, %swap3A_332], %swap3A_335 {strides = array<i32>} : memref<1x32x8x128xi32, #tpu.memory_space<vmem>>, vector<1x1x8x128xi32>,
      %get3A_336 = arith.constant 11 : index
      %get3A_337 = arith.constant 0 : index
      %get3A_338 = arith.constant 0 : index
      %get3A_339 = vector.load %arg10[%get3A_336, %get3A_337, %get3A_338] : memref<32x8x128xi32, #tpu.memory_space<vmem>>, vector<1x8x128xi32>
      %get3A_340 = vector.shape_cast %get3A_339 : vector<1x8x128xi32> to vector<8x128xi32>
      %add3A_341 = vector.broadcast %mul3A_181 : i32 to vector<8x128xi32>
      %add3A_342 = arith.addi %get3A_340, %add3A_341 : vector<8x128xi32>
      %swap3A_343 = arith.constant 0 : index
      %swap3A_344 = arith.constant 11 : index
      %swap3A_345 = arith.constant 0 : index
      %swap3A_346 = arith.constant 0 : index
      %swap3A_347 = vector.load %arg8[%swap3A_343, %swap3A_344, %swap3A_345, %swap3A_346] : memref<1x32x8x128xi32, #tpu.memory_space<vmem>>, vector<1x1x8x128xi32>
      %swap3A_348 = vector.shape_cast %swap3A_347 : vector<1x1x8x128xi32> to vector<8x128xi32>
      %swap3A_349 = vector.shape_cast %add3A_342 : vector<8x128xi32> to vector<1x1x8x128xi32>
      tpu.vector_store %arg8[%swap3A_343, %swap3A_344, %swap3A_345, %swap3A_346], %swap3A_349 {strides = array<i32>} : memref<1x32x8x128xi32, #tpu.memory_space<vmem>>, vector<1x1x8x128xi32>,
      %get3A_350 = arith.constant 12 : index
      %get3A_351 = arith.constant 0 : index
      %get3A_352 = arith.constant 0 : index
      %get3A_353 = vector.load %arg10[%get3A_350, %get3A_351, %get3A_352] : memref<32x8x128xi32, #tpu.memory_space<vmem>>, vector<1x8x128xi32>
      %get3A_354 = vector.shape_cast %get3A_353 : vector<1x8x128xi32> to vector<8x128xi32>
      %add3A_355 = vector.broadcast %mul3A_181 : i32 to vector<8x128xi32>
      %add3A_356 = arith.addi %get3A_354, %add3A_355 : vector<8x128xi32>
      %swap3A_357 = arith.constant 0 : index
      %swap3A_358 = arith.constant 12 : index
      %swap3A_359 = arith.constant 0 : index
      %swap3A_360 = arith.constant 0 : index
      %swap3A_361 = vector.load %arg8[%swap3A_357, %swap3A_358, %swap3A_359, %swap3A_360] : memref<1x32x8x128xi32, #tpu.memory_space<vmem>>, vector<1x1x8x128xi32>
      %swap3A_362 = vector.shape_cast %swap3A_361 : vector<1x1x8x128xi32> to vector<8x128xi32>
      %swap3A_363 = vector.shape_cast %add3A_356 : vector<8x128xi32> to vector<1x1x8x128xi32>
      tpu.vector_store %arg8[%swap3A_357, %swap3A_358, %swap3A_359, %swap3A_360], %swap3A_363 {strides = array<i32>} : memref<1x32x8x128xi32, #tpu.memory_space<vmem>>, vector<1x1x8x128xi32>,
      %get3A_364 = arith.constant 13 : index
      %get3A_365 = arith.constant 0 : index
      %get3A_366 = arith.constant 0 : index
      %get3A_367 = vector.load %arg10[%get3A_364, %get3A_365, %get3A_366] : memref<32x8x128xi32, #tpu.memory_space<vmem>>, vector<1x8x128xi32>
      %get3A_368 = vector.shape_cast %get3A_367 : vector<1x8x128xi32> to vector<8x128xi32>
      %add3A_369 = vector.broadcast %mul3A_181 : i32 to vector<8x128xi32>
      %add3A_370 = arith.addi %get3A_368, %add3A_369 : vector<8x128xi32>
      %swap3A_371 = arith.constant 0 : index
      %swap3A_372 = arith.constant 13 : index
      %swap3A_373 = arith.constant 0 : index
      %swap3A_374 = arith.constant 0 : index
      %swap3A_375 = vector.load %arg8[%swap3A_371, %swap3A_372, %swap3A_373, %swap3A_374] : memref<1x32x8x128xi32, #tpu.memory_space<vmem>>, vector<1x1x8x128xi32>
      %swap3A_376 = vector.shape_cast %swap3A_375 : vector<1x1x8x128xi32> to vector<8x128xi32>
      %swap3A_377 = vector.shape_cast %add3A_370 : vector<8x128xi32> to vector<1x1x8x128xi32>
      tpu.vector_store %arg8[%swap3A_371, %swap3A_372, %swap3A_373, %swap3A_374], %swap3A_377 {strides = array<i32>} : memref<1x32x8x128xi32, #tpu.memory_space<vmem>>, vector<1x1x8x128xi32>,
      %get3A_378 = arith.constant 14 : index
      %get3A_379 = arith.constant 0 : index
      %get3A_380 = arith.constant 0 : index
      %get3A_381 = vector.load %arg10[%get3A_378, %get3A_379, %get3A_380] : memref<32x8x128xi32, #tpu.memory_space<vmem>>, vector<1x8x128xi32>
      %get3A_382 = vector.shape_cast %get3A_381 : vector<1x8x128xi32> to vector<8x128xi32>
      %add3A_383 = vector.broadcast %mul3A_181 : i32 to vector<8x128xi32>
      %add3A_384 = arith.addi %get3A_382, %add3A_383 : vector<8x128xi32>
      %swap3A_385 = arith.constant 0 : index
      %swap3A_386 = arith.constant 14 : index
      %swap3A_387 = arith.constant 0 : index
      %swap3A_388 = arith.constant 0 : index
      %swap3A_389 = vector.load %arg8[%swap3A_385, %swap3A_386, %swap3A_387, %swap3A_388] : memref<1x32x8x128xi32, #tpu.memory_space<vmem>>, vector<1x1x8x128xi32>
      %swap3A_390 = vector.shape_cast %swap3A_389 : vector<1x1x8x128xi32> to vector<8x128xi32>
      %swap3A_391 = vector.shape_cast %add3A_384 : vector<8x128xi32> to vector<1x1x8x128xi32>
      tpu.vector_store %arg8[%swap3A_385, %swap3A_386, %swap3A_387, %swap3A_388], %swap3A_391 {strides = array<i32>} : memref<1x32x8x128xi32, #tpu.memory_space<vmem>>, vector<1x1x8x128xi32>,
      %get3A_392 = arith.constant 15 : index
      %get3A_393 = arith.constant 0 : index
      %get3A_394 = arith.constant 0 : index
      %get3A_395 = vector.load %arg10[%get3A_392, %get3A_393, %get3A_394] : memref<32x8x128xi32, #tpu.memory_space<vmem>>, vector<1x8x128xi32>
      %get3A_396 = vector.shape_cast %get3A_395 : vector<1x8x128xi32> to vector<8x128xi32>
      %add3A_397 = vector.broadcast %mul3A_181 : i32 to vector<8x128xi32>
      %add3A_398 = arith.addi %get3A_396, %add3A_397 : vector<8x128xi32>
      %swap3A_399 = arith.constant 0 : index
      %swap3A_400 = arith.constant 15 : index
      %swap3A_401 = arith.constant 0 : index
      %swap3A_402 = arith.constant 0 : index
      %swap3A_403 = vector.load %arg8[%swap3A_399, %swap3A_400, %swap3A_401, %swap3A_402] : memref<1x32x8x128xi32, #tpu.memory_space<vmem>>, vector<1x1x8x128xi32>
      %swap3A_404 = vector.shape_cast %swap3A_403 : vector<1x1x8x128xi32> to vector<8x128xi32>
      %swap3A_405 = vector.shape_cast %add3A_398 : vector<8x128xi32> to vector<1x1x8x128xi32>
      tpu.vector_store %arg8[%swap3A_399, %swap3A_400, %swap3A_401, %swap3A_402], %swap3A_405 {strides = array<i32>} : memref<1x32x8x128xi32, #tpu.memory_space<vmem>>, vector<1x1x8x128xi32>,
      %get3A_406 = arith.constant 16 : index
      %get3A_407 = arith.constant 0 : index
      %get3A_408 = arith.constant 0 : index
      %get3A_409 = vector.load %arg10[%get3A_406, %get3A_407, %get3A_408] : memref<32x8x128xi32, #tpu.memory_space<vmem>>, vector<1x8x128xi32>
      %get3A_410 = vector.shape_cast %get3A_409 : vector<1x8x128xi32> to vector<8x128xi32>
      %add3A_411 = vector.broadcast %mul3A_181 : i32 to vector<8x128xi32>
      %add3A_412 = arith.addi %get3A_410, %add3A_411 : vector<8x128xi32>
      %swap3A_413 = arith.constant 0 : index
      %swap3A_414 = arith.constant 16 : index
      %swap3A_415 = arith.constant 0 : index
      %swap3A_416 = arith.constant 0 : index
      %swap3A_417 = vector.load %arg8[%swap3A_413, %swap3A_414, %swap3A_415, %swap3A_416] : memref<1x32x8x128xi32, #tpu.memory_space<vmem>>, vector<1x1x8x128xi32>
      %swap3A_418 = vector.shape_cast %swap3A_417 : vector<1x1x8x128xi32> to vector<8x128xi32>
      %swap3A_419 = vector.shape_cast %add3A_412 : vector<8x128xi32> to vector<1x1x8x128xi32>
      tpu.vector_store %arg8[%swap3A_413, %swap3A_414, %swap3A_415, %swap3A_416], %swap3A_419 {strides = array<i32>} : memref<1x32x8x128xi32, #tpu.memory_space<vmem>>, vector<1x1x8x128xi32>,
      %get3A_420 = arith.constant 17 : index
      %get3A_421 = arith.constant 0 : index
      %get3A_422 = arith.constant 0 : index
      %get3A_423 = vector.load %arg10[%get3A_420, %get3A_421, %get3A_422] : memref<32x8x128xi32, #tpu.memory_space<vmem>>, vector<1x8x128xi32>
      %get3A_424 = vector.shape_cast %get3A_423 : vector<1x8x128xi32> to vector<8x128xi32>
      %add3A_425 = vector.broadcast %mul3A_181 : i32 to vector<8x128xi32>
      %add3A_426 = arith.addi %get3A_424, %add3A_425 : vector<8x128xi32>
      %swap3A_427 = arith.constant 0 : index
      %swap3A_428 = arith.constant 17 : index
      %swap3A_429 = arith.constant 0 : index
      %swap3A_430 = arith.constant 0 : index
      %swap3A_431 = vector.load %arg8[%swap3A_427, %swap3A_428, %swap3A_429, %swap3A_430] : memref<1x32x8x128xi32, #tpu.memory_space<vmem>>, vector<1x1x8x128xi32>
      %swap3A_432 = vector.shape_cast %swap3A_431 : vector<1x1x8x128xi32> to vector<8x128xi32>
      %swap3A_433 = vector.shape_cast %add3A_426 : vector<8x128xi32> to vector<1x1x8x128xi32>
      tpu.vector_store %arg8[%swap3A_427, %swap3A_428, %swap3A_429, %swap3A_430], %swap3A_433 {strides = array<i32>} : memref<1x32x8x128xi32, #tpu.memory_space<vmem>>, vector<1x1x8x128xi32>,
      %get3A_434 = arith.constant 18 : index
      %get3A_435 = arith.constant 0 : index
      %get3A_436 = arith.constant 0 : index
      %get3A_437 = vector.load %arg10[%get3A_434, %get3A_435, %get3A_436] : memref<32x8x128xi32, #tpu.memory_space<vmem>>, vector<1x8x128xi32>
      %get3A_438 = vector.shape_cast %get3A_437 : vector<1x8x128xi32> to vector<8x128xi32>
      %add3A_439 = vector.broadcast %mul3A_181 : i32 to vector<8x128xi32>
      %add3A_440 = arith.addi %get3A_438, %add3A_439 : vector<8x128xi32>
      %swap3A_441 = arith.constant 0 : index
      %swap3A_442 = arith.constant 18 : index
      %swap3A_443 = arith.constant 0 : index
      %swap3A_444 = arith.constant 0 : index
      %swap3A_445 = vector.load %arg8[%swap3A_441, %swap3A_442, %swap3A_443, %swap3A_444] : memref<1x32x8x128xi32, #tpu.memory_space<vmem>>, vector<1x1x8x128xi32>
      %swap3A_446 = vector.shape_cast %swap3A_445 : vector<1x1x8x128xi32> to vector<8x128xi32>
      %swap3A_447 = vector.shape_cast %add3A_440 : vector<8x128xi32> to vector<1x1x8x128xi32>
      tpu.vector_store %arg8[%swap3A_441, %swap3A_442, %swap3A_443, %swap3A_444], %swap3A_447 {strides = array<i32>} : memref<1x32x8x128xi32, #tpu.memory_space<vmem>>, vector<1x1x8x128xi32>,
      %get3A_448 = arith.constant 19 : index
      %get3A_449 = arith.constant 0 : index
      %get3A_450 = arith.constant 0 : index
      %get3A_451 = vector.load %arg10[%get3A_448, %get3A_449, %get3A_450] : memref<32x8x128xi32, #tpu.memory_space<vmem>>, vector<1x8x128xi32>
      %get3A_452 = vector.shape_cast %get3A_451 : vector<1x8x128xi32> to vector<8x128xi32>
      %add3A_453 = vector.broadcast %mul3A_181 : i32 to vector<8x128xi32>
      %add3A_454 = arith.addi %get3A_452, %add3A_453 : vector<8x128xi32>
      %swap3A_455 = arith.constant 0 : index
      %swap3A_456 = arith.constant 19 : index
      %swap3A_457 = arith.constant 0 : index
      %swap3A_458 = arith.constant 0 : index
      %swap3A_459 = vector.load %arg8[%swap3A_455, %swap3A_456, %swap3A_457, %swap3A_458] : memref<1x32x8x128xi32, #tpu.memory_space<vmem>>, vector<1x1x8x128xi32>
      %swap3A_460 = vector.shape_cast %swap3A_459 : vector<1x1x8x128xi32> to vector<8x128xi32>
      %swap3A_461 = vector.shape_cast %add3A_454 : vector<8x128xi32> to vector<1x1x8x128xi32>
      tpu.vector_store %arg8[%swap3A_455, %swap3A_456, %swap3A_457, %swap3A_458], %swap3A_461 {strides = array<i32>} : memref<1x32x8x128xi32, #tpu.memory_space<vmem>>, vector<1x1x8x128xi32>,
      %get3A_462 = arith.constant 20 : index
      %get3A_463 = arith.constant 0 : index
      %get3A_464 = arith.constant 0 : index
      %get3A_465 = vector.load %arg10[%get3A_462, %get3A_463, %get3A_464] : memref<32x8x128xi32, #tpu.memory_space<vmem>>, vector<1x8x128xi32>
      %get3A_466 = vector.shape_cast %get3A_465 : vector<1x8x128xi32> to vector<8x128xi32>
      %add3A_467 = vector.broadcast %mul3A_181 : i32 to vector<8x128xi32>
      %add3A_468 = arith.addi %get3A_466, %add3A_467 : vector<8x128xi32>
      %swap3A_469 = arith.constant 0 : index
      %swap3A_470 = arith.constant 20 : index
      %swap3A_471 = arith.constant 0 : index
      %swap3A_472 = arith.constant 0 : index
      %swap3A_473 = vector.load %arg8[%swap3A_469, %swap3A_470, %swap3A_471, %swap3A_472] : memref<1x32x8x128xi32, #tpu.memory_space<vmem>>, vector<1x1x8x128xi32>
      %swap3A_474 = vector.shape_cast %swap3A_473 : vector<1x1x8x128xi32> to vector<8x128xi32>
      %swap3A_475 = vector.shape_cast %add3A_468 : vector<8x128xi32> to vector<1x1x8x128xi32>
      tpu.vector_store %arg8[%swap3A_469, %swap3A_470, %swap3A_471, %swap3A_472], %swap3A_475 {strides = array<i32>} : memref<1x32x8x128xi32, #tpu.memory_space<vmem>>, vector<1x1x8x128xi32>,
      %get3A_476 = arith.constant 21 : index
      %get3A_477 = arith.constant 0 : index
      %get3A_478 = arith.constant 0 : index
      %get3A_479 = vector.load %arg10[%get3A_476, %get3A_477, %get3A_478] : memref<32x8x128xi32, #tpu.memory_space<vmem>>, vector<1x8x128xi32>
      %get3A_480 = vector.shape_cast %get3A_479 : vector<1x8x128xi32> to vector<8x128xi32>
      %add3A_481 = vector.broadcast %mul3A_181 : i32 to vector<8x128xi32>
      %add3A_482 = arith.addi %get3A_480, %add3A_481 : vector<8x128xi32>
      %swap3A_483 = arith.constant 0 : index
      %swap3A_484 = arith.constant 21 : index
      %swap3A_485 = arith.constant 0 : index
      %swap3A_486 = arith.constant 0 : index
      %swap3A_487 = vector.load %arg8[%swap3A_483, %swap3A_484, %swap3A_485, %swap3A_486] : memref<1x32x8x128xi32, #tpu.memory_space<vmem>>, vector<1x1x8x128xi32>
      %swap3A_488 = vector.shape_cast %swap3A_487 : vector<1x1x8x128xi32> to vector<8x128xi32>
      %swap3A_489 = vector.shape_cast %add3A_482 : vector<8x128xi32> to vector<1x1x8x128xi32>
      tpu.vector_store %arg8[%swap3A_483, %swap3A_484, %swap3A_485, %swap3A_486], %swap3A_489 {strides = array<i32>} : memref<1x32x8x128xi32, #tpu.memory_space<vmem>>, vector<1x1x8x128xi32>,
      %get3A_490 = arith.constant 22 : index
      %get3A_491 = arith.constant 0 : index
      %get3A_492 = arith.constant 0 : index
      %get3A_493 = vector.load %arg10[%get3A_490, %get3A_491, %get3A_492] : memref<32x8x128xi32, #tpu.memory_space<vmem>>, vector<1x8x128xi32>
      %get3A_494 = vector.shape_cast %get3A_493 : vector<1x8x128xi32> to vector<8x128xi32>
      %add3A_495 = vector.broadcast %mul3A_181 : i32 to vector<8x128xi32>
      %add3A_496 = arith.addi %get3A_494, %add3A_495 : vector<8x128xi32>
      %swap3A_497 = arith.constant 0 : index
      %swap3A_498 = arith.constant 22 : index
      %swap3A_499 = arith.constant 0 : index
      %swap3A_500 = arith.constant 0 : index
      %swap3A_501 = vector.load %arg8[%swap3A_497, %swap3A_498, %swap3A_499, %swap3A_500] : memref<1x32x8x128xi32, #tpu.memory_space<vmem>>, vector<1x1x8x128xi32>
      %swap3A_502 = vector.shape_cast %swap3A_501 : vector<1x1x8x128xi32> to vector<8x128xi32>
      %swap3A_503 = vector.shape_cast %add3A_496 : vector<8x128xi32> to vector<1x1x8x128xi32>
      tpu.vector_store %arg8[%swap3A_497, %swap3A_498, %swap3A_499, %swap3A_500], %swap3A_503 {strides = array<i32>} : memref<1x32x8x128xi32, #tpu.memory_space<vmem>>, vector<1x1x8x128xi32>,
      %get3A_504 = arith.constant 23 : index
      %get3A_505 = arith.constant 0 : index
      %get3A_506 = arith.constant 0 : index
      %get3A_507 = vector.load %arg10[%get3A_504, %get3A_505, %get3A_506] : memref<32x8x128xi32, #tpu.memory_space<vmem>>, vector<1x8x128xi32>
      %get3A_508 = vector.shape_cast %get3A_507 : vector<1x8x128xi32> to vector<8x128xi32>
      %add3A_509 = vector.broadcast %mul3A_181 : i32 to vector<8x128xi32>
      %add3A_510 = arith.addi %get3A_508, %add3A_509 : vector<8x128xi32>
      %swap3A_511 = arith.constant 0 : index
      %swap3A_512 = arith.constant 23 : index
      %swap3A_513 = arith.constant 0 : index
      %swap3A_514 = arith.constant 0 : index
      %swap3A_515 = vector.load %arg8[%swap3A_511, %swap3A_512, %swap3A_513, %swap3A_514] : memref<1x32x8x128xi32, #tpu.memory_space<vmem>>, vector<1x1x8x128xi32>
      %swap3A_516 = vector.shape_cast %swap3A_515 : vector<1x1x8x128xi32> to vector<8x128xi32>
      %swap3A_517 = vector.shape_cast %add3A_510 : vector<8x128xi32> to vector<1x1x8x128xi32>
      tpu.vector_store %arg8[%swap3A_511, %swap3A_512, %swap3A_513, %swap3A_514], %swap3A_517 {strides = array<i32>} : memref<1x32x8x128xi32, #tpu.memory_space<vmem>>, vector<1x1x8x128xi32>,
      %get3A_518 = arith.constant 24 : index
      %get3A_519 = arith.constant 0 : index
      %get3A_520 = arith.constant 0 : index
      %get3A_521 = vector.load %arg10[%get3A_518, %get3A_519, %get3A_520] : memref<32x8x128xi32, #tpu.memory_space<vmem>>, vector<1x8x128xi32>
      %get3A_522 = vector.shape_cast %get3A_521 : vector<1x8x128xi32> to vector<8x128xi32>
      %add3A_523 = vector.broadcast %mul3A_181 : i32 to vector<8x128xi32>
      %add3A_524 = arith.addi %get3A_522, %add3A_523 : vector<8x128xi32>
      %swap3A_525 = arith.constant 0 : index
      %swap3A_526 = arith.constant 24 : index
      %swap3A_527 = arith.constant 0 : index
      %swap3A_528 = arith.constant 0 : index
      %swap3A_529 = vector.load %arg8[%swap3A_525, %swap3A_526, %swap3A_527, %swap3A_528] : memref<1x32x8x128xi32, #tpu.memory_space<vmem>>, vector<1x1x8x128xi32>
      %swap3A_530 = vector.shape_cast %swap3A_529 : vector<1x1x8x128xi32> to vector<8x128xi32>
      %swap3A_531 = vector.shape_cast %add3A_524 : vector<8x128xi32> to vector<1x1x8x128xi32>
      tpu.vector_store %arg8[%swap3A_525, %swap3A_526, %swap3A_527, %swap3A_528], %swap3A_531 {strides = array<i32>} : memref<1x32x8x128xi32, #tpu.memory_space<vmem>>, vector<1x1x8x128xi32>,
      %get3A_532 = arith.constant 25 : index
      %get3A_533 = arith.constant 0 : index
      %get3A_534 = arith.constant 0 : index
      %get3A_535 = vector.load %arg10[%get3A_532, %get3A_533, %get3A_534] : memref<32x8x128xi32, #tpu.memory_space<vmem>>, vector<1x8x128xi32>
      %get3A_536 = vector.shape_cast %get3A_535 : vector<1x8x128xi32> to vector<8x128xi32>
      %add3A_537 = vector.broadcast %mul3A_181 : i32 to vector<8x128xi32>
      %add3A_538 = arith.addi %get3A_536, %add3A_537 : vector<8x128xi32>
      %swap3A_539 = arith.constant 0 : index
      %swap3A_540 = arith.constant 25 : index
      %swap3A_541 = arith.constant 0 : index
      %swap3A_542 = arith.constant 0 : index
      %swap3A_543 = vector.load %arg8[%swap3A_539, %swap3A_540, %swap3A_541, %swap3A_542] : memref<1x32x8x128xi32, #tpu.memory_space<vmem>>, vector<1x1x8x128xi32>
      %swap3A_544 = vector.shape_cast %swap3A_543 : vector<1x1x8x128xi32> to vector<8x128xi32>
      %swap3A_545 = vector.shape_cast %add3A_538 : vector<8x128xi32> to vector<1x1x8x128xi32>
      tpu.vector_store %arg8[%swap3A_539, %swap3A_540, %swap3A_541, %swap3A_542], %swap3A_545 {strides = array<i32>} : memref<1x32x8x128xi32, #tpu.memory_space<vmem>>, vector<1x1x8x128xi32>,
      %get3A_546 = arith.constant 26 : index
      %get3A_547 = arith.constant 0 : index
      %get3A_548 = arith.constant 0 : index
      %get3A_549 = vector.load %arg10[%get3A_546, %get3A_547, %get3A_548] : memref<32x8x128xi32, #tpu.memory_space<vmem>>, vector<1x8x128xi32>
      %get3A_550 = vector.shape_cast %get3A_549 : vector<1x8x128xi32> to vector<8x128xi32>
      %add3A_551 = vector.broadcast %mul3A_181 : i32 to vector<8x128xi32>
      %add3A_552 = arith.addi %get3A_550, %add3A_551 : vector<8x128xi32>
      %swap3A_553 = arith.constant 0 : index
      %swap3A_554 = arith.constant 26 : index
      %swap3A_555 = arith.constant 0 : index
      %swap3A_556 = arith.constant 0 : index
      %swap3A_557 = vector.load %arg8[%swap3A_553, %swap3A_554, %swap3A_555, %swap3A_556] : memref<1x32x8x128xi32, #tpu.memory_space<vmem>>, vector<1x1x8x128xi32>
      %swap3A_558 = vector.shape_cast %swap3A_557 : vector<1x1x8x128xi32> to vector<8x128xi32>
      %swap3A_559 = vector.shape_cast %add3A_552 : vector<8x128xi32> to vector<1x1x8x128xi32>
      tpu.vector_store %arg8[%swap3A_553, %swap3A_554, %swap3A_555, %swap3A_556], %swap3A_559 {strides = array<i32>} : memref<1x32x8x128xi32, #tpu.memory_space<vmem>>, vector<1x1x8x128xi32>,
      %get3A_560 = arith.constant 27 : index
      %get3A_561 = arith.constant 0 : index
      %get3A_562 = arith.constant 0 : index
      %get3A_563 = vector.load %arg10[%get3A_560, %get3A_561, %get3A_562] : memref<32x8x128xi32, #tpu.memory_space<vmem>>, vector<1x8x128xi32>
      %get3A_564 = vector.shape_cast %get3A_563 : vector<1x8x128xi32> to vector<8x128xi32>
      %add3A_565 = vector.broadcast %mul3A_181 : i32 to vector<8x128xi32>
      %add3A_566 = arith.addi %get3A_564, %add3A_565 : vector<8x128xi32>
      %swap3A_567 = arith.constant 0 : index
      %swap3A_568 = arith.constant 27 : index
      %swap3A_569 = arith.constant 0 : index
      %swap3A_570 = arith.constant 0 : index
      %swap3A_571 = vector.load %arg8[%swap3A_567, %swap3A_568, %swap3A_569, %swap3A_570] : memref<1x32x8x128xi32, #tpu.memory_space<vmem>>, vector<1x1x8x128xi32>
      %swap3A_572 = vector.shape_cast %swap3A_571 : vector<1x1x8x128xi32> to vector<8x128xi32>
      %swap3A_573 = vector.shape_cast %add3A_566 : vector<8x128xi32> to vector<1x1x8x128xi32>
      tpu.vector_store %arg8[%swap3A_567, %swap3A_568, %swap3A_569, %swap3A_570], %swap3A_573 {strides = array<i32>} : memref<1x32x8x128xi32, #tpu.memory_space<vmem>>, vector<1x1x8x128xi32>,
      %get3A_574 = arith.constant 28 : index
      %get3A_575 = arith.constant 0 : index
      %get3A_576 = arith.constant 0 : index
      %get3A_577 = vector.load %arg10[%get3A_574, %get3A_575, %get3A_576] : memref<32x8x128xi32, #tpu.memory_space<vmem>>, vector<1x8x128xi32>
      %get3A_578 = vector.shape_cast %get3A_577 : vector<1x8x128xi32> to vector<8x128xi32>
      %add3A_579 = vector.broadcast %mul3A_181 : i32 to vector<8x128xi32>
      %add3A_580 = arith.addi %get3A_578, %add3A_579 : vector<8x128xi32>
      %swap3A_581 = arith.constant 0 : index
      %swap3A_582 = arith.constant 28 : index
      %swap3A_583 = arith.constant 0 : index
      %swap3A_584 = arith.constant 0 : index
      %swap3A_585 = vector.load %arg8[%swap3A_581, %swap3A_582, %swap3A_583, %swap3A_584] : memref<1x32x8x128xi32, #tpu.memory_space<vmem>>, vector<1x1x8x128xi32>
      %swap3A_586 = vector.shape_cast %swap3A_585 : vector<1x1x8x128xi32> to vector<8x128xi32>
      %swap3A_587 = vector.shape_cast %add3A_580 : vector<8x128xi32> to vector<1x1x8x128xi32>
      tpu.vector_store %arg8[%swap3A_581, %swap3A_582, %swap3A_583, %swap3A_584], %swap3A_587 {strides = array<i32>} : memref<1x32x8x128xi32, #tpu.memory_space<vmem>>, vector<1x1x8x128xi32>,
      %get3A_588 = arith.constant 29 : index
      %get3A_589 = arith.constant 0 : index
      %get3A_590 = arith.constant 0 : index
      %get3A_591 = vector.load %arg10[%get3A_588, %get3A_589, %get3A_590] : memref<32x8x128xi32, #tpu.memory_space<vmem>>, vector<1x8x128xi32>
      %get3A_592 = vector.shape_cast %get3A_591 : vector<1x8x128xi32> to vector<8x128xi32>
      %add3A_593 = vector.broadcast %mul3A_181 : i32 to vector<8x128xi32>
      %add3A_594 = arith.addi %get3A_592, %add3A_593 : vector<8x128xi32>
      %swap3A_595 = arith.constant 0 : index
      %swap3A_596 = arith.constant 29 : index
      %swap3A_597 = arith.constant 0 : index
      %swap3A_598 = arith.constant 0 : index
      %swap3A_599 = vector.load %arg8[%swap3A_595, %swap3A_596, %swap3A_597, %swap3A_598] : memref<1x32x8x128xi32, #tpu.memory_space<vmem>>, vector<1x1x8x128xi32>
      %swap3A_600 = vector.shape_cast %swap3A_599 : vector<1x1x8x128xi32> to vector<8x128xi32>
      %swap3A_601 = vector.shape_cast %add3A_594 : vector<8x128xi32> to vector<1x1x8x128xi32>
      tpu.vector_store %arg8[%swap3A_595, %swap3A_596, %swap3A_597, %swap3A_598], %swap3A_601 {strides = array<i32>} : memref<1x32x8x128xi32, #tpu.memory_space<vmem>>, vector<1x1x8x128xi32>,
      %get3A_602 = arith.constant 30 : index
      %get3A_603 = arith.constant 0 : index
      %get3A_604 = arith.constant 0 : index
      %get3A_605 = vector.load %arg10[%get3A_602, %get3A_603, %get3A_604] : memref<32x8x128xi32, #tpu.memory_space<vmem>>, vector<1x8x128xi32>
      %get3A_606 = vector.shape_cast %get3A_605 : vector<1x8x128xi32> to vector<8x128xi32>
      %add3A_607 = vector.broadcast %mul3A_181 : i32 to vector<8x128xi32>
      %add3A_608 = arith.addi %get3A_606, %add3A_607 : vector<8x128xi32>
      %swap3A_609 = arith.constant 0 : index
      %swap3A_610 = arith.constant 30 : index
      %swap3A_611 = arith.constant 0 : index
      %swap3A_612 = arith.constant 0 : index
      %swap3A_613 = vector.load %arg8[%swap3A_609, %swap3A_610, %swap3A_611, %swap3A_612] : memref<1x32x8x128xi32, #tpu.memory_space<vmem>>, vector<1x1x8x128xi32>
      %swap3A_614 = vector.shape_cast %swap3A_613 : vector<1x1x8x128xi32> to vector<8x128xi32>
      %swap3A_615 = vector.shape_cast %add3A_608 : vector<8x128xi32> to vector<1x1x8x128xi32>
      tpu.vector_store %arg8[%swap3A_609, %swap3A_610, %swap3A_611, %swap3A_612], %swap3A_615 {strides = array<i32>} : memref<1x32x8x128xi32, #tpu.memory_space<vmem>>, vector<1x1x8x128xi32>,
      %get3A_616 = arith.constant 31 : index
      %get3A_617 = arith.constant 0 : index
      %get3A_618 = arith.constant 0 : index
      %get3A_619 = vector.load %arg10[%get3A_616, %get3A_617, %get3A_618] : memref<32x8x128xi32, #tpu.memory_space<vmem>>, vector<1x8x128xi32>
      %get3A_620 = vector.shape_cast %get3A_619 : vector<1x8x128xi32> to vector<8x128xi32>
      %add3A_621 = vector.broadcast %mul3A_181 : i32 to vector<8x128xi32>
      %add3A_622 = arith.addi %get3A_620, %add3A_621 : vector<8x128xi32>
      %swap3A_623 = arith.constant 0 : index
      %swap3A_624 = arith.constant 31 : index
      %swap3A_625 = arith.constant 0 : index
      %swap3A_626 = arith.constant 0 : index
      %swap3A_627 = vector.load %arg8[%swap3A_623, %swap3A_624, %swap3A_625, %swap3A_626] : memref<1x32x8x128xi32, #tpu.memory_space<vmem>>, vector<1x1x8x128xi32>
      %swap3A_628 = vector.shape_cast %swap3A_627 : vector<1x1x8x128xi32> to vector<8x128xi32>
      %swap3A_629 = vector.shape_cast %add3A_622 : vector<8x128xi32> to vector<1x1x8x128xi32>
      tpu.vector_store %arg8[%swap3A_623, %swap3A_624, %swap3A_625, %swap3A_626], %swap3A_629 {strides = array<i32>} : memref<1x32x8x128xi32, #tpu.memory_space<vmem>>, vector<1x1x8x128xi32>,
    } else {
    }
    return
  }
  func.func @transform_0(%arg0: i32, %arg1: i32) -> (i32, i32, i32) {
    %c0_i32 = arith.constant 0 : i32
    %c0_i32_0 = arith.constant 0 : i32
    return %arg0, %arg1, %c0_i32 : i32, i32, i32
  }
  func.func @transform_1(%arg0: i32, %arg1: i32) -> (i32, i32, i32, i32) {
    %c0_i32 = arith.constant 0 : i32
    %c0_i32_0 = arith.constant 0 : i32
    %c0_i32_1 = arith.constant 0 : i32
    return %arg0, %arg1, %c0_i32, %c0_i32_0 : i32, i32, i32, i32
  }
  func.func @transform_2(%arg0: i32, %arg1: i32) -> (i32, i32, i32) {
    %c0_i32 = arith.constant 0 : i32
    %c0_i32_0 = arith.constant 0 : i32
    %c0_i32_1 = arith.constant 0 : i32
    return %arg0, %c0_i32, %c0_i32_0 : i32, i32, i32
  }
  func.func @transform_3(%arg0: i32, %arg1: i32) -> (i32, i32, i32) {
    %c0_i32 = arith.constant 0 : i32
    %c0_i32_0 = arith.constant 0 : i32
    %c0_i32_1 = arith.constant 0 : i32
    return %arg0, %c0_i32, %c0_i32_0 : i32, i32, i32
  }
  func.func @transform_4(%arg0: i32, %arg1: i32) -> (i32, i32, i32) {
    %c0_i32 = arith.constant 0 : i32
    %c0_i32_0 = arith.constant 0 : i32
    %c0_i32_1 = arith.constant 0 : i32
    return %arg0, %c0_i32, %c0_i32_0 : i32, i32, i32
  }
  func.func @transform_5(%arg0: i32, %arg1: i32) -> (i32, i32, i32) {
    %c0_i32 = arith.constant 0 : i32
    %c0_i32_0 = arith.constant 0 : i32
    %c0_i32_1 = arith.constant 0 : i32
    return %arg0, %c0_i32, %c0_i32_0 : i32, i32, i32
  }
  func.func @transform_6(%arg0: i32, %arg1: i32) -> (i32, i32, i32, i32) {
    %c0_i32 = arith.constant 0 : i32
    %c0_i32_0 = arith.constant 0 : i32
    %c0_i32_1 = arith.constant 0 : i32
    %c0_i32_2 = arith.constant 0 : i32
    return %arg0, %c0_i32, %c0_i32_0, %c0_i32_1 : i32, i32, i32, i32
  }
}

</mosaic_0001>

<sc_bundles>
// kernel: kernel.5.cloned.1.call-start
scs
__scs_entry_jumppad:
0x0: {  	(pc) =	sbr.rel $0x88, $3  }
0x1: {  	(tag) =	ssettag $0x0;
	lr =	simm.s32 $0x1  }
0x2: {  	[smem:$0x3F9F] =	sst lr;
	_ =	strace $0xD0000000  }
0x3: {  	_ = 	snop  }
0x4: {  	_ = 	snop  }
0x5: {  	_ = 	snop  }
0x6: {  	_ = 	snop  }
0x7: {  	_ = 	snop  }
__scs_overlays_trampoline_lowered:
0x8: {  	[smem:$0x3FAE] =	sst s0  }
0x9: {  	[smem:$0x3FAF] =	sst s1  }
0xa: {  	[smem:$0x3FB0] =	sst s2  }
0xb: {  	[smem:$0x3FB1] =	sst s3  }
0xc: {  	[smem:$0x3FB2] =	sst s4  }
0xd: {  	[smem:$0x3FB3] =	sst s5  }
0xe: {  	[smem:$0x3FB4] =	sst s6  }
0xf: {  	[smem:$0x3FB5] =	sst s7  }
0x10: {  	[smem:$0x3FB6] =	sst s8  }
0x11: {  	[smem:$0x3FB7] =	sst s9;
	s0 =	simm.s32 @!p0 $0x0  }
0x12: {  	s1 =	sld [smem:$0x3F9D];
	s0 =	simm.s32 @p0 $0x1  }
0x13: {  	[smem:$0x3FB8] =	sst s0;
	s0 =	simm.s32 @!p1 $0x0  }
0x14: {  	s2 =	sld [smem:$0x3F9C];
	s0 =	simm.s32 @p1 $0x1  }
0x15: {  	[smem:$0x3FB9] =	sst s0;
	s0 =	simm.s32 @!p2 $0x0  }
0x16: {  	s3 =	sld [smem:$0x3FDB];
	s0 =	simm.s32 @p2 $0x1  }
0x17: {  	s4 =	simm.s32 $0x1BF5;
	[smem:$0x3FBB] =	sst s0  }
0x18: {  	s0 =	sld [smem:$0x3F9E];
	_ =	swait.ge [sflag:s4], $0x0  }
0x19: {  	s7 =	sld [smem:$0x3F9F]  }
0x1a: {  	s8 =	sadd.s32 $0xFFFFE003, lr  }
0x1b: {  	s9 =	sadd.s32 $0xFFFFFEF7, lr;
	s5 =	simm.s32 $0xFFFFFFFF;
	p2 =	slt.u32 s8, $0xFFFFF086  }
0x1c: {  	p1 =	slt.u32 s9, $0xF7A;
	s5 =	simm.s32 @!p2 $0x0  }
0x1d: {  	s5 =	simm.s32 @p1 $0x1;
	p0 =	seq.s32 s7, s2  }
0x1e: {  	s7 =	smul.u32 @!p0 $0xF7A, s2;
	p2 =	seq.s32 @!p0 s5, $0x0  }
0x1f: {  	s9 =	smul.u32 $0xF7A, s1;
	s8 =	simm.s32 @!p0 $0x1BF5;
	p2 =	por !p2, p0  }
0x20: {  	[sflag:s8] =	ssyncset.s32 @!p0 $0xFFFFF086;
	s6 =	sadd.s32 @!p0 s3, s7;
	s7 =	simm.s32 @!p0 $0x108  }
0x21: {  	s3 =	sadd.s32 s3, s9;
	s6 =	sadd.s32 @!p0 $0x88, s6;
	s7 =	simm.s32 @p2 $0x1082  }
0x22: {  	[simem:s7], [sflag:s8] =	dma.local @!p0 [hbm:s6], $0xF7A  }
0x23: {  	s9 =	sor.u32 $0xD0000000, s2;
	s6 =	simm.s32 $0x108;
	_ =	swait.ge @!p0 [sflag:s8], $0x0  }
0x24: {  	s3 =	sadd.s32 $0x88, s3;
	s6 =	simm.s32 @!p1 $0x1082;
	[sflag:s4] =	ssyncset.s32 $0xFFFFF086  }
0x25: {  	[simem:s6], [sflag:s4] =	dma.local [hbm:s3], $0xF7A  }
0x26: {  	[smem:$0x3F9F] =	sst s1;
	(tag) =	ssettag s2;
	_ =	strace s9  }
0x27: {  	s1 =	sld [smem:$0x3FAF]  }
0x28: {  	s2 =	sld [smem:$0x3FB0]  }
0x29: {  	s4 =	sld [smem:$0x3FB2]  }
0x2a: {  	p0 =	seq.s32 s5, $0x0;
	s5 =	sld [smem:$0x3FB3]  }
0x2b: {  	s6 =	sld [smem:$0x3FB4]  }
0x2c: {  	s7 =	sld [smem:$0x3FB5]  }
0x2d: {  	s3 =	simm.s32 $0x108;
	s8 =	sld [smem:$0x3FB6]  }
0x2e: {  	s3 =	simm.s32 @!p0 $0x1082;
	s9 =	sld [smem:$0x3FB7]  }
0x2f: {  	lr =	sadd.s32 s0, s3;
	s0 =	sld [smem:$0x3FAE]  }
0x30: {  	s3 =	sld [smem:$0x3FB1]  }
0x31: {  	[smem:$0x3FBA] =	sst s10  }
0x32: {  	s10 =	sld [smem:$0x3FB8];
	_ =	sdelay $0x3  }
0x33: {  	p0 =	seq.s32 s10, $0x1;
	s10 =	sld [smem:$0x3FBA];
	_ =	sdelay $0x3  }
0x34: {  	[smem:$0x3FBA] =	sst s10  }
0x35: {  	s10 =	sld [smem:$0x3FB9];
	_ =	sdelay $0x3  }
0x36: {  	p1 =	seq.s32 s10, $0x1;
	s10 =	sld [smem:$0x3FBA];
	_ =	sdelay $0x3  }
0x37: {  	[smem:$0x3FBA] =	sst s10  }
0x38: {  	s10 =	sld [smem:$0x3FBB]  }
0x39: {  	_ = 	snop;
	(pc) =	sbr.ind lr, $3  }
0x3a: {  	_ = 	snop  }
0x3b: {  	_ = 	snop  }
0x3c: {  	p2 =	seq.s32 s10, $0x1;
	s10 =	sld [smem:$0x3FBA]  }
0x3d: {  	_ =	shalt  }
0x3e: {  	_ =	shalt  }
0x3f: {  	_ =	shalt  }
0x40: {  	_ =	shalt  }
0x41: {  	_ =	shalt  }
0x42: {  	_ =	shalt  }
0x43: {  	_ =	shalt  }
0x44: {  	_ =	shalt  }
0x45: {  	_ =	shalt  }
0x46: {  	_ =	shalt  }
0x47: {  	_ =	shalt  }
0x48: {  	_ =	shalt  }
0x49: {  	_ =	shalt  }
0x4a: {  	_ =	shalt  }
0x4b: {  	_ =	shalt  }
0x4c: {  	_ =	shalt  }
0x4d: {  	_ =	shalt  }
0x4e: {  	_ =	shalt  }
0x4f: {  	_ =	shalt  }
0x50: {  	_ =	shalt  }
0x51: {  	_ =	shalt  }
0x52: {  	_ =	shalt  }
0x53: {  	_ =	shalt  }
0x54: {  	_ =	shalt  }
0x55: {  	_ =	shalt  }
0x56: {  	_ =	shalt  }
0x57: {  	_ =	shalt  }
0x58: {  	_ =	shalt  }
0x59: {  	_ =	shalt  }
0x5a: {  	_ =	shalt  }
0x5b: {  	_ =	shalt  }
0x5c: {  	_ =	shalt  }
0x5d: {  	_ =	shalt  }
0x5e: {  	_ =	shalt  }
0x5f: {  	_ =	shalt  }
0x60: {  	_ =	shalt  }
0x61: {  	_ =	shalt  }
0x62: {  	_ =	shalt  }
0x63: {  	_ =	shalt  }
0x64: {  	_ =	shalt  }
0x65: {  	_ =	shalt  }
0x66: {  	_ =	shalt  }
0x67: {  	_ =	shalt  }
0x68: {  	_ =	shalt  }
0x69: {  	_ =	shalt  }
0x6a: {  	_ =	shalt  }
0x6b: {  	_ =	shalt  }
0x6c: {  	_ =	shalt  }
0x6d: {  	_ =	shalt  }
0x6e: {  	_ =	shalt  }
0x6f: {  	_ =	shalt  }
0x70: {  	_ =	shalt  }
0x71: {  	_ =	shalt  }
0x72: {  	_ =	shalt  }
0x73: {  	_ =	shalt  }
0x74: {  	_ =	shalt  }
0x75: {  	_ =	shalt  }
0x76: {  	_ =	shalt  }
0x77: {  	_ =	shalt  }
0x78: {  	_ =	shalt  }
0x79: {  	_ =	shalt  }
0x7a: {  	_ =	shalt  }
0x7b: {  	_ =	shalt  }
0x7c: {  	_ =	shalt  }
0x7d: {  	_ =	shalt  }
0x7e: {  	_ =	shalt  }
0x7f: {  	_ =	shalt  }
0x80: {  	_ =	shalt  }
0x81: {  	_ =	shalt  }
0x82: {  	_ =	shalt  }
0x83: {  	_ =	shalt  }
0x84: {  	_ =	shalt  }
0x85: {  	_ =	shalt  }
0x86: {  	_ =	shalt  }
0x87: {  	_ =	shalt  }
.Lfunc_end0:
.L_simem_size_0:
called_computation.2_lowered:
.L_overlay_start_0:
0x88: {  	s2 =	sld [smem:$0x3FD9]  }
0x89: {  	s3 =	sld [smem:$0x3FFE];
	_ =	sdelay $0x1  }
0x8a: {  	s1 =	srdreg.scid  }
0x8b: {  	s0 =	sand.u32 $0x1, s1  }
0x8c: {  	s14 =	sshll.u32 s0, $0xA;
	s2 =	sadd.s32 s3, s2  }
0x8d: {  	s2 =	sadd.s32 s2, s14  }
0x8e: {  	[smem:$0x3FC6] =	sst s2  }
0x8f: {  	_ = 	snop  }
0x90: {  	s2 =	sld [smem:$0x3FD0];
	_ =	sdelay $0x2  }
0x91: {  	s15 =	simm.s32 $0xA;
	s4 =	simm.s32 $0x10  }
0x92: {  	[smem:s4], [sflag:s15] =	dma.local [hbm:s2], $0x1  }
0x93: {  	_ =	swait.eq [sflag:s15], $0x1  }
0x94: {  	[sflag:s15] =	ssyncset.done $0x0  }
0x95: {  	[sflag:s15] =	ssyncadd.s32 $0xFFFFFFFF  }
0x96: {  	s16 =	sld [smem:$0x11];
	(tm) =	ssettm $0x1  }
0x97: {  	s17 =	sld [smem:$0x3FFB];
	_ =	sdelay $0x3  }
0x98: {  	_ =	strace s17  }
0x99: {  	s3 =	sld [smem:$0x3FFC];
	_ =	sdelay $0x3  }
0x9a: {  	_ =	strace s3  }
0x9b: {  	s3 =	sld [smem:$0x3FFD];
	_ =	sdelay $0x3  }
0x9c: {  	_ =	strace s3  }
0x9d: {  	_ =	strace $0x8FFFFFFF  }
0x9e: {  	s18 =	sld [smem:$0x3FDB];
	_ =	sdelay $0x1  }
0x9f: {  	s19 =	simm.s32 $_scs_section_size  }
0xa0: {  	s5 =	simm.s32 $_size__tile_overlayer_lowered;
	s6 =	simm.s32 $_tile_overlayer_lowered  }
0xa1: {  	s22 =	simm.s32 $0x1BFF;
	s21 =	sshll.u32 s6, $0x1;
	s3 =	sadd.s32 s19, s18  }
0xa2: {  	s7 =	simm.s32 $0x0;
	s20 =	sshll.u32 s5, $0x1;
	s5 =	sadd.s32 s21, s3  }
0xa3: {  	[timem:s7], [sflag:s22] =	dma.local [hbm:s5], s20  }
0xa4: {  	_ =	swait.ge [sflag:s22], s20  }
0xa5: {  	s4 =	ssub.s32 $0x0, s20;
	[sflag:s22] =	ssyncset.done $0x0  }
0xa6: {  	[sflag:s22] =	ssyncadd.s32 s4;
	_ =	sdelay $0x1  }
0xa7: {  	s23 =	simm.s32 $0x1B8B  }
0xa8: {  	_ =	swait.ge [sflag:s23], $0x1  }
0xa9: {  	[sflag:s23] =	ssyncset.done $0x0  }
0xaa: {  	s25 =	simm.s32 $0x1B8E;
	s24 =	sld [smem:$0x3FFE];
	[sflag:s23] =	ssyncadd.s32 $0xFFFFFFFF  }
0xab: {  	s26 =	simm.s32 $execute0_lowered;
	[smem:$0x3FD2] =	sst s25  }
0xac: {  	s5 =	sshll.u32 s26, $0x1;
	_ =	strace $0x80000049;
	[dreg:$0x1] =	wrdreg $0xFFFFFFFF  }
0xad: {  	s28 =	simm.s32 $_size_execute0_lowered;
	s3 =	sadd.s32 s3, s5;
	[dreg:$0x0] =	wrdreg $0x0  }
0xae: {  	s5 =	sshll.u32 s28, $0x1;
	[dreg:$0x2] =	wrdreg s3  }
0xaf: {  	[dreg:$0x3] =	wrdreg s5  }
0xb0: {  	[dreg:$0x4] =	wrdreg $0xC0  }
0xb1: {  	_ =	task [dreg:s7], $0x5FFFF  }
0xb2: {  	[dreg:$0x1] =	wrdreg $0xFFFFFFFF  }
0xb3: {  	[dreg:$0x0] =	wrdreg $0x60  }
0xb4: {  	[dreg:$0x2] =	wrdreg s24  }
0xb5: {  	[dreg:$0x3] =	wrdreg s16  }
0xb6: {  	[dreg:$0x4] =	wrdreg $0x9  }
0xb7: {  	_ =	task.clear_ibuf [dreg:s7], $0x5FFFF;
	_ =	strace $0x90000049  }
0xb8: {  	s29 =	simm.s32 $0x9;
	_ =	strace $0x8000004B  }
0xb9: {  	_ =	swait.ge [sflag:s29], $0x1  }
0xba: {  	[sflag:s29] =	ssyncadd.s32 $0xFFFFFFFF  }
0xbb: {  	_ =	strace $0x9000004B  }
0xbc: {  	_ =	sfence  }
0xbd: {  	s30 =	sld [smem:$0x0];
	_ =	sdelay $0x2  }
0xbe: {  	s31 =	sshll.u32 s1, $0xD;
	s1 =	sshrl.u32 s1, $0x2  }
0xbf: {  	s3 =	sand.u32 $0x4000, s31;
	s1 =	sadd.s32 s1, s30  }
0xc0: {  	s0 =	sor.u32 s3, s0;
	s1 =	sshll.u32 s1, $0x11  }
0xc1: {  	s0 =	sor.u32 s1, s0  }
0xc2: {  	s0 =	sadd.s32 $0x8F2B, s0  }
0xc3: {  	[sflag:s0] =	ssyncadd.remote.s32 $0x1  }
0xc4: {  	_ =	sfence.sel $0xFFFF  }
0xc5: {  	[dreg:$0x0] =	wrdreg $0xFFFFFFFF;
	(pc) =	sbr.abs _section_cstart, $3  }
0xc6: {  	[dreg:$0x1] =	wrdreg $0xFFFFFFFF  }
0xc7: {  	_ =	task.clear_ibuf [dreg:s7], $0x2FFFF;
	_ =	strace $0x9FFFFFFF  }
0xc8: {  	(tm) =	ssettm $0x7FFFFFFF  }
0xc9: {  	_ =	shalt  }
tec
execute0_lowered:
.L_overlay_start_1:
0x0: {  	(tag) =	ssettag $0x1  }
0x1: {  	s4 =	rddreg [dreg:$0x0]  }
0x2: {  	s0 =	stileid.u32;
	s1 =	srdreg.scid  }
0x3: {  	s6 =	rddreg [dreg:$0x1];
	s5 =	smul.u32 $0x21000, s0  }
0x4: {  	s2 =	simm.s32 $0x0;
	s3 =	sand.u32 $0x1, s1;
	s8 =	smul.u32 $0x2100, s0  }
0x5: {  	s11 =	simm.s32 $0x0;
	s1 =	rddreg [dreg:$0x2];
	s7 =	smul.u32 $0x10800, s3  }
0x6: {  	[smem:$0x7FF] =	sst s2;
	s9 =	ssub.s32 $0x2, s3;
	s10 =	smul.u32 $0x1080, s3  }
0x7: {  	s3 =	sadd.s32 $0x2000, s4;
	s4 =	sadd.s32 s5, s4;
	s30 =	sshrl.u32 s9, $0x1  }
0x8: {  	_ =	strace $0x8000004A;
	s5 =	ssub.s32 s9, s30;
	s7 =	sadd.s32 s7, s4  }
0x9: {  	s8 =	sadd.s32 s10, s8;
	s9 =	simm.s32 $0x280;
	s10 =	simm.s32 $0x1  }
0xa: {  	s4 =	smax.u32 s5, $0x1;
	s5 =	sadd.s32 $0x202200, s7;
	s31 =	sshrl.u32 s8, $0x3  }
0xb: {  	s7 =	simm.s32 $0x2;
	s8 =	simm.s32 $0x210;
	s6 =	sadd.s32 s31, s6  }
.LBB2_1:
0xc: {  	s12 =	sadd.s32 $0x0, s6  }
0xd: {  	[tilespmem:s2], [sflag:$0x2] =	stream.linear.gather [hbm4b:s12+s2], $0x210, $0x38;
	[tilespmem:$0x10A80] =	vst v63  }
0xe: {  	_ =	swait.ge [sflag:s7], $0x210  }
0xf: {  	[sflag:s7] =	ssyncset.done $0x0  }
0x10: {  	[sflag:s7] =	ssyncadd.s32 $0xFFFFFDF0  }
0x11: {  	[tilespmem:s9], [sflag:$0x1] =	stream.indirect.gather [hbm4b:s3+s8], $0x80, s2, s8, $0xb8;
	[tilespmem:$0x10A80] =	vst v63  }
0x12: {  	_ =	swait.ge [sflag:s10], $0x10800  }
0x13: {  	[sflag:s10] =	ssyncset.done $0x0  }
0x14: {  	[sflag:s10] =	ssyncadd.s32 $0xFFFEF800  }
0x15: {  	[hbm4b:s5+s2] =	stream.linear.scatter [tilespmem:s9], [sflag:$0x2], $0x10800, $0x38;
	[tilespmem:$0x10A80] =	vst v63  }
0x16: {  	s13 =	simm.s32 $0x42;
	_ =	swait.ge [sflag:s7], $0x10800  }
0x17: {  	s14 =	simm.s32 $0x84;
	s12 =	sadd.s32 $0x2100, s5;
	[sflag:s7] =	ssyncset.done $0x0  }
.LBB2_2:
0x18: {  	s15 =	sadd.s32 s13, s6  }
0x19: {  	[sflag:s7] =	ssyncadd.s32 $0xFFFEF800;
	s13 =	smov.u32 s14;
	s16 =	sadd.s32 $0x42, s14  }
0x1a: {  	[tilespmem:s2], [sflag:$0x2] =	stream.linear.gather [hbm4b:s15+s2], $0x210, $0x38;
	[tilespmem:$0x10A80] =	vst v63  }
0x1b: {  	p0 =	sne.s32 s14, $0x1CE;
	_ =	swait.ge [sflag:s7], $0x210  }
0x1c: {  	[sflag:s7] =	ssyncset.done $0x0  }
0x1d: {  	[sflag:s7] =	ssyncadd.s32 $0xFFFFFDF0  }
0x1e: {  	[tilespmem:s9], [sflag:$0x1] =	stream.indirect.gather [hbm4b:s3+s8], $0x80, s2, s8, $0xb8;
	[tilespmem:$0x10A80] =	vst v63  }
0x1f: {  	_ =	swait.ge [sflag:s10], $0x10800  }
.Ltmp0:
0x20: {  	[sflag:s10] =	ssyncset.done $0x0;
	(pc) =	sbr.rel @p0 .LBB2_2-.Ltmp0, $4  }
0x21: {  	[sflag:s10] =	ssyncadd.s32 $0xFFFEF800  }
0x22: {  	[hbm4b:s12+s2] =	stream.linear.scatter [tilespmem:s9], [sflag:$0x2], $0x10800, $0x38;
	[tilespmem:$0x10A80] =	vst v63  }
0x23: {  	_ =	swait.ge [sflag:s7], $0x10800  }
0x24: {  	s14 =	smov.u32 s16;
	s12 =	sadd.s32 $0x2100, s12;
	[sflag:s7] =	ssyncset.done $0x0  }
0x25: {  	s13 =	sadd.s32 s13, s6;
	[sflag:s7] =	ssyncadd.s32 $0xFFFEF800  }
0x26: {  	[tilespmem:s2], [sflag:$0x2] =	stream.linear.gather [hbm4b:s13+s2], $0x210, $0x38;
	[tilespmem:$0x10A80] =	vst v63  }
0x27: {  	_ =	swait.ge [sflag:s7], $0x210  }
0x28: {  	[sflag:s7] =	ssyncset.done $0x0  }
0x29: {  	[sflag:s7] =	ssyncadd.s32 $0xFFFFFDF0  }
0x2a: {  	[tilespmem:s9], [sflag:$0x1] =	stream.indirect.gather [hbm4b:s3+s8], $0x80, s2, s8, $0xb8;
	[tilespmem:$0x10A80] =	vst v63  }
0x2b: {  	s11 =	sadd.s32 $0x1, s11;
	_ =	swait.ge [sflag:s10], $0x10800  }
0x2c: {  	p0 =	sne.s32 s11, s4;
	[sflag:s10] =	ssyncset.done $0x0  }
.Ltmp1:
0x2d: {  	[sflag:s10] =	ssyncadd.s32 $0xFFFEF800;
	(pc) =	sbr.rel @p0 .LBB2_1-.Ltmp1, $4  }
0x2e: {  	[hbm4b:s12+s2] =	stream.linear.scatter [tilespmem:s9], [sflag:$0x2], $0x10800, $0x38;
	[tilespmem:$0x10A80] =	vst v63  }
0x2f: {  	_ =	swait.ge [sflag:s7], $0x10800  }
0x30: {  	[sflag:s7] =	ssyncset.done $0x0  }
0x31: {  	[sflag:s7] =	ssyncadd.s32 $0xFFFEF800  }
0x32: {  	_ =	sfence.sel $0x180000  }
0x33: {  	[bflag:$0x0] =	sbarrier.arrive $0xFFFF  }
0x34: {  	p0 =	sne.s32 s0, $0x0;
	_ =	strace $0x9000004A  }
0x35: {  	s0 =	sadd.s32 @!p0 $0x100000, s1;
	[bflag:$0x2] =	sbarrier.arrive $0xFFFF  }
0x36: {  	[sflag:s0] =	ssyncadd.tile.s32 @!p0 $0x1;
	_ =	shalt  }
.Lfunc_end2:
_tile_overlayer_lowered:
.L_overlay_start_2:
0x37: {  	(tag) =	ssettag $0x2  }
0x38: {  	s0 =	rddreg [dreg:$0x0];
	s2 =	stileid.u32  }
0x39: {  	s1 =	rddreg [dreg:$0x1];
	p0 =	sne.s32 s2, $0x0  }
0x3a: {  	s3 =	rddreg [dreg:$0x2];
	[bflag:$0x3] =	sbarrier.arrive $0xFFFF;
	s2 =	simm.s32 @!p0 $0x1C02  }
0x3b: {  	[timem:s3], [sflag:s2] =	dma.local @!p0 [hbm:s0], s1  }
0x3c: {  	s0 =	simm.s32 @!p0 $0x2  }
0x3d: {  	_ =	swait.ge @!p0 [sflag:s0], s1  }
0x3e: {  	s1 =	ssub.s32 @!p0 $0x0, s1;
	[sflag:s0] =	ssyncset.done @!p0 $0x0  }
0x3f: {  	[sflag:s0] =	ssyncadd.s32 @!p0 s1  }
0x40: {  	[bflag:$0x3] =	sbarrier.arrive $0xFFFF  }
0x41: {  	_ =	shalt  }

// kernel: sparse-core-data-format-call.1.cloned.1.call-start
scs
called_computation.1_lowered:
.L_overlay_start_0:
0x0: {  	s2 =	sld [smem:$0x3FD9]  }
0x1: {  	s3 =	sld [smem:$0x3FFE];
	_ =	sdelay $0x1  }
0x2: {  	s1 =	srdreg.scid  }
0x3: {  	s0 =	sand.u32 $0x1, s1  }
0x4: {  	s15 =	sshll.u32 s0, $0xA;
	s2 =	sadd.s32 s3, s2  }
0x5: {  	s2 =	sadd.s32 s2, s15  }
0x6: {  	[smem:$0x3FC6] =	sst s2  }
0x7: {  	_ = 	snop  }
0x8: {  	s2 =	sld [smem:$0x3FD0];
	_ =	sdelay $0x2  }
0x9: {  	s16 =	simm.s32 $0xA;
	s4 =	simm.s32 $0x10  }
0xa: {  	[smem:s4], [sflag:s16] =	dma.local [hbm:s2], $0x1  }
0xb: {  	_ =	swait.eq [sflag:s16], $0x1  }
0xc: {  	[sflag:s16] =	ssyncset.done $0x0  }
0xd: {  	[sflag:s16] =	ssyncadd.s32 $0xFFFFFFFF  }
0xe: {  	s17 =	sld [smem:$0x13];
	(tm) =	ssettm $0x1  }
0xf: {  	s18 =	sld [smem:$0x3FFB];
	_ =	sdelay $0x3  }
0x10: {  	_ =	strace s18  }
0x11: {  	s3 =	sld [smem:$0x3FFC];
	_ =	sdelay $0x3  }
0x12: {  	_ =	strace s3  }
0x13: {  	s3 =	sld [smem:$0x3FFD];
	_ =	sdelay $0x3  }
0x14: {  	_ =	strace s3  }
0x15: {  	_ =	strace $0x8FFFFFFF  }
0x16: {  	s19 =	sld [smem:$0x3FDB];
	_ =	sdelay $0x1  }
0x17: {  	s20 =	simm.s32 $_scs_section_size  }
0x18: {  	s5 =	simm.s32 $_size__tile_overlayer_lowered;
	s6 =	simm.s32 $_tile_overlayer_lowered  }
0x19: {  	s23 =	simm.s32 $0x1BFF;
	s22 =	sshll.u32 s6, $0x1;
	s3 =	sadd.s32 s20, s19  }
0x1a: {  	s7 =	simm.s32 $0x0;
	s21 =	sshll.u32 s5, $0x1;
	s5 =	sadd.s32 s22, s3  }
0x1b: {  	[timem:s7], [sflag:s23] =	dma.local [hbm:s5], s21  }
0x1c: {  	_ =	swait.ge [sflag:s23], s21  }
0x1d: {  	s4 =	ssub.s32 $0x0, s21;
	[sflag:s23] =	ssyncset.done $0x0  }
0x1e: {  	[sflag:s23] =	ssyncadd.s32 s4;
	_ =	sdelay $0x1  }
0x1f: {  	s24 =	simm.s32 $0x1B8B  }
0x20: {  	_ =	swait.ge [sflag:s24], $0x1  }
0x21: {  	[sflag:s24] =	ssyncset.done $0x0  }
0x22: {  	s26 =	simm.s32 $0x1B8E;
	s25 =	sld [smem:$0x3FFE];
	[sflag:s24] =	ssyncadd.s32 $0xFFFFFFFF  }
0x23: {  	s27 =	simm.s32 $execute0_lowered;
	[smem:$0x3FD2] =	sst s26  }
0x24: {  	s5 =	sshll.u32 s27, $0x1;
	_ =	strace $0x80000046;
	[dreg:$0x1] =	wrdreg $0xFFFFFFFF  }
0x25: {  	s28 =	simm.s32 $_size_execute0_lowered;
	s3 =	sadd.s32 s3, s5;
	[dreg:$0x0] =	wrdreg $0x0  }
0x26: {  	s5 =	sshll.u32 s28, $0x1;
	[dreg:$0x2] =	wrdreg s3  }
0x27: {  	[dreg:$0x3] =	wrdreg s5  }
0x28: {  	[dreg:$0x4] =	wrdreg $0xC0  }
0x29: {  	_ =	task [dreg:s7], $0x5FFFF  }
0x2a: {  	[dreg:$0x1] =	wrdreg $0xFFFFFFFF  }
0x2b: {  	[dreg:$0x0] =	wrdreg $0x60  }
0x2c: {  	[dreg:$0x2] =	wrdreg s17  }
0x2d: {  	[dreg:$0x3] =	wrdreg s25  }
0x2e: {  	[dreg:$0x4] =	wrdreg $0x9  }
0x2f: {  	_ =	task.clear_ibuf [dreg:s7], $0x5FFFF;
	_ =	strace $0x90000046  }
0x30: {  	s29 =	simm.s32 $0x9;
	_ =	strace $0x80000048  }
0x31: {  	_ =	swait.ge [sflag:s29], $0x1  }
0x32: {  	[sflag:s29] =	ssyncadd.s32 $0xFFFFFFFF  }
0x33: {  	_ =	strace $0x90000048  }
0x34: {  	_ =	sfence  }
0x35: {  	s30 =	sld [smem:$0x0];
	_ =	sdelay $0x2  }
0x36: {  	s31 =	sshll.u32 s1, $0xD;
	s1 =	sshrl.u32 s1, $0x2  }
0x37: {  	s3 =	sand.u32 $0x4000, s31;
	s1 =	sadd.s32 s1, s30  }
0x38: {  	s0 =	sor.u32 s3, s0;
	s1 =	sshll.u32 s1, $0x11  }
0x39: {  	s0 =	sor.u32 s1, s0  }
0x3a: {  	s0 =	sadd.s32 $0x8F2B, s0  }
0x3b: {  	[sflag:s0] =	ssyncadd.remote.s32 $0x1  }
0x3c: {  	_ =	sfence.sel $0xFFFF  }
0x3d: {  	[dreg:$0x0] =	wrdreg $0xFFFFFFFF;
	(pc) =	sbr.abs _section_cstart, $3  }
0x3e: {  	[dreg:$0x1] =	wrdreg $0xFFFFFFFF  }
0x3f: {  	_ =	task.clear_ibuf [dreg:s7], $0x2FFFF;
	_ =	strace $0x9FFFFFFF  }
0x40: {  	(tm) =	ssettm $0x7FFFFFFF  }
0x41: {  	_ =	shalt  }
tec
execute0_lowered:
.L_overlay_start_1:
0x0: {  	(tag) =	ssettag $0x1  }
0x1: {  	s0 =	stileid.u32  }
0x2: {  	s1 =	srdreg.scid;
	s2 =	rddreg [dreg:$0x0]  }
0x3: {  	s4 =	rddreg [dreg:$0x1];
	s7 =	simm.s32 $0x1;
	s8 =	simm.s32 $0x2  }
0x4: {  	s15 =	simm.s32 $0x0;
	s3 =	sshll.u32 s0, $0x5;
	s1 =	sshll.u32 s1, $0x9  }
0x5: {  	s13 =	simm.s32 $0x0;
	s14 =	simm.s32 $0x0;
	s1 =	sor.u32 s3, s1  }
0x6: {  	s10 =	simm.s32 $0x0;
	s12 =	simm.s32 $0x0;
	s3 =	sand.u32 $0x380, s1  }
0x7: {  	s4 =	sadd.s32 $0x2000, s4;
	s1 =	rddreg [dreg:$0x2];
	s6 =	ssub.s32 $0x4000, s3  }
.Ltmp0:
0x8: {  	_ =	strace $0x80000047;
	s5 =	sand.u32 $0x380, s6;
	(pc) =	sbr.rel .LBB1_1-.Ltmp0, $4  }
0x9: {  	s9 =	smov.u32 s3;
	p0 =	sne.s32 s5, $0x0;
	s5 =	simm.s32 $0x1  }
0xa: {  	s6 =	sshrl.u32 s6, $0xA;
	s7 =	simm.s32 @!p0 $0x0;
	[sflag:s5] =	ssyncpa.u1 $0x0  }
0xb: {  	p0 =	por $0x0, $0x0;
	s6 =	sadd.s32 s7, s6;
	s7 =	sand.u32 $0x3, s0  }
0xc: {  	[sflag:s8] =	ssyncpa.u1 $0x0;
	s8 =	sadd.s32 $0x1, s6;
	s11 =	smov.u32 s7  }
.LBB1_4:
0xd: {  	v5 =	vld [tilespmem:s19+$0xFFFFFFD0];
	[tilespmem:s18+$0x2040 ss:$0x81] =	vst.msk $0xffff, v1  }
0xe: {  	v58 =	vld [tilespmem:s19+$0xFFFFFFE0];
	[tilespmem:s18+$0x2850 ss:$0x81] =	vst.msk $0xffff, v2  }
0xf: {  	s20 =	sshra.s32 s20, $0x2;
	v59 =	vld [tilespmem:s19+$0xFFFFFFF0];
	[tilespmem:s18+$0x3060 ss:$0x81] =	vst.msk $0xffff, v3  }
0x10: {  	v60 =	vld [tilespmem:s19+$0x0];
	[tilespmem:s18+$0x0 ss:$0x81] =	vst.msk $0xffff, v0;
	s17 =	sadd.s32 s20, s17  }
0x11: {  	v61 =	vld [tilespmem:s19+$0x10];
	[tilespmem:s17+$0x3870 ss:$0x81] =	vst.msk $0xffff, v4  }
0x12: {  	v62 =	vld [tilespmem:s19+$0x20];
	s15 =	sshll.u32 s15, $0x7;
	s28 =	sshll.u32 s13, $0x3;
	[tilespmem:s17+$0x810 ss:$0x81] =	vst.msk $0xffff, v5  }
0x13: {  	v63 =	vld [tilespmem:s19+$0xFFFFFFC0];
	s29 =	sand.u32 $0x1FFC00, s15;
	s18 =	sand.u32 $0x1FFC00, s28;
	[tilespmem:s17+$0x1020 ss:$0x81] =	vst.msk $0xffff, v58  }
0x14: {  	s15 =	sand.u32 $0x380, s15;
	s18 =	sadd.s32 s18, s29;
	[tilespmem:s17+$0x1830 ss:$0x81] =	vst.msk $0xffff, v59  }
0x15: {  	s14 =	sshll.u32 s14, $0x12;
	s30 =	sshrl.u32 s13, $0x3;
	s15 =	sor.u32 s15, s18;
	[tilespmem:s17+$0x2040 ss:$0x81] =	vst.msk $0xffff, v60  }
0x16: {  	s14 =	sadd.s32 s4, s14;
	s18 =	sand.u32 $0xF, s30;
	s15 =	sshrl.u32 s15, $0x3;
	[tilespmem:s17+$0x2850 ss:$0x81] =	vst.msk $0xffff, v61  }
0x17: {  	s14 =	sadd.s32 s18, s14;
	[tilespmem:s17+$0x3060 ss:$0x81] =	vst.msk $0xffff, v62;
	s15 =	sand.u32 $0x3FFF0, s15  }
0x18: {  	s31 =	sand.u32 $0x7, s13;
	[tilespmem:s17+$0x0 ss:$0x81] =	vst.msk $0xffff, v63;
	s14 =	sadd.s32 s15, s14  }
0x19: {  	[hbm4b:s14+s31] =	stream.linear.scatter [tilespmem:s16], [sflag:$0x2], $0x4000, $0x20;
	[tilespmem:$0x10100] =	vst v63  }
.LBB1_5:
0x1a: {  	s16 =	sadd.s32 $0x400, s9  }
0x1b: {  	s13 =	sadd.s32 $0x80, s10;
	s17 =	smov.u32 s10;
	p2 =	sgt.s32 s16, $0x3FFF  }
0x1c: {  	s17 =	smov.u32 @p2 s13  }
0x1d: {  	s19 =	smov.u32 s11;
	s13 =	sadd.s32 $0x4, s11;
	p3 =	sgt.s32 s17, $0x7F  }
0x1e: {  	s19 =	smov.u32 @p3 s13  }
0x1f: {  	s16 =	smov.u32 @p2 s3;
	p2 =	sgt.s32 s19, $0x3  }
0x20: {  	p1 =	slt.u32 s12, $0x2;
	s19 =	smov.u32 @p2 s7;
	p2 =	sne.s32 s12, s8  }
.Ltmp1:
0x21: {  	s18 =	simm.s32 @!p1 $0x2;
	(pc) =	sbr.rel @!p2 .LBB1_6-.Ltmp1, $4  }
0x22: {  	s15 =	smov.u32 s9;
	s14 =	smov.u32 s11;
	_ =	swait.ge @!p1 [sflag:s18], $0x4000  }
0x23: {  	p0 =	por !p0, !p0;
	[sflag:s18] =	ssyncset.done @!p1 $0x0;
	s9 =	smov.u32 s16  }
0x24: {  	s17 =	simm.s32 @p3 $0x0;
	s13 =	smov.u32 s10;
	[sflag:s18] =	ssyncadd.s32 @!p1 $0xFFFFC000  }
0x25: {  	s10 =	smov.u32 s17;
	s12 =	sadd.s32 $0x1, s12;
	s11 =	smov.u32 s19  }
.LBB1_1:
0x26: {  	p1 =	sge.u32 s12, s6;
	s31 =	sadd.s32 $0xFFFFFFFF, s12  }
0x27: {  	s16 =	sxor.u32 @!p1 $0xFFFFFFFF, s12;
	s17 =	sand.u32 @!p1 $0x78, s9;
	s18 =	sshll.u32 @!p1 s10, $0xE  }
0x28: {  	s19 =	sshll.u32 @!p1 s10, $0x7;
	s20 =	sshll.u32 @!p1 s9, $0x3;
	s16 =	sshll.u32 @!p1 s16, $0xE  }
0x29: {  	s18 =	sand.u32 @!p1 $0x1E0000, s18;
	s19 =	sand.u32 @!p1 $0x380, s19;
	s16 =	sand.u32 @!p1 $0x4000, s16  }
0x2a: {  	s18 =	sadd.s32 @!p1 s18, s20;
	s20 =	sand.u32 @!p1 $0x3C00, s20;
	s17 =	sor.u32 @!p1 s19, s17  }
0x2b: {  	s19 =	sshll.u32 @!p1 s11, $0x12;
	s17 =	sor.u32 @!p1 s20, s17;
	s18 =	sshrl.u32 @!p1 s18, $0x3  }
0x2c: {  	s19 =	sadd.s32 @!p1 s2, s19;
	s20 =	sand.u32 @!p1 $0x7, s9;
	s18 =	sand.u32 @!p1 $0x3F800, s18  }
0x2d: {  	s17 =	sshrl.u32 @!p1 s17, $0x3;
	s18 =	sadd.s32 @!p1 s18, s19;
	s19 =	sshll.u32 @!p1 s20, $0x12  }
0x2e: {  	s17 =	sadd.s32 @!p1 s17, s18;
	s18 =	sor.u32 @!p1 $0x400, s19;
	s19 =	simm.s32 @!p1 $0x20000  }
0x2f: {  	[tilespmem:s16], [sflag:$0x1] =	stream.strided.gather @!p1 [hbm4b:s17+s18], $0x4000, s19, s18, $0x38;
	[tilespmem:$0x10100] =	vst v63  }
0x30: {  	p1 =	sge.u32 s31, s6  }
.Ltmp2:
0x31: {  	_ = 	snop;
	(pc) =	sbr.rel @p1 .LBB1_5-.Ltmp2, $1  }
0x32: {  	_ =	sdelay $0x3  }
0x33: {  	s16 =	simm.s32 $0x1  }
0x34: {  	_ =	swait.ge [sflag:s5], $0x4000;
	s16 =	simm.s32 @!p0 $0x0  }
0x35: {  	[sflag:s5] =	ssyncset.done $0x0;
	s17 =	sshll.u32 s16, $0xE  }
0x36: {  	[sflag:s5] =	ssyncadd.s32 $0xFFFFC000;
	s19 =	sor.u32 $0x40, s17  }
0x37: {  	s16 =	smul.u32 $0x10200, s16;
	v0 =	vld [tilespmem:s19+$0x30]  }
0x38: {  	v3 =	vld [tilespmem:s19+$0xFFFFFFD0]  }
0x39: {  	s16 =	sshrl.u32 s16, $0x2;
	v4 =	vld [tilespmem:s19+$0xFFFFFFE0]  }
0x3a: {  	v5 =	vld [tilespmem:s19+$0xFFFFFFF0];
	s17 =	sor.u32 $0x8000, s16  }
0x3b: {  	s31 =	sand.u32 $0x1, s12;
	v1 =	vld [tilespmem:s19+$0x0];
	s18 =	sadd.s32 $0x0, s17  }
0x3c: {  	v2 =	vld [tilespmem:s19+$0x10];
	s16 =	smul.u32 $0x10200, s31;
	[tilespmem:s18+$0x3870 ss:$0x81] =	vst.msk $0xffff, v0  }
0x3d: {  	[tilespmem:s18+$0x810 ss:$0x81] =	vst.msk $0xffff, v3;
	v3 =	vld [tilespmem:s19+$0x20]  }
0x3e: {  	s16 =	sshrl.u32 s16, $0x2;
	v0 =	vld [tilespmem:s19+$0xFFFFFFC0];
	[tilespmem:s18+$0x1020 ss:$0x81] =	vst.msk $0xffff, v4;
	s19 =	sadd.s32 $0x80, s19  }
0x3f: {  	s20 =	simm.s32 $0x4;
	s21 =	simm.s32 $0x8;
	s16 =	sor.u32 $0x8000, s16;
	[tilespmem:s18+$0x1830 ss:$0x81] =	vst.msk $0xffff, v5;
	v4 =	vld [tilespmem:s19+$0x30]  }
.LBB1_3:
0x40: {  	p1 =	sne.s32 s21, $0x1FC;
	v5 =	vld [tilespmem:s19+$0xFFFFFFD0];
	[tilespmem:s18+$0x2040 ss:$0x81] =	vst.msk $0xffff, v1  }
0x41: {  	v6 =	vld [tilespmem:s19+$0xFFFFFFE0];
	[tilespmem:s18+$0x2850 ss:$0x81] =	vst.msk $0xffff, v2  }
0x42: {  	s22 =	sshra.s32 s20, $0x2;
	s20 =	smov.u32 s21;
	v7 =	vld [tilespmem:s19+$0xFFFFFFF0];
	[tilespmem:s18+$0x3060 ss:$0x81] =	vst.msk $0xffff, v3  }
.Ltmp3:
0x43: {  	v1 =	vld [tilespmem:s19+$0x0];
	[tilespmem:s18+$0x0 ss:$0x81] =	vst.msk $0xffff, v0;
	s18 =	sadd.s32 s22, s17;
	(pc) =	sbr.rel @p1 .LBB1_3-.Ltmp3, $4  }
0x44: {  	v2 =	vld [tilespmem:s19+$0x10];
	[tilespmem:s18+$0x3870 ss:$0x81] =	vst.msk $0xffff, v4  }
0x45: {  	[tilespmem:s18+$0x810 ss:$0x81] =	vst.msk $0xffff, v5;
	v3 =	vld [tilespmem:s19+$0x20]  }
0x46: {  	v0 =	vld [tilespmem:s19+$0xFFFFFFC0];
	[tilespmem:s18+$0x1020 ss:$0x81] =	vst.msk $0xffff, v6;
	s19 =	sadd.s32 $0x80, s19  }
0x47: {  	s21 =	sadd.s32 $0x4, s21;
	v4 =	vld [tilespmem:s19+$0x30];
	[tilespmem:s18+$0x1830 ss:$0x81] =	vst.msk $0xffff, v7  }
.Ltmp4:
0x48: {  	_ = 	snop;
	(pc) =	sbr.rel .LBB1_4-.Ltmp4, $1  }
0x49: {  	_ =	sdelay $0x3  }
.LBB1_6:
0x4a: {  	_ =	sfence.sel $0x180000  }
0x4b: {  	s2 =	simm.s32 $0x1;
	[bflag:$0x0] =	sbarrier.arrive $0xFFFF  }
0x4c: {  	s31 =	simm.s32 $0x2;
	[sflag:s2] =	ssyncpa.u1 $0x1  }
0x4d: {  	[sflag:s31] =	ssyncpa.u1 $0x1  }
0x4e: {  	p0 =	sne.s32 s0, $0x0;
	_ =	strace $0x90000047  }
0x4f: {  	s0 =	sadd.s32 @!p0 $0x100000, s1;
	[bflag:$0x2] =	sbarrier.arrive $0xFFFF  }
0x50: {  	[sflag:s0] =	ssyncadd.tile.s32 @!p0 $0x1;
	_ =	shalt  }
.Lfunc_end1:
_tile_overlayer_lowered:
.L_overlay_start_2:
0x51: {  	(tag) =	ssettag $0x2  }
0x52: {  	s0 =	rddreg [dreg:$0x0];
	s2 =	stileid.u32  }
0x53: {  	s1 =	rddreg [dreg:$0x1];
	p0 =	sne.s32 s2, $0x0  }
0x54: {  	s3 =	rddreg [dreg:$0x2];
	[bflag:$0x3] =	sbarrier.arrive $0xFFFF;
	s2 =	simm.s32 @!p0 $0x1C01  }
0x55: {  	[timem:s3], [sflag:s2] =	dma.local @!p0 [hbm:s0], s1  }
0x56: {  	s0 =	simm.s32 @!p0 $0x1  }
0x57: {  	_ =	swait.ge @!p0 [sflag:s0], s1  }
0x58: {  	s1 =	ssub.s32 @!p0 $0x0, s1;
	[sflag:s0] =	ssyncset.done @!p0 $0x0  }
0x59: {  	[sflag:s0] =	ssyncadd.s32 @!p0 s1  }
0x5a: {  	[bflag:$0x3] =	sbarrier.arrive $0xFFFF  }
0x5b: {  	_ =	shalt  }

// kernel: sparse-core-data-format-call.cloned.1.call-start
scs
called_computation_lowered:
.L_overlay_start_0:
0x0: {  	s2 =	sld [smem:$0x3FD9]  }
0x1: {  	s3 =	sld [smem:$0x3FFE];
	_ =	sdelay $0x1  }
0x2: {  	s1 =	srdreg.scid  }
0x3: {  	s0 =	sand.u32 $0x1, s1  }
0x4: {  	s15 =	sshll.u32 s0, $0xA;
	s2 =	sadd.s32 s3, s2  }
0x5: {  	s2 =	sadd.s32 s2, s15  }
0x6: {  	[smem:$0x3FC6] =	sst s2  }
0x7: {  	_ = 	snop  }
0x8: {  	s2 =	sld [smem:$0x3FD0];
	_ =	sdelay $0x2  }
0x9: {  	s16 =	simm.s32 $0xA;
	s4 =	simm.s32 $0x10  }
0xa: {  	[smem:s4], [sflag:s16] =	dma.local [hbm:s2], $0x1  }
0xb: {  	_ =	swait.eq [sflag:s16], $0x1  }
0xc: {  	[sflag:s16] =	ssyncset.done $0x0  }
0xd: {  	[sflag:s16] =	ssyncadd.s32 $0xFFFFFFFF  }
0xe: {  	s17 =	sld [smem:$0x13];
	(tm) =	ssettm $0x1  }
0xf: {  	s18 =	sld [smem:$0x3FFB];
	_ =	sdelay $0x3  }
0x10: {  	_ =	strace s18  }
0x11: {  	s3 =	sld [smem:$0x3FFC];
	_ =	sdelay $0x3  }
0x12: {  	_ =	strace s3  }
0x13: {  	s3 =	sld [smem:$0x3FFD];
	_ =	sdelay $0x3  }
0x14: {  	_ =	strace s3  }
0x15: {  	_ =	strace $0x8FFFFFFF  }
0x16: {  	s19 =	sld [smem:$0x3FDB];
	_ =	sdelay $0x1  }
0x17: {  	s20 =	simm.s32 $_scs_section_size  }
0x18: {  	s5 =	simm.s32 $_size__tile_overlayer_lowered;
	s6 =	simm.s32 $_tile_overlayer_lowered  }
0x19: {  	s23 =	simm.s32 $0x1BFF;
	s22 =	sshll.u32 s6, $0x1;
	s3 =	sadd.s32 s20, s19  }
0x1a: {  	s7 =	simm.s32 $0x0;
	s21 =	sshll.u32 s5, $0x1;
	s5 =	sadd.s32 s22, s3  }
0x1b: {  	[timem:s7], [sflag:s23] =	dma.local [hbm:s5], s21  }
0x1c: {  	_ =	swait.ge [sflag:s23], s21  }
0x1d: {  	s4 =	ssub.s32 $0x0, s21;
	[sflag:s23] =	ssyncset.done $0x0  }
0x1e: {  	[sflag:s23] =	ssyncadd.s32 s4;
	_ =	sdelay $0x1  }
0x1f: {  	s24 =	simm.s32 $0x1B8B  }
0x20: {  	_ =	swait.ge [sflag:s24], $0x1  }
0x21: {  	[sflag:s24] =	ssyncset.done $0x0  }
0x22: {  	s26 =	simm.s32 $0x1B8E;
	s25 =	sld [smem:$0x3FFE];
	[sflag:s24] =	ssyncadd.s32 $0xFFFFFFFF  }
0x23: {  	s27 =	simm.s32 $execute0_lowered;
	[smem:$0x3FD2] =	sst s26  }
0x24: {  	s5 =	sshll.u32 s27, $0x1;
	_ =	strace $0x8000004C;
	[dreg:$0x1] =	wrdreg $0xFFFFFFFF  }
0x25: {  	s28 =	simm.s32 $_size_execute0_lowered;
	s3 =	sadd.s32 s3, s5;
	[dreg:$0x0] =	wrdreg $0x0  }
0x26: {  	s5 =	sshll.u32 s28, $0x1;
	[dreg:$0x2] =	wrdreg s3  }
0x27: {  	[dreg:$0x3] =	wrdreg s5  }
0x28: {  	[dreg:$0x4] =	wrdreg $0xC0  }
0x29: {  	_ =	task [dreg:s7], $0x5FFFF  }
0x2a: {  	[dreg:$0x1] =	wrdreg $0xFFFFFFFF  }
0x2b: {  	[dreg:$0x0] =	wrdreg $0x60  }
0x2c: {  	[dreg:$0x2] =	wrdreg s25  }
0x2d: {  	[dreg:$0x3] =	wrdreg s17  }
0x2e: {  	[dreg:$0x4] =	wrdreg $0x9  }
0x2f: {  	_ =	task.clear_ibuf [dreg:s7], $0x5FFFF;
	_ =	strace $0x9000004C  }
0x30: {  	s29 =	simm.s32 $0x9;
	_ =	strace $0x8000004E  }
0x31: {  	_ =	swait.ge [sflag:s29], $0x1  }
0x32: {  	[sflag:s29] =	ssyncadd.s32 $0xFFFFFFFF  }
0x33: {  	_ =	strace $0x9000004E  }
0x34: {  	_ =	sfence  }
0x35: {  	s30 =	sld [smem:$0x0];
	_ =	sdelay $0x2  }
0x36: {  	s31 =	sshll.u32 s1, $0xD;
	s1 =	sshrl.u32 s1, $0x2  }
0x37: {  	s3 =	sand.u32 $0x4000, s31;
	s1 =	sadd.s32 s1, s30  }
0x38: {  	s0 =	sor.u32 s3, s0;
	s1 =	sshll.u32 s1, $0x11  }
0x39: {  	s0 =	sor.u32 s1, s0  }
0x3a: {  	s0 =	sadd.s32 $0x8F2B, s0  }
0x3b: {  	[sflag:s0] =	ssyncadd.remote.s32 $0x1  }
0x3c: {  	_ =	sfence.sel $0xFFFF  }
0x3d: {  	[dreg:$0x0] =	wrdreg $0xFFFFFFFF;
	(pc) =	sbr.abs _section_cstart, $3  }
0x3e: {  	[dreg:$0x1] =	wrdreg $0xFFFFFFFF  }
0x3f: {  	_ =	task.clear_ibuf [dreg:s7], $0x2FFFF;
	_ =	strace $0x9FFFFFFF  }
0x40: {  	(tm) =	ssettm $0x7FFFFFFF  }
0x41: {  	_ =	shalt  }
tec
execute0_lowered:
.L_overlay_start_1:
0x0: {  	(tag) =	ssettag $0x1  }
0x1: {  	s0 =	stileid.u32;
	s4 =	rddreg [dreg:$0x0]  }
0x2: {  	s1 =	srdreg.scid;
	s3 =	rddreg [dreg:$0x1];
	s7 =	simm.s32 $0x1  }
0x3: {  	s31 =	simm.s32 $0x2;
	s2 =	sshll.u32 s0, $0x5;
	s1 =	sshll.u32 s1, $0x9  }
0x4: {  	s15 =	simm.s32 $0x0;
	s9 =	simm.s32 $0x2000;
	s1 =	sor.u32 s2, s1  }
0x5: {  	s14 =	simm.s32 $0x0;
	s16 =	simm.s32 $0x0;
	s2 =	sand.u32 $0x380, s1  }
0x6: {  	s10 =	simm.s32 $0x0;
	s13 =	simm.s32 $0x0;
	s5 =	ssub.s32 $0x400, s2  }
0x7: {  	s4 =	sadd.s32 $0x2000, s4;
	s1 =	rddreg [dreg:$0x2];
	s6 =	sand.u32 $0x380, s5  }
.Ltmp0:
0x8: {  	_ =	strace $0x8000004D;
	p0 =	sne.s32 s6, $0x0;
	(pc) =	sbr.rel .LBB1_1-.Ltmp0, $4  }
0x9: {  	s11 =	smov.u32 s2;
	s8 =	sshrl.u32 s5, $0xA;
	s7 =	simm.s32 @!p0 $0x0  }
0xa: {  	s5 =	sand.u32 $0x3, s0;
	s6 =	simm.s32 $0x1;
	s7 =	sadd.s32 s7, s8  }
0xb: {  	s12 =	smov.u32 s5;
	[sflag:s6] =	ssyncpa.u1 $0x0;
	s7 =	sshll.u32 s7, $0x5  }
0xc: {  	p0 =	por $0x0, $0x0;
	[sflag:s31] =	ssyncpa.u1 $0x0;
	s8 =	sor.u32 $0x1, s7  }
.LBB1_4:
0xd: {  	s16 =	sshll.u32 s16, $0x12  }
0xe: {  	s19 =	sand.u32 $0x1F80, s14;
	s15 =	sshll.u32 s15, $0xD;
	s16 =	sadd.s32 s3, s16  }
0xf: {  	[tilespmem:s18+$0x810 ss:$0x81] =	vst.msk $0xffff, v2;
	s20 =	sshrl.u32 s14, $0x3;
	s30 =	sand.u32 $0x7, s14;
	s16 =	sadd.s32 s19, s16  }
0x10: {  	[tilespmem:s18+$0x1020 ss:$0x81] =	vst.msk $0xffff, v0;
	s31 =	sand.u32 $0xF, s20;
	s14 =	sshll.u32 s30, $0x12;
	s15 =	sadd.s32 s15, s16  }
0x11: {  	[tilespmem:s18+$0x0 ss:$0x81] =	vst.msk $0xffff, v1;
	s14 =	sor.u32 $0x400, s14;
	s15 =	sadd.s32 s31, s15  }
0x12: {  	[hbm4b:s15+s14] =	stream.strided.scatter [tilespmem:s17], [sflag:$0x2], $0x2000, s9, s14, $0x20;
	[tilespmem:$0x8080] =	vst v63  }
.LBB1_5:
0x13: {  	s17 =	sadd.s32 $0x1, s10  }
0x14: {  	s14 =	sadd.s32 $0x400, s11;
	s18 =	smov.u32 s11;
	p2 =	sgt.s32 s17, $0x1F  }
0x15: {  	s18 =	smov.u32 @p2 s14  }
0x16: {  	s20 =	smov.u32 s12;
	s14 =	sadd.s32 $0x4, s12;
	p3 =	sgt.s32 s18, $0x3FF  }
0x17: {  	s20 =	smov.u32 @p3 s14  }
0x18: {  	s17 =	simm.s32 @p2 $0x0;
	p2 =	sgt.s32 s20, $0x3  }
0x19: {  	p1 =	slt.u32 s13, $0x2;
	s20 =	smov.u32 @p2 s5;
	p2 =	sne.s32 s13, s8  }
.Ltmp1:
0x1a: {  	s19 =	simm.s32 @!p1 $0x2;
	(pc) =	sbr.rel @!p2 .LBB1_6-.Ltmp1, $4  }
0x1b: {  	s15 =	smov.u32 s10;
	s16 =	smov.u32 s12;
	_ =	swait.ge @!p1 [sflag:s19], $0x2000  }
0x1c: {  	p0 =	por !p0, !p0;
	[sflag:s19] =	ssyncset.done @!p1 $0x0;
	s10 =	smov.u32 s17  }
0x1d: {  	s18 =	smov.u32 @p3 s2;
	s14 =	smov.u32 s11;
	[sflag:s19] =	ssyncadd.s32 @!p1 $0xFFFFE000  }
0x1e: {  	s11 =	smov.u32 s18;
	s13 =	sadd.s32 $0x1, s13;
	s12 =	smov.u32 s20  }
.LBB1_1:
0x1f: {  	p1 =	sge.u32 s13, s7;
	s31 =	sadd.s32 $0xFFFFFFFF, s13  }
0x20: {  	s17 =	sxor.u32 @!p1 $0xFFFFFFFF, s13;
	s18 =	sshll.u32 @!p1 s12, $0x13;
	s19 =	sshll.u32 @!p1 s11, $0x9  }
0x21: {  	s20 =	sshll.u32 @!p1 s10, $0x4;
	s17 =	sshll.u32 @!p1 s17, $0xD;
	s18 =	sadd.s32 @!p1 s4, s18  }
0x22: {  	s20 =	sand.u32 @!p1 $0x1F0, s20;
	s17 =	sand.u32 @!p1 $0x2000, s17;
	s18 =	sadd.s32 @!p1 s19, s18  }
0x23: {  	s19 =	simm.s32 @!p1 $0x40;
	s18 =	sadd.s32 @!p1 s20, s18;
	s20 =	simm.s32 @!p1 $0x1000  }
0x24: {  	[tilespmem:s17], [sflag:$0x1] =	stream.strided.gather @!p1 [hbm4b:s18+s19], $0x2000, s20, s19, $0x38;
	[tilespmem:$0x8080] =	vst v63  }
0x25: {  	p1 =	sge.u32 s31, s7  }
.Ltmp2:
0x26: {  	_ = 	snop;
	(pc) =	sbr.rel @p1 .LBB1_5-.Ltmp2, $1  }
0x27: {  	_ =	sdelay $0x3  }
0x28: {  	s17 =	simm.s32 $0x1  }
0x29: {  	_ =	swait.ge [sflag:s6], $0x2000;
	s17 =	simm.s32 @!p0 $0x0  }
0x2a: {  	[sflag:s6] =	ssyncset.done $0x0;
	s18 =	sshll.u32 s17, $0xD  }
0x2b: {  	[sflag:s6] =	ssyncadd.s32 $0xFFFFE000;
	s21 =	sor.u32 $0x20, s18  }
0x2c: {  	s17 =	smul.u32 $0x8100, s17;
	v3 =	vld [tilespmem:s21+$0x10]  }
0x2d: {  	s30 =	sand.u32 $0x1, s13;
	v2 =	vld [tilespmem:s21+$0xFFFFFFF0]  }
0x2e: {  	s18 =	smul.u32 $0x8100, s30;
	s17 =	sshrl.u32 s17, $0x2;
	v0 =	vld [tilespmem:s21+$0x0]  }
0x2f: {  	v1 =	vld [tilespmem:s21+$0xFFFFFFE0];
	s19 =	sor.u32 $0x4000, s17  }
0x30: {  	s31 =	sshrl.u32 s18, $0x2;
	s18 =	sadd.s32 $0x0, s19  }
0x31: {  	s20 =	simm.s32 $0x4;
	s21 =	sadd.s32 $0x40, s21;
	s17 =	sor.u32 $0x4000, s31;
	[tilespmem:s18+$0x1830 ss:$0x81] =	vst.msk $0xffff, v3  }
.LBB1_3:
0x32: {  	v3 =	vld [tilespmem:s21+$0x10];
	p1 =	sne.s32 s20, $0x1FC;
	[tilespmem:s18+$0x810 ss:$0x81] =	vst.msk $0xffff, v2;
	s22 =	smov.u32 s20;
	s20 =	sadd.s32 $0x4, s20  }
.Ltmp3:
0x33: {  	v2 =	vld [tilespmem:s21+$0xFFFFFFF0];
	[tilespmem:s18+$0x1020 ss:$0x81] =	vst.msk $0xffff, v0;
	(pc) =	sbr.rel @p1 .LBB1_3-.Ltmp3, $4  }
0x34: {  	v0 =	vld [tilespmem:s21+$0x0];
	[tilespmem:s18+$0x0 ss:$0x81] =	vst.msk $0xffff, v1  }
0x35: {  	s18 =	sshra.s32 s22, $0x2;
	v1 =	vld [tilespmem:s21+$0xFFFFFFE0]  }
0x36: {  	s18 =	sadd.s32 s18, s19  }
0x37: {  	s21 =	sadd.s32 $0x40, s21;
	[tilespmem:s18+$0x1830 ss:$0x81] =	vst.msk $0xffff, v3  }
.Ltmp4:
0x38: {  	_ = 	snop;
	(pc) =	sbr.rel .LBB1_4-.Ltmp4, $1  }
0x39: {  	_ =	sdelay $0x3  }
.LBB1_6:
0x3a: {  	_ =	sfence.sel $0x180000  }
0x3b: {  	s2 =	simm.s32 $0x1;
	[bflag:$0x0] =	sbarrier.arrive $0xFFFF  }
0x3c: {  	s31 =	simm.s32 $0x2;
	[sflag:s2] =	ssyncpa.u1 $0x1  }
0x3d: {  	[sflag:s31] =	ssyncpa.u1 $0x1  }
0x3e: {  	p0 =	sne.s32 s0, $0x0;
	_ =	strace $0x9000004D  }
0x3f: {  	s0 =	sadd.s32 @!p0 $0x100000, s1;
	[bflag:$0x2] =	sbarrier.arrive $0xFFFF  }
0x40: {  	[sflag:s0] =	ssyncadd.tile.s32 @!p0 $0x1;
	_ =	shalt  }
.Lfunc_end1:
_tile_overlayer_lowered:
.L_overlay_start_2:
0x41: {  	(tag) =	ssettag $0x2  }
0x42: {  	s0 =	rddreg [dreg:$0x0];
	s2 =	stileid.u32  }
0x43: {  	s1 =	rddreg [dreg:$0x1];
	p0 =	sne.s32 s2, $0x0  }
0x44: {  	s3 =	rddreg [dreg:$0x2];
	[bflag:$0x3] =	sbarrier.arrive $0xFFFF;
	s2 =	simm.s32 @!p0 $0x1C01  }
0x45: {  	[timem:s3], [sflag:s2] =	dma.local @!p0 [hbm:s0], s1  }
0x46: {  	s0 =	simm.s32 @!p0 $0x1  }
0x47: {  	_ =	swait.ge @!p0 [sflag:s0], s1  }
0x48: {  	s1 =	ssub.s32 @!p0 $0x0, s1;
	[sflag:s0] =	ssyncset.done @!p0 $0x0  }
0x49: {  	[sflag:s0] =	ssyncadd.s32 @!p0 s1  }
0x4a: {  	[bflag:$0x3] =	sbarrier.arrive $0xFFFF  }
0x4b: {  	_ =	shalt  }

</sc_bundles>
